<compile_context>
chip_gen: v7x
topology: tpu7x:2x2x1
jax: 0.10.2.dev20260603
libtpu: 0.0.44.dev20260713+nightly
codegen_flags: <defaults>
</compile_context>

<pallas_src>
import jax
import jax.numpy as jnp
from jax import lax
from jax.experimental import pallas as pl
from jax.experimental.pallas import tpu as pltpu
from jax.experimental.pallas import tpu_sc as plsc

_NUM_ITEMS = 10000
_EMBED = 64
_BATCH = 16384
_NC = 2
_NS = 16
_NW = _NC * _NS
_BPW = _BATCH // _NW
_CHUNK = 128
_NCH = _BPW // _CHUNK
_GROUPS = _BPW // 16

_C1 = (1e-5 - 1.0) ** 2
_C2 = (1e-5) ** 2
_K1 = 0.1 * _C1
_K2 = 0.1 * _C2


def _sigmoid(x):
    return 1.0 / (1.0 + jnp.exp(-x))


def _gamma_body(users_r, pos_r, neg_r, gamma_r, gv_r,
                u_idx, p_idx, n_idx, u8, p1, n1, gbuf, gvals, semg):
    wid = lax.axis_index("s") * _NC + lax.axis_index("c")
    base = wid * _NCH
    pltpu.sync_copy(users_r.at[pl.ds(base, _NCH)], u_idx)
    pltpu.sync_copy(pos_r.at[pl.ds(base, _NCH)], p_idx)
    pltpu.sync_copy(neg_r.at[pl.ds(base, _NCH)], n_idx)

    lane = lax.iota(jnp.int32, 16)
    for r in range(_NCH):
        for c in range(_CHUNK // 16):
            sl = pl.ds(c * 16, 16)
            e0 = r * _CHUNK + c * 16
            plsc.store_scatter(u8, [(e0 + lane) * 8], u_idx[r, sl])
            p1[pl.ds(e0, 16)] = p_idx[r, sl]
            n1[pl.ds(e0, 16)] = n_idx[r, sl]

    def fetch_branch(items, out0):
        def issue(g, _):
            row0 = pl.multiple_of(g * 16, 16)
            c16 = lax.shift_right_logical(items[pl.ds(row0, 16)], 7) * _CHUNK
            for ln in range(16):
                c0 = pl.multiple_of(c16[ln], _CHUNK)
                e = row0 + ln
                col_view = gamma_r.at[:, pl.ds(c0, _CHUNK)]
                pltpu.async_copy(
                    col_view.at[u8.at[pl.ds(e * 8, 1)]],
                    gbuf.at[pl.ds(e, 1)], semg)
            return 0

        lax.fori_loop(0, _GROUPS, issue, 0)

        pltpu.make_async_copy(
            gamma_r.at[:, pl.ds(0, _CHUNK)].at[u8.at[pl.ds(0, _BPW)]],
            gbuf, semg).wait()

        for g in range(_GROUPS):
            row0 = g * 16
            rid = row0 + lane
            gvals[pl.ds(out0 + row0, 16)] = plsc.load_gather(
                gbuf, [rid, items[pl.ds(row0, 16)] & 127])

    fetch_branch(p1, 0)
    fetch_branch(n1, _BPW)

    pltpu.sync_copy(gvals, gv_r.at[pl.ds(wid * 2 * _BPW, 2 * _BPW)])


_gamma_call = pl.kernel(
    _gamma_body,
    out_type=jax.ShapeDtypeStruct((_NW * 2 * _BPW,), jnp.float32),
    mesh=plsc.VectorSubcoreMesh(core_axis_name="c", subcore_axis_name="s"),
    compiler_params=pltpu.CompilerParams(
        needs_layout_passes=False, use_tc_tiling_on_sc=True),
    scratch_types=[
        pltpu.VMEM((_NCH, _CHUNK), jnp.int32),
        pltpu.VMEM((_NCH, _CHUNK), jnp.int32),
        pltpu.VMEM((_NCH, _CHUNK), jnp.int32),
        pltpu.VMEM((8 * _BPW,), jnp.int32),
        pltpu.VMEM((_BPW,), jnp.int32),
        pltpu.VMEM((_BPW,), jnp.int32),
        pltpu.VMEM((_BPW, _CHUNK), jnp.float32),
        pltpu.VMEM((2 * _BPW,), jnp.float32),
        pltpu.SemaphoreType.DMA,
    ],
)


def _loss_body(users_r, pos_r, neg_r, ue_r, ie_r, gv_r, out_r,
               u_idx, p_idx, n_idx, urows, prows, nrows, gv1,
               pstage, nstage, lout, sem):
    wid = lax.axis_index("s") * _NC + lax.axis_index("c")
    base = wid * _NCH
    pltpu.sync_copy(users_r.at[pl.ds(base, _NCH)], u_idx)
    pltpu.sync_copy(pos_r.at[pl.ds(base, _NCH)], p_idx)
    pltpu.sync_copy(neg_r.at[pl.ds(base, _NCH)], n_idx)

    copies = []
    for j in range(_NCH):
        dst = pl.ds(j * _CHUNK, _CHUNK)
        copies.append(pltpu.async_copy(ue_r.at[u_idx.at[j]], urows.at[dst], sem))
        copies.append(pltpu.async_copy(ie_r.at[p_idx.at[j]], prows.at[dst], sem))
        copies.append(pltpu.async_copy(ie_r.at[n_idx.at[j]], nrows.at[dst], sem))

    pltpu.sync_copy(gv_r.at[pl.ds(wid * 2 * _BPW, 2 * _BPW)], gv1)
    for cp in copies:
        cp.wait()

    lane = lax.iota(jnp.int32, 16)
    zero = jnp.zeros((16,), jnp.float32)

    last = jnp.full((16,), 15, jnp.int32)

    def loss_group(g, acc):
        row0 = pl.multiple_of(g * 16, 16)
        for ln in range(16):
            e = row0 + ln
            pa = zero
            na = zero
            for c in range(_EMBED // 16):
                sl = pl.ds(c * 16, 16)
                uv = urows[e, sl]
                pa = pa + uv * prows[e, sl]
                na = na + uv * nrows[e, sl]
            pstage[ln, pl.ds(0, 16)] = plsc.cumsum(pa)
            nstage[ln, pl.ds(0, 16)] = plsc.cumsum(na)
        pa = plsc.load_gather(pstage, [lane, last])
        na = plsc.load_gather(nstage, [lane, last])
        ps = _sigmoid(pa)
        ns = _sigmoid(na)
        pg = _sigmoid(gv1[pl.ds(row0, 16)])
        ng = _sigmoid(gv1[pl.ds(_BPW + row0, 16)])
        t = ps - 1.0
        return acc + (pg * (t * t) + ng * (ns * ns)
                      + _K1 * (1.0 - pg) + _K2 * (1.0 - ng))

    acc = lax.fori_loop(0, _GROUPS, loss_group, zero)
    lout[...] = acc
    pltpu.sync_copy(lout, out_r.at[wid])


_loss_call = pl.kernel(
    _loss_body,
    out_type=jax.ShapeDtypeStruct((_NW, 16), jnp.float32),
    mesh=plsc.VectorSubcoreMesh(core_axis_name="c", subcore_axis_name="s"),
    compiler_params=pltpu.CompilerParams(
        needs_layout_passes=False, use_tc_tiling_on_sc=False),
    scratch_types=[
        pltpu.VMEM((_NCH, _CHUNK), jnp.int32),
        pltpu.VMEM((_NCH, _CHUNK), jnp.int32),
        pltpu.VMEM((_NCH, _CHUNK), jnp.int32),
        pltpu.VMEM((_BPW, _EMBED), jnp.float32),
        pltpu.VMEM((_BPW, _EMBED), jnp.float32),
        pltpu.VMEM((_BPW, _EMBED), jnp.float32),
        pltpu.VMEM((2 * _BPW,), jnp.float32),
        pltpu.VMEM((16, 17), jnp.float32),
        pltpu.VMEM((16, 17), jnp.float32),
        pltpu.VMEM((16,), jnp.float32),
        pltpu.SemaphoreType.DMA,
    ],
)


def kernel(users, positive_items, negative_items, user_embedding,
           item_embedding, gamma):
    u2 = users.astype(jnp.int32).reshape(_NW * _NCH, _CHUNK)
    p2 = positive_items.astype(jnp.int32).reshape(_NW * _NCH, _CHUNK)
    n2 = negative_items.astype(jnp.int32).reshape(_NW * _NCH, _CHUNK)
    gvals = _gamma_call(u2, p2, n2, gamma)
    parts = _loss_call(u2, p2, n2, user_embedding, item_embedding, gvals)
    return jnp.sum(parts) / jnp.float32(2 * _BATCH)

# --- scband reference (transcript-rebuilt; emitter-appended) ---
"""Pipeline reference for scband-exmf-31147102830649 (READ-ONLY COPY).

The authoritative reference and input builder live on the scoring server;
editing this copy changes nothing except your own understanding.
"""

import jax, jax.numpy as jnp
import numpy as np
import math

NUM_USERS = 10000
NUM_ITEMS = 10000
EMBED_DIM = 64
BATCH = 16384

def setup_inputs(seed: int = 0) -> dict:
    key = jax.random.key(seed)
    k_u, k_p, k_n, k_ue, k_ie, k_g = jax.random.split(key, 6)
    users = jax.random.randint(k_u, (BATCH,), 0, NUM_USERS, dtype=jnp.int64 if jax.config.jax_enable_x64 else jnp.int32).astype(jnp.int32)
    positive_items = jax.random.randint(k_p, (BATCH,), 0, NUM_ITEMS).astype(jnp.int32)
    negative_items = jax.random.randint(k_n, (BATCH,), 0, NUM_ITEMS).astype(jnp.int32)
    stdv = 1.0 / math.sqrt(EMBED_DIM)
    user_embedding = jax.random.uniform(k_ue, (NUM_USERS, EMBED_DIM), minval=-stdv, maxval=stdv, dtype=jnp.float32)
    item_embedding = jax.random.uniform(k_ie, (NUM_ITEMS, EMBED_DIM), minval=-stdv, maxval=stdv, dtype=jnp.float32)
    gamma = jax.random.normal(k_g, (NUM_USERS, NUM_ITEMS), dtype=jnp.float32)
    return {"users": users, "positive_items": positive_items, "negative_items": negative_items,
            "user_embedding": user_embedding, "item_embedding": item_embedding, "gamma": gamma}

def reference(users, positive_items, negative_items, user_embedding, item_embedding, gamma):
    users = users.astype(jnp.int32)
    positive_items = positive_items.astype(jnp.int32)
    negative_items = negative_items.astype(jnp.int32)
    users_embed_origin = jnp.take(user_embedding, users, axis=0)
    positive_embed_origin = jnp.take(item_embedding, positive_items, axis=0)
    negative_embed_origin = jnp.take(item_embedding, negative_items, axis=0)
    positive_scores = jnp.sum(users_embed_origin * positive_embed_origin, axis=-1)
    positive_rating = jax.nn.sigmoid(positive_scores)
    negative_scores = jnp.sum(users_embed_origin * negative_embed_origin, axis=-1)
    negative_rating = jax.nn.sigmoid(negative_scores)
    positive_label = jnp.ones((positive_rating.shape[0],), dtype=jnp.float32)
    negative_label = jnp.zeros((negative_rating.shape[0],), dtype=jnp.float32)
    rating = jnp.stack((positive_rating, negative_rating), axis=0)
    label = jnp.stack((positive_label, negative_label), axis=0)
    positive_gamma = jax.nn.sigmoid(gamma[users, positive_items])
    negative_gamma = jax.nn.sigmoid(gamma[users, negative_items])
    gamma_s = jnp.stack((positive_gamma, negative_gamma), axis=0)
    mf_loss = jnp.power(rating - label, 2)
    wmf_loss = gamma_s * mf_loss
    wmf_loss_mean = jnp.mean(wmf_loss)
    unknown_loss = jnp.power(1e-05 - label, 2)
    unknown_loss = (1.0 - gamma_s) * unknown_loss
    unknown_loss_mean = jnp.mean(unknown_loss)
    loss = wmf_loss_mean + 0.1 * unknown_loss_mean
    return loss

if __name__ == "__main__":
    import jax
    _d = setup_inputs()
    print(jax.jit(kernel)(*tuple(_d.values())))

</pallas_src>

<mosaic_0001>
#map = affine_map<(d0, d1) -> (0, 0)>
#map1 = affine_map<(d0, d1) -> (0)>
module attributes {stable_mosaic.version = 14 : i64} {
  func.func @_loss_body(%arg0: i32, %arg1: i32, %arg2: memref<128x128xi32, #tpu.memory_space<hbm>>, %arg3: memref<128x128xi32, #tpu.memory_space<hbm>>, %arg4: memref<128x128xi32, #tpu.memory_space<hbm>>, %arg5: memref<10000x64xf32, #tpu.memory_space<hbm>>, %arg6: memref<10000x64xf32, #tpu.memory_space<hbm>>, %arg7: memref<32768xf32, #tpu.memory_space<hbm>>, %arg8: memref<32x16xf32, #tpu.memory_space<hbm>>, %arg9: memref<4x128xi32, #tpu.memory_space<vmem>>, %arg10: memref<4x128xi32, #tpu.memory_space<vmem>>, %arg11: memref<4x128xi32, #tpu.memory_space<vmem>>, %arg12: memref<512x64xf32, #tpu.memory_space<vmem>>, %arg13: memref<512x64xf32, #tpu.memory_space<vmem>>, %arg14: memref<512x64xf32, #tpu.memory_space<vmem>>, %arg15: memref<1024xf32, #tpu.memory_space<vmem>>, %arg16: memref<16x17xf32, #tpu.memory_space<vmem>>, %arg17: memref<16x17xf32, #tpu.memory_space<vmem>>, %arg18: memref<16xf32, #tpu.memory_space<vmem>>, %arg19: memref<!tpu.dma_semaphore, #tpu.memory_space<semaphore_mem>>) attributes {dimension_semantics = [#tpu.dimension_semantics<core_parallel>, #tpu.dimension_semantics<subcore_parallel>], iteration_bounds = array<i64: 2, 16>, scalar_prefetch = 0 : i64, scratch_operands = 11 : i64, tpu.core_type = #tpu.core_type<sc_vector_subcore>, window_params = [{transform_indices = #map}, {transform_indices = #map}, {transform_indices = #map}, {transform_indices = #map}, {transform_indices = #map}, {transform_indices = #map1}, {transform_indices = #map}]} {
    %mul3A = arith.constant 2 : i32
    %mul3A_0 = arith.muli %arg1, %mul3A : i32
    %add3A = arith.addi %mul3A_0, %arg0 : i32
    %mul3A_1 = arith.constant 4 : i32
    %mul3A_2 = arith.muli %add3A, %mul3A_1 : i32
    "tpu.region"() ({
      %run_scoped3A = tpu.sem_alloc : memref<!tpu.dma_semaphore, #tpu.memory_space<semaphore_mem>>
      %dma_start3A_254 = arith.constant 0 : i32
      %dma_start3A_255 = tpu.memref_slice %arg2[%mul3A_2, %dma_start3A_254] : memref<128x128xi32, #tpu.memory_space<hbm>> -> memref<4x128xi32, #tpu.memory_space<hbm>>
      %dma_start3A_256 = arith.constant 0 : i32
      %dma_start3A_257 = tpu.memref_slice %arg2[%mul3A_2, %dma_start3A_256] : memref<128x128xi32, #tpu.memory_space<hbm>> -> memref<4x128xi32, #tpu.memory_space<hbm>>
      tpu.enqueue_dma source(%dma_start3A_257 : memref<4x128xi32, #tpu.memory_space<hbm>>) target(%arg9 : memref<4x128xi32, #tpu.memory_space<vmem>>) target_semaphore(%run_scoped3A : memref<!tpu.dma_semaphore, #tpu.memory_space<semaphore_mem>>)
      %dma_wait3A_258 = arith.constant 0 : i32
      %dma_wait3A_259 = tpu.memref_slice %arg2[%mul3A_2, %dma_wait3A_258] : memref<128x128xi32, #tpu.memory_space<hbm>> -> memref<4x128xi32, #tpu.memory_space<hbm>>
      %dma_wait3A_260 = arith.constant 0 : i32
      %dma_wait3A_261 = tpu.memref_slice %arg2[%mul3A_2, %dma_wait3A_260] : memref<128x128xi32, #tpu.memory_space<hbm>> -> memref<4x128xi32, #tpu.memory_space<hbm>>
      tpu.wait_dma2 semaphore(%run_scoped3A : memref<!tpu.dma_semaphore, #tpu.memory_space<semaphore_mem>>) src(%dma_wait3A_261 : memref<4x128xi32, #tpu.memory_space<hbm>>) dst(%arg9 : memref<4x128xi32, #tpu.memory_space<vmem>>)
      tpu.yield
    }) : () -> ()
    "tpu.region"() ({
      %run_scoped3A = tpu.sem_alloc : memref<!tpu.dma_semaphore, #tpu.memory_space<semaphore_mem>>
      %dma_start3A_254 = arith.constant 0 : i32
      %dma_start3A_255 = tpu.memref_slice %arg3[%mul3A_2, %dma_start3A_254] : memref<128x128xi32, #tpu.memory_space<hbm>> -> memref<4x128xi32, #tpu.memory_space<hbm>>
      %dma_start3A_256 = arith.constant 0 : i32
      %dma_start3A_257 = tpu.memref_slice %arg3[%mul3A_2, %dma_start3A_256] : memref<128x128xi32, #tpu.memory_space<hbm>> -> memref<4x128xi32, #tpu.memory_space<hbm>>
      tpu.enqueue_dma source(%dma_start3A_257 : memref<4x128xi32, #tpu.memory_space<hbm>>) target(%arg10 : memref<4x128xi32, #tpu.memory_space<vmem>>) target_semaphore(%run_scoped3A : memref<!tpu.dma_semaphore, #tpu.memory_space<semaphore_mem>>)
      %dma_wait3A_258 = arith.constant 0 : i32
      %dma_wait3A_259 = tpu.memref_slice %arg3[%mul3A_2, %dma_wait3A_258] : memref<128x128xi32, #tpu.memory_space<hbm>> -> memref<4x128xi32, #tpu.memory_space<hbm>>
      %dma_wait3A_260 = arith.constant 0 : i32
      %dma_wait3A_261 = tpu.memref_slice %arg3[%mul3A_2, %dma_wait3A_260] : memref<128x128xi32, #tpu.memory_space<hbm>> -> memref<4x128xi32, #tpu.memory_space<hbm>>
      tpu.wait_dma2 semaphore(%run_scoped3A : memref<!tpu.dma_semaphore, #tpu.memory_space<semaphore_mem>>) src(%dma_wait3A_261 : memref<4x128xi32, #tpu.memory_space<hbm>>) dst(%arg10 : memref<4x128xi32, #tpu.memory_space<vmem>>)
      tpu.yield
    }) : () -> ()
    "tpu.region"() ({
      %run_scoped3A = tpu.sem_alloc : memref<!tpu.dma_semaphore, #tpu.memory_space<semaphore_mem>>
      %dma_start3A_254 = arith.constant 0 : i32
      %dma_start3A_255 = tpu.memref_slice %arg4[%mul3A_2, %dma_start3A_254] : memref<128x128xi32, #tpu.memory_space<hbm>> -> memref<4x128xi32, #tpu.memory_space<hbm>>
      %dma_start3A_256 = arith.constant 0 : i32
      %dma_start3A_257 = tpu.memref_slice %arg4[%mul3A_2, %dma_start3A_256] : memref<128x128xi32, #tpu.memory_space<hbm>> -> memref<4x128xi32, #tpu.memory_space<hbm>>
      tpu.enqueue_dma source(%dma_start3A_257 : memref<4x128xi32, #tpu.memory_space<hbm>>) target(%arg11 : memref<4x128xi32, #tpu.memory_space<vmem>>) target_semaphore(%run_scoped3A : memref<!tpu.dma_semaphore, #tpu.memory_space<semaphore_mem>>)
      %dma_wait3A_258 = arith.constant 0 : i32
      %dma_wait3A_259 = tpu.memref_slice %arg4[%mul3A_2, %dma_wait3A_258] : memref<128x128xi32, #tpu.memory_space<hbm>> -> memref<4x128xi32, #tpu.memory_space<hbm>>
      %dma_wait3A_260 = arith.constant 0 : i32
      %dma_wait3A_261 = tpu.memref_slice %arg4[%mul3A_2, %dma_wait3A_260] : memref<128x128xi32, #tpu.memory_space<hbm>> -> memref<4x128xi32, #tpu.memory_space<hbm>>
      tpu.wait_dma2 semaphore(%run_scoped3A : memref<!tpu.dma_semaphore, #tpu.memory_space<semaphore_mem>>) src(%dma_wait3A_261 : memref<4x128xi32, #tpu.memory_space<hbm>>) dst(%arg11 : memref<4x128xi32, #tpu.memory_space<vmem>>)
      tpu.yield
    }) : () -> ()
    %dma_start3A = arith.constant 0 : i32
    %dma_start3A_3 = arith.constant 0 : i32
    %dma_start3A_4 = arith.constant 0 : i32
    %dma_start3A_5 = tpu.memref_slice %arg12[%dma_start3A_3, %dma_start3A_4] : memref<512x64xf32, #tpu.memory_space<vmem>> -> memref<128x64xf32, #tpu.memory_space<vmem>>
    %dma_start3A_6 = arith.constant 0 : i32
    %dma_start3A_7 = tpu.memref_slice %arg9[%dma_start3A, %dma_start3A_6] : memref<4x128xi32, #tpu.memory_space<vmem>> -> memref<1x128xi32, #tpu.memory_space<vmem>>
    %dma_start3A_8 = tpu.memref_squeeze %dma_start3A_7 : memref<1x128xi32, #tpu.memory_space<vmem>> -> memref<128xi32, #tpu.memory_space<vmem>>
    %dma_start3A_9 = arith.constant 0 : i32
    %dma_start3A_10 = arith.constant 0 : i32
    %dma_start3A_11 = tpu.memref_slice %arg5[%dma_start3A_9, %dma_start3A_10] : memref<10000x64xf32, #tpu.memory_space<hbm>> -> memref<10000x64xf32, #tpu.memory_space<hbm>>
    tpu.enqueue_indirect_dma source(%dma_start3A_11 : memref<10000x64xf32, #tpu.memory_space<hbm>>) target(%dma_start3A_5 : memref<128x64xf32, #tpu.memory_space<vmem>>) offsets(%dma_start3A_8 : memref<128xi32, #tpu.memory_space<vmem>>) semaphore(%arg19 : memref<!tpu.dma_semaphore, #tpu.memory_space<semaphore_mem>>)
    %dma_start3A_12 = arith.constant 0 : i32
    %dma_start3A_13 = arith.constant 0 : i32
    %dma_start3A_14 = arith.constant 0 : i32
    %dma_start3A_15 = tpu.memref_slice %arg13[%dma_start3A_13, %dma_start3A_14] : memref<512x64xf32, #tpu.memory_space<vmem>> -> memref<128x64xf32, #tpu.memory_space<vmem>>
    %dma_start3A_16 = arith.constant 0 : i32
    %dma_start3A_17 = tpu.memref_slice %arg10[%dma_start3A_12, %dma_start3A_16] : memref<4x128xi32, #tpu.memory_space<vmem>> -> memref<1x128xi32, #tpu.memory_space<vmem>>
    %dma_start3A_18 = tpu.memref_squeeze %dma_start3A_17 : memref<1x128xi32, #tpu.memory_space<vmem>> -> memref<128xi32, #tpu.memory_space<vmem>>
    %dma_start3A_19 = arith.constant 0 : i32
    %dma_start3A_20 = arith.constant 0 : i32
    %dma_start3A_21 = tpu.memref_slice %arg6[%dma_start3A_19, %dma_start3A_20] : memref<10000x64xf32, #tpu.memory_space<hbm>> -> memref<10000x64xf32, #tpu.memory_space<hbm>>
    tpu.enqueue_indirect_dma source(%dma_start3A_21 : memref<10000x64xf32, #tpu.memory_space<hbm>>) target(%dma_start3A_15 : memref<128x64xf32, #tpu.memory_space<vmem>>) offsets(%dma_start3A_18 : memref<128xi32, #tpu.memory_space<vmem>>) semaphore(%arg19 : memref<!tpu.dma_semaphore, #tpu.memory_space<semaphore_mem>>)
    %dma_start3A_22 = arith.constant 0 : i32
    %dma_start3A_23 = arith.constant 0 : i32
    %dma_start3A_24 = arith.constant 0 : i32
    %dma_start3A_25 = tpu.memref_slice %arg14[%dma_start3A_23, %dma_start3A_24] : memref<512x64xf32, #tpu.memory_space<vmem>> -> memref<128x64xf32, #tpu.memory_space<vmem>>
    %dma_start3A_26 = arith.constant 0 : i32
    %dma_start3A_27 = tpu.memref_slice %arg11[%dma_start3A_22, %dma_start3A_26] : memref<4x128xi32, #tpu.memory_space<vmem>> -> memref<1x128xi32, #tpu.memory_space<vmem>>
    %dma_start3A_28 = tpu.memref_squeeze %dma_start3A_27 : memref<1x128xi32, #tpu.memory_space<vmem>> -> memref<128xi32, #tpu.memory_space<vmem>>
    %dma_start3A_29 = arith.constant 0 : i32
    %dma_start3A_30 = arith.constant 0 : i32
    %dma_start3A_31 = tpu.memref_slice %arg6[%dma_start3A_29, %dma_start3A_30] : memref<10000x64xf32, #tpu.memory_space<hbm>> -> memref<10000x64xf32, #tpu.memory_space<hbm>>
    tpu.enqueue_indirect_dma source(%dma_start3A_31 : memref<10000x64xf32, #tpu.memory_space<hbm>>) target(%dma_start3A_25 : memref<128x64xf32, #tpu.memory_space<vmem>>) offsets(%dma_start3A_28 : memref<128xi32, #tpu.memory_space<vmem>>) semaphore(%arg19 : memref<!tpu.dma_semaphore, #tpu.memory_space<semaphore_mem>>)
    %dma_start3A_32 = arith.constant 1 : i32
    %dma_start3A_33 = arith.constant 128 : i32
    %dma_start3A_34 = arith.constant 0 : i32
    %dma_start3A_35 = tpu.memref_slice %arg12[%dma_start3A_33, %dma_start3A_34] : memref<512x64xf32, #tpu.memory_space<vmem>> -> memref<128x64xf32, #tpu.memory_space<vmem>>
    %dma_start3A_36 = arith.constant 0 : i32
    %dma_start3A_37 = tpu.memref_slice %arg9[%dma_start3A_32, %dma_start3A_36] : memref<4x128xi32, #tpu.memory_space<vmem>> -> memref<1x128xi32, #tpu.memory_space<vmem>>
    %dma_start3A_38 = tpu.memref_squeeze %dma_start3A_37 : memref<1x128xi32, #tpu.memory_space<vmem>> -> memref<128xi32, #tpu.memory_space<vmem>>
    %dma_start3A_39 = arith.constant 0 : i32
    %dma_start3A_40 = arith.constant 0 : i32
    %dma_start3A_41 = tpu.memref_slice %arg5[%dma_start3A_39, %dma_start3A_40] : memref<10000x64xf32, #tpu.memory_space<hbm>> -> memref<10000x64xf32, #tpu.memory_space<hbm>>
    tpu.enqueue_indirect_dma source(%dma_start3A_41 : memref<10000x64xf32, #tpu.memory_space<hbm>>) target(%dma_start3A_35 : memref<128x64xf32, #tpu.memory_space<vmem>>) offsets(%dma_start3A_38 : memref<128xi32, #tpu.memory_space<vmem>>) semaphore(%arg19 : memref<!tpu.dma_semaphore, #tpu.memory_space<semaphore_mem>>)
    %dma_start3A_42 = arith.constant 1 : i32
    %dma_start3A_43 = arith.constant 128 : i32
    %dma_start3A_44 = arith.constant 0 : i32
    %dma_start3A_45 = tpu.memref_slice %arg13[%dma_start3A_43, %dma_start3A_44] : memref<512x64xf32, #tpu.memory_space<vmem>> -> memref<128x64xf32, #tpu.memory_space<vmem>>
    %dma_start3A_46 = arith.constant 0 : i32
    %dma_start3A_47 = tpu.memref_slice %arg10[%dma_start3A_42, %dma_start3A_46] : memref<4x128xi32, #tpu.memory_space<vmem>> -> memref<1x128xi32, #tpu.memory_space<vmem>>
    %dma_start3A_48 = tpu.memref_squeeze %dma_start3A_47 : memref<1x128xi32, #tpu.memory_space<vmem>> -> memref<128xi32, #tpu.memory_space<vmem>>
    %dma_start3A_49 = arith.constant 0 : i32
    %dma_start3A_50 = arith.constant 0 : i32
    %dma_start3A_51 = tpu.memref_slice %arg6[%dma_start3A_49, %dma_start3A_50] : memref<10000x64xf32, #tpu.memory_space<hbm>> -> memref<10000x64xf32, #tpu.memory_space<hbm>>
    tpu.enqueue_indirect_dma source(%dma_start3A_51 : memref<10000x64xf32, #tpu.memory_space<hbm>>) target(%dma_start3A_45 : memref<128x64xf32, #tpu.memory_space<vmem>>) offsets(%dma_start3A_48 : memref<128xi32, #tpu.memory_space<vmem>>) semaphore(%arg19 : memref<!tpu.dma_semaphore, #tpu.memory_space<semaphore_mem>>)
    %dma_start3A_52 = arith.constant 1 : i32
    %dma_start3A_53 = arith.constant 128 : i32
    %dma_start3A_54 = arith.constant 0 : i32
    %dma_start3A_55 = tpu.memref_slice %arg14[%dma_start3A_53, %dma_start3A_54] : memref<512x64xf32, #tpu.memory_space<vmem>> -> memref<128x64xf32, #tpu.memory_space<vmem>>
    %dma_start3A_56 = arith.constant 0 : i32
    %dma_start3A_57 = tpu.memref_slice %arg11[%dma_start3A_52, %dma_start3A_56] : memref<4x128xi32, #tpu.memory_space<vmem>> -> memref<1x128xi32, #tpu.memory_space<vmem>>
    %dma_start3A_58 = tpu.memref_squeeze %dma_start3A_57 : memref<1x128xi32, #tpu.memory_space<vmem>> -> memref<128xi32, #tpu.memory_space<vmem>>
    %dma_start3A_59 = arith.constant 0 : i32
    %dma_start3A_60 = arith.constant 0 : i32
    %dma_start3A_61 = tpu.memref_slice %arg6[%dma_start3A_59, %dma_start3A_60] : memref<10000x64xf32, #tpu.memory_space<hbm>> -> memref<10000x64xf32, #tpu.memory_space<hbm>>
    tpu.enqueue_indirect_dma source(%dma_start3A_61 : memref<10000x64xf32, #tpu.memory_space<hbm>>) target(%dma_start3A_55 : memref<128x64xf32, #tpu.memory_space<vmem>>) offsets(%dma_start3A_58 : memref<128xi32, #tpu.memory_space<vmem>>) semaphore(%arg19 : memref<!tpu.dma_semaphore, #tpu.memory_space<semaphore_mem>>)
    %dma_start3A_62 = arith.constant 2 : i32
    %dma_start3A_63 = arith.constant 256 : i32
    %dma_start3A_64 = arith.constant 0 : i32
    %dma_start3A_65 = tpu.memref_slice %arg12[%dma_start3A_63, %dma_start3A_64] : memref<512x64xf32, #tpu.memory_space<vmem>> -> memref<128x64xf32, #tpu.memory_space<vmem>>
    %dma_start3A_66 = arith.constant 0 : i32
    %dma_start3A_67 = tpu.memref_slice %arg9[%dma_start3A_62, %dma_start3A_66] : memref<4x128xi32, #tpu.memory_space<vmem>> -> memref<1x128xi32, #tpu.memory_space<vmem>>
    %dma_start3A_68 = tpu.memref_squeeze %dma_start3A_67 : memref<1x128xi32, #tpu.memory_space<vmem>> -> memref<128xi32, #tpu.memory_space<vmem>>
    %dma_start3A_69 = arith.constant 0 : i32
    %dma_start3A_70 = arith.constant 0 : i32
    %dma_start3A_71 = tpu.memref_slice %arg5[%dma_start3A_69, %dma_start3A_70] : memref<10000x64xf32, #tpu.memory_space<hbm>> -> memref<10000x64xf32, #tpu.memory_space<hbm>>
    tpu.enqueue_indirect_dma source(%dma_start3A_71 : memref<10000x64xf32, #tpu.memory_space<hbm>>) target(%dma_start3A_65 : memref<128x64xf32, #tpu.memory_space<vmem>>) offsets(%dma_start3A_68 : memref<128xi32, #tpu.memory_space<vmem>>) semaphore(%arg19 : memref<!tpu.dma_semaphore, #tpu.memory_space<semaphore_mem>>)
    %dma_start3A_72 = arith.constant 2 : i32
    %dma_start3A_73 = arith.constant 256 : i32
    %dma_start3A_74 = arith.constant 0 : i32
    %dma_start3A_75 = tpu.memref_slice %arg13[%dma_start3A_73, %dma_start3A_74] : memref<512x64xf32, #tpu.memory_space<vmem>> -> memref<128x64xf32, #tpu.memory_space<vmem>>
    %dma_start3A_76 = arith.constant 0 : i32
    %dma_start3A_77 = tpu.memref_slice %arg10[%dma_start3A_72, %dma_start3A_76] : memref<4x128xi32, #tpu.memory_space<vmem>> -> memref<1x128xi32, #tpu.memory_space<vmem>>
    %dma_start3A_78 = tpu.memref_squeeze %dma_start3A_77 : memref<1x128xi32, #tpu.memory_space<vmem>> -> memref<128xi32, #tpu.memory_space<vmem>>
    %dma_start3A_79 = arith.constant 0 : i32
    %dma_start3A_80 = arith.constant 0 : i32
    %dma_start3A_81 = tpu.memref_slice %arg6[%dma_start3A_79, %dma_start3A_80] : memref<10000x64xf32, #tpu.memory_space<hbm>> -> memref<10000x64xf32, #tpu.memory_space<hbm>>
    tpu.enqueue_indirect_dma source(%dma_start3A_81 : memref<10000x64xf32, #tpu.memory_space<hbm>>) target(%dma_start3A_75 : memref<128x64xf32, #tpu.memory_space<vmem>>) offsets(%dma_start3A_78 : memref<128xi32, #tpu.memory_space<vmem>>) semaphore(%arg19 : memref<!tpu.dma_semaphore, #tpu.memory_space<semaphore_mem>>)
    %dma_start3A_82 = arith.constant 2 : i32
    %dma_start3A_83 = arith.constant 256 : i32
    %dma_start3A_84 = arith.constant 0 : i32
    %dma_start3A_85 = tpu.memref_slice %arg14[%dma_start3A_83, %dma_start3A_84] : memref<512x64xf32, #tpu.memory_space<vmem>> -> memref<128x64xf32, #tpu.memory_space<vmem>>
    %dma_start3A_86 = arith.constant 0 : i32
    %dma_start3A_87 = tpu.memref_slice %arg11[%dma_start3A_82, %dma_start3A_86] : memref<4x128xi32, #tpu.memory_space<vmem>> -> memref<1x128xi32, #tpu.memory_space<vmem>>
    %dma_start3A_88 = tpu.memref_squeeze %dma_start3A_87 : memref<1x128xi32, #tpu.memory_space<vmem>> -> memref<128xi32, #tpu.memory_space<vmem>>
    %dma_start3A_89 = arith.constant 0 : i32
    %dma_start3A_90 = arith.constant 0 : i32
    %dma_start3A_91 = tpu.memref_slice %arg6[%dma_start3A_89, %dma_start3A_90] : memref<10000x64xf32, #tpu.memory_space<hbm>> -> memref<10000x64xf32, #tpu.memory_space<hbm>>
    tpu.enqueue_indirect_dma source(%dma_start3A_91 : memref<10000x64xf32, #tpu.memory_space<hbm>>) target(%dma_start3A_85 : memref<128x64xf32, #tpu.memory_space<vmem>>) offsets(%dma_start3A_88 : memref<128xi32, #tpu.memory_space<vmem>>) semaphore(%arg19 : memref<!tpu.dma_semaphore, #tpu.memory_space<semaphore_mem>>)
    %dma_start3A_92 = arith.constant 3 : i32
    %dma_start3A_93 = arith.constant 384 : i32
    %dma_start3A_94 = arith.constant 0 : i32
    %dma_start3A_95 = tpu.memref_slice %arg12[%dma_start3A_93, %dma_start3A_94] : memref<512x64xf32, #tpu.memory_space<vmem>> -> memref<128x64xf32, #tpu.memory_space<vmem>>
    %dma_start3A_96 = arith.constant 0 : i32
    %dma_start3A_97 = tpu.memref_slice %arg9[%dma_start3A_92, %dma_start3A_96] : memref<4x128xi32, #tpu.memory_space<vmem>> -> memref<1x128xi32, #tpu.memory_space<vmem>>
    %dma_start3A_98 = tpu.memref_squeeze %dma_start3A_97 : memref<1x128xi32, #tpu.memory_space<vmem>> -> memref<128xi32, #tpu.memory_space<vmem>>
    %dma_start3A_99 = arith.constant 0 : i32
    %dma_start3A_100 = arith.constant 0 : i32
    %dma_start3A_101 = tpu.memref_slice %arg5[%dma_start3A_99, %dma_start3A_100] : memref<10000x64xf32, #tpu.memory_space<hbm>> -> memref<10000x64xf32, #tpu.memory_space<hbm>>
    tpu.enqueue_indirect_dma source(%dma_start3A_101 : memref<10000x64xf32, #tpu.memory_space<hbm>>) target(%dma_start3A_95 : memref<128x64xf32, #tpu.memory_space<vmem>>) offsets(%dma_start3A_98 : memref<128xi32, #tpu.memory_space<vmem>>) semaphore(%arg19 : memref<!tpu.dma_semaphore, #tpu.memory_space<semaphore_mem>>)
    %dma_start3A_102 = arith.constant 3 : i32
    %dma_start3A_103 = arith.constant 384 : i32
    %dma_start3A_104 = arith.constant 0 : i32
    %dma_start3A_105 = tpu.memref_slice %arg13[%dma_start3A_103, %dma_start3A_104] : memref<512x64xf32, #tpu.memory_space<vmem>> -> memref<128x64xf32, #tpu.memory_space<vmem>>
    %dma_start3A_106 = arith.constant 0 : i32
    %dma_start3A_107 = tpu.memref_slice %arg10[%dma_start3A_102, %dma_start3A_106] : memref<4x128xi32, #tpu.memory_space<vmem>> -> memref<1x128xi32, #tpu.memory_space<vmem>>
    %dma_start3A_108 = tpu.memref_squeeze %dma_start3A_107 : memref<1x128xi32, #tpu.memory_space<vmem>> -> memref<128xi32, #tpu.memory_space<vmem>>
    %dma_start3A_109 = arith.constant 0 : i32
    %dma_start3A_110 = arith.constant 0 : i32
    %dma_start3A_111 = tpu.memref_slice %arg6[%dma_start3A_109, %dma_start3A_110] : memref<10000x64xf32, #tpu.memory_space<hbm>> -> memref<10000x64xf32, #tpu.memory_space<hbm>>
    tpu.enqueue_indirect_dma source(%dma_start3A_111 : memref<10000x64xf32, #tpu.memory_space<hbm>>) target(%dma_start3A_105 : memref<128x64xf32, #tpu.memory_space<vmem>>) offsets(%dma_start3A_108 : memref<128xi32, #tpu.memory_space<vmem>>) semaphore(%arg19 : memref<!tpu.dma_semaphore, #tpu.memory_space<semaphore_mem>>)
    %dma_start3A_112 = arith.constant 3 : i32
    %dma_start3A_113 = arith.constant 384 : i32
    %dma_start3A_114 = arith.constant 0 : i32
    %dma_start3A_115 = tpu.memref_slice %arg14[%dma_start3A_113, %dma_start3A_114] : memref<512x64xf32, #tpu.memory_space<vmem>> -> memref<128x64xf32, #tpu.memory_space<vmem>>
    %dma_start3A_116 = arith.constant 0 : i32
    %dma_start3A_117 = tpu.memref_slice %arg11[%dma_start3A_112, %dma_start3A_116] : memref<4x128xi32, #tpu.memory_space<vmem>> -> memref<1x128xi32, #tpu.memory_space<vmem>>
    %dma_start3A_118 = tpu.memref_squeeze %dma_start3A_117 : memref<1x128xi32, #tpu.memory_space<vmem>> -> memref<128xi32, #tpu.memory_space<vmem>>
    %dma_start3A_119 = arith.constant 0 : i32
    %dma_start3A_120 = arith.constant 0 : i32
    %dma_start3A_121 = tpu.memref_slice %arg6[%dma_start3A_119, %dma_start3A_120] : memref<10000x64xf32, #tpu.memory_space<hbm>> -> memref<10000x64xf32, #tpu.memory_space<hbm>>
    tpu.enqueue_indirect_dma source(%dma_start3A_121 : memref<10000x64xf32, #tpu.memory_space<hbm>>) target(%dma_start3A_115 : memref<128x64xf32, #tpu.memory_space<vmem>>) offsets(%dma_start3A_118 : memref<128xi32, #tpu.memory_space<vmem>>) semaphore(%arg19 : memref<!tpu.dma_semaphore, #tpu.memory_space<semaphore_mem>>)
    %mul3A_122 = arith.constant 2 : i32
    %mul3A_123 = arith.muli %add3A, %mul3A_122 : i32
    %mul3A_124 = arith.constant 512 : i32
    %mul3A_125 = arith.muli %mul3A_123, %mul3A_124 : i32
    "tpu.region"() ({
      %run_scoped3A = tpu.sem_alloc : memref<!tpu.dma_semaphore, #tpu.memory_space<semaphore_mem>>
      %dma_start3A_254 = tpu.memref_slice %arg7[%mul3A_125] : memref<32768xf32, #tpu.memory_space<hbm>> -> memref<1024xf32, #tpu.memory_space<hbm>>
      %dma_start3A_255 = tpu.memref_slice %arg7[%mul3A_125] : memref<32768xf32, #tpu.memory_space<hbm>> -> memref<1024xf32, #tpu.memory_space<hbm>>
      tpu.enqueue_dma source(%dma_start3A_255 : memref<1024xf32, #tpu.memory_space<hbm>>) target(%arg15 : memref<1024xf32, #tpu.memory_space<vmem>>) target_semaphore(%run_scoped3A : memref<!tpu.dma_semaphore, #tpu.memory_space<semaphore_mem>>)
      %dma_wait3A_256 = tpu.memref_slice %arg7[%mul3A_125] : memref<32768xf32, #tpu.memory_space<hbm>> -> memref<1024xf32, #tpu.memory_space<hbm>>
      %dma_wait3A_257 = tpu.memref_slice %arg7[%mul3A_125] : memref<32768xf32, #tpu.memory_space<hbm>> -> memref<1024xf32, #tpu.memory_space<hbm>>
      tpu.wait_dma2 semaphore(%run_scoped3A : memref<!tpu.dma_semaphore, #tpu.memory_space<semaphore_mem>>) src(%dma_wait3A_257 : memref<1024xf32, #tpu.memory_space<hbm>>) dst(%arg15 : memref<1024xf32, #tpu.memory_space<vmem>>)
      tpu.yield
    }) : () -> ()
    %dma_wait3A = arith.constant 0 : i32
    %dma_wait3A_126 = arith.constant 0 : i32
    %dma_wait3A_127 = arith.constant 0 : i32
    %dma_wait3A_128 = tpu.memref_slice %arg12[%dma_wait3A_126, %dma_wait3A_127] : memref<512x64xf32, #tpu.memory_space<vmem>> -> memref<128x64xf32, #tpu.memory_space<vmem>>
    %dma_wait3A_129 = arith.constant 0 : i32
    %dma_wait3A_130 = tpu.memref_slice %arg9[%dma_wait3A, %dma_wait3A_129] : memref<4x128xi32, #tpu.memory_space<vmem>> -> memref<1x128xi32, #tpu.memory_space<vmem>>
    %dma_wait3A_131 = tpu.memref_squeeze %dma_wait3A_130 : memref<1x128xi32, #tpu.memory_space<vmem>> -> memref<128xi32, #tpu.memory_space<vmem>>
    %dma_wait3A_132 = arith.constant 0 : i32
    %dma_wait3A_133 = arith.constant 0 : i32
    %dma_wait3A_134 = tpu.memref_slice %arg5[%dma_wait3A_132, %dma_wait3A_133] : memref<10000x64xf32, #tpu.memory_space<hbm>> -> memref<10000x64xf32, #tpu.memory_space<hbm>>
    tpu.wait_indirect_dma semaphore(%arg19 : memref<!tpu.dma_semaphore, #tpu.memory_space<semaphore_mem>>) src(%dma_wait3A_134 : memref<10000x64xf32, #tpu.memory_space<hbm>>) dst(%dma_wait3A_128 : memref<128x64xf32, #tpu.memory_space<vmem>>)
    %dma_wait3A_135 = arith.constant 0 : i32
    %dma_wait3A_136 = arith.constant 0 : i32
    %dma_wait3A_137 = arith.constant 0 : i32
    %dma_wait3A_138 = tpu.memref_slice %arg13[%dma_wait3A_136, %dma_wait3A_137] : memref<512x64xf32, #tpu.memory_space<vmem>> -> memref<128x64xf32, #tpu.memory_space<vmem>>
    %dma_wait3A_139 = arith.constant 0 : i32
    %dma_wait3A_140 = tpu.memref_slice %arg10[%dma_wait3A_135, %dma_wait3A_139] : memref<4x128xi32, #tpu.memory_space<vmem>> -> memref<1x128xi32, #tpu.memory_space<vmem>>
    %dma_wait3A_141 = tpu.memref_squeeze %dma_wait3A_140 : memref<1x128xi32, #tpu.memory_space<vmem>> -> memref<128xi32, #tpu.memory_space<vmem>>
    %dma_wait3A_142 = arith.constant 0 : i32
    %dma_wait3A_143 = arith.constant 0 : i32
    %dma_wait3A_144 = tpu.memref_slice %arg6[%dma_wait3A_142, %dma_wait3A_143] : memref<10000x64xf32, #tpu.memory_space<hbm>> -> memref<10000x64xf32, #tpu.memory_space<hbm>>
    tpu.wait_indirect_dma semaphore(%arg19 : memref<!tpu.dma_semaphore, #tpu.memory_space<semaphore_mem>>) src(%dma_wait3A_144 : memref<10000x64xf32, #tpu.memory_space<hbm>>) dst(%dma_wait3A_138 : memref<128x64xf32, #tpu.memory_space<vmem>>)
    %dma_wait3A_145 = arith.constant 0 : i32
    %dma_wait3A_146 = arith.constant 0 : i32
    %dma_wait3A_147 = arith.constant 0 : i32
    %dma_wait3A_148 = tpu.memref_slice %arg14[%dma_wait3A_146, %dma_wait3A_147] : memref<512x64xf32, #tpu.memory_space<vmem>> -> memref<128x64xf32, #tpu.memory_space<vmem>>
    %dma_wait3A_149 = arith.constant 0 : i32
    %dma_wait3A_150 = tpu.memref_slice %arg11[%dma_wait3A_145, %dma_wait3A_149] : memref<4x128xi32, #tpu.memory_space<vmem>> -> memref<1x128xi32, #tpu.memory_space<vmem>>
    %dma_wait3A_151 = tpu.memref_squeeze %dma_wait3A_150 : memref<1x128xi32, #tpu.memory_space<vmem>> -> memref<128xi32, #tpu.memory_space<vmem>>
    %dma_wait3A_152 = arith.constant 0 : i32
    %dma_wait3A_153 = arith.constant 0 : i32
    %dma_wait3A_154 = tpu.memref_slice %arg6[%dma_wait3A_152, %dma_wait3A_153] : memref<10000x64xf32, #tpu.memory_space<hbm>> -> memref<10000x64xf32, #tpu.memory_space<hbm>>
    tpu.wait_indirect_dma semaphore(%arg19 : memref<!tpu.dma_semaphore, #tpu.memory_space<semaphore_mem>>) src(%dma_wait3A_154 : memref<10000x64xf32, #tpu.memory_space<hbm>>) dst(%dma_wait3A_148 : memref<128x64xf32, #tpu.memory_space<vmem>>)
    %dma_wait3A_155 = arith.constant 1 : i32
    %dma_wait3A_156 = arith.constant 128 : i32
    %dma_wait3A_157 = arith.constant 0 : i32
    %dma_wait3A_158 = tpu.memref_slice %arg12[%dma_wait3A_156, %dma_wait3A_157] : memref<512x64xf32, #tpu.memory_space<vmem>> -> memref<128x64xf32, #tpu.memory_space<vmem>>
    %dma_wait3A_159 = arith.constant 0 : i32
    %dma_wait3A_160 = tpu.memref_slice %arg9[%dma_wait3A_155, %dma_wait3A_159] : memref<4x128xi32, #tpu.memory_space<vmem>> -> memref<1x128xi32, #tpu.memory_space<vmem>>
    %dma_wait3A_161 = tpu.memref_squeeze %dma_wait3A_160 : memref<1x128xi32, #tpu.memory_space<vmem>> -> memref<128xi32, #tpu.memory_space<vmem>>
    %dma_wait3A_162 = arith.constant 0 : i32
    %dma_wait3A_163 = arith.constant 0 : i32
    %dma_wait3A_164 = tpu.memref_slice %arg5[%dma_wait3A_162, %dma_wait3A_163] : memref<10000x64xf32, #tpu.memory_space<hbm>> -> memref<10000x64xf32, #tpu.memory_space<hbm>>
    tpu.wait_indirect_dma semaphore(%arg19 : memref<!tpu.dma_semaphore, #tpu.memory_space<semaphore_mem>>) src(%dma_wait3A_164 : memref<10000x64xf32, #tpu.memory_space<hbm>>) dst(%dma_wait3A_158 : memref<128x64xf32, #tpu.memory_space<vmem>>)
    %dma_wait3A_165 = arith.constant 1 : i32
    %dma_wait3A_166 = arith.constant 128 : i32
    %dma_wait3A_167 = arith.constant 0 : i32
    %dma_wait3A_168 = tpu.memref_slice %arg13[%dma_wait3A_166, %dma_wait3A_167] : memref<512x64xf32, #tpu.memory_space<vmem>> -> memref<128x64xf32, #tpu.memory_space<vmem>>
    %dma_wait3A_169 = arith.constant 0 : i32
    %dma_wait3A_170 = tpu.memref_slice %arg10[%dma_wait3A_165, %dma_wait3A_169] : memref<4x128xi32, #tpu.memory_space<vmem>> -> memref<1x128xi32, #tpu.memory_space<vmem>>
    %dma_wait3A_171 = tpu.memref_squeeze %dma_wait3A_170 : memref<1x128xi32, #tpu.memory_space<vmem>> -> memref<128xi32, #tpu.memory_space<vmem>>
    %dma_wait3A_172 = arith.constant 0 : i32
    %dma_wait3A_173 = arith.constant 0 : i32
    %dma_wait3A_174 = tpu.memref_slice %arg6[%dma_wait3A_172, %dma_wait3A_173] : memref<10000x64xf32, #tpu.memory_space<hbm>> -> memref<10000x64xf32, #tpu.memory_space<hbm>>
    tpu.wait_indirect_dma semaphore(%arg19 : memref<!tpu.dma_semaphore, #tpu.memory_space<semaphore_mem>>) src(%dma_wait3A_174 : memref<10000x64xf32, #tpu.memory_space<hbm>>) dst(%dma_wait3A_168 : memref<128x64xf32, #tpu.memory_space<vmem>>)
    %dma_wait3A_175 = arith.constant 1 : i32
    %dma_wait3A_176 = arith.constant 128 : i32
    %dma_wait3A_177 = arith.constant 0 : i32
    %dma_wait3A_178 = tpu.memref_slice %arg14[%dma_wait3A_176, %dma_wait3A_177] : memref<512x64xf32, #tpu.memory_space<vmem>> -> memref<128x64xf32, #tpu.memory_space<vmem>>
    %dma_wait3A_179 = arith.constant 0 : i32
    %dma_wait3A_180 = tpu.memref_slice %arg11[%dma_wait3A_175, %dma_wait3A_179] : memref<4x128xi32, #tpu.memory_space<vmem>> -> memref<1x128xi32, #tpu.memory_space<vmem>>
    %dma_wait3A_181 = tpu.memref_squeeze %dma_wait3A_180 : memref<1x128xi32, #tpu.memory_space<vmem>> -> memref<128xi32, #tpu.memory_space<vmem>>
    %dma_wait3A_182 = arith.constant 0 : i32
    %dma_wait3A_183 = arith.constant 0 : i32
    %dma_wait3A_184 = tpu.memref_slice %arg6[%dma_wait3A_182, %dma_wait3A_183] : memref<10000x64xf32, #tpu.memory_space<hbm>> -> memref<10000x64xf32, #tpu.memory_space<hbm>>
    tpu.wait_indirect_dma semaphore(%arg19 : memref<!tpu.dma_semaphore, #tpu.memory_space<semaphore_mem>>) src(%dma_wait3A_184 : memref<10000x64xf32, #tpu.memory_space<hbm>>) dst(%dma_wait3A_178 : memref<128x64xf32, #tpu.memory_space<vmem>>)
    %dma_wait3A_185 = arith.constant 2 : i32
    %dma_wait3A_186 = arith.constant 256 : i32
    %dma_wait3A_187 = arith.constant 0 : i32
    %dma_wait3A_188 = tpu.memref_slice %arg12[%dma_wait3A_186, %dma_wait3A_187] : memref<512x64xf32, #tpu.memory_space<vmem>> -> memref<128x64xf32, #tpu.memory_space<vmem>>
    %dma_wait3A_189 = arith.constant 0 : i32
    %dma_wait3A_190 = tpu.memref_slice %arg9[%dma_wait3A_185, %dma_wait3A_189] : memref<4x128xi32, #tpu.memory_space<vmem>> -> memref<1x128xi32, #tpu.memory_space<vmem>>
    %dma_wait3A_191 = tpu.memref_squeeze %dma_wait3A_190 : memref<1x128xi32, #tpu.memory_space<vmem>> -> memref<128xi32, #tpu.memory_space<vmem>>
    %dma_wait3A_192 = arith.constant 0 : i32
    %dma_wait3A_193 = arith.constant 0 : i32
    %dma_wait3A_194 = tpu.memref_slice %arg5[%dma_wait3A_192, %dma_wait3A_193] : memref<10000x64xf32, #tpu.memory_space<hbm>> -> memref<10000x64xf32, #tpu.memory_space<hbm>>
    tpu.wait_indirect_dma semaphore(%arg19 : memref<!tpu.dma_semaphore, #tpu.memory_space<semaphore_mem>>) src(%dma_wait3A_194 : memref<10000x64xf32, #tpu.memory_space<hbm>>) dst(%dma_wait3A_188 : memref<128x64xf32, #tpu.memory_space<vmem>>)
    %dma_wait3A_195 = arith.constant 2 : i32
    %dma_wait3A_196 = arith.constant 256 : i32
    %dma_wait3A_197 = arith.constant 0 : i32
    %dma_wait3A_198 = tpu.memref_slice %arg13[%dma_wait3A_196, %dma_wait3A_197] : memref<512x64xf32, #tpu.memory_space<vmem>> -> memref<128x64xf32, #tpu.memory_space<vmem>>
    %dma_wait3A_199 = arith.constant 0 : i32
    %dma_wait3A_200 = tpu.memref_slice %arg10[%dma_wait3A_195, %dma_wait3A_199] : memref<4x128xi32, #tpu.memory_space<vmem>> -> memref<1x128xi32, #tpu.memory_space<vmem>>
    %dma_wait3A_201 = tpu.memref_squeeze %dma_wait3A_200 : memref<1x128xi32, #tpu.memory_space<vmem>> -> memref<128xi32, #tpu.memory_space<vmem>>
    %dma_wait3A_202 = arith.constant 0 : i32
    %dma_wait3A_203 = arith.constant 0 : i32
    %dma_wait3A_204 = tpu.memref_slice %arg6[%dma_wait3A_202, %dma_wait3A_203] : memref<10000x64xf32, #tpu.memory_space<hbm>> -> memref<10000x64xf32, #tpu.memory_space<hbm>>
    tpu.wait_indirect_dma semaphore(%arg19 : memref<!tpu.dma_semaphore, #tpu.memory_space<semaphore_mem>>) src(%dma_wait3A_204 : memref<10000x64xf32, #tpu.memory_space<hbm>>) dst(%dma_wait3A_198 : memref<128x64xf32, #tpu.memory_space<vmem>>)
    %dma_wait3A_205 = arith.constant 2 : i32
    %dma_wait3A_206 = arith.constant 256 : i32
    %dma_wait3A_207 = arith.constant 0 : i32
    %dma_wait3A_208 = tpu.memref_slice %arg14[%dma_wait3A_206, %dma_wait3A_207] : memref<512x64xf32, #tpu.memory_space<vmem>> -> memref<128x64xf32, #tpu.memory_space<vmem>>
    %dma_wait3A_209 = arith.constant 0 : i32
    %dma_wait3A_210 = tpu.memref_slice %arg11[%dma_wait3A_205, %dma_wait3A_209] : memref<4x128xi32, #tpu.memory_space<vmem>> -> memref<1x128xi32, #tpu.memory_space<vmem>>
    %dma_wait3A_211 = tpu.memref_squeeze %dma_wait3A_210 : memref<1x128xi32, #tpu.memory_space<vmem>> -> memref<128xi32, #tpu.memory_space<vmem>>
    %dma_wait3A_212 = arith.constant 0 : i32
    %dma_wait3A_213 = arith.constant 0 : i32
    %dma_wait3A_214 = tpu.memref_slice %arg6[%dma_wait3A_212, %dma_wait3A_213] : memref<10000x64xf32, #tpu.memory_space<hbm>> -> memref<10000x64xf32, #tpu.memory_space<hbm>>
    tpu.wait_indirect_dma semaphore(%arg19 : memref<!tpu.dma_semaphore, #tpu.memory_space<semaphore_mem>>) src(%dma_wait3A_214 : memref<10000x64xf32, #tpu.memory_space<hbm>>) dst(%dma_wait3A_208 : memref<128x64xf32, #tpu.memory_space<vmem>>)
    %dma_wait3A_215 = arith.constant 3 : i32
    %dma_wait3A_216 = arith.constant 384 : i32
    %dma_wait3A_217 = arith.constant 0 : i32
    %dma_wait3A_218 = tpu.memref_slice %arg12[%dma_wait3A_216, %dma_wait3A_217] : memref<512x64xf32, #tpu.memory_space<vmem>> -> memref<128x64xf32, #tpu.memory_space<vmem>>
    %dma_wait3A_219 = arith.constant 0 : i32
    %dma_wait3A_220 = tpu.memref_slice %arg9[%dma_wait3A_215, %dma_wait3A_219] : memref<4x128xi32, #tpu.memory_space<vmem>> -> memref<1x128xi32, #tpu.memory_space<vmem>>
    %dma_wait3A_221 = tpu.memref_squeeze %dma_wait3A_220 : memref<1x128xi32, #tpu.memory_space<vmem>> -> memref<128xi32, #tpu.memory_space<vmem>>
    %dma_wait3A_222 = arith.constant 0 : i32
    %dma_wait3A_223 = arith.constant 0 : i32
    %dma_wait3A_224 = tpu.memref_slice %arg5[%dma_wait3A_222, %dma_wait3A_223] : memref<10000x64xf32, #tpu.memory_space<hbm>> -> memref<10000x64xf32, #tpu.memory_space<hbm>>
    tpu.wait_indirect_dma semaphore(%arg19 : memref<!tpu.dma_semaphore, #tpu.memory_space<semaphore_mem>>) src(%dma_wait3A_224 : memref<10000x64xf32, #tpu.memory_space<hbm>>) dst(%dma_wait3A_218 : memref<128x64xf32, #tpu.memory_space<vmem>>)
    %dma_wait3A_225 = arith.constant 3 : i32
    %dma_wait3A_226 = arith.constant 384 : i32
    %dma_wait3A_227 = arith.constant 0 : i32
    %dma_wait3A_228 = tpu.memref_slice %arg13[%dma_wait3A_226, %dma_wait3A_227] : memref<512x64xf32, #tpu.memory_space<vmem>> -> memref<128x64xf32, #tpu.memory_space<vmem>>
    %dma_wait3A_229 = arith.constant 0 : i32
    %dma_wait3A_230 = tpu.memref_slice %arg10[%dma_wait3A_225, %dma_wait3A_229] : memref<4x128xi32, #tpu.memory_space<vmem>> -> memref<1x128xi32, #tpu.memory_space<vmem>>
    %dma_wait3A_231 = tpu.memref_squeeze %dma_wait3A_230 : memref<1x128xi32, #tpu.memory_space<vmem>> -> memref<128xi32, #tpu.memory_space<vmem>>
    %dma_wait3A_232 = arith.constant 0 : i32
    %dma_wait3A_233 = arith.constant 0 : i32
    %dma_wait3A_234 = tpu.memref_slice %arg6[%dma_wait3A_232, %dma_wait3A_233] : memref<10000x64xf32, #tpu.memory_space<hbm>> -> memref<10000x64xf32, #tpu.memory_space<hbm>>
    tpu.wait_indirect_dma semaphore(%arg19 : memref<!tpu.dma_semaphore, #tpu.memory_space<semaphore_mem>>) src(%dma_wait3A_234 : memref<10000x64xf32, #tpu.memory_space<hbm>>) dst(%dma_wait3A_228 : memref<128x64xf32, #tpu.memory_space<vmem>>)
    %dma_wait3A_235 = arith.constant 3 : i32
    %dma_wait3A_236 = arith.constant 384 : i32
    %dma_wait3A_237 = arith.constant 0 : i32
    %dma_wait3A_238 = tpu.memref_slice %arg14[%dma_wait3A_236, %dma_wait3A_237] : memref<512x64xf32, #tpu.memory_space<vmem>> -> memref<128x64xf32, #tpu.memory_space<vmem>>
    %dma_wait3A_239 = arith.constant 0 : i32
    %dma_wait3A_240 = tpu.memref_slice %arg11[%dma_wait3A_235, %dma_wait3A_239] : memref<4x128xi32, #tpu.memory_space<vmem>> -> memref<1x128xi32, #tpu.memory_space<vmem>>
    %dma_wait3A_241 = tpu.memref_squeeze %dma_wait3A_240 : memref<1x128xi32, #tpu.memory_space<vmem>> -> memref<128xi32, #tpu.memory_space<vmem>>
    %dma_wait3A_242 = arith.constant 0 : i32
    %dma_wait3A_243 = arith.constant 0 : i32
    %dma_wait3A_244 = tpu.memref_slice %arg6[%dma_wait3A_242, %dma_wait3A_243] : memref<10000x64xf32, #tpu.memory_space<hbm>> -> memref<10000x64xf32, #tpu.memory_space<hbm>>
    tpu.wait_indirect_dma semaphore(%arg19 : memref<!tpu.dma_semaphore, #tpu.memory_space<semaphore_mem>>) src(%dma_wait3A_244 : memref<10000x64xf32, #tpu.memory_space<hbm>>) dst(%dma_wait3A_238 : memref<128x64xf32, #tpu.memory_space<vmem>>)
    %iota3A = tpu.iota {dimensions = array<i32: 0>} : vector<16xi32>
    %broadcast_in_dim3A = arith.constant 0.000000e+00 : f32
    %broadcast_in_dim3A_245 = vector.broadcast %broadcast_in_dim3A : f32 to vector<16xf32>
    %broadcast_in_dim3A_246 = arith.constant 15 : i32
    %broadcast_in_dim3A_247 = vector.broadcast %broadcast_in_dim3A_246 : i32 to vector<16xi32>
    %scan3A = arith.constant 0 : i32
    %scan3A_248 = arith.constant 32 : i32
    %scan3A_249 = arith.addi %scan3A, %scan3A_248 : i32
    %scan3A_250 = arith.constant 1 : i32
    %scan3A_251 = scf.for %scan3A_254 = %scan3A to %scan3A_249 step %scan3A_250 iter_args(%scan3A_255 = %broadcast_in_dim3A_245) -> (vector<16xf32>)  : i32 {
      %mul3A_256 = arith.constant 16 : i32
      %mul3A_257 = arith.muli %scan3A_254, %mul3A_256 : i32
      %multiple_of3A = tpu.assume_multiple %mul3A_257, 16 : i32
      %add3A_258 = arith.constant 0 : i32
      %add3A_259 = arith.addi %multiple_of3A, %add3A_258 : i32
      %get3A = arith.index_cast %add3A_259 : i32 to index
      %get3A_260 = arith.constant 0 : index
      %get3A_261 = tpu.vector_load %arg12[%get3A, %get3A_260] {strides = array<i32>} : memref<512x64xf32, #tpu.memory_space<vmem>>, vector<16xf32>,
      %get3A_262 = arith.index_cast %add3A_259 : i32 to index
      %get3A_263 = arith.constant 0 : index
      %get3A_264 = tpu.vector_load %arg13[%get3A_262, %get3A_263] {strides = array<i32>} : memref<512x64xf32, #tpu.memory_space<vmem>>, vector<16xf32>,
      %mul3A_265 = arith.mulf %get3A_261, %get3A_264 : vector<16xf32>
      %add3A_266 = arith.addf %broadcast_in_dim3A_245, %mul3A_265 : vector<16xf32>
      %get3A_267 = arith.index_cast %add3A_259 : i32 to index
      %get3A_268 = arith.constant 0 : index
      %get3A_269 = tpu.vector_load %arg14[%get3A_267, %get3A_268] {strides = array<i32>} : memref<512x64xf32, #tpu.memory_space<vmem>>, vector<16xf32>,
      %mul3A_270 = arith.mulf %get3A_261, %get3A_269 : vector<16xf32>
      %add3A_271 = arith.addf %broadcast_in_dim3A_245, %mul3A_270 : vector<16xf32>
      %get3A_272 = arith.index_cast %add3A_259 : i32 to index
      %get3A_273 = arith.constant 16 : index
      %get3A_274 = tpu.vector_load %arg12[%get3A_272, %get3A_273] {strides = array<i32>} : memref<512x64xf32, #tpu.memory_space<vmem>>, vector<16xf32>,
      %get3A_275 = arith.index_cast %add3A_259 : i32 to index
      %get3A_276 = arith.constant 16 : index
      %get3A_277 = tpu.vector_load %arg13[%get3A_275, %get3A_276] {strides = array<i32>} : memref<512x64xf32, #tpu.memory_space<vmem>>, vector<16xf32>,
      %mul3A_278 = arith.mulf %get3A_274, %get3A_277 : vector<16xf32>
      %add3A_279 = arith.addf %add3A_266, %mul3A_278 : vector<16xf32>
      %get3A_280 = arith.index_cast %add3A_259 : i32 to index
      %get3A_281 = arith.constant 16 : index
      %get3A_282 = tpu.vector_load %arg14[%get3A_280, %get3A_281] {strides = array<i32>} : memref<512x64xf32, #tpu.memory_space<vmem>>, vector<16xf32>,
      %mul3A_283 = arith.mulf %get3A_274, %get3A_282 : vector<16xf32>
      %add3A_284 = arith.addf %add3A_271, %mul3A_283 : vector<16xf32>
      %get3A_285 = arith.index_cast %add3A_259 : i32 to index
      %get3A_286 = arith.constant 32 : index
      %get3A_287 = tpu.vector_load %arg12[%get3A_285, %get3A_286] {strides = array<i32>} : memref<512x64xf32, #tpu.memory_space<vmem>>, vector<16xf32>,
      %get3A_288 = arith.index_cast %add3A_259 : i32 to index
      %get3A_289 = arith.constant 32 : index
      %get3A_290 = tpu.vector_load %arg13[%get3A_288, %get3A_289] {strides = array<i32>} : memref<512x64xf32, #tpu.memory_space<vmem>>, vector<16xf32>,
      %mul3A_291 = arith.mulf %get3A_287, %get3A_290 : vector<16xf32>
      %add3A_292 = arith.addf %add3A_279, %mul3A_291 : vector<16xf32>
      %get3A_293 = arith.index_cast %add3A_259 : i32 to index
      %get3A_294 = arith.constant 32 : index
      %get3A_295 = tpu.vector_load %arg14[%get3A_293, %get3A_294] {strides = array<i32>} : memref<512x64xf32, #tpu.memory_space<vmem>>, vector<16xf32>,
      %mul3A_296 = arith.mulf %get3A_287, %get3A_295 : vector<16xf32>
      %add3A_297 = arith.addf %add3A_284, %mul3A_296 : vector<16xf32>
      %get3A_298 = arith.index_cast %add3A_259 : i32 to index
      %get3A_299 = arith.constant 48 : index
      %get3A_300 = tpu.vector_load %arg12[%get3A_298, %get3A_299] {strides = array<i32>} : memref<512x64xf32, #tpu.memory_space<vmem>>, vector<16xf32>,
      %get3A_301 = arith.index_cast %add3A_259 : i32 to index
      %get3A_302 = arith.constant 48 : index
      %get3A_303 = tpu.vector_load %arg13[%get3A_301, %get3A_302] {strides = array<i32>} : memref<512x64xf32, #tpu.memory_space<vmem>>, vector<16xf32>,
      %mul3A_304 = arith.mulf %get3A_300, %get3A_303 : vector<16xf32>
      %add3A_305 = arith.addf %add3A_292, %mul3A_304 : vector<16xf32>
      %get3A_306 = arith.index_cast %add3A_259 : i32 to index
      %get3A_307 = arith.constant 48 : index
      %get3A_308 = tpu.vector_load %arg14[%get3A_306, %get3A_307] {strides = array<i32>} : memref<512x64xf32, #tpu.memory_space<vmem>>, vector<16xf32>,
      %mul3A_309 = arith.mulf %get3A_300, %get3A_308 : vector<16xf32>
      %add3A_310 = arith.addf %add3A_297, %mul3A_309 : vector<16xf32>
      %broadcast_in_dim3A_311 = arith.constant true
      %broadcast_in_dim3A_312 = vector.broadcast %broadcast_in_dim3A_311 : i1 to vector<16xi1>
      %masked_cumsum3A = tpu.scan <sum>, %add3A_305 masked %broadcast_in_dim3A_312 : vector<16xf32>, vector<16xi1> -> vector<16xf32>
      %swap3A_313 = arith.constant 0 : i32
      %swap3A_314 = arith.index_cast %swap3A_313 : i32 to index
      %swap3A_315 = arith.constant 0 : index
      %swap3A_316 = tpu.vector_load %arg16[%swap3A_314, %swap3A_315] {strides = array<i32>} : memref<16x17xf32, #tpu.memory_space<vmem>>, vector<16xf32>,
      tpu.vector_store %arg16[%swap3A_314, %swap3A_315], %masked_cumsum3A {strides = array<i32>} : memref<16x17xf32, #tpu.memory_space<vmem>>, vector<16xf32>,
      %broadcast_in_dim3A_317 = arith.constant true
      %broadcast_in_dim3A_318 = vector.broadcast %broadcast_in_dim3A_317 : i1 to vector<16xi1>
      %masked_cumsum3A_319 = tpu.scan <sum>, %add3A_310 masked %broadcast_in_dim3A_318 : vector<16xf32>, vector<16xi1> -> vector<16xf32>
      %swap3A_320 = arith.constant 0 : i32
      %swap3A_321 = arith.index_cast %swap3A_320 : i32 to index
      %swap3A_322 = arith.constant 0 : index
      %swap3A_323 = tpu.vector_load %arg17[%swap3A_321, %swap3A_322] {strides = array<i32>} : memref<16x17xf32, #tpu.memory_space<vmem>>, vector<16xf32>,
      tpu.vector_store %arg17[%swap3A_321, %swap3A_322], %masked_cumsum3A_319 {strides = array<i32>} : memref<16x17xf32, #tpu.memory_space<vmem>>, vector<16xf32>,
      %add3A_324 = arith.constant 1 : i32
      %add3A_325 = arith.addi %multiple_of3A, %add3A_324 : i32
      %get3A_326 = arith.index_cast %add3A_325 : i32 to index
      %get3A_327 = arith.constant 0 : index
      %get3A_328 = tpu.vector_load %arg12[%get3A_326, %get3A_327] {strides = array<i32>} : memref<512x64xf32, #tpu.memory_space<vmem>>, vector<16xf32>,
      %get3A_329 = arith.index_cast %add3A_325 : i32 to index
      %get3A_330 = arith.constant 0 : index
      %get3A_331 = tpu.vector_load %arg13[%get3A_329, %get3A_330] {strides = array<i32>} : memref<512x64xf32, #tpu.memory_space<vmem>>, vector<16xf32>,
      %mul3A_332 = arith.mulf %get3A_328, %get3A_331 : vector<16xf32>
      %add3A_333 = arith.addf %broadcast_in_dim3A_245, %mul3A_332 : vector<16xf32>
      %get3A_334 = arith.index_cast %add3A_325 : i32 to index
      %get3A_335 = arith.constant 0 : index
      %get3A_336 = tpu.vector_load %arg14[%get3A_334, %get3A_335] {strides = array<i32>} : memref<512x64xf32, #tpu.memory_space<vmem>>, vector<16xf32>,
      %mul3A_337 = arith.mulf %get3A_328, %get3A_336 : vector<16xf32>
      %add3A_338 = arith.addf %broadcast_in_dim3A_245, %mul3A_337 : vector<16xf32>
      %get3A_339 = arith.index_cast %add3A_325 : i32 to index
      %get3A_340 = arith.constant 16 : index
      %get3A_341 = tpu.vector_load %arg12[%get3A_339, %get3A_340] {strides = array<i32>} : memref<512x64xf32, #tpu.memory_space<vmem>>, vector<16xf32>,
      %get3A_342 = arith.index_cast %add3A_325 : i32 to index
      %get3A_343 = arith.constant 16 : index
      %get3A_344 = tpu.vector_load %arg13[%get3A_342, %get3A_343] {strides = array<i32>} : memref<512x64xf32, #tpu.memory_space<vmem>>, vector<16xf32>,
      %mul3A_345 = arith.mulf %get3A_341, %get3A_344 : vector<16xf32>
      %add3A_346 = arith.addf %add3A_333, %mul3A_345 : vector<16xf32>
      %get3A_347 = arith.index_cast %add3A_325 : i32 to index
      %get3A_348 = arith.constant 16 : index
      %get3A_349 = tpu.vector_load %arg14[%get3A_347, %get3A_348] {strides = array<i32>} : memref<512x64xf32, #tpu.memory_space<vmem>>, vector<16xf32>,
      %mul3A_350 = arith.mulf %get3A_341, %get3A_349 : vector<16xf32>
      %add3A_351 = arith.addf %add3A_338, %mul3A_350 : vector<16xf32>
      %get3A_352 = arith.index_cast %add3A_325 : i32 to index
      %get3A_353 = arith.constant 32 : index
      %get3A_354 = tpu.vector_load %arg12[%get3A_352, %get3A_353] {strides = array<i32>} : memref<512x64xf32, #tpu.memory_space<vmem>>, vector<16xf32>,
      %get3A_355 = arith.index_cast %add3A_325 : i32 to index
      %get3A_356 = arith.constant 32 : index
      %get3A_357 = tpu.vector_load %arg13[%get3A_355, %get3A_356] {strides = array<i32>} : memref<512x64xf32, #tpu.memory_space<vmem>>, vector<16xf32>,
      %mul3A_358 = arith.mulf %get3A_354, %get3A_357 : vector<16xf32>
      %add3A_359 = arith.addf %add3A_346, %mul3A_358 : vector<16xf32>
      %get3A_360 = arith.index_cast %add3A_325 : i32 to index
      %get3A_361 = arith.constant 32 : index
      %get3A_362 = tpu.vector_load %arg14[%get3A_360, %get3A_361] {strides = array<i32>} : memref<512x64xf32, #tpu.memory_space<vmem>>, vector<16xf32>,
      %mul3A_363 = arith.mulf %get3A_354, %get3A_362 : vector<16xf32>
      %add3A_364 = arith.addf %add3A_351, %mul3A_363 : vector<16xf32>
      %get3A_365 = arith.index_cast %add3A_325 : i32 to index
      %get3A_366 = arith.constant 48 : index
      %get3A_367 = tpu.vector_load %arg12[%get3A_365, %get3A_366] {strides = array<i32>} : memref<512x64xf32, #tpu.memory_space<vmem>>, vector<16xf32>,
      %get3A_368 = arith.index_cast %add3A_325 : i32 to index
      %get3A_369 = arith.constant 48 : index
      %get3A_370 = tpu.vector_load %arg13[%get3A_368, %get3A_369] {strides = array<i32>} : memref<512x64xf32, #tpu.memory_space<vmem>>, vector<16xf32>,
      %mul3A_371 = arith.mulf %get3A_367, %get3A_370 : vector<16xf32>
      %add3A_372 = arith.addf %add3A_359, %mul3A_371 : vector<16xf32>
      %get3A_373 = arith.index_cast %add3A_325 : i32 to index
      %get3A_374 = arith.constant 48 : index
      %get3A_375 = tpu.vector_load %arg14[%get3A_373, %get3A_374] {strides = array<i32>} : memref<512x64xf32, #tpu.memory_space<vmem>>, vector<16xf32>,
      %mul3A_376 = arith.mulf %get3A_367, %get3A_375 : vector<16xf32>
      %add3A_377 = arith.addf %add3A_364, %mul3A_376 : vector<16xf32>
      %broadcast_in_dim3A_378 = arith.constant true
      %broadcast_in_dim3A_379 = vector.broadcast %broadcast_in_dim3A_378 : i1 to vector<16xi1>
      %masked_cumsum3A_380 = tpu.scan <sum>, %add3A_372 masked %broadcast_in_dim3A_379 : vector<16xf32>, vector<16xi1> -> vector<16xf32>
      %swap3A_381 = arith.constant 1 : i32
      %swap3A_382 = arith.index_cast %swap3A_381 : i32 to index
      %swap3A_383 = arith.constant 0 : index
      %swap3A_384 = tpu.vector_load %arg16[%swap3A_382, %swap3A_383] {strides = array<i32>} : memref<16x17xf32, #tpu.memory_space<vmem>>, vector<16xf32>,
      tpu.vector_store %arg16[%swap3A_382, %swap3A_383], %masked_cumsum3A_380 {strides = array<i32>} : memref<16x17xf32, #tpu.memory_space<vmem>>, vector<16xf32>,
      %broadcast_in_dim3A_385 = arith.constant true
      %broadcast_in_dim3A_386 = vector.broadcast %broadcast_in_dim3A_385 : i1 to vector<16xi1>
      %masked_cumsum3A_387 = tpu.scan <sum>, %add3A_377 masked %broadcast_in_dim3A_386 : vector<16xf32>, vector<16xi1> -> vector<16xf32>
      %swap3A_388 = arith.constant 1 : i32
      %swap3A_389 = arith.index_cast %swap3A_388 : i32 to index
      %swap3A_390 = arith.constant 0 : index
      %swap3A_391 = tpu.vector_load %arg17[%swap3A_389, %swap3A_390] {strides = array<i32>} : memref<16x17xf32, #tpu.memory_space<vmem>>, vector<16xf32>,
      tpu.vector_store %arg17[%swap3A_389, %swap3A_390], %masked_cumsum3A_387 {strides = array<i32>} : memref<16x17xf32, #tpu.memory_space<vmem>>, vector<16xf32>,
      %add3A_392 = arith.constant 2 : i32
      %add3A_393 = arith.addi %multiple_of3A, %add3A_392 : i32
      %get3A_394 = arith.index_cast %add3A_393 : i32 to index
      %get3A_395 = arith.constant 0 : index
      %get3A_396 = tpu.vector_load %arg12[%get3A_394, %get3A_395] {strides = array<i32>} : memref<512x64xf32, #tpu.memory_space<vmem>>, vector<16xf32>,
      %get3A_397 = arith.index_cast %add3A_393 : i32 to index
      %get3A_398 = arith.constant 0 : index
      %get3A_399 = tpu.vector_load %arg13[%get3A_397, %get3A_398] {strides = array<i32>} : memref<512x64xf32, #tpu.memory_space<vmem>>, vector<16xf32>,
      %mul3A_400 = arith.mulf %get3A_396, %get3A_399 : vector<16xf32>
      %add3A_401 = arith.addf %broadcast_in_dim3A_245, %mul3A_400 : vector<16xf32>
      %get3A_402 = arith.index_cast %add3A_393 : i32 to index
      %get3A_403 = arith.constant 0 : index
      %get3A_404 = tpu.vector_load %arg14[%get3A_402, %get3A_403] {strides = array<i32>} : memref<512x64xf32, #tpu.memory_space<vmem>>, vector<16xf32>,
      %mul3A_405 = arith.mulf %get3A_396, %get3A_404 : vector<16xf32>
      %add3A_406 = arith.addf %broadcast_in_dim3A_245, %mul3A_405 : vector<16xf32>
      %get3A_407 = arith.index_cast %add3A_393 : i32 to index
      %get3A_408 = arith.constant 16 : index
      %get3A_409 = tpu.vector_load %arg12[%get3A_407, %get3A_408] {strides = array<i32>} : memref<512x64xf32, #tpu.memory_space<vmem>>, vector<16xf32>,
      %get3A_410 = arith.index_cast %add3A_393 : i32 to index
      %get3A_411 = arith.constant 16 : index
      %get3A_412 = tpu.vector_load %arg13[%get3A_410, %get3A_411] {strides = array<i32>} : memref<512x64xf32, #tpu.memory_space<vmem>>, vector<16xf32>,
      %mul3A_413 = arith.mulf %get3A_409, %get3A_412 : vector<16xf32>
      %add3A_414 = arith.addf %add3A_401, %mul3A_413 : vector<16xf32>
      %get3A_415 = arith.index_cast %add3A_393 : i32 to index
      %get3A_416 = arith.constant 16 : index
      %get3A_417 = tpu.vector_load %arg14[%get3A_415, %get3A_416] {strides = array<i32>} : memref<512x64xf32, #tpu.memory_space<vmem>>, vector<16xf32>,
      %mul3A_418 = arith.mulf %get3A_409, %get3A_417 : vector<16xf32>
      %add3A_419 = arith.addf %add3A_406, %mul3A_418 : vector<16xf32>
      %get3A_420 = arith.index_cast %add3A_393 : i32 to index
      %get3A_421 = arith.constant 32 : index
      %get3A_422 = tpu.vector_load %arg12[%get3A_420, %get3A_421] {strides = array<i32>} : memref<512x64xf32, #tpu.memory_space<vmem>>, vector<16xf32>,
      %get3A_423 = arith.index_cast %add3A_393 : i32 to index
      %get3A_424 = arith.constant 32 : index
      %get3A_425 = tpu.vector_load %arg13[%get3A_423, %get3A_424] {strides = array<i32>} : memref<512x64xf32, #tpu.memory_space<vmem>>, vector<16xf32>,
      %mul3A_426 = arith.mulf %get3A_422, %get3A_425 : vector<16xf32>
      %add3A_427 = arith.addf %add3A_414, %mul3A_426 : vector<16xf32>
      %get3A_428 = arith.index_cast %add3A_393 : i32 to index
      %get3A_429 = arith.constant 32 : index
      %get3A_430 = tpu.vector_load %arg14[%get3A_428, %get3A_429] {strides = array<i32>} : memref<512x64xf32, #tpu.memory_space<vmem>>, vector<16xf32>,
      %mul3A_431 = arith.mulf %get3A_422, %get3A_430 : vector<16xf32>
      %add3A_432 = arith.addf %add3A_419, %mul3A_431 : vector<16xf32>
      %get3A_433 = arith.index_cast %add3A_393 : i32 to index
      %get3A_434 = arith.constant 48 : index
      %get3A_435 = tpu.vector_load %arg12[%get3A_433, %get3A_434] {strides = array<i32>} : memref<512x64xf32, #tpu.memory_space<vmem>>, vector<16xf32>,
      %get3A_436 = arith.index_cast %add3A_393 : i32 to index
      %get3A_437 = arith.constant 48 : index
      %get3A_438 = tpu.vector_load %arg13[%get3A_436, %get3A_437] {strides = array<i32>} : memref<512x64xf32, #tpu.memory_space<vmem>>, vector<16xf32>,
      %mul3A_439 = arith.mulf %get3A_435, %get3A_438 : vector<16xf32>
      %add3A_440 = arith.addf %add3A_427, %mul3A_439 : vector<16xf32>
      %get3A_441 = arith.index_cast %add3A_393 : i32 to index
      %get3A_442 = arith.constant 48 : index
      %get3A_443 = tpu.vector_load %arg14[%get3A_441, %get3A_442] {strides = array<i32>} : memref<512x64xf32, #tpu.memory_space<vmem>>, vector<16xf32>,
      %mul3A_444 = arith.mulf %get3A_435, %get3A_443 : vector<16xf32>
      %add3A_445 = arith.addf %add3A_432, %mul3A_444 : vector<16xf32>
      %broadcast_in_dim3A_446 = arith.constant true
      %broadcast_in_dim3A_447 = vector.broadcast %broadcast_in_dim3A_446 : i1 to vector<16xi1>
      %masked_cumsum3A_448 = tpu.scan <sum>, %add3A_440 masked %broadcast_in_dim3A_447 : vector<16xf32>, vector<16xi1> -> vector<16xf32>
      %swap3A_449 = arith.constant 2 : i32
      %swap3A_450 = arith.index_cast %swap3A_449 : i32 to index
      %swap3A_451 = arith.constant 0 : index
      %swap3A_452 = tpu.vector_load %arg16[%swap3A_450, %swap3A_451] {strides = array<i32>} : memref<16x17xf32, #tpu.memory_space<vmem>>, vector<16xf32>,
      tpu.vector_store %arg16[%swap3A_450, %swap3A_451], %masked_cumsum3A_448 {strides = array<i32>} : memref<16x17xf32, #tpu.memory_space<vmem>>, vector<16xf32>,
      %broadcast_in_dim3A_453 = arith.constant true
      %broadcast_in_dim3A_454 = vector.broadcast %broadcast_in_dim3A_453 : i1 to vector<16xi1>
      %masked_cumsum3A_455 = tpu.scan <sum>, %add3A_445 masked %broadcast_in_dim3A_454 : vector<16xf32>, vector<16xi1> -> vector<16xf32>
      %swap3A_456 = arith.constant 2 : i32
      %swap3A_457 = arith.index_cast %swap3A_456 : i32 to index
      %swap3A_458 = arith.constant 0 : index
      %swap3A_459 = tpu.vector_load %arg17[%swap3A_457, %swap3A_458] {strides = array<i32>} : memref<16x17xf32, #tpu.memory_space<vmem>>, vector<16xf32>,
      tpu.vector_store %arg17[%swap3A_457, %swap3A_458], %masked_cumsum3A_455 {strides = array<i32>} : memref<16x17xf32, #tpu.memory_space<vmem>>, vector<16xf32>,
      %add3A_460 = arith.constant 3 : i32
      %add3A_461 = arith.addi %multiple_of3A, %add3A_460 : i32
      %get3A_462 = arith.index_cast %add3A_461 : i32 to index
      %get3A_463 = arith.constant 0 : index
      %get3A_464 = tpu.vector_load %arg12[%get3A_462, %get3A_463] {strides = array<i32>} : memref<512x64xf32, #tpu.memory_space<vmem>>, vector<16xf32>,
      %get3A_465 = arith.index_cast %add3A_461 : i32 to index
      %get3A_466 = arith.constant 0 : index
      %get3A_467 = tpu.vector_load %arg13[%get3A_465, %get3A_466] {strides = array<i32>} : memref<512x64xf32, #tpu.memory_space<vmem>>, vector<16xf32>,
      %mul3A_468 = arith.mulf %get3A_464, %get3A_467 : vector<16xf32>
      %add3A_469 = arith.addf %broadcast_in_dim3A_245, %mul3A_468 : vector<16xf32>
      %get3A_470 = arith.index_cast %add3A_461 : i32 to index
      %get3A_471 = arith.constant 0 : index
      %get3A_472 = tpu.vector_load %arg14[%get3A_470, %get3A_471] {strides = array<i32>} : memref<512x64xf32, #tpu.memory_space<vmem>>, vector<16xf32>,
      %mul3A_473 = arith.mulf %get3A_464, %get3A_472 : vector<16xf32>
      %add3A_474 = arith.addf %broadcast_in_dim3A_245, %mul3A_473 : vector<16xf32>
      %get3A_475 = arith.index_cast %add3A_461 : i32 to index
      %get3A_476 = arith.constant 16 : index
      %get3A_477 = tpu.vector_load %arg12[%get3A_475, %get3A_476] {strides = array<i32>} : memref<512x64xf32, #tpu.memory_space<vmem>>, vector<16xf32>,
      %get3A_478 = arith.index_cast %add3A_461 : i32 to index
      %get3A_479 = arith.constant 16 : index
      %get3A_480 = tpu.vector_load %arg13[%get3A_478, %get3A_479] {strides = array<i32>} : memref<512x64xf32, #tpu.memory_space<vmem>>, vector<16xf32>,
      %mul3A_481 = arith.mulf %get3A_477, %get3A_480 : vector<16xf32>
      %add3A_482 = arith.addf %add3A_469, %mul3A_481 : vector<16xf32>
      %get3A_483 = arith.index_cast %add3A_461 : i32 to index
      %get3A_484 = arith.constant 16 : index
      %get3A_485 = tpu.vector_load %arg14[%get3A_483, %get3A_484] {strides = array<i32>} : memref<512x64xf32, #tpu.memory_space<vmem>>, vector<16xf32>,
      %mul3A_486 = arith.mulf %get3A_477, %get3A_485 : vector<16xf32>
      %add3A_487 = arith.addf %add3A_474, %mul3A_486 : vector<16xf32>
      %get3A_488 = arith.index_cast %add3A_461 : i32 to index
      %get3A_489 = arith.constant 32 : index
      %get3A_490 = tpu.vector_load %arg12[%get3A_488, %get3A_489] {strides = array<i32>} : memref<512x64xf32, #tpu.memory_space<vmem>>, vector<16xf32>,
      %get3A_491 = arith.index_cast %add3A_461 : i32 to index
      %get3A_492 = arith.constant 32 : index
      %get3A_493 = tpu.vector_load %arg13[%get3A_491, %get3A_492] {strides = array<i32>} : memref<512x64xf32, #tpu.memory_space<vmem>>, vector<16xf32>,
      %mul3A_494 = arith.mulf %get3A_490, %get3A_493 : vector<16xf32>
      %add3A_495 = arith.addf %add3A_482, %mul3A_494 : vector<16xf32>
      %get3A_496 = arith.index_cast %add3A_461 : i32 to index
      %get3A_497 = arith.constant 32 : index
      %get3A_498 = tpu.vector_load %arg14[%get3A_496, %get3A_497] {strides = array<i32>} : memref<512x64xf32, #tpu.memory_space<vmem>>, vector<16xf32>,
      %mul3A_499 = arith.mulf %get3A_490, %get3A_498 : vector<16xf32>
      %add3A_500 = arith.addf %add3A_487, %mul3A_499 : vector<16xf32>
      %get3A_501 = arith.index_cast %add3A_461 : i32 to index
      %get3A_502 = arith.constant 48 : index
      %get3A_503 = tpu.vector_load %arg12[%get3A_501, %get3A_502] {strides = array<i32>} : memref<512x64xf32, #tpu.memory_space<vmem>>, vector<16xf32>,
      %get3A_504 = arith.index_cast %add3A_461 : i32 to index
      %get3A_505 = arith.constant 48 : index
      %get3A_506 = tpu.vector_load %arg13[%get3A_504, %get3A_505] {strides = array<i32>} : memref<512x64xf32, #tpu.memory_space<vmem>>, vector<16xf32>,
      %mul3A_507 = arith.mulf %get3A_503, %get3A_506 : vector<16xf32>
      %add3A_508 = arith.addf %add3A_495, %mul3A_507 : vector<16xf32>
      %get3A_509 = arith.index_cast %add3A_461 : i32 to index
      %get3A_510 = arith.constant 48 : index
      %get3A_511 = tpu.vector_load %arg14[%get3A_509, %get3A_510] {strides = array<i32>} : memref<512x64xf32, #tpu.memory_space<vmem>>, vector<16xf32>,
      %mul3A_512 = arith.mulf %get3A_503, %get3A_511 : vector<16xf32>
      %add3A_513 = arith.addf %add3A_500, %mul3A_512 : vector<16xf32>
      %broadcast_in_dim3A_514 = arith.constant true
      %broadcast_in_dim3A_515 = vector.broadcast %broadcast_in_dim3A_514 : i1 to vector<16xi1>
      %masked_cumsum3A_516 = tpu.scan <sum>, %add3A_508 masked %broadcast_in_dim3A_515 : vector<16xf32>, vector<16xi1> -> vector<16xf32>
      %swap3A_517 = arith.constant 3 : i32
      %swap3A_518 = arith.index_cast %swap3A_517 : i32 to index
      %swap3A_519 = arith.constant 0 : index
      %swap3A_520 = tpu.vector_load %arg16[%swap3A_518, %swap3A_519] {strides = array<i32>} : memref<16x17xf32, #tpu.memory_space<vmem>>, vector<16xf32>,
      tpu.vector_store %arg16[%swap3A_518, %swap3A_519], %masked_cumsum3A_516 {strides = array<i32>} : memref<16x17xf32, #tpu.memory_space<vmem>>, vector<16xf32>,
      %broadcast_in_dim3A_521 = arith.constant true
      %broadcast_in_dim3A_522 = vector.broadcast %broadcast_in_dim3A_521 : i1 to vector<16xi1>
      %masked_cumsum3A_523 = tpu.scan <sum>, %add3A_513 masked %broadcast_in_dim3A_522 : vector<16xf32>, vector<16xi1> -> vector<16xf32>
      %swap3A_524 = arith.constant 3 : i32
      %swap3A_525 = arith.index_cast %swap3A_524 : i32 to index
      %swap3A_526 = arith.constant 0 : index
      %swap3A_527 = tpu.vector_load %arg17[%swap3A_525, %swap3A_526] {strides = array<i32>} : memref<16x17xf32, #tpu.memory_space<vmem>>, vector<16xf32>,
      tpu.vector_store %arg17[%swap3A_525, %swap3A_526], %masked_cumsum3A_523 {strides = array<i32>} : memref<16x17xf32, #tpu.memory_space<vmem>>, vector<16xf32>,
      %add3A_528 = arith.constant 4 : i32
      %add3A_529 = arith.addi %multiple_of3A, %add3A_528 : i32
      %get3A_530 = arith.index_cast %add3A_529 : i32 to index
      %get3A_531 = arith.constant 0 : index
      %get3A_532 = tpu.vector_load %arg12[%get3A_530, %get3A_531] {strides = array<i32>} : memref<512x64xf32, #tpu.memory_space<vmem>>, vector<16xf32>,
      %get3A_533 = arith.index_cast %add3A_529 : i32 to index
      %get3A_534 = arith.constant 0 : index
      %get3A_535 = tpu.vector_load %arg13[%get3A_533, %get3A_534] {strides = array<i32>} : memref<512x64xf32, #tpu.memory_space<vmem>>, vector<16xf32>,
      %mul3A_536 = arith.mulf %get3A_532, %get3A_535 : vector<16xf32>
      %add3A_537 = arith.addf %broadcast_in_dim3A_245, %mul3A_536 : vector<16xf32>
      %get3A_538 = arith.index_cast %add3A_529 : i32 to index
      %get3A_539 = arith.constant 0 : index
      %get3A_540 = tpu.vector_load %arg14[%get3A_538, %get3A_539] {strides = array<i32>} : memref<512x64xf32, #tpu.memory_space<vmem>>, vector<16xf32>,
      %mul3A_541 = arith.mulf %get3A_532, %get3A_540 : vector<16xf32>
      %add3A_542 = arith.addf %broadcast_in_dim3A_245, %mul3A_541 : vector<16xf32>
      %get3A_543 = arith.index_cast %add3A_529 : i32 to index
      %get3A_544 = arith.constant 16 : index
      %get3A_545 = tpu.vector_load %arg12[%get3A_543, %get3A_544] {strides = array<i32>} : memref<512x64xf32, #tpu.memory_space<vmem>>, vector<16xf32>,
      %get3A_546 = arith.index_cast %add3A_529 : i32 to index
      %get3A_547 = arith.constant 16 : index
      %get3A_548 = tpu.vector_load %arg13[%get3A_546, %get3A_547] {strides = array<i32>} : memref<512x64xf32, #tpu.memory_space<vmem>>, vector<16xf32>,
      %mul3A_549 = arith.mulf %get3A_545, %get3A_548 : vector<16xf32>
      %add3A_550 = arith.addf %add3A_537, %mul3A_549 : vector<16xf32>
      %get3A_551 = arith.index_cast %add3A_529 : i32 to index
      %get3A_552 = arith.constant 16 : index
      %get3A_553 = tpu.vector_load %arg14[%get3A_551, %get3A_552] {strides = array<i32>} : memref<512x64xf32, #tpu.memory_space<vmem>>, vector<16xf32>,
      %mul3A_554 = arith.mulf %get3A_545, %get3A_553 : vector<16xf32>
      %add3A_555 = arith.addf %add3A_542, %mul3A_554 : vector<16xf32>
      %get3A_556 = arith.index_cast %add3A_529 : i32 to index
      %get3A_557 = arith.constant 32 : index
      %get3A_558 = tpu.vector_load %arg12[%get3A_556, %get3A_557] {strides = array<i32>} : memref<512x64xf32, #tpu.memory_space<vmem>>, vector<16xf32>,
      %get3A_559 = arith.index_cast %add3A_529 : i32 to index
      %get3A_560 = arith.constant 32 : index
      %get3A_561 = tpu.vector_load %arg13[%get3A_559, %get3A_560] {strides = array<i32>} : memref<512x64xf32, #tpu.memory_space<vmem>>, vector<16xf32>,
      %mul3A_562 = arith.mulf %get3A_558, %get3A_561 : vector<16xf32>
      %add3A_563 = arith.addf %add3A_550, %mul3A_562 : vector<16xf32>
      %get3A_564 = arith.index_cast %add3A_529 : i32 to index
      %get3A_565 = arith.constant 32 : index
      %get3A_566 = tpu.vector_load %arg14[%get3A_564, %get3A_565] {strides = array<i32>} : memref<512x64xf32, #tpu.memory_space<vmem>>, vector<16xf32>,
      %mul3A_567 = arith.mulf %get3A_558, %get3A_566 : vector<16xf32>
      %add3A_568 = arith.addf %add3A_555, %mul3A_567 : vector<16xf32>
      %get3A_569 = arith.index_cast %add3A_529 : i32 to index
      %get3A_570 = arith.constant 48 : index
      %get3A_571 = tpu.vector_load %arg12[%get3A_569, %get3A_570] {strides = array<i32>} : memref<512x64xf32, #tpu.memory_space<vmem>>, vector<16xf32>,
      %get3A_572 = arith.index_cast %add3A_529 : i32 to index
      %get3A_573 = arith.constant 48 : index
      %get3A_574 = tpu.vector_load %arg13[%get3A_572, %get3A_573] {strides = array<i32>} : memref<512x64xf32, #tpu.memory_space<vmem>>, vector<16xf32>,
      %mul3A_575 = arith.mulf %get3A_571, %get3A_574 : vector<16xf32>
      %add3A_576 = arith.addf %add3A_563, %mul3A_575 : vector<16xf32>
      %get3A_577 = arith.index_cast %add3A_529 : i32 to index
      %get3A_578 = arith.constant 48 : index
      %get3A_579 = tpu.vector_load %arg14[%get3A_577, %get3A_578] {strides = array<i32>} : memref<512x64xf32, #tpu.memory_space<vmem>>, vector<16xf32>,
      %mul3A_580 = arith.mulf %get3A_571, %get3A_579 : vector<16xf32>
      %add3A_581 = arith.addf %add3A_568, %mul3A_580 : vector<16xf32>
      %broadcast_in_dim3A_582 = arith.constant true
      %broadcast_in_dim3A_583 = vector.broadcast %broadcast_in_dim3A_582 : i1 to vector<16xi1>
      %masked_cumsum3A_584 = tpu.scan <sum>, %add3A_576 masked %broadcast_in_dim3A_583 : vector<16xf32>, vector<16xi1> -> vector<16xf32>
      %swap3A_585 = arith.constant 4 : i32
      %swap3A_586 = arith.index_cast %swap3A_585 : i32 to index
      %swap3A_587 = arith.constant 0 : index
      %swap3A_588 = tpu.vector_load %arg16[%swap3A_586, %swap3A_587] {strides = array<i32>} : memref<16x17xf32, #tpu.memory_space<vmem>>, vector<16xf32>,
      tpu.vector_store %arg16[%swap3A_586, %swap3A_587], %masked_cumsum3A_584 {strides = array<i32>} : memref<16x17xf32, #tpu.memory_space<vmem>>, vector<16xf32>,
      %broadcast_in_dim3A_589 = arith.constant true
      %broadcast_in_dim3A_590 = vector.broadcast %broadcast_in_dim3A_589 : i1 to vector<16xi1>
      %masked_cumsum3A_591 = tpu.scan <sum>, %add3A_581 masked %broadcast_in_dim3A_590 : vector<16xf32>, vector<16xi1> -> vector<16xf32>
      %swap3A_592 = arith.constant 4 : i32
      %swap3A_593 = arith.index_cast %swap3A_592 : i32 to index
      %swap3A_594 = arith.constant 0 : index
      %swap3A_595 = tpu.vector_load %arg17[%swap3A_593, %swap3A_594] {strides = array<i32>} : memref<16x17xf32, #tpu.memory_space<vmem>>, vector<16xf32>,
      tpu.vector_store %arg17[%swap3A_593, %swap3A_594], %masked_cumsum3A_591 {strides = array<i32>} : memref<16x17xf32, #tpu.memory_space<vmem>>, vector<16xf32>,
      %add3A_596 = arith.constant 5 : i32
      %add3A_597 = arith.addi %multiple_of3A, %add3A_596 : i32
      %get3A_598 = arith.index_cast %add3A_597 : i32 to index
      %get3A_599 = arith.constant 0 : index
      %get3A_600 = tpu.vector_load %arg12[%get3A_598, %get3A_599] {strides = array<i32>} : memref<512x64xf32, #tpu.memory_space<vmem>>, vector<16xf32>,
      %get3A_601 = arith.index_cast %add3A_597 : i32 to index
      %get3A_602 = arith.constant 0 : index
      %get3A_603 = tpu.vector_load %arg13[%get3A_601, %get3A_602] {strides = array<i32>} : memref<512x64xf32, #tpu.memory_space<vmem>>, vector<16xf32>,
      %mul3A_604 = arith.mulf %get3A_600, %get3A_603 : vector<16xf32>
      %add3A_605 = arith.addf %broadcast_in_dim3A_245, %mul3A_604 : vector<16xf32>
      %get3A_606 = arith.index_cast %add3A_597 : i32 to index
      %get3A_607 = arith.constant 0 : index
      %get3A_608 = tpu.vector_load %arg14[%get3A_606, %get3A_607] {strides = array<i32>} : memref<512x64xf32, #tpu.memory_space<vmem>>, vector<16xf32>,
      %mul3A_609 = arith.mulf %get3A_600, %get3A_608 : vector<16xf32>
      %add3A_610 = arith.addf %broadcast_in_dim3A_245, %mul3A_609 : vector<16xf32>
      %get3A_611 = arith.index_cast %add3A_597 : i32 to index
      %get3A_612 = arith.constant 16 : index
      %get3A_613 = tpu.vector_load %arg12[%get3A_611, %get3A_612] {strides = array<i32>} : memref<512x64xf32, #tpu.memory_space<vmem>>, vector<16xf32>,
      %get3A_614 = arith.index_cast %add3A_597 : i32 to index
      %get3A_615 = arith.constant 16 : index
      %get3A_616 = tpu.vector_load %arg13[%get3A_614, %get3A_615] {strides = array<i32>} : memref<512x64xf32, #tpu.memory_space<vmem>>, vector<16xf32>,
      %mul3A_617 = arith.mulf %get3A_613, %get3A_616 : vector<16xf32>
      %add3A_618 = arith.addf %add3A_605, %mul3A_617 : vector<16xf32>
      %get3A_619 = arith.index_cast %add3A_597 : i32 to index
      %get3A_620 = arith.constant 16 : index
      %get3A_621 = tpu.vector_load %arg14[%get3A_619, %get3A_620] {strides = array<i32>} : memref<512x64xf32, #tpu.memory_space<vmem>>, vector<16xf32>,
      %mul3A_622 = arith.mulf %get3A_613, %get3A_621 : vector<16xf32>
      %add3A_623 = arith.addf %add3A_610, %mul3A_622 : vector<16xf32>
      %get3A_624 = arith.index_cast %add3A_597 : i32 to index
      %get3A_625 = arith.constant 32 : index
      %get3A_626 = tpu.vector_load %arg12[%get3A_624, %get3A_625] {strides = array<i32>} : memref<512x64xf32, #tpu.memory_space<vmem>>, vector<16xf32>,
      %get3A_627 = arith.index_cast %add3A_597 : i32 to index
      %get3A_628 = arith.constant 32 : index
      %get3A_629 = tpu.vector_load %arg13[%get3A_627, %get3A_628] {strides = array<i32>} : memref<512x64xf32, #tpu.memory_space<vmem>>, vector<16xf32>,
      %mul3A_630 = arith.mulf %get3A_626, %get3A_629 : vector<16xf32>
      %add3A_631 = arith.addf %add3A_618, %mul3A_630 : vector<16xf32>
      %get3A_632 = arith.index_cast %add3A_597 : i32 to index
      %get3A_633 = arith.constant 32 : index
      %get3A_634 = tpu.vector_load %arg14[%get3A_632, %get3A_633] {strides = array<i32>} : memref<512x64xf32, #tpu.memory_space<vmem>>, vector<16xf32>,
      %mul3A_635 = arith.mulf %get3A_626, %get3A_634 : vector<16xf32>
      %add3A_636 = arith.addf %add3A_623, %mul3A_635 : vector<16xf32>
      %get3A_637 = arith.index_cast %add3A_597 : i32 to index
      %get3A_638 = arith.constant 48 : index
      %get3A_639 = tpu.vector_load %arg12[%get3A_637, %get3A_638] {strides = array<i32>} : memref<512x64xf32, #tpu.memory_space<vmem>>, vector<16xf32>,
      %get3A_640 = arith.index_cast %add3A_597 : i32 to index
      %get3A_641 = arith.constant 48 : index
      %get3A_642 = tpu.vector_load %arg13[%get3A_640, %get3A_641] {strides = array<i32>} : memref<512x64xf32, #tpu.memory_space<vmem>>, vector<16xf32>,
      %mul3A_643 = arith.mulf %get3A_639, %get3A_642 : vector<16xf32>
      %add3A_644 = arith.addf %add3A_631, %mul3A_643 : vector<16xf32>
      %get3A_645 = arith.index_cast %add3A_597 : i32 to index
      %get3A_646 = arith.constant 48 : index
      %get3A_647 = tpu.vector_load %arg14[%get3A_645, %get3A_646] {strides = array<i32>} : memref<512x64xf32, #tpu.memory_space<vmem>>, vector<16xf32>,
      %mul3A_648 = arith.mulf %get3A_639, %get3A_647 : vector<16xf32>
      %add3A_649 = arith.addf %add3A_636, %mul3A_648 : vector<16xf32>
      %broadcast_in_dim3A_650 = arith.constant true
      %broadcast_in_dim3A_651 = vector.broadcast %broadcast_in_dim3A_650 : i1 to vector<16xi1>
      %masked_cumsum3A_652 = tpu.scan <sum>, %add3A_644 masked %broadcast_in_dim3A_651 : vector<16xf32>, vector<16xi1> -> vector<16xf32>
      %swap3A_653 = arith.constant 5 : i32
      %swap3A_654 = arith.index_cast %swap3A_653 : i32 to index
      %swap3A_655 = arith.constant 0 : index
      %swap3A_656 = tpu.vector_load %arg16[%swap3A_654, %swap3A_655] {strides = array<i32>} : memref<16x17xf32, #tpu.memory_space<vmem>>, vector<16xf32>,
      tpu.vector_store %arg16[%swap3A_654, %swap3A_655], %masked_cumsum3A_652 {strides = array<i32>} : memref<16x17xf32, #tpu.memory_space<vmem>>, vector<16xf32>,
      %broadcast_in_dim3A_657 = arith.constant true
      %broadcast_in_dim3A_658 = vector.broadcast %broadcast_in_dim3A_657 : i1 to vector<16xi1>
      %masked_cumsum3A_659 = tpu.scan <sum>, %add3A_649 masked %broadcast_in_dim3A_658 : vector<16xf32>, vector<16xi1> -> vector<16xf32>
      %swap3A_660 = arith.constant 5 : i32
      %swap3A_661 = arith.index_cast %swap3A_660 : i32 to index
      %swap3A_662 = arith.constant 0 : index
      %swap3A_663 = tpu.vector_load %arg17[%swap3A_661, %swap3A_662] {strides = array<i32>} : memref<16x17xf32, #tpu.memory_space<vmem>>, vector<16xf32>,
      tpu.vector_store %arg17[%swap3A_661, %swap3A_662], %masked_cumsum3A_659 {strides = array<i32>} : memref<16x17xf32, #tpu.memory_space<vmem>>, vector<16xf32>,
      %add3A_664 = arith.constant 6 : i32
      %add3A_665 = arith.addi %multiple_of3A, %add3A_664 : i32
      %get3A_666 = arith.index_cast %add3A_665 : i32 to index
      %get3A_667 = arith.constant 0 : index
      %get3A_668 = tpu.vector_load %arg12[%get3A_666, %get3A_667] {strides = array<i32>} : memref<512x64xf32, #tpu.memory_space<vmem>>, vector<16xf32>,
      %get3A_669 = arith.index_cast %add3A_665 : i32 to index
      %get3A_670 = arith.constant 0 : index
      %get3A_671 = tpu.vector_load %arg13[%get3A_669, %get3A_670] {strides = array<i32>} : memref<512x64xf32, #tpu.memory_space<vmem>>, vector<16xf32>,
      %mul3A_672 = arith.mulf %get3A_668, %get3A_671 : vector<16xf32>
      %add3A_673 = arith.addf %broadcast_in_dim3A_245, %mul3A_672 : vector<16xf32>
      %get3A_674 = arith.index_cast %add3A_665 : i32 to index
      %get3A_675 = arith.constant 0 : index
      %get3A_676 = tpu.vector_load %arg14[%get3A_674, %get3A_675] {strides = array<i32>} : memref<512x64xf32, #tpu.memory_space<vmem>>, vector<16xf32>,
      %mul3A_677 = arith.mulf %get3A_668, %get3A_676 : vector<16xf32>
      %add3A_678 = arith.addf %broadcast_in_dim3A_245, %mul3A_677 : vector<16xf32>
      %get3A_679 = arith.index_cast %add3A_665 : i32 to index
      %get3A_680 = arith.constant 16 : index
      %get3A_681 = tpu.vector_load %arg12[%get3A_679, %get3A_680] {strides = array<i32>} : memref<512x64xf32, #tpu.memory_space<vmem>>, vector<16xf32>,
      %get3A_682 = arith.index_cast %add3A_665 : i32 to index
      %get3A_683 = arith.constant 16 : index
      %get3A_684 = tpu.vector_load %arg13[%get3A_682, %get3A_683] {strides = array<i32>} : memref<512x64xf32, #tpu.memory_space<vmem>>, vector<16xf32>,
      %mul3A_685 = arith.mulf %get3A_681, %get3A_684 : vector<16xf32>
      %add3A_686 = arith.addf %add3A_673, %mul3A_685 : vector<16xf32>
      %get3A_687 = arith.index_cast %add3A_665 : i32 to index
      %get3A_688 = arith.constant 16 : index
      %get3A_689 = tpu.vector_load %arg14[%get3A_687, %get3A_688] {strides = array<i32>} : memref<512x64xf32, #tpu.memory_space<vmem>>, vector<16xf32>,
      %mul3A_690 = arith.mulf %get3A_681, %get3A_689 : vector<16xf32>
      %add3A_691 = arith.addf %add3A_678, %mul3A_690 : vector<16xf32>
      %get3A_692 = arith.index_cast %add3A_665 : i32 to index
      %get3A_693 = arith.constant 32 : index
      %get3A_694 = tpu.vector_load %arg12[%get3A_692, %get3A_693] {strides = array<i32>} : memref<512x64xf32, #tpu.memory_space<vmem>>, vector<16xf32>,
      %get3A_695 = arith.index_cast %add3A_665 : i32 to index
      %get3A_696 = arith.constant 32 : index
      %get3A_697 = tpu.vector_load %arg13[%get3A_695, %get3A_696] {strides = array<i32>} : memref<512x64xf32, #tpu.memory_space<vmem>>, vector<16xf32>,
      %mul3A_698 = arith.mulf %get3A_694, %get3A_697 : vector<16xf32>
      %add3A_699 = arith.addf %add3A_686, %mul3A_698 : vector<16xf32>
      %get3A_700 = arith.index_cast %add3A_665 : i32 to index
      %get3A_701 = arith.constant 32 : index
      %get3A_702 = tpu.vector_load %arg14[%get3A_700, %get3A_701] {strides = array<i32>} : memref<512x64xf32, #tpu.memory_space<vmem>>, vector<16xf32>,
      %mul3A_703 = arith.mulf %get3A_694, %get3A_702 : vector<16xf32>
      %add3A_704 = arith.addf %add3A_691, %mul3A_703 : vector<16xf32>
      %get3A_705 = arith.index_cast %add3A_665 : i32 to index
      %get3A_706 = arith.constant 48 : index
      %get3A_707 = tpu.vector_load %arg12[%get3A_705, %get3A_706] {strides = array<i32>} : memref<512x64xf32, #tpu.memory_space<vmem>>, vector<16xf32>,
      %get3A_708 = arith.index_cast %add3A_665 : i32 to index
      %get3A_709 = arith.constant 48 : index
      %get3A_710 = tpu.vector_load %arg13[%get3A_708, %get3A_709] {strides = array<i32>} : memref<512x64xf32, #tpu.memory_space<vmem>>, vector<16xf32>,
      %mul3A_711 = arith.mulf %get3A_707, %get3A_710 : vector<16xf32>
      %add3A_712 = arith.addf %add3A_699, %mul3A_711 : vector<16xf32>
      %get3A_713 = arith.index_cast %add3A_665 : i32 to index
      %get3A_714 = arith.constant 48 : index
      %get3A_715 = tpu.vector_load %arg14[%get3A_713, %get3A_714] {strides = array<i32>} : memref<512x64xf32, #tpu.memory_space<vmem>>, vector<16xf32>,
      %mul3A_716 = arith.mulf %get3A_707, %get3A_715 : vector<16xf32>
      %add3A_717 = arith.addf %add3A_704, %mul3A_716 : vector<16xf32>
      %broadcast_in_dim3A_718 = arith.constant true
      %broadcast_in_dim3A_719 = vector.broadcast %broadcast_in_dim3A_718 : i1 to vector<16xi1>
      %masked_cumsum3A_720 = tpu.scan <sum>, %add3A_712 masked %broadcast_in_dim3A_719 : vector<16xf32>, vector<16xi1> -> vector<16xf32>
      %swap3A_721 = arith.constant 6 : i32
      %swap3A_722 = arith.index_cast %swap3A_721 : i32 to index
      %swap3A_723 = arith.constant 0 : index
      %swap3A_724 = tpu.vector_load %arg16[%swap3A_722, %swap3A_723] {strides = array<i32>} : memref<16x17xf32, #tpu.memory_space<vmem>>, vector<16xf32>,
      tpu.vector_store %arg16[%swap3A_722, %swap3A_723], %masked_cumsum3A_720 {strides = array<i32>} : memref<16x17xf32, #tpu.memory_space<vmem>>, vector<16xf32>,
      %broadcast_in_dim3A_725 = arith.constant true
      %broadcast_in_dim3A_726 = vector.broadcast %broadcast_in_dim3A_725 : i1 to vector<16xi1>
      %masked_cumsum3A_727 = tpu.scan <sum>, %add3A_717 masked %broadcast_in_dim3A_726 : vector<16xf32>, vector<16xi1> -> vector<16xf32>
      %swap3A_728 = arith.constant 6 : i32
      %swap3A_729 = arith.index_cast %swap3A_728 : i32 to index
      %swap3A_730 = arith.constant 0 : index
      %swap3A_731 = tpu.vector_load %arg17[%swap3A_729, %swap3A_730] {strides = array<i32>} : memref<16x17xf32, #tpu.memory_space<vmem>>, vector<16xf32>,
      tpu.vector_store %arg17[%swap3A_729, %swap3A_730], %masked_cumsum3A_727 {strides = array<i32>} : memref<16x17xf32, #tpu.memory_space<vmem>>, vector<16xf32>,
      %add3A_732 = arith.constant 7 : i32
      %add3A_733 = arith.addi %multiple_of3A, %add3A_732 : i32
      %get3A_734 = arith.index_cast %add3A_733 : i32 to index
      %get3A_735 = arith.constant 0 : index
      %get3A_736 = tpu.vector_load %arg12[%get3A_734, %get3A_735] {strides = array<i32>} : memref<512x64xf32, #tpu.memory_space<vmem>>, vector<16xf32>,
      %get3A_737 = arith.index_cast %add3A_733 : i32 to index
      %get3A_738 = arith.constant 0 : index
      %get3A_739 = tpu.vector_load %arg13[%get3A_737, %get3A_738] {strides = array<i32>} : memref<512x64xf32, #tpu.memory_space<vmem>>, vector<16xf32>,
      %mul3A_740 = arith.mulf %get3A_736, %get3A_739 : vector<16xf32>
      %add3A_741 = arith.addf %broadcast_in_dim3A_245, %mul3A_740 : vector<16xf32>
      %get3A_742 = arith.index_cast %add3A_733 : i32 to index
      %get3A_743 = arith.constant 0 : index
      %get3A_744 = tpu.vector_load %arg14[%get3A_742, %get3A_743] {strides = array<i32>} : memref<512x64xf32, #tpu.memory_space<vmem>>, vector<16xf32>,
      %mul3A_745 = arith.mulf %get3A_736, %get3A_744 : vector<16xf32>
      %add3A_746 = arith.addf %broadcast_in_dim3A_245, %mul3A_745 : vector<16xf32>
      %get3A_747 = arith.index_cast %add3A_733 : i32 to index
      %get3A_748 = arith.constant 16 : index
      %get3A_749 = tpu.vector_load %arg12[%get3A_747, %get3A_748] {strides = array<i32>} : memref<512x64xf32, #tpu.memory_space<vmem>>, vector<16xf32>,
      %get3A_750 = arith.index_cast %add3A_733 : i32 to index
      %get3A_751 = arith.constant 16 : index
      %get3A_752 = tpu.vector_load %arg13[%get3A_750, %get3A_751] {strides = array<i32>} : memref<512x64xf32, #tpu.memory_space<vmem>>, vector<16xf32>,
      %mul3A_753 = arith.mulf %get3A_749, %get3A_752 : vector<16xf32>
      %add3A_754 = arith.addf %add3A_741, %mul3A_753 : vector<16xf32>
      %get3A_755 = arith.index_cast %add3A_733 : i32 to index
      %get3A_756 = arith.constant 16 : index
      %get3A_757 = tpu.vector_load %arg14[%get3A_755, %get3A_756] {strides = array<i32>} : memref<512x64xf32, #tpu.memory_space<vmem>>, vector<16xf32>,
      %mul3A_758 = arith.mulf %get3A_749, %get3A_757 : vector<16xf32>
      %add3A_759 = arith.addf %add3A_746, %mul3A_758 : vector<16xf32>
      %get3A_760 = arith.index_cast %add3A_733 : i32 to index
      %get3A_761 = arith.constant 32 : index
      %get3A_762 = tpu.vector_load %arg12[%get3A_760, %get3A_761] {strides = array<i32>} : memref<512x64xf32, #tpu.memory_space<vmem>>, vector<16xf32>,
      %get3A_763 = arith.index_cast %add3A_733 : i32 to index
      %get3A_764 = arith.constant 32 : index
      %get3A_765 = tpu.vector_load %arg13[%get3A_763, %get3A_764] {strides = array<i32>} : memref<512x64xf32, #tpu.memory_space<vmem>>, vector<16xf32>,
      %mul3A_766 = arith.mulf %get3A_762, %get3A_765 : vector<16xf32>
      %add3A_767 = arith.addf %add3A_754, %mul3A_766 : vector<16xf32>
      %get3A_768 = arith.index_cast %add3A_733 : i32 to index
      %get3A_769 = arith.constant 32 : index
      %get3A_770 = tpu.vector_load %arg14[%get3A_768, %get3A_769] {strides = array<i32>} : memref<512x64xf32, #tpu.memory_space<vmem>>, vector<16xf32>,
      %mul3A_771 = arith.mulf %get3A_762, %get3A_770 : vector<16xf32>
      %add3A_772 = arith.addf %add3A_759, %mul3A_771 : vector<16xf32>
      %get3A_773 = arith.index_cast %add3A_733 : i32 to index
      %get3A_774 = arith.constant 48 : index
      %get3A_775 = tpu.vector_load %arg12[%get3A_773, %get3A_774] {strides = array<i32>} : memref<512x64xf32, #tpu.memory_space<vmem>>, vector<16xf32>,
      %get3A_776 = arith.index_cast %add3A_733 : i32 to index
      %get3A_777 = arith.constant 48 : index
      %get3A_778 = tpu.vector_load %arg13[%get3A_776, %get3A_777] {strides = array<i32>} : memref<512x64xf32, #tpu.memory_space<vmem>>, vector<16xf32>,
      %mul3A_779 = arith.mulf %get3A_775, %get3A_778 : vector<16xf32>
      %add3A_780 = arith.addf %add3A_767, %mul3A_779 : vector<16xf32>
      %get3A_781 = arith.index_cast %add3A_733 : i32 to index
      %get3A_782 = arith.constant 48 : index
      %get3A_783 = tpu.vector_load %arg14[%get3A_781, %get3A_782] {strides = array<i32>} : memref<512x64xf32, #tpu.memory_space<vmem>>, vector<16xf32>,
      %mul3A_784 = arith.mulf %get3A_775, %get3A_783 : vector<16xf32>
      %add3A_785 = arith.addf %add3A_772, %mul3A_784 : vector<16xf32>
      %broadcast_in_dim3A_786 = arith.constant true
      %broadcast_in_dim3A_787 = vector.broadcast %broadcast_in_dim3A_786 : i1 to vector<16xi1>
      %masked_cumsum3A_788 = tpu.scan <sum>, %add3A_780 masked %broadcast_in_dim3A_787 : vector<16xf32>, vector<16xi1> -> vector<16xf32>
      %swap3A_789 = arith.constant 7 : i32
      %swap3A_790 = arith.index_cast %swap3A_789 : i32 to index
      %swap3A_791 = arith.constant 0 : index
      %swap3A_792 = tpu.vector_load %arg16[%swap3A_790, %swap3A_791] {strides = array<i32>} : memref<16x17xf32, #tpu.memory_space<vmem>>, vector<16xf32>,
      tpu.vector_store %arg16[%swap3A_790, %swap3A_791], %masked_cumsum3A_788 {strides = array<i32>} : memref<16x17xf32, #tpu.memory_space<vmem>>, vector<16xf32>,
      %broadcast_in_dim3A_793 = arith.constant true
      %broadcast_in_dim3A_794 = vector.broadcast %broadcast_in_dim3A_793 : i1 to vector<16xi1>
      %masked_cumsum3A_795 = tpu.scan <sum>, %add3A_785 masked %broadcast_in_dim3A_794 : vector<16xf32>, vector<16xi1> -> vector<16xf32>
      %swap3A_796 = arith.constant 7 : i32
      %swap3A_797 = arith.index_cast %swap3A_796 : i32 to index
      %swap3A_798 = arith.constant 0 : index
      %swap3A_799 = tpu.vector_load %arg17[%swap3A_797, %swap3A_798] {strides = array<i32>} : memref<16x17xf32, #tpu.memory_space<vmem>>, vector<16xf32>,
      tpu.vector_store %arg17[%swap3A_797, %swap3A_798], %masked_cumsum3A_795 {strides = array<i32>} : memref<16x17xf32, #tpu.memory_space<vmem>>, vector<16xf32>,
      %add3A_800 = arith.constant 8 : i32
      %add3A_801 = arith.addi %multiple_of3A, %add3A_800 : i32
      %get3A_802 = arith.index_cast %add3A_801 : i32 to index
      %get3A_803 = arith.constant 0 : index
      %get3A_804 = tpu.vector_load %arg12[%get3A_802, %get3A_803] {strides = array<i32>} : memref<512x64xf32, #tpu.memory_space<vmem>>, vector<16xf32>,
      %get3A_805 = arith.index_cast %add3A_801 : i32 to index
      %get3A_806 = arith.constant 0 : index
      %get3A_807 = tpu.vector_load %arg13[%get3A_805, %get3A_806] {strides = array<i32>} : memref<512x64xf32, #tpu.memory_space<vmem>>, vector<16xf32>,
      %mul3A_808 = arith.mulf %get3A_804, %get3A_807 : vector<16xf32>
      %add3A_809 = arith.addf %broadcast_in_dim3A_245, %mul3A_808 : vector<16xf32>
      %get3A_810 = arith.index_cast %add3A_801 : i32 to index
      %get3A_811 = arith.constant 0 : index
      %get3A_812 = tpu.vector_load %arg14[%get3A_810, %get3A_811] {strides = array<i32>} : memref<512x64xf32, #tpu.memory_space<vmem>>, vector<16xf32>,
      %mul3A_813 = arith.mulf %get3A_804, %get3A_812 : vector<16xf32>
      %add3A_814 = arith.addf %broadcast_in_dim3A_245, %mul3A_813 : vector<16xf32>
      %get3A_815 = arith.index_cast %add3A_801 : i32 to index
      %get3A_816 = arith.constant 16 : index
      %get3A_817 = tpu.vector_load %arg12[%get3A_815, %get3A_816] {strides = array<i32>} : memref<512x64xf32, #tpu.memory_space<vmem>>, vector<16xf32>,
      %get3A_818 = arith.index_cast %add3A_801 : i32 to index
      %get3A_819 = arith.constant 16 : index
      %get3A_820 = tpu.vector_load %arg13[%get3A_818, %get3A_819] {strides = array<i32>} : memref<512x64xf32, #tpu.memory_space<vmem>>, vector<16xf32>,
      %mul3A_821 = arith.mulf %get3A_817, %get3A_820 : vector<16xf32>
      %add3A_822 = arith.addf %add3A_809, %mul3A_821 : vector<16xf32>
      %get3A_823 = arith.index_cast %add3A_801 : i32 to index
      %get3A_824 = arith.constant 16 : index
      %get3A_825 = tpu.vector_load %arg14[%get3A_823, %get3A_824] {strides = array<i32>} : memref<512x64xf32, #tpu.memory_space<vmem>>, vector<16xf32>,
      %mul3A_826 = arith.mulf %get3A_817, %get3A_825 : vector<16xf32>
      %add3A_827 = arith.addf %add3A_814, %mul3A_826 : vector<16xf32>
      %get3A_828 = arith.index_cast %add3A_801 : i32 to index
      %get3A_829 = arith.constant 32 : index
      %get3A_830 = tpu.vector_load %arg12[%get3A_828, %get3A_829] {strides = array<i32>} : memref<512x64xf32, #tpu.memory_space<vmem>>, vector<16xf32>,
      %get3A_831 = arith.index_cast %add3A_801 : i32 to index
      %get3A_832 = arith.constant 32 : index
      %get3A_833 = tpu.vector_load %arg13[%get3A_831, %get3A_832] {strides = array<i32>} : memref<512x64xf32, #tpu.memory_space<vmem>>, vector<16xf32>,
      %mul3A_834 = arith.mulf %get3A_830, %get3A_833 : vector<16xf32>
      %add3A_835 = arith.addf %add3A_822, %mul3A_834 : vector<16xf32>
      %get3A_836 = arith.index_cast %add3A_801 : i32 to index
      %get3A_837 = arith.constant 32 : index
      %get3A_838 = tpu.vector_load %arg14[%get3A_836, %get3A_837] {strides = array<i32>} : memref<512x64xf32, #tpu.memory_space<vmem>>, vector<16xf32>,
      %mul3A_839 = arith.mulf %get3A_830, %get3A_838 : vector<16xf32>
      %add3A_840 = arith.addf %add3A_827, %mul3A_839 : vector<16xf32>
      %get3A_841 = arith.index_cast %add3A_801 : i32 to index
      %get3A_842 = arith.constant 48 : index
      %get3A_843 = tpu.vector_load %arg12[%get3A_841, %get3A_842] {strides = array<i32>} : memref<512x64xf32, #tpu.memory_space<vmem>>, vector<16xf32>,
      %get3A_844 = arith.index_cast %add3A_801 : i32 to index
      %get3A_845 = arith.constant 48 : index
      %get3A_846 = tpu.vector_load %arg13[%get3A_844, %get3A_845] {strides = array<i32>} : memref<512x64xf32, #tpu.memory_space<vmem>>, vector<16xf32>,
      %mul3A_847 = arith.mulf %get3A_843, %get3A_846 : vector<16xf32>
      %add3A_848 = arith.addf %add3A_835, %mul3A_847 : vector<16xf32>
      %get3A_849 = arith.index_cast %add3A_801 : i32 to index
      %get3A_850 = arith.constant 48 : index
      %get3A_851 = tpu.vector_load %arg14[%get3A_849, %get3A_850] {strides = array<i32>} : memref<512x64xf32, #tpu.memory_space<vmem>>, vector<16xf32>,
      %mul3A_852 = arith.mulf %get3A_843, %get3A_851 : vector<16xf32>
      %add3A_853 = arith.addf %add3A_840, %mul3A_852 : vector<16xf32>
      %broadcast_in_dim3A_854 = arith.constant true
      %broadcast_in_dim3A_855 = vector.broadcast %broadcast_in_dim3A_854 : i1 to vector<16xi1>
      %masked_cumsum3A_856 = tpu.scan <sum>, %add3A_848 masked %broadcast_in_dim3A_855 : vector<16xf32>, vector<16xi1> -> vector<16xf32>
      %swap3A_857 = arith.constant 8 : i32
      %swap3A_858 = arith.index_cast %swap3A_857 : i32 to index
      %swap3A_859 = arith.constant 0 : index
      %swap3A_860 = tpu.vector_load %arg16[%swap3A_858, %swap3A_859] {strides = array<i32>} : memref<16x17xf32, #tpu.memory_space<vmem>>, vector<16xf32>,
      tpu.vector_store %arg16[%swap3A_858, %swap3A_859], %masked_cumsum3A_856 {strides = array<i32>} : memref<16x17xf32, #tpu.memory_space<vmem>>, vector<16xf32>,
      %broadcast_in_dim3A_861 = arith.constant true
      %broadcast_in_dim3A_862 = vector.broadcast %broadcast_in_dim3A_861 : i1 to vector<16xi1>
      %masked_cumsum3A_863 = tpu.scan <sum>, %add3A_853 masked %broadcast_in_dim3A_862 : vector<16xf32>, vector<16xi1> -> vector<16xf32>
      %swap3A_864 = arith.constant 8 : i32
      %swap3A_865 = arith.index_cast %swap3A_864 : i32 to index
      %swap3A_866 = arith.constant 0 : index
      %swap3A_867 = tpu.vector_load %arg17[%swap3A_865, %swap3A_866] {strides = array<i32>} : memref<16x17xf32, #tpu.memory_space<vmem>>, vector<16xf32>,
      tpu.vector_store %arg17[%swap3A_865, %swap3A_866], %masked_cumsum3A_863 {strides = array<i32>} : memref<16x17xf32, #tpu.memory_space<vmem>>, vector<16xf32>,
      %add3A_868 = arith.constant 9 : i32
      %add3A_869 = arith.addi %multiple_of3A, %add3A_868 : i32
      %get3A_870 = arith.index_cast %add3A_869 : i32 to index
      %get3A_871 = arith.constant 0 : index
      %get3A_872 = tpu.vector_load %arg12[%get3A_870, %get3A_871] {strides = array<i32>} : memref<512x64xf32, #tpu.memory_space<vmem>>, vector<16xf32>,
      %get3A_873 = arith.index_cast %add3A_869 : i32 to index
      %get3A_874 = arith.constant 0 : index
      %get3A_875 = tpu.vector_load %arg13[%get3A_873, %get3A_874] {strides = array<i32>} : memref<512x64xf32, #tpu.memory_space<vmem>>, vector<16xf32>,
      %mul3A_876 = arith.mulf %get3A_872, %get3A_875 : vector<16xf32>
      %add3A_877 = arith.addf %broadcast_in_dim3A_245, %mul3A_876 : vector<16xf32>
      %get3A_878 = arith.index_cast %add3A_869 : i32 to index
      %get3A_879 = arith.constant 0 : index
      %get3A_880 = tpu.vector_load %arg14[%get3A_878, %get3A_879] {strides = array<i32>} : memref<512x64xf32, #tpu.memory_space<vmem>>, vector<16xf32>,
      %mul3A_881 = arith.mulf %get3A_872, %get3A_880 : vector<16xf32>
      %add3A_882 = arith.addf %broadcast_in_dim3A_245, %mul3A_881 : vector<16xf32>
      %get3A_883 = arith.index_cast %add3A_869 : i32 to index
      %get3A_884 = arith.constant 16 : index
      %get3A_885 = tpu.vector_load %arg12[%get3A_883, %get3A_884] {strides = array<i32>} : memref<512x64xf32, #tpu.memory_space<vmem>>, vector<16xf32>,
      %get3A_886 = arith.index_cast %add3A_869 : i32 to index
      %get3A_887 = arith.constant 16 : index
      %get3A_888 = tpu.vector_load %arg13[%get3A_886, %get3A_887] {strides = array<i32>} : memref<512x64xf32, #tpu.memory_space<vmem>>, vector<16xf32>,
      %mul3A_889 = arith.mulf %get3A_885, %get3A_888 : vector<16xf32>
      %add3A_890 = arith.addf %add3A_877, %mul3A_889 : vector<16xf32>
      %get3A_891 = arith.index_cast %add3A_869 : i32 to index
      %get3A_892 = arith.constant 16 : index
      %get3A_893 = tpu.vector_load %arg14[%get3A_891, %get3A_892] {strides = array<i32>} : memref<512x64xf32, #tpu.memory_space<vmem>>, vector<16xf32>,
      %mul3A_894 = arith.mulf %get3A_885, %get3A_893 : vector<16xf32>
      %add3A_895 = arith.addf %add3A_882, %mul3A_894 : vector<16xf32>
      %get3A_896 = arith.index_cast %add3A_869 : i32 to index
      %get3A_897 = arith.constant 32 : index
      %get3A_898 = tpu.vector_load %arg12[%get3A_896, %get3A_897] {strides = array<i32>} : memref<512x64xf32, #tpu.memory_space<vmem>>, vector<16xf32>,
      %get3A_899 = arith.index_cast %add3A_869 : i32 to index
      %get3A_900 = arith.constant 32 : index
      %get3A_901 = tpu.vector_load %arg13[%get3A_899, %get3A_900] {strides = array<i32>} : memref<512x64xf32, #tpu.memory_space<vmem>>, vector<16xf32>,
      %mul3A_902 = arith.mulf %get3A_898, %get3A_901 : vector<16xf32>
      %add3A_903 = arith.addf %add3A_890, %mul3A_902 : vector<16xf32>
      %get3A_904 = arith.index_cast %add3A_869 : i32 to index
      %get3A_905 = arith.constant 32 : index
      %get3A_906 = tpu.vector_load %arg14[%get3A_904, %get3A_905] {strides = array<i32>} : memref<512x64xf32, #tpu.memory_space<vmem>>, vector<16xf32>,
      %mul3A_907 = arith.mulf %get3A_898, %get3A_906 : vector<16xf32>
      %add3A_908 = arith.addf %add3A_895, %mul3A_907 : vector<16xf32>
      %get3A_909 = arith.index_cast %add3A_869 : i32 to index
      %get3A_910 = arith.constant 48 : index
      %get3A_911 = tpu.vector_load %arg12[%get3A_909, %get3A_910] {strides = array<i32>} : memref<512x64xf32, #tpu.memory_space<vmem>>, vector<16xf32>,
      %get3A_912 = arith.index_cast %add3A_869 : i32 to index
      %get3A_913 = arith.constant 48 : index
      %get3A_914 = tpu.vector_load %arg13[%get3A_912, %get3A_913] {strides = array<i32>} : memref<512x64xf32, #tpu.memory_space<vmem>>, vector<16xf32>,
      %mul3A_915 = arith.mulf %get3A_911, %get3A_914 : vector<16xf32>
      %add3A_916 = arith.addf %add3A_903, %mul3A_915 : vector<16xf32>
      %get3A_917 = arith.index_cast %add3A_869 : i32 to index
      %get3A_918 = arith.constant 48 : index
      %get3A_919 = tpu.vector_load %arg14[%get3A_917, %get3A_918] {strides = array<i32>} : memref<512x64xf32, #tpu.memory_space<vmem>>, vector<16xf32>,
      %mul3A_920 = arith.mulf %get3A_911, %get3A_919 : vector<16xf32>
      %add3A_921 = arith.addf %add3A_908, %mul3A_920 : vector<16xf32>
      %broadcast_in_dim3A_922 = arith.constant true
      %broadcast_in_dim3A_923 = vector.broadcast %broadcast_in_dim3A_922 : i1 to vector<16xi1>
      %masked_cumsum3A_924 = tpu.scan <sum>, %add3A_916 masked %broadcast_in_dim3A_923 : vector<16xf32>, vector<16xi1> -> vector<16xf32>
      %swap3A_925 = arith.constant 9 : i32
      %swap3A_926 = arith.index_cast %swap3A_925 : i32 to index
      %swap3A_927 = arith.constant 0 : index
      %swap3A_928 = tpu.vector_load %arg16[%swap3A_926, %swap3A_927] {strides = array<i32>} : memref<16x17xf32, #tpu.memory_space<vmem>>, vector<16xf32>,
      tpu.vector_store %arg16[%swap3A_926, %swap3A_927], %masked_cumsum3A_924 {strides = array<i32>} : memref<16x17xf32, #tpu.memory_space<vmem>>, vector<16xf32>,
      %broadcast_in_dim3A_929 = arith.constant true
      %broadcast_in_dim3A_930 = vector.broadcast %broadcast_in_dim3A_929 : i1 to vector<16xi1>
      %masked_cumsum3A_931 = tpu.scan <sum>, %add3A_921 masked %broadcast_in_dim3A_930 : vector<16xf32>, vector<16xi1> -> vector<16xf32>
      %swap3A_932 = arith.constant 9 : i32
      %swap3A_933 = arith.index_cast %swap3A_932 : i32 to index
      %swap3A_934 = arith.constant 0 : index
      %swap3A_935 = tpu.vector_load %arg17[%swap3A_933, %swap3A_934] {strides = array<i32>} : memref<16x17xf32, #tpu.memory_space<vmem>>, vector<16xf32>,
      tpu.vector_store %arg17[%swap3A_933, %swap3A_934], %masked_cumsum3A_931 {strides = array<i32>} : memref<16x17xf32, #tpu.memory_space<vmem>>, vector<16xf32>,
      %add3A_936 = arith.constant 10 : i32
      %add3A_937 = arith.addi %multiple_of3A, %add3A_936 : i32
      %get3A_938 = arith.index_cast %add3A_937 : i32 to index
      %get3A_939 = arith.constant 0 : index
      %get3A_940 = tpu.vector_load %arg12[%get3A_938, %get3A_939] {strides = array<i32>} : memref<512x64xf32, #tpu.memory_space<vmem>>, vector<16xf32>,
      %get3A_941 = arith.index_cast %add3A_937 : i32 to index
      %get3A_942 = arith.constant 0 : index
      %get3A_943 = tpu.vector_load %arg13[%get3A_941, %get3A_942] {strides = array<i32>} : memref<512x64xf32, #tpu.memory_space<vmem>>, vector<16xf32>,
      %mul3A_944 = arith.mulf %get3A_940, %get3A_943 : vector<16xf32>
      %add3A_945 = arith.addf %broadcast_in_dim3A_245, %mul3A_944 : vector<16xf32>
      %get3A_946 = arith.index_cast %add3A_937 : i32 to index
      %get3A_947 = arith.constant 0 : index
      %get3A_948 = tpu.vector_load %arg14[%get3A_946, %get3A_947] {strides = array<i32>} : memref<512x64xf32, #tpu.memory_space<vmem>>, vector<16xf32>,
      %mul3A_949 = arith.mulf %get3A_940, %get3A_948 : vector<16xf32>
      %add3A_950 = arith.addf %broadcast_in_dim3A_245, %mul3A_949 : vector<16xf32>
      %get3A_951 = arith.index_cast %add3A_937 : i32 to index
      %get3A_952 = arith.constant 16 : index
      %get3A_953 = tpu.vector_load %arg12[%get3A_951, %get3A_952] {strides = array<i32>} : memref<512x64xf32, #tpu.memory_space<vmem>>, vector<16xf32>,
      %get3A_954 = arith.index_cast %add3A_937 : i32 to index
      %get3A_955 = arith.constant 16 : index
      %get3A_956 = tpu.vector_load %arg13[%get3A_954, %get3A_955] {strides = array<i32>} : memref<512x64xf32, #tpu.memory_space<vmem>>, vector<16xf32>,
      %mul3A_957 = arith.mulf %get3A_953, %get3A_956 : vector<16xf32>
      %add3A_958 = arith.addf %add3A_945, %mul3A_957 : vector<16xf32>
      %get3A_959 = arith.index_cast %add3A_937 : i32 to index
      %get3A_960 = arith.constant 16 : index
      %get3A_961 = tpu.vector_load %arg14[%get3A_959, %get3A_960] {strides = array<i32>} : memref<512x64xf32, #tpu.memory_space<vmem>>, vector<16xf32>,
      %mul3A_962 = arith.mulf %get3A_953, %get3A_961 : vector<16xf32>
      %add3A_963 = arith.addf %add3A_950, %mul3A_962 : vector<16xf32>
      %get3A_964 = arith.index_cast %add3A_937 : i32 to index
      %get3A_965 = arith.constant 32 : index
      %get3A_966 = tpu.vector_load %arg12[%get3A_964, %get3A_965] {strides = array<i32>} : memref<512x64xf32, #tpu.memory_space<vmem>>, vector<16xf32>,
      %get3A_967 = arith.index_cast %add3A_937 : i32 to index
      %get3A_968 = arith.constant 32 : index
      %get3A_969 = tpu.vector_load %arg13[%get3A_967, %get3A_968] {strides = array<i32>} : memref<512x64xf32, #tpu.memory_space<vmem>>, vector<16xf32>,
      %mul3A_970 = arith.mulf %get3A_966, %get3A_969 : vector<16xf32>
      %add3A_971 = arith.addf %add3A_958, %mul3A_970 : vector<16xf32>
      %get3A_972 = arith.index_cast %add3A_937 : i32 to index
      %get3A_973 = arith.constant 32 : index
      %get3A_974 = tpu.vector_load %arg14[%get3A_972, %get3A_973] {strides = array<i32>} : memref<512x64xf32, #tpu.memory_space<vmem>>, vector<16xf32>,
      %mul3A_975 = arith.mulf %get3A_966, %get3A_974 : vector<16xf32>
      %add3A_976 = arith.addf %add3A_963, %mul3A_975 : vector<16xf32>
      %get3A_977 = arith.index_cast %add3A_937 : i32 to index
      %get3A_978 = arith.constant 48 : index
      %get3A_979 = tpu.vector_load %arg12[%get3A_977, %get3A_978] {strides = array<i32>} : memref<512x64xf32, #tpu.memory_space<vmem>>, vector<16xf32>,
      %get3A_980 = arith.index_cast %add3A_937 : i32 to index
      %get3A_981 = arith.constant 48 : index
      %get3A_982 = tpu.vector_load %arg13[%get3A_980, %get3A_981] {strides = array<i32>} : memref<512x64xf32, #tpu.memory_space<vmem>>, vector<16xf32>,
      %mul3A_983 = arith.mulf %get3A_979, %get3A_982 : vector<16xf32>
      %add3A_984 = arith.addf %add3A_971, %mul3A_983 : vector<16xf32>
      %get3A_985 = arith.index_cast %add3A_937 : i32 to index
      %get3A_986 = arith.constant 48 : index
      %get3A_987 = tpu.vector_load %arg14[%get3A_985, %get3A_986] {strides = array<i32>} : memref<512x64xf32, #tpu.memory_space<vmem>>, vector<16xf32>,
      %mul3A_988 = arith.mulf %get3A_979, %get3A_987 : vector<16xf32>
      %add3A_989 = arith.addf %add3A_976, %mul3A_988 : vector<16xf32>
      %broadcast_in_dim3A_990 = arith.constant true
      %broadcast_in_dim3A_991 = vector.broadcast %broadcast_in_dim3A_990 : i1 to vector<16xi1>
      %masked_cumsum3A_992 = tpu.scan <sum>, %add3A_984 masked %broadcast_in_dim3A_991 : vector<16xf32>, vector<16xi1> -> vector<16xf32>
      %swap3A_993 = arith.constant 10 : i32
      %swap3A_994 = arith.index_cast %swap3A_993 : i32 to index
      %swap3A_995 = arith.constant 0 : index
      %swap3A_996 = tpu.vector_load %arg16[%swap3A_994, %swap3A_995] {strides = array<i32>} : memref<16x17xf32, #tpu.memory_space<vmem>>, vector<16xf32>,
      tpu.vector_store %arg16[%swap3A_994, %swap3A_995], %masked_cumsum3A_992 {strides = array<i32>} : memref<16x17xf32, #tpu.memory_space<vmem>>, vector<16xf32>,
      %broadcast_in_dim3A_997 = arith.constant true
      %broadcast_in_dim3A_998 = vector.broadcast %broadcast_in_dim3A_997 : i1 to vector<16xi1>
      %masked_cumsum3A_999 = tpu.scan <sum>, %add3A_989 masked %broadcast_in_dim3A_998 : vector<16xf32>, vector<16xi1> -> vector<16xf32>
      %swap3A_1000 = arith.constant 10 : i32
      %swap3A_1001 = arith.index_cast %swap3A_1000 : i32 to index
      %swap3A_1002 = arith.constant 0 : index
      %swap3A_1003 = tpu.vector_load %arg17[%swap3A_1001, %swap3A_1002] {strides = array<i32>} : memref<16x17xf32, #tpu.memory_space<vmem>>, vector<16xf32>,
      tpu.vector_store %arg17[%swap3A_1001, %swap3A_1002], %masked_cumsum3A_999 {strides = array<i32>} : memref<16x17xf32, #tpu.memory_space<vmem>>, vector<16xf32>,
      %add3A_1004 = arith.constant 11 : i32
      %add3A_1005 = arith.addi %multiple_of3A, %add3A_1004 : i32
      %get3A_1006 = arith.index_cast %add3A_1005 : i32 to index
      %get3A_1007 = arith.constant 0 : index
      %get3A_1008 = tpu.vector_load %arg12[%get3A_1006, %get3A_1007] {strides = array<i32>} : memref<512x64xf32, #tpu.memory_space<vmem>>, vector<16xf32>,
      %get3A_1009 = arith.index_cast %add3A_1005 : i32 to index
      %get3A_1010 = arith.constant 0 : index
      %get3A_1011 = tpu.vector_load %arg13[%get3A_1009, %get3A_1010] {strides = array<i32>} : memref<512x64xf32, #tpu.memory_space<vmem>>, vector<16xf32>,
      %mul3A_1012 = arith.mulf %get3A_1008, %get3A_1011 : vector<16xf32>
      %add3A_1013 = arith.addf %broadcast_in_dim3A_245, %mul3A_1012 : vector<16xf32>
      %get3A_1014 = arith.index_cast %add3A_1005 : i32 to index
      %get3A_1015 = arith.constant 0 : index
      %get3A_1016 = tpu.vector_load %arg14[%get3A_1014, %get3A_1015] {strides = array<i32>} : memref<512x64xf32, #tpu.memory_space<vmem>>, vector<16xf32>,
      %mul3A_1017 = arith.mulf %get3A_1008, %get3A_1016 : vector<16xf32>
      %add3A_1018 = arith.addf %broadcast_in_dim3A_245, %mul3A_1017 : vector<16xf32>
      %get3A_1019 = arith.index_cast %add3A_1005 : i32 to index
      %get3A_1020 = arith.constant 16 : index
      %get3A_1021 = tpu.vector_load %arg12[%get3A_1019, %get3A_1020] {strides = array<i32>} : memref<512x64xf32, #tpu.memory_space<vmem>>, vector<16xf32>,
      %get3A_1022 = arith.index_cast %add3A_1005 : i32 to index
      %get3A_1023 = arith.constant 16 : index
      %get3A_1024 = tpu.vector_load %arg13[%get3A_1022, %get3A_1023] {strides = array<i32>} : memref<512x64xf32, #tpu.memory_space<vmem>>, vector<16xf32>,
      %mul3A_1025 = arith.mulf %get3A_1021, %get3A_1024 : vector<16xf32>
      %add3A_1026 = arith.addf %add3A_1013, %mul3A_1025 : vector<16xf32>
      %get3A_1027 = arith.index_cast %add3A_1005 : i32 to index
      %get3A_1028 = arith.constant 16 : index
      %get3A_1029 = tpu.vector_load %arg14[%get3A_1027, %get3A_1028] {strides = array<i32>} : memref<512x64xf32, #tpu.memory_space<vmem>>, vector<16xf32>,
      %mul3A_1030 = arith.mulf %get3A_1021, %get3A_1029 : vector<16xf32>
      %add3A_1031 = arith.addf %add3A_1018, %mul3A_1030 : vector<16xf32>
      %get3A_1032 = arith.index_cast %add3A_1005 : i32 to index
      %get3A_1033 = arith.constant 32 : index
      %get3A_1034 = tpu.vector_load %arg12[%get3A_1032, %get3A_1033] {strides = array<i32>} : memref<512x64xf32, #tpu.memory_space<vmem>>, vector<16xf32>,
      %get3A_1035 = arith.index_cast %add3A_1005 : i32 to index
      %get3A_1036 = arith.constant 32 : index
      %get3A_1037 = tpu.vector_load %arg13[%get3A_1035, %get3A_1036] {strides = array<i32>} : memref<512x64xf32, #tpu.memory_space<vmem>>, vector<16xf32>,
      %mul3A_1038 = arith.mulf %get3A_1034, %get3A_1037 : vector<16xf32>
      %add3A_1039 = arith.addf %add3A_1026, %mul3A_1038 : vector<16xf32>
      %get3A_1040 = arith.index_cast %add3A_1005 : i32 to index
      %get3A_1041 = arith.constant 32 : index
      %get3A_1042 = tpu.vector_load %arg14[%get3A_1040, %get3A_1041] {strides = array<i32>} : memref<512x64xf32, #tpu.memory_space<vmem>>, vector<16xf32>,
      %mul3A_1043 = arith.mulf %get3A_1034, %get3A_1042 : vector<16xf32>
      %add3A_1044 = arith.addf %add3A_1031, %mul3A_1043 : vector<16xf32>
      %get3A_1045 = arith.index_cast %add3A_1005 : i32 to index
      %get3A_1046 = arith.constant 48 : index
      %get3A_1047 = tpu.vector_load %arg12[%get3A_1045, %get3A_1046] {strides = array<i32>} : memref<512x64xf32, #tpu.memory_space<vmem>>, vector<16xf32>,
      %get3A_1048 = arith.index_cast %add3A_1005 : i32 to index
      %get3A_1049 = arith.constant 48 : index
      %get3A_1050 = tpu.vector_load %arg13[%get3A_1048, %get3A_1049] {strides = array<i32>} : memref<512x64xf32, #tpu.memory_space<vmem>>, vector<16xf32>,
      %mul3A_1051 = arith.mulf %get3A_1047, %get3A_1050 : vector<16xf32>
      %add3A_1052 = arith.addf %add3A_1039, %mul3A_1051 : vector<16xf32>
      %get3A_1053 = arith.index_cast %add3A_1005 : i32 to index
      %get3A_1054 = arith.constant 48 : index
      %get3A_1055 = tpu.vector_load %arg14[%get3A_1053, %get3A_1054] {strides = array<i32>} : memref<512x64xf32, #tpu.memory_space<vmem>>, vector<16xf32>,
      %mul3A_1056 = arith.mulf %get3A_1047, %get3A_1055 : vector<16xf32>
      %add3A_1057 = arith.addf %add3A_1044, %mul3A_1056 : vector<16xf32>
      %broadcast_in_dim3A_1058 = arith.constant true
      %broadcast_in_dim3A_1059 = vector.broadcast %broadcast_in_dim3A_1058 : i1 to vector<16xi1>
      %masked_cumsum3A_1060 = tpu.scan <sum>, %add3A_1052 masked %broadcast_in_dim3A_1059 : vector<16xf32>, vector<16xi1> -> vector<16xf32>
      %swap3A_1061 = arith.constant 11 : i32
      %swap3A_1062 = arith.index_cast %swap3A_1061 : i32 to index
      %swap3A_1063 = arith.constant 0 : index
      %swap3A_1064 = tpu.vector_load %arg16[%swap3A_1062, %swap3A_1063] {strides = array<i32>} : memref<16x17xf32, #tpu.memory_space<vmem>>, vector<16xf32>,
      tpu.vector_store %arg16[%swap3A_1062, %swap3A_1063], %masked_cumsum3A_1060 {strides = array<i32>} : memref<16x17xf32, #tpu.memory_space<vmem>>, vector<16xf32>,
      %broadcast_in_dim3A_1065 = arith.constant true
      %broadcast_in_dim3A_1066 = vector.broadcast %broadcast_in_dim3A_1065 : i1 to vector<16xi1>
      %masked_cumsum3A_1067 = tpu.scan <sum>, %add3A_1057 masked %broadcast_in_dim3A_1066 : vector<16xf32>, vector<16xi1> -> vector<16xf32>
      %swap3A_1068 = arith.constant 11 : i32
      %swap3A_1069 = arith.index_cast %swap3A_1068 : i32 to index
      %swap3A_1070 = arith.constant 0 : index
      %swap3A_1071 = tpu.vector_load %arg17[%swap3A_1069, %swap3A_1070] {strides = array<i32>} : memref<16x17xf32, #tpu.memory_space<vmem>>, vector<16xf32>,
      tpu.vector_store %arg17[%swap3A_1069, %swap3A_1070], %masked_cumsum3A_1067 {strides = array<i32>} : memref<16x17xf32, #tpu.memory_space<vmem>>, vector<16xf32>,
      %add3A_1072 = arith.constant 12 : i32
      %add3A_1073 = arith.addi %multiple_of3A, %add3A_1072 : i32
      %get3A_1074 = arith.index_cast %add3A_1073 : i32 to index
      %get3A_1075 = arith.constant 0 : index
      %get3A_1076 = tpu.vector_load %arg12[%get3A_1074, %get3A_1075] {strides = array<i32>} : memref<512x64xf32, #tpu.memory_space<vmem>>, vector<16xf32>,
      %get3A_1077 = arith.index_cast %add3A_1073 : i32 to index
      %get3A_1078 = arith.constant 0 : index
      %get3A_1079 = tpu.vector_load %arg13[%get3A_1077, %get3A_1078] {strides = array<i32>} : memref<512x64xf32, #tpu.memory_space<vmem>>, vector<16xf32>,
      %mul3A_1080 = arith.mulf %get3A_1076, %get3A_1079 : vector<16xf32>
      %add3A_1081 = arith.addf %broadcast_in_dim3A_245, %mul3A_1080 : vector<16xf32>
      %get3A_1082 = arith.index_cast %add3A_1073 : i32 to index
      %get3A_1083 = arith.constant 0 : index
      %get3A_1084 = tpu.vector_load %arg14[%get3A_1082, %get3A_1083] {strides = array<i32>} : memref<512x64xf32, #tpu.memory_space<vmem>>, vector<16xf32>,
      %mul3A_1085 = arith.mulf %get3A_1076, %get3A_1084 : vector<16xf32>
      %add3A_1086 = arith.addf %broadcast_in_dim3A_245, %mul3A_1085 : vector<16xf32>
      %get3A_1087 = arith.index_cast %add3A_1073 : i32 to index
      %get3A_1088 = arith.constant 16 : index
      %get3A_1089 = tpu.vector_load %arg12[%get3A_1087, %get3A_1088] {strides = array<i32>} : memref<512x64xf32, #tpu.memory_space<vmem>>, vector<16xf32>,
      %get3A_1090 = arith.index_cast %add3A_1073 : i32 to index
      %get3A_1091 = arith.constant 16 : index
      %get3A_1092 = tpu.vector_load %arg13[%get3A_1090, %get3A_1091] {strides = array<i32>} : memref<512x64xf32, #tpu.memory_space<vmem>>, vector<16xf32>,
      %mul3A_1093 = arith.mulf %get3A_1089, %get3A_1092 : vector<16xf32>
      %add3A_1094 = arith.addf %add3A_1081, %mul3A_1093 : vector<16xf32>
      %get3A_1095 = arith.index_cast %add3A_1073 : i32 to index
      %get3A_1096 = arith.constant 16 : index
      %get3A_1097 = tpu.vector_load %arg14[%get3A_1095, %get3A_1096] {strides = array<i32>} : memref<512x64xf32, #tpu.memory_space<vmem>>, vector<16xf32>,
      %mul3A_1098 = arith.mulf %get3A_1089, %get3A_1097 : vector<16xf32>
      %add3A_1099 = arith.addf %add3A_1086, %mul3A_1098 : vector<16xf32>
      %get3A_1100 = arith.index_cast %add3A_1073 : i32 to index
      %get3A_1101 = arith.constant 32 : index
      %get3A_1102 = tpu.vector_load %arg12[%get3A_1100, %get3A_1101] {strides = array<i32>} : memref<512x64xf32, #tpu.memory_space<vmem>>, vector<16xf32>,
      %get3A_1103 = arith.index_cast %add3A_1073 : i32 to index
      %get3A_1104 = arith.constant 32 : index
      %get3A_1105 = tpu.vector_load %arg13[%get3A_1103, %get3A_1104] {strides = array<i32>} : memref<512x64xf32, #tpu.memory_space<vmem>>, vector<16xf32>,
      %mul3A_1106 = arith.mulf %get3A_1102, %get3A_1105 : vector<16xf32>
      %add3A_1107 = arith.addf %add3A_1094, %mul3A_1106 : vector<16xf32>
      %get3A_1108 = arith.index_cast %add3A_1073 : i32 to index
      %get3A_1109 = arith.constant 32 : index
      %get3A_1110 = tpu.vector_load %arg14[%get3A_1108, %get3A_1109] {strides = array<i32>} : memref<512x64xf32, #tpu.memory_space<vmem>>, vector<16xf32>,
      %mul3A_1111 = arith.mulf %get3A_1102, %get3A_1110 : vector<16xf32>
      %add3A_1112 = arith.addf %add3A_1099, %mul3A_1111 : vector<16xf32>
      %get3A_1113 = arith.index_cast %add3A_1073 : i32 to index
      %get3A_1114 = arith.constant 48 : index
      %get3A_1115 = tpu.vector_load %arg12[%get3A_1113, %get3A_1114] {strides = array<i32>} : memref<512x64xf32, #tpu.memory_space<vmem>>, vector<16xf32>,
      %get3A_1116 = arith.index_cast %add3A_1073 : i32 to index
      %get3A_1117 = arith.constant 48 : index
      %get3A_1118 = tpu.vector_load %arg13[%get3A_1116, %get3A_1117] {strides = array<i32>} : memref<512x64xf32, #tpu.memory_space<vmem>>, vector<16xf32>,
      %mul3A_1119 = arith.mulf %get3A_1115, %get3A_1118 : vector<16xf32>
      %add3A_1120 = arith.addf %add3A_1107, %mul3A_1119 : vector<16xf32>
      %get3A_1121 = arith.index_cast %add3A_1073 : i32 to index
      %get3A_1122 = arith.constant 48 : index
      %get3A_1123 = tpu.vector_load %arg14[%get3A_1121, %get3A_1122] {strides = array<i32>} : memref<512x64xf32, #tpu.memory_space<vmem>>, vector<16xf32>,
      %mul3A_1124 = arith.mulf %get3A_1115, %get3A_1123 : vector<16xf32>
      %add3A_1125 = arith.addf %add3A_1112, %mul3A_1124 : vector<16xf32>
      %broadcast_in_dim3A_1126 = arith.constant true
      %broadcast_in_dim3A_1127 = vector.broadcast %broadcast_in_dim3A_1126 : i1 to vector<16xi1>
      %masked_cumsum3A_1128 = tpu.scan <sum>, %add3A_1120 masked %broadcast_in_dim3A_1127 : vector<16xf32>, vector<16xi1> -> vector<16xf32>
      %swap3A_1129 = arith.constant 12 : i32
      %swap3A_1130 = arith.index_cast %swap3A_1129 : i32 to index
      %swap3A_1131 = arith.constant 0 : index
      %swap3A_1132 = tpu.vector_load %arg16[%swap3A_1130, %swap3A_1131] {strides = array<i32>} : memref<16x17xf32, #tpu.memory_space<vmem>>, vector<16xf32>,
      tpu.vector_store %arg16[%swap3A_1130, %swap3A_1131], %masked_cumsum3A_1128 {strides = array<i32>} : memref<16x17xf32, #tpu.memory_space<vmem>>, vector<16xf32>,
      %broadcast_in_dim3A_1133 = arith.constant true
      %broadcast_in_dim3A_1134 = vector.broadcast %broadcast_in_dim3A_1133 : i1 to vector<16xi1>
      %masked_cumsum3A_1135 = tpu.scan <sum>, %add3A_1125 masked %broadcast_in_dim3A_1134 : vector<16xf32>, vector<16xi1> -> vector<16xf32>
      %swap3A_1136 = arith.constant 12 : i32
      %swap3A_1137 = arith.index_cast %swap3A_1136 : i32 to index
      %swap3A_1138 = arith.constant 0 : index
      %swap3A_1139 = tpu.vector_load %arg17[%swap3A_1137, %swap3A_1138] {strides = array<i32>} : memref<16x17xf32, #tpu.memory_space<vmem>>, vector<16xf32>,
      tpu.vector_store %arg17[%swap3A_1137, %swap3A_1138], %masked_cumsum3A_1135 {strides = array<i32>} : memref<16x17xf32, #tpu.memory_space<vmem>>, vector<16xf32>,
      %add3A_1140 = arith.constant 13 : i32
      %add3A_1141 = arith.addi %multiple_of3A, %add3A_1140 : i32
      %get3A_1142 = arith.index_cast %add3A_1141 : i32 to index
      %get3A_1143 = arith.constant 0 : index
      %get3A_1144 = tpu.vector_load %arg12[%get3A_1142, %get3A_1143] {strides = array<i32>} : memref<512x64xf32, #tpu.memory_space<vmem>>, vector<16xf32>,
      %get3A_1145 = arith.index_cast %add3A_1141 : i32 to index
      %get3A_1146 = arith.constant 0 : index
      %get3A_1147 = tpu.vector_load %arg13[%get3A_1145, %get3A_1146] {strides = array<i32>} : memref<512x64xf32, #tpu.memory_space<vmem>>, vector<16xf32>,
      %mul3A_1148 = arith.mulf %get3A_1144, %get3A_1147 : vector<16xf32>
      %add3A_1149 = arith.addf %broadcast_in_dim3A_245, %mul3A_1148 : vector<16xf32>
      %get3A_1150 = arith.index_cast %add3A_1141 : i32 to index
      %get3A_1151 = arith.constant 0 : index
      %get3A_1152 = tpu.vector_load %arg14[%get3A_1150, %get3A_1151] {strides = array<i32>} : memref<512x64xf32, #tpu.memory_space<vmem>>, vector<16xf32>,
      %mul3A_1153 = arith.mulf %get3A_1144, %get3A_1152 : vector<16xf32>
      %add3A_1154 = arith.addf %broadcast_in_dim3A_245, %mul3A_1153 : vector<16xf32>
      %get3A_1155 = arith.index_cast %add3A_1141 : i32 to index
      %get3A_1156 = arith.constant 16 : index
      %get3A_1157 = tpu.vector_load %arg12[%get3A_1155, %get3A_1156] {strides = array<i32>} : memref<512x64xf32, #tpu.memory_space<vmem>>, vector<16xf32>,
      %get3A_1158 = arith.index_cast %add3A_1141 : i32 to index
      %get3A_1159 = arith.constant 16 : index
      %get3A_1160 = tpu.vector_load %arg13[%get3A_1158, %get3A_1159] {strides = array<i32>} : memref<512x64xf32, #tpu.memory_space<vmem>>, vector<16xf32>,
      %mul3A_1161 = arith.mulf %get3A_1157, %get3A_1160 : vector<16xf32>
      %add3A_1162 = arith.addf %add3A_1149, %mul3A_1161 : vector<16xf32>
      %get3A_1163 = arith.index_cast %add3A_1141 : i32 to index
      %get3A_1164 = arith.constant 16 : index
      %get3A_1165 = tpu.vector_load %arg14[%get3A_1163, %get3A_1164] {strides = array<i32>} : memref<512x64xf32, #tpu.memory_space<vmem>>, vector<16xf32>,
      %mul3A_1166 = arith.mulf %get3A_1157, %get3A_1165 : vector<16xf32>
      %add3A_1167 = arith.addf %add3A_1154, %mul3A_1166 : vector<16xf32>
      %get3A_1168 = arith.index_cast %add3A_1141 : i32 to index
      %get3A_1169 = arith.constant 32 : index
      %get3A_1170 = tpu.vector_load %arg12[%get3A_1168, %get3A_1169] {strides = array<i32>} : memref<512x64xf32, #tpu.memory_space<vmem>>, vector<16xf32>,
      %get3A_1171 = arith.index_cast %add3A_1141 : i32 to index
      %get3A_1172 = arith.constant 32 : index
      %get3A_1173 = tpu.vector_load %arg13[%get3A_1171, %get3A_1172] {strides = array<i32>} : memref<512x64xf32, #tpu.memory_space<vmem>>, vector<16xf32>,
      %mul3A_1174 = arith.mulf %get3A_1170, %get3A_1173 : vector<16xf32>
      %add3A_1175 = arith.addf %add3A_1162, %mul3A_1174 : vector<16xf32>
      %get3A_1176 = arith.index_cast %add3A_1141 : i32 to index
      %get3A_1177 = arith.constant 32 : index
      %get3A_1178 = tpu.vector_load %arg14[%get3A_1176, %get3A_1177] {strides = array<i32>} : memref<512x64xf32, #tpu.memory_space<vmem>>, vector<16xf32>,
      %mul3A_1179 = arith.mulf %get3A_1170, %get3A_1178 : vector<16xf32>
      %add3A_1180 = arith.addf %add3A_1167, %mul3A_1179 : vector<16xf32>
      %get3A_1181 = arith.index_cast %add3A_1141 : i32 to index
      %get3A_1182 = arith.constant 48 : index
      %get3A_1183 = tpu.vector_load %arg12[%get3A_1181, %get3A_1182] {strides = array<i32>} : memref<512x64xf32, #tpu.memory_space<vmem>>, vector<16xf32>,
      %get3A_1184 = arith.index_cast %add3A_1141 : i32 to index
      %get3A_1185 = arith.constant 48 : index
      %get3A_1186 = tpu.vector_load %arg13[%get3A_1184, %get3A_1185] {strides = array<i32>} : memref<512x64xf32, #tpu.memory_space<vmem>>, vector<16xf32>,
      %mul3A_1187 = arith.mulf %get3A_1183, %get3A_1186 : vector<16xf32>
      %add3A_1188 = arith.addf %add3A_1175, %mul3A_1187 : vector<16xf32>
      %get3A_1189 = arith.index_cast %add3A_1141 : i32 to index
      %get3A_1190 = arith.constant 48 : index
      %get3A_1191 = tpu.vector_load %arg14[%get3A_1189, %get3A_1190] {strides = array<i32>} : memref<512x64xf32, #tpu.memory_space<vmem>>, vector<16xf32>,
      %mul3A_1192 = arith.mulf %get3A_1183, %get3A_1191 : vector<16xf32>
      %add3A_1193 = arith.addf %add3A_1180, %mul3A_1192 : vector<16xf32>
      %broadcast_in_dim3A_1194 = arith.constant true
      %broadcast_in_dim3A_1195 = vector.broadcast %broadcast_in_dim3A_1194 : i1 to vector<16xi1>
      %masked_cumsum3A_1196 = tpu.scan <sum>, %add3A_1188 masked %broadcast_in_dim3A_1195 : vector<16xf32>, vector<16xi1> -> vector<16xf32>
      %swap3A_1197 = arith.constant 13 : i32
      %swap3A_1198 = arith.index_cast %swap3A_1197 : i32 to index
      %swap3A_1199 = arith.constant 0 : index
      %swap3A_1200 = tpu.vector_load %arg16[%swap3A_1198, %swap3A_1199] {strides = array<i32>} : memref<16x17xf32, #tpu.memory_space<vmem>>, vector<16xf32>,
      tpu.vector_store %arg16[%swap3A_1198, %swap3A_1199], %masked_cumsum3A_1196 {strides = array<i32>} : memref<16x17xf32, #tpu.memory_space<vmem>>, vector<16xf32>,
      %broadcast_in_dim3A_1201 = arith.constant true
      %broadcast_in_dim3A_1202 = vector.broadcast %broadcast_in_dim3A_1201 : i1 to vector<16xi1>
      %masked_cumsum3A_1203 = tpu.scan <sum>, %add3A_1193 masked %broadcast_in_dim3A_1202 : vector<16xf32>, vector<16xi1> -> vector<16xf32>
      %swap3A_1204 = arith.constant 13 : i32
      %swap3A_1205 = arith.index_cast %swap3A_1204 : i32 to index
      %swap3A_1206 = arith.constant 0 : index
      %swap3A_1207 = tpu.vector_load %arg17[%swap3A_1205, %swap3A_1206] {strides = array<i32>} : memref<16x17xf32, #tpu.memory_space<vmem>>, vector<16xf32>,
      tpu.vector_store %arg17[%swap3A_1205, %swap3A_1206], %masked_cumsum3A_1203 {strides = array<i32>} : memref<16x17xf32, #tpu.memory_space<vmem>>, vector<16xf32>,
      %add3A_1208 = arith.constant 14 : i32
      %add3A_1209 = arith.addi %multiple_of3A, %add3A_1208 : i32
      %get3A_1210 = arith.index_cast %add3A_1209 : i32 to index
      %get3A_1211 = arith.constant 0 : index
      %get3A_1212 = tpu.vector_load %arg12[%get3A_1210, %get3A_1211] {strides = array<i32>} : memref<512x64xf32, #tpu.memory_space<vmem>>, vector<16xf32>,
      %get3A_1213 = arith.index_cast %add3A_1209 : i32 to index
      %get3A_1214 = arith.constant 0 : index
      %get3A_1215 = tpu.vector_load %arg13[%get3A_1213, %get3A_1214] {strides = array<i32>} : memref<512x64xf32, #tpu.memory_space<vmem>>, vector<16xf32>,
      %mul3A_1216 = arith.mulf %get3A_1212, %get3A_1215 : vector<16xf32>
      %add3A_1217 = arith.addf %broadcast_in_dim3A_245, %mul3A_1216 : vector<16xf32>
      %get3A_1218 = arith.index_cast %add3A_1209 : i32 to index
      %get3A_1219 = arith.constant 0 : index
      %get3A_1220 = tpu.vector_load %arg14[%get3A_1218, %get3A_1219] {strides = array<i32>} : memref<512x64xf32, #tpu.memory_space<vmem>>, vector<16xf32>,
      %mul3A_1221 = arith.mulf %get3A_1212, %get3A_1220 : vector<16xf32>
      %add3A_1222 = arith.addf %broadcast_in_dim3A_245, %mul3A_1221 : vector<16xf32>
      %get3A_1223 = arith.index_cast %add3A_1209 : i32 to index
      %get3A_1224 = arith.constant 16 : index
      %get3A_1225 = tpu.vector_load %arg12[%get3A_1223, %get3A_1224] {strides = array<i32>} : memref<512x64xf32, #tpu.memory_space<vmem>>, vector<16xf32>,
      %get3A_1226 = arith.index_cast %add3A_1209 : i32 to index
      %get3A_1227 = arith.constant 16 : index
      %get3A_1228 = tpu.vector_load %arg13[%get3A_1226, %get3A_1227] {strides = array<i32>} : memref<512x64xf32, #tpu.memory_space<vmem>>, vector<16xf32>,
      %mul3A_1229 = arith.mulf %get3A_1225, %get3A_1228 : vector<16xf32>
      %add3A_1230 = arith.addf %add3A_1217, %mul3A_1229 : vector<16xf32>
      %get3A_1231 = arith.index_cast %add3A_1209 : i32 to index
      %get3A_1232 = arith.constant 16 : index
      %get3A_1233 = tpu.vector_load %arg14[%get3A_1231, %get3A_1232] {strides = array<i32>} : memref<512x64xf32, #tpu.memory_space<vmem>>, vector<16xf32>,
      %mul3A_1234 = arith.mulf %get3A_1225, %get3A_1233 : vector<16xf32>
      %add3A_1235 = arith.addf %add3A_1222, %mul3A_1234 : vector<16xf32>
      %get3A_1236 = arith.index_cast %add3A_1209 : i32 to index
      %get3A_1237 = arith.constant 32 : index
      %get3A_1238 = tpu.vector_load %arg12[%get3A_1236, %get3A_1237] {strides = array<i32>} : memref<512x64xf32, #tpu.memory_space<vmem>>, vector<16xf32>,
      %get3A_1239 = arith.index_cast %add3A_1209 : i32 to index
      %get3A_1240 = arith.constant 32 : index
      %get3A_1241 = tpu.vector_load %arg13[%get3A_1239, %get3A_1240] {strides = array<i32>} : memref<512x64xf32, #tpu.memory_space<vmem>>, vector<16xf32>,
      %mul3A_1242 = arith.mulf %get3A_1238, %get3A_1241 : vector<16xf32>
      %add3A_1243 = arith.addf %add3A_1230, %mul3A_1242 : vector<16xf32>
      %get3A_1244 = arith.index_cast %add3A_1209 : i32 to index
      %get3A_1245 = arith.constant 32 : index
      %get3A_1246 = tpu.vector_load %arg14[%get3A_1244, %get3A_1245] {strides = array<i32>} : memref<512x64xf32, #tpu.memory_space<vmem>>, vector<16xf32>,
      %mul3A_1247 = arith.mulf %get3A_1238, %get3A_1246 : vector<16xf32>
      %add3A_1248 = arith.addf %add3A_1235, %mul3A_1247 : vector<16xf32>
      %get3A_1249 = arith.index_cast %add3A_1209 : i32 to index
      %get3A_1250 = arith.constant 48 : index
      %get3A_1251 = tpu.vector_load %arg12[%get3A_1249, %get3A_1250] {strides = array<i32>} : memref<512x64xf32, #tpu.memory_space<vmem>>, vector<16xf32>,
      %get3A_1252 = arith.index_cast %add3A_1209 : i32 to index
      %get3A_1253 = arith.constant 48 : index
      %get3A_1254 = tpu.vector_load %arg13[%get3A_1252, %get3A_1253] {strides = array<i32>} : memref<512x64xf32, #tpu.memory_space<vmem>>, vector<16xf32>,
      %mul3A_1255 = arith.mulf %get3A_1251, %get3A_1254 : vector<16xf32>
      %add3A_1256 = arith.addf %add3A_1243, %mul3A_1255 : vector<16xf32>
      %get3A_1257 = arith.index_cast %add3A_1209 : i32 to index
      %get3A_1258 = arith.constant 48 : index
      %get3A_1259 = tpu.vector_load %arg14[%get3A_1257, %get3A_1258] {strides = array<i32>} : memref<512x64xf32, #tpu.memory_space<vmem>>, vector<16xf32>,
      %mul3A_1260 = arith.mulf %get3A_1251, %get3A_1259 : vector<16xf32>
      %add3A_1261 = arith.addf %add3A_1248, %mul3A_1260 : vector<16xf32>
      %broadcast_in_dim3A_1262 = arith.constant true
      %broadcast_in_dim3A_1263 = vector.broadcast %broadcast_in_dim3A_1262 : i1 to vector<16xi1>
      %masked_cumsum3A_1264 = tpu.scan <sum>, %add3A_1256 masked %broadcast_in_dim3A_1263 : vector<16xf32>, vector<16xi1> -> vector<16xf32>
      %swap3A_1265 = arith.constant 14 : i32
      %swap3A_1266 = arith.index_cast %swap3A_1265 : i32 to index
      %swap3A_1267 = arith.constant 0 : index
      %swap3A_1268 = tpu.vector_load %arg16[%swap3A_1266, %swap3A_1267] {strides = array<i32>} : memref<16x17xf32, #tpu.memory_space<vmem>>, vector<16xf32>,
      tpu.vector_store %arg16[%swap3A_1266, %swap3A_1267], %masked_cumsum3A_1264 {strides = array<i32>} : memref<16x17xf32, #tpu.memory_space<vmem>>, vector<16xf32>,
      %broadcast_in_dim3A_1269 = arith.constant true
      %broadcast_in_dim3A_1270 = vector.broadcast %broadcast_in_dim3A_1269 : i1 to vector<16xi1>
      %masked_cumsum3A_1271 = tpu.scan <sum>, %add3A_1261 masked %broadcast_in_dim3A_1270 : vector<16xf32>, vector<16xi1> -> vector<16xf32>
      %swap3A_1272 = arith.constant 14 : i32
      %swap3A_1273 = arith.index_cast %swap3A_1272 : i32 to index
      %swap3A_1274 = arith.constant 0 : index
      %swap3A_1275 = tpu.vector_load %arg17[%swap3A_1273, %swap3A_1274] {strides = array<i32>} : memref<16x17xf32, #tpu.memory_space<vmem>>, vector<16xf32>,
      tpu.vector_store %arg17[%swap3A_1273, %swap3A_1274], %masked_cumsum3A_1271 {strides = array<i32>} : memref<16x17xf32, #tpu.memory_space<vmem>>, vector<16xf32>,
      %add3A_1276 = arith.constant 15 : i32
      %add3A_1277 = arith.addi %multiple_of3A, %add3A_1276 : i32
      %get3A_1278 = arith.index_cast %add3A_1277 : i32 to index
      %get3A_1279 = arith.constant 0 : index
      %get3A_1280 = tpu.vector_load %arg12[%get3A_1278, %get3A_1279] {strides = array<i32>} : memref<512x64xf32, #tpu.memory_space<vmem>>, vector<16xf32>,
      %get3A_1281 = arith.index_cast %add3A_1277 : i32 to index
      %get3A_1282 = arith.constant 0 : index
      %get3A_1283 = tpu.vector_load %arg13[%get3A_1281, %get3A_1282] {strides = array<i32>} : memref<512x64xf32, #tpu.memory_space<vmem>>, vector<16xf32>,
      %mul3A_1284 = arith.mulf %get3A_1280, %get3A_1283 : vector<16xf32>
      %add3A_1285 = arith.addf %broadcast_in_dim3A_245, %mul3A_1284 : vector<16xf32>
      %get3A_1286 = arith.index_cast %add3A_1277 : i32 to index
      %get3A_1287 = arith.constant 0 : index
      %get3A_1288 = tpu.vector_load %arg14[%get3A_1286, %get3A_1287] {strides = array<i32>} : memref<512x64xf32, #tpu.memory_space<vmem>>, vector<16xf32>,
      %mul3A_1289 = arith.mulf %get3A_1280, %get3A_1288 : vector<16xf32>
      %add3A_1290 = arith.addf %broadcast_in_dim3A_245, %mul3A_1289 : vector<16xf32>
      %get3A_1291 = arith.index_cast %add3A_1277 : i32 to index
      %get3A_1292 = arith.constant 16 : index
      %get3A_1293 = tpu.vector_load %arg12[%get3A_1291, %get3A_1292] {strides = array<i32>} : memref<512x64xf32, #tpu.memory_space<vmem>>, vector<16xf32>,
      %get3A_1294 = arith.index_cast %add3A_1277 : i32 to index
      %get3A_1295 = arith.constant 16 : index
      %get3A_1296 = tpu.vector_load %arg13[%get3A_1294, %get3A_1295] {strides = array<i32>} : memref<512x64xf32, #tpu.memory_space<vmem>>, vector<16xf32>,
      %mul3A_1297 = arith.mulf %get3A_1293, %get3A_1296 : vector<16xf32>
      %add3A_1298 = arith.addf %add3A_1285, %mul3A_1297 : vector<16xf32>
      %get3A_1299 = arith.index_cast %add3A_1277 : i32 to index
      %get3A_1300 = arith.constant 16 : index
      %get3A_1301 = tpu.vector_load %arg14[%get3A_1299, %get3A_1300] {strides = array<i32>} : memref<512x64xf32, #tpu.memory_space<vmem>>, vector<16xf32>,
      %mul3A_1302 = arith.mulf %get3A_1293, %get3A_1301 : vector<16xf32>
      %add3A_1303 = arith.addf %add3A_1290, %mul3A_1302 : vector<16xf32>
      %get3A_1304 = arith.index_cast %add3A_1277 : i32 to index
      %get3A_1305 = arith.constant 32 : index
      %get3A_1306 = tpu.vector_load %arg12[%get3A_1304, %get3A_1305] {strides = array<i32>} : memref<512x64xf32, #tpu.memory_space<vmem>>, vector<16xf32>,
      %get3A_1307 = arith.index_cast %add3A_1277 : i32 to index
      %get3A_1308 = arith.constant 32 : index
      %get3A_1309 = tpu.vector_load %arg13[%get3A_1307, %get3A_1308] {strides = array<i32>} : memref<512x64xf32, #tpu.memory_space<vmem>>, vector<16xf32>,
      %mul3A_1310 = arith.mulf %get3A_1306, %get3A_1309 : vector<16xf32>
      %add3A_1311 = arith.addf %add3A_1298, %mul3A_1310 : vector<16xf32>
      %get3A_1312 = arith.index_cast %add3A_1277 : i32 to index
      %get3A_1313 = arith.constant 32 : index
      %get3A_1314 = tpu.vector_load %arg14[%get3A_1312, %get3A_1313] {strides = array<i32>} : memref<512x64xf32, #tpu.memory_space<vmem>>, vector<16xf32>,
      %mul3A_1315 = arith.mulf %get3A_1306, %get3A_1314 : vector<16xf32>
      %add3A_1316 = arith.addf %add3A_1303, %mul3A_1315 : vector<16xf32>
      %get3A_1317 = arith.index_cast %add3A_1277 : i32 to index
      %get3A_1318 = arith.constant 48 : index
      %get3A_1319 = tpu.vector_load %arg12[%get3A_1317, %get3A_1318] {strides = array<i32>} : memref<512x64xf32, #tpu.memory_space<vmem>>, vector<16xf32>,
      %get3A_1320 = arith.index_cast %add3A_1277 : i32 to index
      %get3A_1321 = arith.constant 48 : index
      %get3A_1322 = tpu.vector_load %arg13[%get3A_1320, %get3A_1321] {strides = array<i32>} : memref<512x64xf32, #tpu.memory_space<vmem>>, vector<16xf32>,
      %mul3A_1323 = arith.mulf %get3A_1319, %get3A_1322 : vector<16xf32>
      %add3A_1324 = arith.addf %add3A_1311, %mul3A_1323 : vector<16xf32>
      %get3A_1325 = arith.index_cast %add3A_1277 : i32 to index
      %get3A_1326 = arith.constant 48 : index
      %get3A_1327 = tpu.vector_load %arg14[%get3A_1325, %get3A_1326] {strides = array<i32>} : memref<512x64xf32, #tpu.memory_space<vmem>>, vector<16xf32>,
      %mul3A_1328 = arith.mulf %get3A_1319, %get3A_1327 : vector<16xf32>
      %add3A_1329 = arith.addf %add3A_1316, %mul3A_1328 : vector<16xf32>
      %broadcast_in_dim3A_1330 = arith.constant true
      %broadcast_in_dim3A_1331 = vector.broadcast %broadcast_in_dim3A_1330 : i1 to vector<16xi1>
      %masked_cumsum3A_1332 = tpu.scan <sum>, %add3A_1324 masked %broadcast_in_dim3A_1331 : vector<16xf32>, vector<16xi1> -> vector<16xf32>
      %swap3A_1333 = arith.constant 15 : i32
      %swap3A_1334 = arith.index_cast %swap3A_1333 : i32 to index
      %swap3A_1335 = arith.constant 0 : index
      %swap3A_1336 = tpu.vector_load %arg16[%swap3A_1334, %swap3A_1335] {strides = array<i32>} : memref<16x17xf32, #tpu.memory_space<vmem>>, vector<16xf32>,
      tpu.vector_store %arg16[%swap3A_1334, %swap3A_1335], %masked_cumsum3A_1332 {strides = array<i32>} : memref<16x17xf32, #tpu.memory_space<vmem>>, vector<16xf32>,
      %broadcast_in_dim3A_1337 = arith.constant true
      %broadcast_in_dim3A_1338 = vector.broadcast %broadcast_in_dim3A_1337 : i1 to vector<16xi1>
      %masked_cumsum3A_1339 = tpu.scan <sum>, %add3A_1329 masked %broadcast_in_dim3A_1338 : vector<16xf32>, vector<16xi1> -> vector<16xf32>
      %swap3A_1340 = arith.constant 15 : i32
      %swap3A_1341 = arith.index_cast %swap3A_1340 : i32 to index
      %swap3A_1342 = arith.constant 0 : index
      %swap3A_1343 = tpu.vector_load %arg17[%swap3A_1341, %swap3A_1342] {strides = array<i32>} : memref<16x17xf32, #tpu.memory_space<vmem>>, vector<16xf32>,
      tpu.vector_store %arg17[%swap3A_1341, %swap3A_1342], %masked_cumsum3A_1339 {strides = array<i32>} : memref<16x17xf32, #tpu.memory_space<vmem>>, vector<16xf32>,
      %gather3A = tpu.vector_load_idx %arg16[%iota3A, %broadcast_in_dim3A_247] : memref<16x17xf32, #tpu.memory_space<vmem>>[vector<16xi32>, vector<16xi32>], vector<16xf32>,
      %gather3A_1344 = tpu.vector_load_idx %arg17[%iota3A, %broadcast_in_dim3A_247] : memref<16x17xf32, #tpu.memory_space<vmem>>[vector<16xi32>, vector<16xi32>], vector<16xf32>,
      %neg3A = arith.constant 0.000000e+00 : f32
      %neg3A_1345 = vector.broadcast %neg3A : f32 to vector<16xf32>
      %neg3A_1346 = arith.subf %neg3A_1345, %gather3A : vector<16xf32>
      %exp3A = math.exp %neg3A_1346 : vector<16xf32>
      %add3A_1347 = arith.constant 1.000000e+00 : f32
      %add3A_1348 = vector.broadcast %add3A_1347 : f32 to vector<16xf32>
      %add3A_1349 = arith.addf %add3A_1348, %exp3A : vector<16xf32>
      %div3A = arith.constant 1.000000e+00 : f32
      %div3A_1350 = vector.broadcast %div3A : f32 to vector<16xf32>
      %div3A_1351 = arith.divf %div3A_1350, %add3A_1349 : vector<16xf32>
      %neg3A_1352 = arith.constant 0.000000e+00 : f32
      %neg3A_1353 = vector.broadcast %neg3A_1352 : f32 to vector<16xf32>
      %neg3A_1354 = arith.subf %neg3A_1353, %gather3A_1344 : vector<16xf32>
      %exp3A_1355 = math.exp %neg3A_1354 : vector<16xf32>
      %add3A_1356 = arith.constant 1.000000e+00 : f32
      %add3A_1357 = vector.broadcast %add3A_1356 : f32 to vector<16xf32>
      %add3A_1358 = arith.addf %add3A_1357, %exp3A_1355 : vector<16xf32>
      %div3A_1359 = arith.constant 1.000000e+00 : f32
      %div3A_1360 = vector.broadcast %div3A_1359 : f32 to vector<16xf32>
      %div3A_1361 = arith.divf %div3A_1360, %add3A_1358 : vector<16xf32>
      %get3A_1362 = arith.index_cast %multiple_of3A : i32 to index
      %get3A_1363 = tpu.vector_load %arg15[%get3A_1362] {strides = array<i32>} : memref<1024xf32, #tpu.memory_space<vmem>>, vector<16xf32>,
      %neg3A_1364 = arith.constant 0.000000e+00 : f32
      %neg3A_1365 = vector.broadcast %neg3A_1364 : f32 to vector<16xf32>
      %neg3A_1366 = arith.subf %neg3A_1365, %get3A_1363 : vector<16xf32>
      %exp3A_1367 = math.exp %neg3A_1366 : vector<16xf32>
      %add3A_1368 = arith.constant 1.000000e+00 : f32
      %add3A_1369 = vector.broadcast %add3A_1368 : f32 to vector<16xf32>
      %add3A_1370 = arith.addf %add3A_1369, %exp3A_1367 : vector<16xf32>
      %div3A_1371 = arith.constant 1.000000e+00 : f32
      %div3A_1372 = vector.broadcast %div3A_1371 : f32 to vector<16xf32>
      %div3A_1373 = arith.divf %div3A_1372, %add3A_1370 : vector<16xf32>
      %add3A_1374 = arith.constant 512 : i32
      %add3A_1375 = arith.addi %add3A_1374, %multiple_of3A : i32
      %get3A_1376 = arith.index_cast %add3A_1375 : i32 to index
      %get3A_1377 = tpu.vector_load %arg15[%get3A_1376] {strides = array<i32>} : memref<1024xf32, #tpu.memory_space<vmem>>, vector<16xf32>,
      %neg3A_1378 = arith.constant 0.000000e+00 : f32
      %neg3A_1379 = vector.broadcast %neg3A_1378 : f32 to vector<16xf32>
      %neg3A_1380 = arith.subf %neg3A_1379, %get3A_1377 : vector<16xf32>
      %exp3A_1381 = math.exp %neg3A_1380 : vector<16xf32>
      %add3A_1382 = arith.constant 1.000000e+00 : f32
      %add3A_1383 = vector.broadcast %add3A_1382 : f32 to vector<16xf32>
      %add3A_1384 = arith.addf %add3A_1383, %exp3A_1381 : vector<16xf32>
      %div3A_1385 = arith.constant 1.000000e+00 : f32
      %div3A_1386 = vector.broadcast %div3A_1385 : f32 to vector<16xf32>
      %div3A_1387 = arith.divf %div3A_1386, %add3A_1384 : vector<16xf32>
      %sub3A = arith.constant 1.000000e+00 : f32
      %sub3A_1388 = vector.broadcast %sub3A : f32 to vector<16xf32>
      %sub3A_1389 = arith.subf %div3A_1351, %sub3A_1388 : vector<16xf32>
      %mul3A_1390 = arith.mulf %sub3A_1389, %sub3A_1389 : vector<16xf32>
      %mul3A_1391 = arith.mulf %div3A_1373, %mul3A_1390 : vector<16xf32>
      %mul3A_1392 = arith.mulf %div3A_1361, %div3A_1361 : vector<16xf32>
      %mul3A_1393 = arith.mulf %div3A_1387, %mul3A_1392 : vector<16xf32>
      %add3A_1394 = arith.addf %mul3A_1391, %mul3A_1393 : vector<16xf32>
      %sub3A_1395 = arith.constant 1.000000e+00 : f32
      %sub3A_1396 = vector.broadcast %sub3A_1395 : f32 to vector<16xf32>
      %sub3A_1397 = arith.subf %sub3A_1396, %div3A_1373 : vector<16xf32>
      %mul3A_1398 = arith.constant 0.0999979972 : f32
      %mul3A_1399 = vector.broadcast %mul3A_1398 : f32 to vector<16xf32>
      %mul3A_1400 = arith.mulf %mul3A_1399, %sub3A_1397 : vector<16xf32>
      %add3A_1401 = arith.addf %add3A_1394, %mul3A_1400 : vector<16xf32>
      %sub3A_1402 = arith.constant 1.000000e+00 : f32
      %sub3A_1403 = vector.broadcast %sub3A_1402 : f32 to vector<16xf32>
      %sub3A_1404 = arith.subf %sub3A_1403, %div3A_1387 : vector<16xf32>
      %mul3A_1405 = arith.constant 9.99999996E-12 : f32
      %mul3A_1406 = vector.broadcast %mul3A_1405 : f32 to vector<16xf32>
      %mul3A_1407 = arith.mulf %mul3A_1406, %sub3A_1404 : vector<16xf32>
      %add3A_1408 = arith.addf %add3A_1401, %mul3A_1407 : vector<16xf32>
      %add3A_1409 = arith.addf %scan3A_255, %add3A_1408 : vector<16xf32>
      scf.yield %add3A_1409 : vector<16xf32>
    }
    %scan3A_252 = arith.constant 32 : i32
    %swap3A = arith.constant 0 : index
    %swap3A_253 = tpu.vector_load %arg18[%swap3A] {strides = array<i32>} : memref<16xf32, #tpu.memory_space<vmem>>, vector<16xf32>,
    tpu.vector_store %arg18[%swap3A], %scan3A_251 {strides = array<i32>} : memref<16xf32, #tpu.memory_space<vmem>>, vector<16xf32>,
    "tpu.region"() ({
      %run_scoped3A = tpu.sem_alloc : memref<!tpu.dma_semaphore, #tpu.memory_space<semaphore_mem>>
      %dma_start3A_254 = arith.constant 0 : i32
      %dma_start3A_255 = tpu.memref_slice %arg8[%add3A, %dma_start3A_254] : memref<32x16xf32, #tpu.memory_space<hbm>> -> memref<1x16xf32, #tpu.memory_space<hbm>>
      %dma_start3A_256 = tpu.memref_squeeze %dma_start3A_255 : memref<1x16xf32, #tpu.memory_space<hbm>> -> memref<16xf32, #tpu.memory_space<hbm>>
      %dma_start3A_257 = arith.constant 0 : i32
      %dma_start3A_258 = tpu.memref_slice %arg8[%add3A, %dma_start3A_257] : memref<32x16xf32, #tpu.memory_space<hbm>> -> memref<1x16xf32, #tpu.memory_space<hbm>>
      %dma_start3A_259 = tpu.memref_squeeze %dma_start3A_258 : memref<1x16xf32, #tpu.memory_space<hbm>> -> memref<16xf32, #tpu.memory_space<hbm>>
      tpu.enqueue_dma source(%arg18 : memref<16xf32, #tpu.memory_space<vmem>>) target(%dma_start3A_259 : memref<16xf32, #tpu.memory_space<hbm>>) target_semaphore(%run_scoped3A : memref<!tpu.dma_semaphore, #tpu.memory_space<semaphore_mem>>)
      %dma_wait3A_260 = arith.constant 0 : i32
      %dma_wait3A_261 = tpu.memref_slice %arg8[%add3A, %dma_wait3A_260] : memref<32x16xf32, #tpu.memory_space<hbm>> -> memref<1x16xf32, #tpu.memory_space<hbm>>
      %dma_wait3A_262 = tpu.memref_squeeze %dma_wait3A_261 : memref<1x16xf32, #tpu.memory_space<hbm>> -> memref<16xf32, #tpu.memory_space<hbm>>
      %dma_wait3A_263 = arith.constant 0 : i32
      %dma_wait3A_264 = tpu.memref_slice %arg8[%add3A, %dma_wait3A_263] : memref<32x16xf32, #tpu.memory_space<hbm>> -> memref<1x16xf32, #tpu.memory_space<hbm>>
      %dma_wait3A_265 = tpu.memref_squeeze %dma_wait3A_264 : memref<1x16xf32, #tpu.memory_space<hbm>> -> memref<16xf32, #tpu.memory_space<hbm>>
      tpu.wait_dma2 semaphore(%run_scoped3A : memref<!tpu.dma_semaphore, #tpu.memory_space<semaphore_mem>>) src(%arg18 : memref<16xf32, #tpu.memory_space<vmem>>) dst(%dma_wait3A_265 : memref<16xf32, #tpu.memory_space<hbm>>)
      tpu.yield
    }) : () -> ()
    return
  }
}

#map = affine_map<(d0, d1) -> (0, 0)>
#map1 = affine_map<(d0, d1) -> (0)>
module attributes {stable_mosaic.version = 14 : i64} {
  func.func @_gamma_body(%arg0: i32, %arg1: i32, %arg2: memref<128x128xi32, #tpu.memory_space<hbm>>, %arg3: memref<128x128xi32, #tpu.memory_space<hbm>>, %arg4: memref<128x128xi32, #tpu.memory_space<hbm>>, %arg5: memref<10000x10000xf32, #tpu.memory_space<hbm>>, %arg6: memref<32768xf32, #tpu.memory_space<hbm>>, %arg7: memref<4x128xi32, #tpu.memory_space<vmem>>, %arg8: memref<4x128xi32, #tpu.memory_space<vmem>>, %arg9: memref<4x128xi32, #tpu.memory_space<vmem>>, %arg10: memref<4096xi32, #tpu.memory_space<vmem>>, %arg11: memref<512xi32, #tpu.memory_space<vmem>>, %arg12: memref<512xi32, #tpu.memory_space<vmem>>, %arg13: memref<512x128xf32, #tpu.memory_space<vmem>>, %arg14: memref<1024xf32, #tpu.memory_space<vmem>>, %arg15: memref<!tpu.dma_semaphore, #tpu.memory_space<semaphore_mem>>) attributes {dimension_semantics = [#tpu.dimension_semantics<core_parallel>, #tpu.dimension_semantics<subcore_parallel>], iteration_bounds = array<i64: 2, 16>, scalar_prefetch = 0 : i64, scratch_operands = 9 : i64, tpu.core_type = #tpu.core_type<sc_vector_subcore>, window_params = [{transform_indices = #map}, {transform_indices = #map}, {transform_indices = #map}, {transform_indices = #map}, {transform_indices = #map1}]} {
    %mul3A = arith.constant 2 : i32
    %mul3A_0 = arith.muli %arg1, %mul3A : i32
    %add3A = arith.addi %mul3A_0, %arg0 : i32
    %mul3A_1 = arith.constant 4 : i32
    %mul3A_2 = arith.muli %add3A, %mul3A_1 : i32
    "tpu.region"() ({
      %run_scoped3A = tpu.sem_alloc : memref<!tpu.dma_semaphore, #tpu.memory_space<semaphore_mem>>
      %dma_start3A = arith.constant 0 : i32
      %dma_start3A_1439 = tpu.memref_slice %arg2[%mul3A_2, %dma_start3A] : memref<128x128xi32, #tpu.memory_space<hbm>> -> memref<4x128xi32, #tpu.memory_space<hbm>>
      %dma_start3A_1440 = arith.constant 0 : i32
      %dma_start3A_1441 = tpu.memref_slice %arg2[%mul3A_2, %dma_start3A_1440] : memref<128x128xi32, #tpu.memory_space<hbm>> -> memref<4x128xi32, #tpu.memory_space<hbm>>
      tpu.enqueue_dma source(%dma_start3A_1441 : memref<4x128xi32, #tpu.memory_space<hbm>>) target(%arg7 : memref<4x128xi32, #tpu.memory_space<vmem>>) target_semaphore(%run_scoped3A : memref<!tpu.dma_semaphore, #tpu.memory_space<semaphore_mem>>)
      %dma_wait3A_1442 = arith.constant 0 : i32
      %dma_wait3A_1443 = tpu.memref_slice %arg2[%mul3A_2, %dma_wait3A_1442] : memref<128x128xi32, #tpu.memory_space<hbm>> -> memref<4x128xi32, #tpu.memory_space<hbm>>
      %dma_wait3A_1444 = arith.constant 0 : i32
      %dma_wait3A_1445 = tpu.memref_slice %arg2[%mul3A_2, %dma_wait3A_1444] : memref<128x128xi32, #tpu.memory_space<hbm>> -> memref<4x128xi32, #tpu.memory_space<hbm>>
      tpu.wait_dma2 semaphore(%run_scoped3A : memref<!tpu.dma_semaphore, #tpu.memory_space<semaphore_mem>>) src(%dma_wait3A_1445 : memref<4x128xi32, #tpu.memory_space<hbm>>) dst(%arg7 : memref<4x128xi32, #tpu.memory_space<vmem>>)
      tpu.yield
    }) : () -> ()
    "tpu.region"() ({
      %run_scoped3A = tpu.sem_alloc : memref<!tpu.dma_semaphore, #tpu.memory_space<semaphore_mem>>
      %dma_start3A = arith.constant 0 : i32
      %dma_start3A_1439 = tpu.memref_slice %arg3[%mul3A_2, %dma_start3A] : memref<128x128xi32, #tpu.memory_space<hbm>> -> memref<4x128xi32, #tpu.memory_space<hbm>>
      %dma_start3A_1440 = arith.constant 0 : i32
      %dma_start3A_1441 = tpu.memref_slice %arg3[%mul3A_2, %dma_start3A_1440] : memref<128x128xi32, #tpu.memory_space<hbm>> -> memref<4x128xi32, #tpu.memory_space<hbm>>
      tpu.enqueue_dma source(%dma_start3A_1441 : memref<4x128xi32, #tpu.memory_space<hbm>>) target(%arg8 : memref<4x128xi32, #tpu.memory_space<vmem>>) target_semaphore(%run_scoped3A : memref<!tpu.dma_semaphore, #tpu.memory_space<semaphore_mem>>)
      %dma_wait3A_1442 = arith.constant 0 : i32
      %dma_wait3A_1443 = tpu.memref_slice %arg3[%mul3A_2, %dma_wait3A_1442] : memref<128x128xi32, #tpu.memory_space<hbm>> -> memref<4x128xi32, #tpu.memory_space<hbm>>
      %dma_wait3A_1444 = arith.constant 0 : i32
      %dma_wait3A_1445 = tpu.memref_slice %arg3[%mul3A_2, %dma_wait3A_1444] : memref<128x128xi32, #tpu.memory_space<hbm>> -> memref<4x128xi32, #tpu.memory_space<hbm>>
      tpu.wait_dma2 semaphore(%run_scoped3A : memref<!tpu.dma_semaphore, #tpu.memory_space<semaphore_mem>>) src(%dma_wait3A_1445 : memref<4x128xi32, #tpu.memory_space<hbm>>) dst(%arg8 : memref<4x128xi32, #tpu.memory_space<vmem>>)
      tpu.yield
    }) : () -> ()
    "tpu.region"() ({
      %run_scoped3A = tpu.sem_alloc : memref<!tpu.dma_semaphore, #tpu.memory_space<semaphore_mem>>
      %dma_start3A = arith.constant 0 : i32
      %dma_start3A_1439 = tpu.memref_slice %arg4[%mul3A_2, %dma_start3A] : memref<128x128xi32, #tpu.memory_space<hbm>> -> memref<4x128xi32, #tpu.memory_space<hbm>>
      %dma_start3A_1440 = arith.constant 0 : i32
      %dma_start3A_1441 = tpu.memref_slice %arg4[%mul3A_2, %dma_start3A_1440] : memref<128x128xi32, #tpu.memory_space<hbm>> -> memref<4x128xi32, #tpu.memory_space<hbm>>
      tpu.enqueue_dma source(%dma_start3A_1441 : memref<4x128xi32, #tpu.memory_space<hbm>>) target(%arg9 : memref<4x128xi32, #tpu.memory_space<vmem>>) target_semaphore(%run_scoped3A : memref<!tpu.dma_semaphore, #tpu.memory_space<semaphore_mem>>)
      %dma_wait3A_1442 = arith.constant 0 : i32
      %dma_wait3A_1443 = tpu.memref_slice %arg4[%mul3A_2, %dma_wait3A_1442] : memref<128x128xi32, #tpu.memory_space<hbm>> -> memref<4x128xi32, #tpu.memory_space<hbm>>
      %dma_wait3A_1444 = arith.constant 0 : i32
      %dma_wait3A_1445 = tpu.memref_slice %arg4[%mul3A_2, %dma_wait3A_1444] : memref<128x128xi32, #tpu.memory_space<hbm>> -> memref<4x128xi32, #tpu.memory_space<hbm>>
      tpu.wait_dma2 semaphore(%run_scoped3A : memref<!tpu.dma_semaphore, #tpu.memory_space<semaphore_mem>>) src(%dma_wait3A_1445 : memref<4x128xi32, #tpu.memory_space<hbm>>) dst(%arg9 : memref<4x128xi32, #tpu.memory_space<vmem>>)
      tpu.yield
    }) : () -> ()
    %iota3A = tpu.iota {dimensions = array<i32: 0>} : vector<16xi32>
    %add3A_3 = arith.constant 0 : i32
    %add3A_4 = vector.broadcast %add3A_3 : i32 to vector<16xi32>
    %add3A_5 = arith.addi %add3A_4, %iota3A : vector<16xi32>
    %mul3A_6 = arith.constant 8 : i32
    %mul3A_7 = vector.broadcast %mul3A_6 : i32 to vector<16xi32>
    %mul3A_8 = arith.muli %add3A_5, %mul3A_7 : vector<16xi32>
    %get3A = arith.constant 0 : i32
    %get3A_9 = arith.index_cast %get3A : i32 to index
    %get3A_10 = arith.constant 0 : index
    %get3A_11 = tpu.vector_load %arg7[%get3A_9, %get3A_10] {strides = array<i32>} : memref<4x128xi32, #tpu.memory_space<vmem>>, vector<16xi32>,
    tpu.vector_store_idx %arg10[%mul3A_8], %get3A_11 : memref<4096xi32, #tpu.memory_space<vmem>>[vector<16xi32>], vector<16xi32>,
    %get3A_12 = arith.constant 0 : i32
    %get3A_13 = arith.index_cast %get3A_12 : i32 to index
    %get3A_14 = arith.constant 0 : index
    %get3A_15 = tpu.vector_load %arg8[%get3A_13, %get3A_14] {strides = array<i32>} : memref<4x128xi32, #tpu.memory_space<vmem>>, vector<16xi32>,
    %swap3A = arith.constant 0 : index
    %swap3A_16 = tpu.vector_load %arg11[%swap3A] {strides = array<i32>} : memref<512xi32, #tpu.memory_space<vmem>>, vector<16xi32>,
    tpu.vector_store %arg11[%swap3A], %get3A_15 {strides = array<i32>} : memref<512xi32, #tpu.memory_space<vmem>>, vector<16xi32>,
    %get3A_17 = arith.constant 0 : i32
    %get3A_18 = arith.index_cast %get3A_17 : i32 to index
    %get3A_19 = arith.constant 0 : index
    %get3A_20 = tpu.vector_load %arg9[%get3A_18, %get3A_19] {strides = array<i32>} : memref<4x128xi32, #tpu.memory_space<vmem>>, vector<16xi32>,
    %swap3A_21 = arith.constant 0 : index
    %swap3A_22 = tpu.vector_load %arg12[%swap3A_21] {strides = array<i32>} : memref<512xi32, #tpu.memory_space<vmem>>, vector<16xi32>,
    tpu.vector_store %arg12[%swap3A_21], %get3A_20 {strides = array<i32>} : memref<512xi32, #tpu.memory_space<vmem>>, vector<16xi32>,
    %add3A_23 = arith.constant 16 : i32
    %add3A_24 = vector.broadcast %add3A_23 : i32 to vector<16xi32>
    %add3A_25 = arith.addi %add3A_24, %iota3A : vector<16xi32>
    %mul3A_26 = arith.constant 8 : i32
    %mul3A_27 = vector.broadcast %mul3A_26 : i32 to vector<16xi32>
    %mul3A_28 = arith.muli %add3A_25, %mul3A_27 : vector<16xi32>
    %get3A_29 = arith.constant 0 : i32
    %get3A_30 = arith.index_cast %get3A_29 : i32 to index
    %get3A_31 = arith.constant 16 : index
    %get3A_32 = tpu.vector_load %arg7[%get3A_30, %get3A_31] {strides = array<i32>} : memref<4x128xi32, #tpu.memory_space<vmem>>, vector<16xi32>,
    tpu.vector_store_idx %arg10[%mul3A_28], %get3A_32 : memref<4096xi32, #tpu.memory_space<vmem>>[vector<16xi32>], vector<16xi32>,
    %get3A_33 = arith.constant 0 : i32
    %get3A_34 = arith.index_cast %get3A_33 : i32 to index
    %get3A_35 = arith.constant 16 : index
    %get3A_36 = tpu.vector_load %arg8[%get3A_34, %get3A_35] {strides = array<i32>} : memref<4x128xi32, #tpu.memory_space<vmem>>, vector<16xi32>,
    %swap3A_37 = arith.constant 16 : index
    %swap3A_38 = tpu.vector_load %arg11[%swap3A_37] {strides = array<i32>} : memref<512xi32, #tpu.memory_space<vmem>>, vector<16xi32>,
    tpu.vector_store %arg11[%swap3A_37], %get3A_36 {strides = array<i32>} : memref<512xi32, #tpu.memory_space<vmem>>, vector<16xi32>,
    %get3A_39 = arith.constant 0 : i32
    %get3A_40 = arith.index_cast %get3A_39 : i32 to index
    %get3A_41 = arith.constant 16 : index
    %get3A_42 = tpu.vector_load %arg9[%get3A_40, %get3A_41] {strides = array<i32>} : memref<4x128xi32, #tpu.memory_space<vmem>>, vector<16xi32>,
    %swap3A_43 = arith.constant 16 : index
    %swap3A_44 = tpu.vector_load %arg12[%swap3A_43] {strides = array<i32>} : memref<512xi32, #tpu.memory_space<vmem>>, vector<16xi32>,
    tpu.vector_store %arg12[%swap3A_43], %get3A_42 {strides = array<i32>} : memref<512xi32, #tpu.memory_space<vmem>>, vector<16xi32>,
    %add3A_45 = arith.constant 32 : i32
    %add3A_46 = vector.broadcast %add3A_45 : i32 to vector<16xi32>
    %add3A_47 = arith.addi %add3A_46, %iota3A : vector<16xi32>
    %mul3A_48 = arith.constant 8 : i32
    %mul3A_49 = vector.broadcast %mul3A_48 : i32 to vector<16xi32>
    %mul3A_50 = arith.muli %add3A_47, %mul3A_49 : vector<16xi32>
    %get3A_51 = arith.constant 0 : i32
    %get3A_52 = arith.index_cast %get3A_51 : i32 to index
    %get3A_53 = arith.constant 32 : index
    %get3A_54 = tpu.vector_load %arg7[%get3A_52, %get3A_53] {strides = array<i32>} : memref<4x128xi32, #tpu.memory_space<vmem>>, vector<16xi32>,
    tpu.vector_store_idx %arg10[%mul3A_50], %get3A_54 : memref<4096xi32, #tpu.memory_space<vmem>>[vector<16xi32>], vector<16xi32>,
    %get3A_55 = arith.constant 0 : i32
    %get3A_56 = arith.index_cast %get3A_55 : i32 to index
    %get3A_57 = arith.constant 32 : index
    %get3A_58 = tpu.vector_load %arg8[%get3A_56, %get3A_57] {strides = array<i32>} : memref<4x128xi32, #tpu.memory_space<vmem>>, vector<16xi32>,
    %swap3A_59 = arith.constant 32 : index
    %swap3A_60 = tpu.vector_load %arg11[%swap3A_59] {strides = array<i32>} : memref<512xi32, #tpu.memory_space<vmem>>, vector<16xi32>,
    tpu.vector_store %arg11[%swap3A_59], %get3A_58 {strides = array<i32>} : memref<512xi32, #tpu.memory_space<vmem>>, vector<16xi32>,
    %get3A_61 = arith.constant 0 : i32
    %get3A_62 = arith.index_cast %get3A_61 : i32 to index
    %get3A_63 = arith.constant 32 : index
    %get3A_64 = tpu.vector_load %arg9[%get3A_62, %get3A_63] {strides = array<i32>} : memref<4x128xi32, #tpu.memory_space<vmem>>, vector<16xi32>,
    %swap3A_65 = arith.constant 32 : index
    %swap3A_66 = tpu.vector_load %arg12[%swap3A_65] {strides = array<i32>} : memref<512xi32, #tpu.memory_space<vmem>>, vector<16xi32>,
    tpu.vector_store %arg12[%swap3A_65], %get3A_64 {strides = array<i32>} : memref<512xi32, #tpu.memory_space<vmem>>, vector<16xi32>,
    %add3A_67 = arith.constant 48 : i32
    %add3A_68 = vector.broadcast %add3A_67 : i32 to vector<16xi32>
    %add3A_69 = arith.addi %add3A_68, %iota3A : vector<16xi32>
    %mul3A_70 = arith.constant 8 : i32
    %mul3A_71 = vector.broadcast %mul3A_70 : i32 to vector<16xi32>
    %mul3A_72 = arith.muli %add3A_69, %mul3A_71 : vector<16xi32>
    %get3A_73 = arith.constant 0 : i32
    %get3A_74 = arith.index_cast %get3A_73 : i32 to index
    %get3A_75 = arith.constant 48 : index
    %get3A_76 = tpu.vector_load %arg7[%get3A_74, %get3A_75] {strides = array<i32>} : memref<4x128xi32, #tpu.memory_space<vmem>>, vector<16xi32>,
    tpu.vector_store_idx %arg10[%mul3A_72], %get3A_76 : memref<4096xi32, #tpu.memory_space<vmem>>[vector<16xi32>], vector<16xi32>,
    %get3A_77 = arith.constant 0 : i32
    %get3A_78 = arith.index_cast %get3A_77 : i32 to index
    %get3A_79 = arith.constant 48 : index
    %get3A_80 = tpu.vector_load %arg8[%get3A_78, %get3A_79] {strides = array<i32>} : memref<4x128xi32, #tpu.memory_space<vmem>>, vector<16xi32>,
    %swap3A_81 = arith.constant 48 : index
    %swap3A_82 = tpu.vector_load %arg11[%swap3A_81] {strides = array<i32>} : memref<512xi32, #tpu.memory_space<vmem>>, vector<16xi32>,
    tpu.vector_store %arg11[%swap3A_81], %get3A_80 {strides = array<i32>} : memref<512xi32, #tpu.memory_space<vmem>>, vector<16xi32>,
    %get3A_83 = arith.constant 0 : i32
    %get3A_84 = arith.index_cast %get3A_83 : i32 to index
    %get3A_85 = arith.constant 48 : index
    %get3A_86 = tpu.vector_load %arg9[%get3A_84, %get3A_85] {strides = array<i32>} : memref<4x128xi32, #tpu.memory_space<vmem>>, vector<16xi32>,
    %swap3A_87 = arith.constant 48 : index
    %swap3A_88 = tpu.vector_load %arg12[%swap3A_87] {strides = array<i32>} : memref<512xi32, #tpu.memory_space<vmem>>, vector<16xi32>,
    tpu.vector_store %arg12[%swap3A_87], %get3A_86 {strides = array<i32>} : memref<512xi32, #tpu.memory_space<vmem>>, vector<16xi32>,
    %add3A_89 = arith.constant 64 : i32
    %add3A_90 = vector.broadcast %add3A_89 : i32 to vector<16xi32>
    %add3A_91 = arith.addi %add3A_90, %iota3A : vector<16xi32>
    %mul3A_92 = arith.constant 8 : i32
    %mul3A_93 = vector.broadcast %mul3A_92 : i32 to vector<16xi32>
    %mul3A_94 = arith.muli %add3A_91, %mul3A_93 : vector<16xi32>
    %get3A_95 = arith.constant 0 : i32
    %get3A_96 = arith.index_cast %get3A_95 : i32 to index
    %get3A_97 = arith.constant 64 : index
    %get3A_98 = tpu.vector_load %arg7[%get3A_96, %get3A_97] {strides = array<i32>} : memref<4x128xi32, #tpu.memory_space<vmem>>, vector<16xi32>,
    tpu.vector_store_idx %arg10[%mul3A_94], %get3A_98 : memref<4096xi32, #tpu.memory_space<vmem>>[vector<16xi32>], vector<16xi32>,
    %get3A_99 = arith.constant 0 : i32
    %get3A_100 = arith.index_cast %get3A_99 : i32 to index
    %get3A_101 = arith.constant 64 : index
    %get3A_102 = tpu.vector_load %arg8[%get3A_100, %get3A_101] {strides = array<i32>} : memref<4x128xi32, #tpu.memory_space<vmem>>, vector<16xi32>,
    %swap3A_103 = arith.constant 64 : index
    %swap3A_104 = tpu.vector_load %arg11[%swap3A_103] {strides = array<i32>} : memref<512xi32, #tpu.memory_space<vmem>>, vector<16xi32>,
    tpu.vector_store %arg11[%swap3A_103], %get3A_102 {strides = array<i32>} : memref<512xi32, #tpu.memory_space<vmem>>, vector<16xi32>,
    %get3A_105 = arith.constant 0 : i32
    %get3A_106 = arith.index_cast %get3A_105 : i32 to index
    %get3A_107 = arith.constant 64 : index
    %get3A_108 = tpu.vector_load %arg9[%get3A_106, %get3A_107] {strides = array<i32>} : memref<4x128xi32, #tpu.memory_space<vmem>>, vector<16xi32>,
    %swap3A_109 = arith.constant 64 : index
    %swap3A_110 = tpu.vector_load %arg12[%swap3A_109] {strides = array<i32>} : memref<512xi32, #tpu.memory_space<vmem>>, vector<16xi32>,
    tpu.vector_store %arg12[%swap3A_109], %get3A_108 {strides = array<i32>} : memref<512xi32, #tpu.memory_space<vmem>>, vector<16xi32>,
    %add3A_111 = arith.constant 80 : i32
    %add3A_112 = vector.broadcast %add3A_111 : i32 to vector<16xi32>
    %add3A_113 = arith.addi %add3A_112, %iota3A : vector<16xi32>
    %mul3A_114 = arith.constant 8 : i32
    %mul3A_115 = vector.broadcast %mul3A_114 : i32 to vector<16xi32>
    %mul3A_116 = arith.muli %add3A_113, %mul3A_115 : vector<16xi32>
    %get3A_117 = arith.constant 0 : i32
    %get3A_118 = arith.index_cast %get3A_117 : i32 to index
    %get3A_119 = arith.constant 80 : index
    %get3A_120 = tpu.vector_load %arg7[%get3A_118, %get3A_119] {strides = array<i32>} : memref<4x128xi32, #tpu.memory_space<vmem>>, vector<16xi32>,
    tpu.vector_store_idx %arg10[%mul3A_116], %get3A_120 : memref<4096xi32, #tpu.memory_space<vmem>>[vector<16xi32>], vector<16xi32>,
    %get3A_121 = arith.constant 0 : i32
    %get3A_122 = arith.index_cast %get3A_121 : i32 to index
    %get3A_123 = arith.constant 80 : index
    %get3A_124 = tpu.vector_load %arg8[%get3A_122, %get3A_123] {strides = array<i32>} : memref<4x128xi32, #tpu.memory_space<vmem>>, vector<16xi32>,
    %swap3A_125 = arith.constant 80 : index
    %swap3A_126 = tpu.vector_load %arg11[%swap3A_125] {strides = array<i32>} : memref<512xi32, #tpu.memory_space<vmem>>, vector<16xi32>,
    tpu.vector_store %arg11[%swap3A_125], %get3A_124 {strides = array<i32>} : memref<512xi32, #tpu.memory_space<vmem>>, vector<16xi32>,
    %get3A_127 = arith.constant 0 : i32
    %get3A_128 = arith.index_cast %get3A_127 : i32 to index
    %get3A_129 = arith.constant 80 : index
    %get3A_130 = tpu.vector_load %arg9[%get3A_128, %get3A_129] {strides = array<i32>} : memref<4x128xi32, #tpu.memory_space<vmem>>, vector<16xi32>,
    %swap3A_131 = arith.constant 80 : index
    %swap3A_132 = tpu.vector_load %arg12[%swap3A_131] {strides = array<i32>} : memref<512xi32, #tpu.memory_space<vmem>>, vector<16xi32>,
    tpu.vector_store %arg12[%swap3A_131], %get3A_130 {strides = array<i32>} : memref<512xi32, #tpu.memory_space<vmem>>, vector<16xi32>,
    %add3A_133 = arith.constant 96 : i32
    %add3A_134 = vector.broadcast %add3A_133 : i32 to vector<16xi32>
    %add3A_135 = arith.addi %add3A_134, %iota3A : vector<16xi32>
    %mul3A_136 = arith.constant 8 : i32
    %mul3A_137 = vector.broadcast %mul3A_136 : i32 to vector<16xi32>
    %mul3A_138 = arith.muli %add3A_135, %mul3A_137 : vector<16xi32>
    %get3A_139 = arith.constant 0 : i32
    %get3A_140 = arith.index_cast %get3A_139 : i32 to index
    %get3A_141 = arith.constant 96 : index
    %get3A_142 = tpu.vector_load %arg7[%get3A_140, %get3A_141] {strides = array<i32>} : memref<4x128xi32, #tpu.memory_space<vmem>>, vector<16xi32>,
    tpu.vector_store_idx %arg10[%mul3A_138], %get3A_142 : memref<4096xi32, #tpu.memory_space<vmem>>[vector<16xi32>], vector<16xi32>,
    %get3A_143 = arith.constant 0 : i32
    %get3A_144 = arith.index_cast %get3A_143 : i32 to index
    %get3A_145 = arith.constant 96 : index
    %get3A_146 = tpu.vector_load %arg8[%get3A_144, %get3A_145] {strides = array<i32>} : memref<4x128xi32, #tpu.memory_space<vmem>>, vector<16xi32>,
    %swap3A_147 = arith.constant 96 : index
    %swap3A_148 = tpu.vector_load %arg11[%swap3A_147] {strides = array<i32>} : memref<512xi32, #tpu.memory_space<vmem>>, vector<16xi32>,
    tpu.vector_store %arg11[%swap3A_147], %get3A_146 {strides = array<i32>} : memref<512xi32, #tpu.memory_space<vmem>>, vector<16xi32>,
    %get3A_149 = arith.constant 0 : i32
    %get3A_150 = arith.index_cast %get3A_149 : i32 to index
    %get3A_151 = arith.constant 96 : index
    %get3A_152 = tpu.vector_load %arg9[%get3A_150, %get3A_151] {strides = array<i32>} : memref<4x128xi32, #tpu.memory_space<vmem>>, vector<16xi32>,
    %swap3A_153 = arith.constant 96 : index
    %swap3A_154 = tpu.vector_load %arg12[%swap3A_153] {strides = array<i32>} : memref<512xi32, #tpu.memory_space<vmem>>, vector<16xi32>,
    tpu.vector_store %arg12[%swap3A_153], %get3A_152 {strides = array<i32>} : memref<512xi32, #tpu.memory_space<vmem>>, vector<16xi32>,
    %add3A_155 = arith.constant 112 : i32
    %add3A_156 = vector.broadcast %add3A_155 : i32 to vector<16xi32>
    %add3A_157 = arith.addi %add3A_156, %iota3A : vector<16xi32>
    %mul3A_158 = arith.constant 8 : i32
    %mul3A_159 = vector.broadcast %mul3A_158 : i32 to vector<16xi32>
    %mul3A_160 = arith.muli %add3A_157, %mul3A_159 : vector<16xi32>
    %get3A_161 = arith.constant 0 : i32
    %get3A_162 = arith.index_cast %get3A_161 : i32 to index
    %get3A_163 = arith.constant 112 : index
    %get3A_164 = tpu.vector_load %arg7[%get3A_162, %get3A_163] {strides = array<i32>} : memref<4x128xi32, #tpu.memory_space<vmem>>, vector<16xi32>,
    tpu.vector_store_idx %arg10[%mul3A_160], %get3A_164 : memref<4096xi32, #tpu.memory_space<vmem>>[vector<16xi32>], vector<16xi32>,
    %get3A_165 = arith.constant 0 : i32
    %get3A_166 = arith.index_cast %get3A_165 : i32 to index
    %get3A_167 = arith.constant 112 : index
    %get3A_168 = tpu.vector_load %arg8[%get3A_166, %get3A_167] {strides = array<i32>} : memref<4x128xi32, #tpu.memory_space<vmem>>, vector<16xi32>,
    %swap3A_169 = arith.constant 112 : index
    %swap3A_170 = tpu.vector_load %arg11[%swap3A_169] {strides = array<i32>} : memref<512xi32, #tpu.memory_space<vmem>>, vector<16xi32>,
    tpu.vector_store %arg11[%swap3A_169], %get3A_168 {strides = array<i32>} : memref<512xi32, #tpu.memory_space<vmem>>, vector<16xi32>,
    %get3A_171 = arith.constant 0 : i32
    %get3A_172 = arith.index_cast %get3A_171 : i32 to index
    %get3A_173 = arith.constant 112 : index
    %get3A_174 = tpu.vector_load %arg9[%get3A_172, %get3A_173] {strides = array<i32>} : memref<4x128xi32, #tpu.memory_space<vmem>>, vector<16xi32>,
    %swap3A_175 = arith.constant 112 : index
    %swap3A_176 = tpu.vector_load %arg12[%swap3A_175] {strides = array<i32>} : memref<512xi32, #tpu.memory_space<vmem>>, vector<16xi32>,
    tpu.vector_store %arg12[%swap3A_175], %get3A_174 {strides = array<i32>} : memref<512xi32, #tpu.memory_space<vmem>>, vector<16xi32>,
    %add3A_177 = arith.constant 128 : i32
    %add3A_178 = vector.broadcast %add3A_177 : i32 to vector<16xi32>
    %add3A_179 = arith.addi %add3A_178, %iota3A : vector<16xi32>
    %mul3A_180 = arith.constant 8 : i32
    %mul3A_181 = vector.broadcast %mul3A_180 : i32 to vector<16xi32>
    %mul3A_182 = arith.muli %add3A_179, %mul3A_181 : vector<16xi32>
    %get3A_183 = arith.constant 1 : i32
    %get3A_184 = arith.index_cast %get3A_183 : i32 to index
    %get3A_185 = arith.constant 0 : index
    %get3A_186 = tpu.vector_load %arg7[%get3A_184, %get3A_185] {strides = array<i32>} : memref<4x128xi32, #tpu.memory_space<vmem>>, vector<16xi32>,
    tpu.vector_store_idx %arg10[%mul3A_182], %get3A_186 : memref<4096xi32, #tpu.memory_space<vmem>>[vector<16xi32>], vector<16xi32>,
    %get3A_187 = arith.constant 1 : i32
    %get3A_188 = arith.index_cast %get3A_187 : i32 to index
    %get3A_189 = arith.constant 0 : index
    %get3A_190 = tpu.vector_load %arg8[%get3A_188, %get3A_189] {strides = array<i32>} : memref<4x128xi32, #tpu.memory_space<vmem>>, vector<16xi32>,
    %swap3A_191 = arith.constant 128 : index
    %swap3A_192 = tpu.vector_load %arg11[%swap3A_191] {strides = array<i32>} : memref<512xi32, #tpu.memory_space<vmem>>, vector<16xi32>,
    tpu.vector_store %arg11[%swap3A_191], %get3A_190 {strides = array<i32>} : memref<512xi32, #tpu.memory_space<vmem>>, vector<16xi32>,
    %get3A_193 = arith.constant 1 : i32
    %get3A_194 = arith.index_cast %get3A_193 : i32 to index
    %get3A_195 = arith.constant 0 : index
    %get3A_196 = tpu.vector_load %arg9[%get3A_194, %get3A_195] {strides = array<i32>} : memref<4x128xi32, #tpu.memory_space<vmem>>, vector<16xi32>,
    %swap3A_197 = arith.constant 128 : index
    %swap3A_198 = tpu.vector_load %arg12[%swap3A_197] {strides = array<i32>} : memref<512xi32, #tpu.memory_space<vmem>>, vector<16xi32>,
    tpu.vector_store %arg12[%swap3A_197], %get3A_196 {strides = array<i32>} : memref<512xi32, #tpu.memory_space<vmem>>, vector<16xi32>,
    %add3A_199 = arith.constant 144 : i32
    %add3A_200 = vector.broadcast %add3A_199 : i32 to vector<16xi32>
    %add3A_201 = arith.addi %add3A_200, %iota3A : vector<16xi32>
    %mul3A_202 = arith.constant 8 : i32
    %mul3A_203 = vector.broadcast %mul3A_202 : i32 to vector<16xi32>
    %mul3A_204 = arith.muli %add3A_201, %mul3A_203 : vector<16xi32>
    %get3A_205 = arith.constant 1 : i32
    %get3A_206 = arith.index_cast %get3A_205 : i32 to index
    %get3A_207 = arith.constant 16 : index
    %get3A_208 = tpu.vector_load %arg7[%get3A_206, %get3A_207] {strides = array<i32>} : memref<4x128xi32, #tpu.memory_space<vmem>>, vector<16xi32>,
    tpu.vector_store_idx %arg10[%mul3A_204], %get3A_208 : memref<4096xi32, #tpu.memory_space<vmem>>[vector<16xi32>], vector<16xi32>,
    %get3A_209 = arith.constant 1 : i32
    %get3A_210 = arith.index_cast %get3A_209 : i32 to index
    %get3A_211 = arith.constant 16 : index
    %get3A_212 = tpu.vector_load %arg8[%get3A_210, %get3A_211] {strides = array<i32>} : memref<4x128xi32, #tpu.memory_space<vmem>>, vector<16xi32>,
    %swap3A_213 = arith.constant 144 : index
    %swap3A_214 = tpu.vector_load %arg11[%swap3A_213] {strides = array<i32>} : memref<512xi32, #tpu.memory_space<vmem>>, vector<16xi32>,
    tpu.vector_store %arg11[%swap3A_213], %get3A_212 {strides = array<i32>} : memref<512xi32, #tpu.memory_space<vmem>>, vector<16xi32>,
    %get3A_215 = arith.constant 1 : i32
    %get3A_216 = arith.index_cast %get3A_215 : i32 to index
    %get3A_217 = arith.constant 16 : index
    %get3A_218 = tpu.vector_load %arg9[%get3A_216, %get3A_217] {strides = array<i32>} : memref<4x128xi32, #tpu.memory_space<vmem>>, vector<16xi32>,
    %swap3A_219 = arith.constant 144 : index
    %swap3A_220 = tpu.vector_load %arg12[%swap3A_219] {strides = array<i32>} : memref<512xi32, #tpu.memory_space<vmem>>, vector<16xi32>,
    tpu.vector_store %arg12[%swap3A_219], %get3A_218 {strides = array<i32>} : memref<512xi32, #tpu.memory_space<vmem>>, vector<16xi32>,
    %add3A_221 = arith.constant 160 : i32
    %add3A_222 = vector.broadcast %add3A_221 : i32 to vector<16xi32>
    %add3A_223 = arith.addi %add3A_222, %iota3A : vector<16xi32>
    %mul3A_224 = arith.constant 8 : i32
    %mul3A_225 = vector.broadcast %mul3A_224 : i32 to vector<16xi32>
    %mul3A_226 = arith.muli %add3A_223, %mul3A_225 : vector<16xi32>
    %get3A_227 = arith.constant 1 : i32
    %get3A_228 = arith.index_cast %get3A_227 : i32 to index
    %get3A_229 = arith.constant 32 : index
    %get3A_230 = tpu.vector_load %arg7[%get3A_228, %get3A_229] {strides = array<i32>} : memref<4x128xi32, #tpu.memory_space<vmem>>, vector<16xi32>,
    tpu.vector_store_idx %arg10[%mul3A_226], %get3A_230 : memref<4096xi32, #tpu.memory_space<vmem>>[vector<16xi32>], vector<16xi32>,
    %get3A_231 = arith.constant 1 : i32
    %get3A_232 = arith.index_cast %get3A_231 : i32 to index
    %get3A_233 = arith.constant 32 : index
    %get3A_234 = tpu.vector_load %arg8[%get3A_232, %get3A_233] {strides = array<i32>} : memref<4x128xi32, #tpu.memory_space<vmem>>, vector<16xi32>,
    %swap3A_235 = arith.constant 160 : index
    %swap3A_236 = tpu.vector_load %arg11[%swap3A_235] {strides = array<i32>} : memref<512xi32, #tpu.memory_space<vmem>>, vector<16xi32>,
    tpu.vector_store %arg11[%swap3A_235], %get3A_234 {strides = array<i32>} : memref<512xi32, #tpu.memory_space<vmem>>, vector<16xi32>,
    %get3A_237 = arith.constant 1 : i32
    %get3A_238 = arith.index_cast %get3A_237 : i32 to index
    %get3A_239 = arith.constant 32 : index
    %get3A_240 = tpu.vector_load %arg9[%get3A_238, %get3A_239] {strides = array<i32>} : memref<4x128xi32, #tpu.memory_space<vmem>>, vector<16xi32>,
    %swap3A_241 = arith.constant 160 : index
    %swap3A_242 = tpu.vector_load %arg12[%swap3A_241] {strides = array<i32>} : memref<512xi32, #tpu.memory_space<vmem>>, vector<16xi32>,
    tpu.vector_store %arg12[%swap3A_241], %get3A_240 {strides = array<i32>} : memref<512xi32, #tpu.memory_space<vmem>>, vector<16xi32>,
    %add3A_243 = arith.constant 176 : i32
    %add3A_244 = vector.broadcast %add3A_243 : i32 to vector<16xi32>
    %add3A_245 = arith.addi %add3A_244, %iota3A : vector<16xi32>
    %mul3A_246 = arith.constant 8 : i32
    %mul3A_247 = vector.broadcast %mul3A_246 : i32 to vector<16xi32>
    %mul3A_248 = arith.muli %add3A_245, %mul3A_247 : vector<16xi32>
    %get3A_249 = arith.constant 1 : i32
    %get3A_250 = arith.index_cast %get3A_249 : i32 to index
    %get3A_251 = arith.constant 48 : index
    %get3A_252 = tpu.vector_load %arg7[%get3A_250, %get3A_251] {strides = array<i32>} : memref<4x128xi32, #tpu.memory_space<vmem>>, vector<16xi32>,
    tpu.vector_store_idx %arg10[%mul3A_248], %get3A_252 : memref<4096xi32, #tpu.memory_space<vmem>>[vector<16xi32>], vector<16xi32>,
    %get3A_253 = arith.constant 1 : i32
    %get3A_254 = arith.index_cast %get3A_253 : i32 to index
    %get3A_255 = arith.constant 48 : index
    %get3A_256 = tpu.vector_load %arg8[%get3A_254, %get3A_255] {strides = array<i32>} : memref<4x128xi32, #tpu.memory_space<vmem>>, vector<16xi32>,
    %swap3A_257 = arith.constant 176 : index
    %swap3A_258 = tpu.vector_load %arg11[%swap3A_257] {strides = array<i32>} : memref<512xi32, #tpu.memory_space<vmem>>, vector<16xi32>,
    tpu.vector_store %arg11[%swap3A_257], %get3A_256 {strides = array<i32>} : memref<512xi32, #tpu.memory_space<vmem>>, vector<16xi32>,
    %get3A_259 = arith.constant 1 : i32
    %get3A_260 = arith.index_cast %get3A_259 : i32 to index
    %get3A_261 = arith.constant 48 : index
    %get3A_262 = tpu.vector_load %arg9[%get3A_260, %get3A_261] {strides = array<i32>} : memref<4x128xi32, #tpu.memory_space<vmem>>, vector<16xi32>,
    %swap3A_263 = arith.constant 176 : index
    %swap3A_264 = tpu.vector_load %arg12[%swap3A_263] {strides = array<i32>} : memref<512xi32, #tpu.memory_space<vmem>>, vector<16xi32>,
    tpu.vector_store %arg12[%swap3A_263], %get3A_262 {strides = array<i32>} : memref<512xi32, #tpu.memory_space<vmem>>, vector<16xi32>,
    %add3A_265 = arith.constant 192 : i32
    %add3A_266 = vector.broadcast %add3A_265 : i32 to vector<16xi32>
    %add3A_267 = arith.addi %add3A_266, %iota3A : vector<16xi32>
    %mul3A_268 = arith.constant 8 : i32
    %mul3A_269 = vector.broadcast %mul3A_268 : i32 to vector<16xi32>
    %mul3A_270 = arith.muli %add3A_267, %mul3A_269 : vector<16xi32>
    %get3A_271 = arith.constant 1 : i32
    %get3A_272 = arith.index_cast %get3A_271 : i32 to index
    %get3A_273 = arith.constant 64 : index
    %get3A_274 = tpu.vector_load %arg7[%get3A_272, %get3A_273] {strides = array<i32>} : memref<4x128xi32, #tpu.memory_space<vmem>>, vector<16xi32>,
    tpu.vector_store_idx %arg10[%mul3A_270], %get3A_274 : memref<4096xi32, #tpu.memory_space<vmem>>[vector<16xi32>], vector<16xi32>,
    %get3A_275 = arith.constant 1 : i32
    %get3A_276 = arith.index_cast %get3A_275 : i32 to index
    %get3A_277 = arith.constant 64 : index
    %get3A_278 = tpu.vector_load %arg8[%get3A_276, %get3A_277] {strides = array<i32>} : memref<4x128xi32, #tpu.memory_space<vmem>>, vector<16xi32>,
    %swap3A_279 = arith.constant 192 : index
    %swap3A_280 = tpu.vector_load %arg11[%swap3A_279] {strides = array<i32>} : memref<512xi32, #tpu.memory_space<vmem>>, vector<16xi32>,
    tpu.vector_store %arg11[%swap3A_279], %get3A_278 {strides = array<i32>} : memref<512xi32, #tpu.memory_space<vmem>>, vector<16xi32>,
    %get3A_281 = arith.constant 1 : i32
    %get3A_282 = arith.index_cast %get3A_281 : i32 to index
    %get3A_283 = arith.constant 64 : index
    %get3A_284 = tpu.vector_load %arg9[%get3A_282, %get3A_283] {strides = array<i32>} : memref<4x128xi32, #tpu.memory_space<vmem>>, vector<16xi32>,
    %swap3A_285 = arith.constant 192 : index
    %swap3A_286 = tpu.vector_load %arg12[%swap3A_285] {strides = array<i32>} : memref<512xi32, #tpu.memory_space<vmem>>, vector<16xi32>,
    tpu.vector_store %arg12[%swap3A_285], %get3A_284 {strides = array<i32>} : memref<512xi32, #tpu.memory_space<vmem>>, vector<16xi32>,
    %add3A_287 = arith.constant 208 : i32
    %add3A_288 = vector.broadcast %add3A_287 : i32 to vector<16xi32>
    %add3A_289 = arith.addi %add3A_288, %iota3A : vector<16xi32>
    %mul3A_290 = arith.constant 8 : i32
    %mul3A_291 = vector.broadcast %mul3A_290 : i32 to vector<16xi32>
    %mul3A_292 = arith.muli %add3A_289, %mul3A_291 : vector<16xi32>
    %get3A_293 = arith.constant 1 : i32
    %get3A_294 = arith.index_cast %get3A_293 : i32 to index
    %get3A_295 = arith.constant 80 : index
    %get3A_296 = tpu.vector_load %arg7[%get3A_294, %get3A_295] {strides = array<i32>} : memref<4x128xi32, #tpu.memory_space<vmem>>, vector<16xi32>,
    tpu.vector_store_idx %arg10[%mul3A_292], %get3A_296 : memref<4096xi32, #tpu.memory_space<vmem>>[vector<16xi32>], vector<16xi32>,
    %get3A_297 = arith.constant 1 : i32
    %get3A_298 = arith.index_cast %get3A_297 : i32 to index
    %get3A_299 = arith.constant 80 : index
    %get3A_300 = tpu.vector_load %arg8[%get3A_298, %get3A_299] {strides = array<i32>} : memref<4x128xi32, #tpu.memory_space<vmem>>, vector<16xi32>,
    %swap3A_301 = arith.constant 208 : index
    %swap3A_302 = tpu.vector_load %arg11[%swap3A_301] {strides = array<i32>} : memref<512xi32, #tpu.memory_space<vmem>>, vector<16xi32>,
    tpu.vector_store %arg11[%swap3A_301], %get3A_300 {strides = array<i32>} : memref<512xi32, #tpu.memory_space<vmem>>, vector<16xi32>,
    %get3A_303 = arith.constant 1 : i32
    %get3A_304 = arith.index_cast %get3A_303 : i32 to index
    %get3A_305 = arith.constant 80 : index
    %get3A_306 = tpu.vector_load %arg9[%get3A_304, %get3A_305] {strides = array<i32>} : memref<4x128xi32, #tpu.memory_space<vmem>>, vector<16xi32>,
    %swap3A_307 = arith.constant 208 : index
    %swap3A_308 = tpu.vector_load %arg12[%swap3A_307] {strides = array<i32>} : memref<512xi32, #tpu.memory_space<vmem>>, vector<16xi32>,
    tpu.vector_store %arg12[%swap3A_307], %get3A_306 {strides = array<i32>} : memref<512xi32, #tpu.memory_space<vmem>>, vector<16xi32>,
    %add3A_309 = arith.constant 224 : i32
    %add3A_310 = vector.broadcast %add3A_309 : i32 to vector<16xi32>
    %add3A_311 = arith.addi %add3A_310, %iota3A : vector<16xi32>
    %mul3A_312 = arith.constant 8 : i32
    %mul3A_313 = vector.broadcast %mul3A_312 : i32 to vector<16xi32>
    %mul3A_314 = arith.muli %add3A_311, %mul3A_313 : vector<16xi32>
    %get3A_315 = arith.constant 1 : i32
    %get3A_316 = arith.index_cast %get3A_315 : i32 to index
    %get3A_317 = arith.constant 96 : index
    %get3A_318 = tpu.vector_load %arg7[%get3A_316, %get3A_317] {strides = array<i32>} : memref<4x128xi32, #tpu.memory_space<vmem>>, vector<16xi32>,
    tpu.vector_store_idx %arg10[%mul3A_314], %get3A_318 : memref<4096xi32, #tpu.memory_space<vmem>>[vector<16xi32>], vector<16xi32>,
    %get3A_319 = arith.constant 1 : i32
    %get3A_320 = arith.index_cast %get3A_319 : i32 to index
    %get3A_321 = arith.constant 96 : index
    %get3A_322 = tpu.vector_load %arg8[%get3A_320, %get3A_321] {strides = array<i32>} : memref<4x128xi32, #tpu.memory_space<vmem>>, vector<16xi32>,
    %swap3A_323 = arith.constant 224 : index
    %swap3A_324 = tpu.vector_load %arg11[%swap3A_323] {strides = array<i32>} : memref<512xi32, #tpu.memory_space<vmem>>, vector<16xi32>,
    tpu.vector_store %arg11[%swap3A_323], %get3A_322 {strides = array<i32>} : memref<512xi32, #tpu.memory_space<vmem>>, vector<16xi32>,
    %get3A_325 = arith.constant 1 : i32
    %get3A_326 = arith.index_cast %get3A_325 : i32 to index
    %get3A_327 = arith.constant 96 : index
    %get3A_328 = tpu.vector_load %arg9[%get3A_326, %get3A_327] {strides = array<i32>} : memref<4x128xi32, #tpu.memory_space<vmem>>, vector<16xi32>,
    %swap3A_329 = arith.constant 224 : index
    %swap3A_330 = tpu.vector_load %arg12[%swap3A_329] {strides = array<i32>} : memref<512xi32, #tpu.memory_space<vmem>>, vector<16xi32>,
    tpu.vector_store %arg12[%swap3A_329], %get3A_328 {strides = array<i32>} : memref<512xi32, #tpu.memory_space<vmem>>, vector<16xi32>,
    %add3A_331 = arith.constant 240 : i32
    %add3A_332 = vector.broadcast %add3A_331 : i32 to vector<16xi32>
    %add3A_333 = arith.addi %add3A_332, %iota3A : vector<16xi32>
    %mul3A_334 = arith.constant 8 : i32
    %mul3A_335 = vector.broadcast %mul3A_334 : i32 to vector<16xi32>
    %mul3A_336 = arith.muli %add3A_333, %mul3A_335 : vector<16xi32>
    %get3A_337 = arith.constant 1 : i32
    %get3A_338 = arith.index_cast %get3A_337 : i32 to index
    %get3A_339 = arith.constant 112 : index
    %get3A_340 = tpu.vector_load %arg7[%get3A_338, %get3A_339] {strides = array<i32>} : memref<4x128xi32, #tpu.memory_space<vmem>>, vector<16xi32>,
    tpu.vector_store_idx %arg10[%mul3A_336], %get3A_340 : memref<4096xi32, #tpu.memory_space<vmem>>[vector<16xi32>], vector<16xi32>,
    %get3A_341 = arith.constant 1 : i32
    %get3A_342 = arith.index_cast %get3A_341 : i32 to index
    %get3A_343 = arith.constant 112 : index
    %get3A_344 = tpu.vector_load %arg8[%get3A_342, %get3A_343] {strides = array<i32>} : memref<4x128xi32, #tpu.memory_space<vmem>>, vector<16xi32>,
    %swap3A_345 = arith.constant 240 : index
    %swap3A_346 = tpu.vector_load %arg11[%swap3A_345] {strides = array<i32>} : memref<512xi32, #tpu.memory_space<vmem>>, vector<16xi32>,
    tpu.vector_store %arg11[%swap3A_345], %get3A_344 {strides = array<i32>} : memref<512xi32, #tpu.memory_space<vmem>>, vector<16xi32>,
    %get3A_347 = arith.constant 1 : i32
    %get3A_348 = arith.index_cast %get3A_347 : i32 to index
    %get3A_349 = arith.constant 112 : index
    %get3A_350 = tpu.vector_load %arg9[%get3A_348, %get3A_349] {strides = array<i32>} : memref<4x128xi32, #tpu.memory_space<vmem>>, vector<16xi32>,
    %swap3A_351 = arith.constant 240 : index
    %swap3A_352 = tpu.vector_load %arg12[%swap3A_351] {strides = array<i32>} : memref<512xi32, #tpu.memory_space<vmem>>, vector<16xi32>,
    tpu.vector_store %arg12[%swap3A_351], %get3A_350 {strides = array<i32>} : memref<512xi32, #tpu.memory_space<vmem>>, vector<16xi32>,
    %add3A_353 = arith.constant 256 : i32
    %add3A_354 = vector.broadcast %add3A_353 : i32 to vector<16xi32>
    %add3A_355 = arith.addi %add3A_354, %iota3A : vector<16xi32>
    %mul3A_356 = arith.constant 8 : i32
    %mul3A_357 = vector.broadcast %mul3A_356 : i32 to vector<16xi32>
    %mul3A_358 = arith.muli %add3A_355, %mul3A_357 : vector<16xi32>
    %get3A_359 = arith.constant 2 : i32
    %get3A_360 = arith.index_cast %get3A_359 : i32 to index
    %get3A_361 = arith.constant 0 : index
    %get3A_362 = tpu.vector_load %arg7[%get3A_360, %get3A_361] {strides = array<i32>} : memref<4x128xi32, #tpu.memory_space<vmem>>, vector<16xi32>,
    tpu.vector_store_idx %arg10[%mul3A_358], %get3A_362 : memref<4096xi32, #tpu.memory_space<vmem>>[vector<16xi32>], vector<16xi32>,
    %get3A_363 = arith.constant 2 : i32
    %get3A_364 = arith.index_cast %get3A_363 : i32 to index
    %get3A_365 = arith.constant 0 : index
    %get3A_366 = tpu.vector_load %arg8[%get3A_364, %get3A_365] {strides = array<i32>} : memref<4x128xi32, #tpu.memory_space<vmem>>, vector<16xi32>,
    %swap3A_367 = arith.constant 256 : index
    %swap3A_368 = tpu.vector_load %arg11[%swap3A_367] {strides = array<i32>} : memref<512xi32, #tpu.memory_space<vmem>>, vector<16xi32>,
    tpu.vector_store %arg11[%swap3A_367], %get3A_366 {strides = array<i32>} : memref<512xi32, #tpu.memory_space<vmem>>, vector<16xi32>,
    %get3A_369 = arith.constant 2 : i32
    %get3A_370 = arith.index_cast %get3A_369 : i32 to index
    %get3A_371 = arith.constant 0 : index
    %get3A_372 = tpu.vector_load %arg9[%get3A_370, %get3A_371] {strides = array<i32>} : memref<4x128xi32, #tpu.memory_space<vmem>>, vector<16xi32>,
    %swap3A_373 = arith.constant 256 : index
    %swap3A_374 = tpu.vector_load %arg12[%swap3A_373] {strides = array<i32>} : memref<512xi32, #tpu.memory_space<vmem>>, vector<16xi32>,
    tpu.vector_store %arg12[%swap3A_373], %get3A_372 {strides = array<i32>} : memref<512xi32, #tpu.memory_space<vmem>>, vector<16xi32>,
    %add3A_375 = arith.constant 272 : i32
    %add3A_376 = vector.broadcast %add3A_375 : i32 to vector<16xi32>
    %add3A_377 = arith.addi %add3A_376, %iota3A : vector<16xi32>
    %mul3A_378 = arith.constant 8 : i32
    %mul3A_379 = vector.broadcast %mul3A_378 : i32 to vector<16xi32>
    %mul3A_380 = arith.muli %add3A_377, %mul3A_379 : vector<16xi32>
    %get3A_381 = arith.constant 2 : i32
    %get3A_382 = arith.index_cast %get3A_381 : i32 to index
    %get3A_383 = arith.constant 16 : index
    %get3A_384 = tpu.vector_load %arg7[%get3A_382, %get3A_383] {strides = array<i32>} : memref<4x128xi32, #tpu.memory_space<vmem>>, vector<16xi32>,
    tpu.vector_store_idx %arg10[%mul3A_380], %get3A_384 : memref<4096xi32, #tpu.memory_space<vmem>>[vector<16xi32>], vector<16xi32>,
    %get3A_385 = arith.constant 2 : i32
    %get3A_386 = arith.index_cast %get3A_385 : i32 to index
    %get3A_387 = arith.constant 16 : index
    %get3A_388 = tpu.vector_load %arg8[%get3A_386, %get3A_387] {strides = array<i32>} : memref<4x128xi32, #tpu.memory_space<vmem>>, vector<16xi32>,
    %swap3A_389 = arith.constant 272 : index
    %swap3A_390 = tpu.vector_load %arg11[%swap3A_389] {strides = array<i32>} : memref<512xi32, #tpu.memory_space<vmem>>, vector<16xi32>,
    tpu.vector_store %arg11[%swap3A_389], %get3A_388 {strides = array<i32>} : memref<512xi32, #tpu.memory_space<vmem>>, vector<16xi32>,
    %get3A_391 = arith.constant 2 : i32
    %get3A_392 = arith.index_cast %get3A_391 : i32 to index
    %get3A_393 = arith.constant 16 : index
    %get3A_394 = tpu.vector_load %arg9[%get3A_392, %get3A_393] {strides = array<i32>} : memref<4x128xi32, #tpu.memory_space<vmem>>, vector<16xi32>,
    %swap3A_395 = arith.constant 272 : index
    %swap3A_396 = tpu.vector_load %arg12[%swap3A_395] {strides = array<i32>} : memref<512xi32, #tpu.memory_space<vmem>>, vector<16xi32>,
    tpu.vector_store %arg12[%swap3A_395], %get3A_394 {strides = array<i32>} : memref<512xi32, #tpu.memory_space<vmem>>, vector<16xi32>,
    %add3A_397 = arith.constant 288 : i32
    %add3A_398 = vector.broadcast %add3A_397 : i32 to vector<16xi32>
    %add3A_399 = arith.addi %add3A_398, %iota3A : vector<16xi32>
    %mul3A_400 = arith.constant 8 : i32
    %mul3A_401 = vector.broadcast %mul3A_400 : i32 to vector<16xi32>
    %mul3A_402 = arith.muli %add3A_399, %mul3A_401 : vector<16xi32>
    %get3A_403 = arith.constant 2 : i32
    %get3A_404 = arith.index_cast %get3A_403 : i32 to index
    %get3A_405 = arith.constant 32 : index
    %get3A_406 = tpu.vector_load %arg7[%get3A_404, %get3A_405] {strides = array<i32>} : memref<4x128xi32, #tpu.memory_space<vmem>>, vector<16xi32>,
    tpu.vector_store_idx %arg10[%mul3A_402], %get3A_406 : memref<4096xi32, #tpu.memory_space<vmem>>[vector<16xi32>], vector<16xi32>,
    %get3A_407 = arith.constant 2 : i32
    %get3A_408 = arith.index_cast %get3A_407 : i32 to index
    %get3A_409 = arith.constant 32 : index
    %get3A_410 = tpu.vector_load %arg8[%get3A_408, %get3A_409] {strides = array<i32>} : memref<4x128xi32, #tpu.memory_space<vmem>>, vector<16xi32>,
    %swap3A_411 = arith.constant 288 : index
    %swap3A_412 = tpu.vector_load %arg11[%swap3A_411] {strides = array<i32>} : memref<512xi32, #tpu.memory_space<vmem>>, vector<16xi32>,
    tpu.vector_store %arg11[%swap3A_411], %get3A_410 {strides = array<i32>} : memref<512xi32, #tpu.memory_space<vmem>>, vector<16xi32>,
    %get3A_413 = arith.constant 2 : i32
    %get3A_414 = arith.index_cast %get3A_413 : i32 to index
    %get3A_415 = arith.constant 32 : index
    %get3A_416 = tpu.vector_load %arg9[%get3A_414, %get3A_415] {strides = array<i32>} : memref<4x128xi32, #tpu.memory_space<vmem>>, vector<16xi32>,
    %swap3A_417 = arith.constant 288 : index
    %swap3A_418 = tpu.vector_load %arg12[%swap3A_417] {strides = array<i32>} : memref<512xi32, #tpu.memory_space<vmem>>, vector<16xi32>,
    tpu.vector_store %arg12[%swap3A_417], %get3A_416 {strides = array<i32>} : memref<512xi32, #tpu.memory_space<vmem>>, vector<16xi32>,
    %add3A_419 = arith.constant 304 : i32
    %add3A_420 = vector.broadcast %add3A_419 : i32 to vector<16xi32>
    %add3A_421 = arith.addi %add3A_420, %iota3A : vector<16xi32>
    %mul3A_422 = arith.constant 8 : i32
    %mul3A_423 = vector.broadcast %mul3A_422 : i32 to vector<16xi32>
    %mul3A_424 = arith.muli %add3A_421, %mul3A_423 : vector<16xi32>
    %get3A_425 = arith.constant 2 : i32
    %get3A_426 = arith.index_cast %get3A_425 : i32 to index
    %get3A_427 = arith.constant 48 : index
    %get3A_428 = tpu.vector_load %arg7[%get3A_426, %get3A_427] {strides = array<i32>} : memref<4x128xi32, #tpu.memory_space<vmem>>, vector<16xi32>,
    tpu.vector_store_idx %arg10[%mul3A_424], %get3A_428 : memref<4096xi32, #tpu.memory_space<vmem>>[vector<16xi32>], vector<16xi32>,
    %get3A_429 = arith.constant 2 : i32
    %get3A_430 = arith.index_cast %get3A_429 : i32 to index
    %get3A_431 = arith.constant 48 : index
    %get3A_432 = tpu.vector_load %arg8[%get3A_430, %get3A_431] {strides = array<i32>} : memref<4x128xi32, #tpu.memory_space<vmem>>, vector<16xi32>,
    %swap3A_433 = arith.constant 304 : index
    %swap3A_434 = tpu.vector_load %arg11[%swap3A_433] {strides = array<i32>} : memref<512xi32, #tpu.memory_space<vmem>>, vector<16xi32>,
    tpu.vector_store %arg11[%swap3A_433], %get3A_432 {strides = array<i32>} : memref<512xi32, #tpu.memory_space<vmem>>, vector<16xi32>,
    %get3A_435 = arith.constant 2 : i32
    %get3A_436 = arith.index_cast %get3A_435 : i32 to index
    %get3A_437 = arith.constant 48 : index
    %get3A_438 = tpu.vector_load %arg9[%get3A_436, %get3A_437] {strides = array<i32>} : memref<4x128xi32, #tpu.memory_space<vmem>>, vector<16xi32>,
    %swap3A_439 = arith.constant 304 : index
    %swap3A_440 = tpu.vector_load %arg12[%swap3A_439] {strides = array<i32>} : memref<512xi32, #tpu.memory_space<vmem>>, vector<16xi32>,
    tpu.vector_store %arg12[%swap3A_439], %get3A_438 {strides = array<i32>} : memref<512xi32, #tpu.memory_space<vmem>>, vector<16xi32>,
    %add3A_441 = arith.constant 320 : i32
    %add3A_442 = vector.broadcast %add3A_441 : i32 to vector<16xi32>
    %add3A_443 = arith.addi %add3A_442, %iota3A : vector<16xi32>
    %mul3A_444 = arith.constant 8 : i32
    %mul3A_445 = vector.broadcast %mul3A_444 : i32 to vector<16xi32>
    %mul3A_446 = arith.muli %add3A_443, %mul3A_445 : vector<16xi32>
    %get3A_447 = arith.constant 2 : i32
    %get3A_448 = arith.index_cast %get3A_447 : i32 to index
    %get3A_449 = arith.constant 64 : index
    %get3A_450 = tpu.vector_load %arg7[%get3A_448, %get3A_449] {strides = array<i32>} : memref<4x128xi32, #tpu.memory_space<vmem>>, vector<16xi32>,
    tpu.vector_store_idx %arg10[%mul3A_446], %get3A_450 : memref<4096xi32, #tpu.memory_space<vmem>>[vector<16xi32>], vector<16xi32>,
    %get3A_451 = arith.constant 2 : i32
    %get3A_452 = arith.index_cast %get3A_451 : i32 to index
    %get3A_453 = arith.constant 64 : index
    %get3A_454 = tpu.vector_load %arg8[%get3A_452, %get3A_453] {strides = array<i32>} : memref<4x128xi32, #tpu.memory_space<vmem>>, vector<16xi32>,
    %swap3A_455 = arith.constant 320 : index
    %swap3A_456 = tpu.vector_load %arg11[%swap3A_455] {strides = array<i32>} : memref<512xi32, #tpu.memory_space<vmem>>, vector<16xi32>,
    tpu.vector_store %arg11[%swap3A_455], %get3A_454 {strides = array<i32>} : memref<512xi32, #tpu.memory_space<vmem>>, vector<16xi32>,
    %get3A_457 = arith.constant 2 : i32
    %get3A_458 = arith.index_cast %get3A_457 : i32 to index
    %get3A_459 = arith.constant 64 : index
    %get3A_460 = tpu.vector_load %arg9[%get3A_458, %get3A_459] {strides = array<i32>} : memref<4x128xi32, #tpu.memory_space<vmem>>, vector<16xi32>,
    %swap3A_461 = arith.constant 320 : index
    %swap3A_462 = tpu.vector_load %arg12[%swap3A_461] {strides = array<i32>} : memref<512xi32, #tpu.memory_space<vmem>>, vector<16xi32>,
    tpu.vector_store %arg12[%swap3A_461], %get3A_460 {strides = array<i32>} : memref<512xi32, #tpu.memory_space<vmem>>, vector<16xi32>,
    %add3A_463 = arith.constant 336 : i32
    %add3A_464 = vector.broadcast %add3A_463 : i32 to vector<16xi32>
    %add3A_465 = arith.addi %add3A_464, %iota3A : vector<16xi32>
    %mul3A_466 = arith.constant 8 : i32
    %mul3A_467 = vector.broadcast %mul3A_466 : i32 to vector<16xi32>
    %mul3A_468 = arith.muli %add3A_465, %mul3A_467 : vector<16xi32>
    %get3A_469 = arith.constant 2 : i32
    %get3A_470 = arith.index_cast %get3A_469 : i32 to index
    %get3A_471 = arith.constant 80 : index
    %get3A_472 = tpu.vector_load %arg7[%get3A_470, %get3A_471] {strides = array<i32>} : memref<4x128xi32, #tpu.memory_space<vmem>>, vector<16xi32>,
    tpu.vector_store_idx %arg10[%mul3A_468], %get3A_472 : memref<4096xi32, #tpu.memory_space<vmem>>[vector<16xi32>], vector<16xi32>,
    %get3A_473 = arith.constant 2 : i32
    %get3A_474 = arith.index_cast %get3A_473 : i32 to index
    %get3A_475 = arith.constant 80 : index
    %get3A_476 = tpu.vector_load %arg8[%get3A_474, %get3A_475] {strides = array<i32>} : memref<4x128xi32, #tpu.memory_space<vmem>>, vector<16xi32>,
    %swap3A_477 = arith.constant 336 : index
    %swap3A_478 = tpu.vector_load %arg11[%swap3A_477] {strides = array<i32>} : memref<512xi32, #tpu.memory_space<vmem>>, vector<16xi32>,
    tpu.vector_store %arg11[%swap3A_477], %get3A_476 {strides = array<i32>} : memref<512xi32, #tpu.memory_space<vmem>>, vector<16xi32>,
    %get3A_479 = arith.constant 2 : i32
    %get3A_480 = arith.index_cast %get3A_479 : i32 to index
    %get3A_481 = arith.constant 80 : index
    %get3A_482 = tpu.vector_load %arg9[%get3A_480, %get3A_481] {strides = array<i32>} : memref<4x128xi32, #tpu.memory_space<vmem>>, vector<16xi32>,
    %swap3A_483 = arith.constant 336 : index
    %swap3A_484 = tpu.vector_load %arg12[%swap3A_483] {strides = array<i32>} : memref<512xi32, #tpu.memory_space<vmem>>, vector<16xi32>,
    tpu.vector_store %arg12[%swap3A_483], %get3A_482 {strides = array<i32>} : memref<512xi32, #tpu.memory_space<vmem>>, vector<16xi32>,
    %add3A_485 = arith.constant 352 : i32
    %add3A_486 = vector.broadcast %add3A_485 : i32 to vector<16xi32>
    %add3A_487 = arith.addi %add3A_486, %iota3A : vector<16xi32>
    %mul3A_488 = arith.constant 8 : i32
    %mul3A_489 = vector.broadcast %mul3A_488 : i32 to vector<16xi32>
    %mul3A_490 = arith.muli %add3A_487, %mul3A_489 : vector<16xi32>
    %get3A_491 = arith.constant 2 : i32
    %get3A_492 = arith.index_cast %get3A_491 : i32 to index
    %get3A_493 = arith.constant 96 : index
    %get3A_494 = tpu.vector_load %arg7[%get3A_492, %get3A_493] {strides = array<i32>} : memref<4x128xi32, #tpu.memory_space<vmem>>, vector<16xi32>,
    tpu.vector_store_idx %arg10[%mul3A_490], %get3A_494 : memref<4096xi32, #tpu.memory_space<vmem>>[vector<16xi32>], vector<16xi32>,
    %get3A_495 = arith.constant 2 : i32
    %get3A_496 = arith.index_cast %get3A_495 : i32 to index
    %get3A_497 = arith.constant 96 : index
    %get3A_498 = tpu.vector_load %arg8[%get3A_496, %get3A_497] {strides = array<i32>} : memref<4x128xi32, #tpu.memory_space<vmem>>, vector<16xi32>,
    %swap3A_499 = arith.constant 352 : index
    %swap3A_500 = tpu.vector_load %arg11[%swap3A_499] {strides = array<i32>} : memref<512xi32, #tpu.memory_space<vmem>>, vector<16xi32>,
    tpu.vector_store %arg11[%swap3A_499], %get3A_498 {strides = array<i32>} : memref<512xi32, #tpu.memory_space<vmem>>, vector<16xi32>,
    %get3A_501 = arith.constant 2 : i32
    %get3A_502 = arith.index_cast %get3A_501 : i32 to index
    %get3A_503 = arith.constant 96 : index
    %get3A_504 = tpu.vector_load %arg9[%get3A_502, %get3A_503] {strides = array<i32>} : memref<4x128xi32, #tpu.memory_space<vmem>>, vector<16xi32>,
    %swap3A_505 = arith.constant 352 : index
    %swap3A_506 = tpu.vector_load %arg12[%swap3A_505] {strides = array<i32>} : memref<512xi32, #tpu.memory_space<vmem>>, vector<16xi32>,
    tpu.vector_store %arg12[%swap3A_505], %get3A_504 {strides = array<i32>} : memref<512xi32, #tpu.memory_space<vmem>>, vector<16xi32>,
    %add3A_507 = arith.constant 368 : i32
    %add3A_508 = vector.broadcast %add3A_507 : i32 to vector<16xi32>
    %add3A_509 = arith.addi %add3A_508, %iota3A : vector<16xi32>
    %mul3A_510 = arith.constant 8 : i32
    %mul3A_511 = vector.broadcast %mul3A_510 : i32 to vector<16xi32>
    %mul3A_512 = arith.muli %add3A_509, %mul3A_511 : vector<16xi32>
    %get3A_513 = arith.constant 2 : i32
    %get3A_514 = arith.index_cast %get3A_513 : i32 to index
    %get3A_515 = arith.constant 112 : index
    %get3A_516 = tpu.vector_load %arg7[%get3A_514, %get3A_515] {strides = array<i32>} : memref<4x128xi32, #tpu.memory_space<vmem>>, vector<16xi32>,
    tpu.vector_store_idx %arg10[%mul3A_512], %get3A_516 : memref<4096xi32, #tpu.memory_space<vmem>>[vector<16xi32>], vector<16xi32>,
    %get3A_517 = arith.constant 2 : i32
    %get3A_518 = arith.index_cast %get3A_517 : i32 to index
    %get3A_519 = arith.constant 112 : index
    %get3A_520 = tpu.vector_load %arg8[%get3A_518, %get3A_519] {strides = array<i32>} : memref<4x128xi32, #tpu.memory_space<vmem>>, vector<16xi32>,
    %swap3A_521 = arith.constant 368 : index
    %swap3A_522 = tpu.vector_load %arg11[%swap3A_521] {strides = array<i32>} : memref<512xi32, #tpu.memory_space<vmem>>, vector<16xi32>,
    tpu.vector_store %arg11[%swap3A_521], %get3A_520 {strides = array<i32>} : memref<512xi32, #tpu.memory_space<vmem>>, vector<16xi32>,
    %get3A_523 = arith.constant 2 : i32
    %get3A_524 = arith.index_cast %get3A_523 : i32 to index
    %get3A_525 = arith.constant 112 : index
    %get3A_526 = tpu.vector_load %arg9[%get3A_524, %get3A_525] {strides = array<i32>} : memref<4x128xi32, #tpu.memory_space<vmem>>, vector<16xi32>,
    %swap3A_527 = arith.constant 368 : index
    %swap3A_528 = tpu.vector_load %arg12[%swap3A_527] {strides = array<i32>} : memref<512xi32, #tpu.memory_space<vmem>>, vector<16xi32>,
    tpu.vector_store %arg12[%swap3A_527], %get3A_526 {strides = array<i32>} : memref<512xi32, #tpu.memory_space<vmem>>, vector<16xi32>,
    %add3A_529 = arith.constant 384 : i32
    %add3A_530 = vector.broadcast %add3A_529 : i32 to vector<16xi32>
    %add3A_531 = arith.addi %add3A_530, %iota3A : vector<16xi32>
    %mul3A_532 = arith.constant 8 : i32
    %mul3A_533 = vector.broadcast %mul3A_532 : i32 to vector<16xi32>
    %mul3A_534 = arith.muli %add3A_531, %mul3A_533 : vector<16xi32>
    %get3A_535 = arith.constant 3 : i32
    %get3A_536 = arith.index_cast %get3A_535 : i32 to index
    %get3A_537 = arith.constant 0 : index
    %get3A_538 = tpu.vector_load %arg7[%get3A_536, %get3A_537] {strides = array<i32>} : memref<4x128xi32, #tpu.memory_space<vmem>>, vector<16xi32>,
    tpu.vector_store_idx %arg10[%mul3A_534], %get3A_538 : memref<4096xi32, #tpu.memory_space<vmem>>[vector<16xi32>], vector<16xi32>,
    %get3A_539 = arith.constant 3 : i32
    %get3A_540 = arith.index_cast %get3A_539 : i32 to index
    %get3A_541 = arith.constant 0 : index
    %get3A_542 = tpu.vector_load %arg8[%get3A_540, %get3A_541] {strides = array<i32>} : memref<4x128xi32, #tpu.memory_space<vmem>>, vector<16xi32>,
    %swap3A_543 = arith.constant 384 : index
    %swap3A_544 = tpu.vector_load %arg11[%swap3A_543] {strides = array<i32>} : memref<512xi32, #tpu.memory_space<vmem>>, vector<16xi32>,
    tpu.vector_store %arg11[%swap3A_543], %get3A_542 {strides = array<i32>} : memref<512xi32, #tpu.memory_space<vmem>>, vector<16xi32>,
    %get3A_545 = arith.constant 3 : i32
    %get3A_546 = arith.index_cast %get3A_545 : i32 to index
    %get3A_547 = arith.constant 0 : index
    %get3A_548 = tpu.vector_load %arg9[%get3A_546, %get3A_547] {strides = array<i32>} : memref<4x128xi32, #tpu.memory_space<vmem>>, vector<16xi32>,
    %swap3A_549 = arith.constant 384 : index
    %swap3A_550 = tpu.vector_load %arg12[%swap3A_549] {strides = array<i32>} : memref<512xi32, #tpu.memory_space<vmem>>, vector<16xi32>,
    tpu.vector_store %arg12[%swap3A_549], %get3A_548 {strides = array<i32>} : memref<512xi32, #tpu.memory_space<vmem>>, vector<16xi32>,
    %add3A_551 = arith.constant 400 : i32
    %add3A_552 = vector.broadcast %add3A_551 : i32 to vector<16xi32>
    %add3A_553 = arith.addi %add3A_552, %iota3A : vector<16xi32>
    %mul3A_554 = arith.constant 8 : i32
    %mul3A_555 = vector.broadcast %mul3A_554 : i32 to vector<16xi32>
    %mul3A_556 = arith.muli %add3A_553, %mul3A_555 : vector<16xi32>
    %get3A_557 = arith.constant 3 : i32
    %get3A_558 = arith.index_cast %get3A_557 : i32 to index
    %get3A_559 = arith.constant 16 : index
    %get3A_560 = tpu.vector_load %arg7[%get3A_558, %get3A_559] {strides = array<i32>} : memref<4x128xi32, #tpu.memory_space<vmem>>, vector<16xi32>,
    tpu.vector_store_idx %arg10[%mul3A_556], %get3A_560 : memref<4096xi32, #tpu.memory_space<vmem>>[vector<16xi32>], vector<16xi32>,
    %get3A_561 = arith.constant 3 : i32
    %get3A_562 = arith.index_cast %get3A_561 : i32 to index
    %get3A_563 = arith.constant 16 : index
    %get3A_564 = tpu.vector_load %arg8[%get3A_562, %get3A_563] {strides = array<i32>} : memref<4x128xi32, #tpu.memory_space<vmem>>, vector<16xi32>,
    %swap3A_565 = arith.constant 400 : index
    %swap3A_566 = tpu.vector_load %arg11[%swap3A_565] {strides = array<i32>} : memref<512xi32, #tpu.memory_space<vmem>>, vector<16xi32>,
    tpu.vector_store %arg11[%swap3A_565], %get3A_564 {strides = array<i32>} : memref<512xi32, #tpu.memory_space<vmem>>, vector<16xi32>,
    %get3A_567 = arith.constant 3 : i32
    %get3A_568 = arith.index_cast %get3A_567 : i32 to index
    %get3A_569 = arith.constant 16 : index
    %get3A_570 = tpu.vector_load %arg9[%get3A_568, %get3A_569] {strides = array<i32>} : memref<4x128xi32, #tpu.memory_space<vmem>>, vector<16xi32>,
    %swap3A_571 = arith.constant 400 : index
    %swap3A_572 = tpu.vector_load %arg12[%swap3A_571] {strides = array<i32>} : memref<512xi32, #tpu.memory_space<vmem>>, vector<16xi32>,
    tpu.vector_store %arg12[%swap3A_571], %get3A_570 {strides = array<i32>} : memref<512xi32, #tpu.memory_space<vmem>>, vector<16xi32>,
    %add3A_573 = arith.constant 416 : i32
    %add3A_574 = vector.broadcast %add3A_573 : i32 to vector<16xi32>
    %add3A_575 = arith.addi %add3A_574, %iota3A : vector<16xi32>
    %mul3A_576 = arith.constant 8 : i32
    %mul3A_577 = vector.broadcast %mul3A_576 : i32 to vector<16xi32>
    %mul3A_578 = arith.muli %add3A_575, %mul3A_577 : vector<16xi32>
    %get3A_579 = arith.constant 3 : i32
    %get3A_580 = arith.index_cast %get3A_579 : i32 to index
    %get3A_581 = arith.constant 32 : index
    %get3A_582 = tpu.vector_load %arg7[%get3A_580, %get3A_581] {strides = array<i32>} : memref<4x128xi32, #tpu.memory_space<vmem>>, vector<16xi32>,
    tpu.vector_store_idx %arg10[%mul3A_578], %get3A_582 : memref<4096xi32, #tpu.memory_space<vmem>>[vector<16xi32>], vector<16xi32>,
    %get3A_583 = arith.constant 3 : i32
    %get3A_584 = arith.index_cast %get3A_583 : i32 to index
    %get3A_585 = arith.constant 32 : index
    %get3A_586 = tpu.vector_load %arg8[%get3A_584, %get3A_585] {strides = array<i32>} : memref<4x128xi32, #tpu.memory_space<vmem>>, vector<16xi32>,
    %swap3A_587 = arith.constant 416 : index
    %swap3A_588 = tpu.vector_load %arg11[%swap3A_587] {strides = array<i32>} : memref<512xi32, #tpu.memory_space<vmem>>, vector<16xi32>,
    tpu.vector_store %arg11[%swap3A_587], %get3A_586 {strides = array<i32>} : memref<512xi32, #tpu.memory_space<vmem>>, vector<16xi32>,
    %get3A_589 = arith.constant 3 : i32
    %get3A_590 = arith.index_cast %get3A_589 : i32 to index
    %get3A_591 = arith.constant 32 : index
    %get3A_592 = tpu.vector_load %arg9[%get3A_590, %get3A_591] {strides = array<i32>} : memref<4x128xi32, #tpu.memory_space<vmem>>, vector<16xi32>,
    %swap3A_593 = arith.constant 416 : index
    %swap3A_594 = tpu.vector_load %arg12[%swap3A_593] {strides = array<i32>} : memref<512xi32, #tpu.memory_space<vmem>>, vector<16xi32>,
    tpu.vector_store %arg12[%swap3A_593], %get3A_592 {strides = array<i32>} : memref<512xi32, #tpu.memory_space<vmem>>, vector<16xi32>,
    %add3A_595 = arith.constant 432 : i32
    %add3A_596 = vector.broadcast %add3A_595 : i32 to vector<16xi32>
    %add3A_597 = arith.addi %add3A_596, %iota3A : vector<16xi32>
    %mul3A_598 = arith.constant 8 : i32
    %mul3A_599 = vector.broadcast %mul3A_598 : i32 to vector<16xi32>
    %mul3A_600 = arith.muli %add3A_597, %mul3A_599 : vector<16xi32>
    %get3A_601 = arith.constant 3 : i32
    %get3A_602 = arith.index_cast %get3A_601 : i32 to index
    %get3A_603 = arith.constant 48 : index
    %get3A_604 = tpu.vector_load %arg7[%get3A_602, %get3A_603] {strides = array<i32>} : memref<4x128xi32, #tpu.memory_space<vmem>>, vector<16xi32>,
    tpu.vector_store_idx %arg10[%mul3A_600], %get3A_604 : memref<4096xi32, #tpu.memory_space<vmem>>[vector<16xi32>], vector<16xi32>,
    %get3A_605 = arith.constant 3 : i32
    %get3A_606 = arith.index_cast %get3A_605 : i32 to index
    %get3A_607 = arith.constant 48 : index
    %get3A_608 = tpu.vector_load %arg8[%get3A_606, %get3A_607] {strides = array<i32>} : memref<4x128xi32, #tpu.memory_space<vmem>>, vector<16xi32>,
    %swap3A_609 = arith.constant 432 : index
    %swap3A_610 = tpu.vector_load %arg11[%swap3A_609] {strides = array<i32>} : memref<512xi32, #tpu.memory_space<vmem>>, vector<16xi32>,
    tpu.vector_store %arg11[%swap3A_609], %get3A_608 {strides = array<i32>} : memref<512xi32, #tpu.memory_space<vmem>>, vector<16xi32>,
    %get3A_611 = arith.constant 3 : i32
    %get3A_612 = arith.index_cast %get3A_611 : i32 to index
    %get3A_613 = arith.constant 48 : index
    %get3A_614 = tpu.vector_load %arg9[%get3A_612, %get3A_613] {strides = array<i32>} : memref<4x128xi32, #tpu.memory_space<vmem>>, vector<16xi32>,
    %swap3A_615 = arith.constant 432 : index
    %swap3A_616 = tpu.vector_load %arg12[%swap3A_615] {strides = array<i32>} : memref<512xi32, #tpu.memory_space<vmem>>, vector<16xi32>,
    tpu.vector_store %arg12[%swap3A_615], %get3A_614 {strides = array<i32>} : memref<512xi32, #tpu.memory_space<vmem>>, vector<16xi32>,
    %add3A_617 = arith.constant 448 : i32
    %add3A_618 = vector.broadcast %add3A_617 : i32 to vector<16xi32>
    %add3A_619 = arith.addi %add3A_618, %iota3A : vector<16xi32>
    %mul3A_620 = arith.constant 8 : i32
    %mul3A_621 = vector.broadcast %mul3A_620 : i32 to vector<16xi32>
    %mul3A_622 = arith.muli %add3A_619, %mul3A_621 : vector<16xi32>
    %get3A_623 = arith.constant 3 : i32
    %get3A_624 = arith.index_cast %get3A_623 : i32 to index
    %get3A_625 = arith.constant 64 : index
    %get3A_626 = tpu.vector_load %arg7[%get3A_624, %get3A_625] {strides = array<i32>} : memref<4x128xi32, #tpu.memory_space<vmem>>, vector<16xi32>,
    tpu.vector_store_idx %arg10[%mul3A_622], %get3A_626 : memref<4096xi32, #tpu.memory_space<vmem>>[vector<16xi32>], vector<16xi32>,
    %get3A_627 = arith.constant 3 : i32
    %get3A_628 = arith.index_cast %get3A_627 : i32 to index
    %get3A_629 = arith.constant 64 : index
    %get3A_630 = tpu.vector_load %arg8[%get3A_628, %get3A_629] {strides = array<i32>} : memref<4x128xi32, #tpu.memory_space<vmem>>, vector<16xi32>,
    %swap3A_631 = arith.constant 448 : index
    %swap3A_632 = tpu.vector_load %arg11[%swap3A_631] {strides = array<i32>} : memref<512xi32, #tpu.memory_space<vmem>>, vector<16xi32>,
    tpu.vector_store %arg11[%swap3A_631], %get3A_630 {strides = array<i32>} : memref<512xi32, #tpu.memory_space<vmem>>, vector<16xi32>,
    %get3A_633 = arith.constant 3 : i32
    %get3A_634 = arith.index_cast %get3A_633 : i32 to index
    %get3A_635 = arith.constant 64 : index
    %get3A_636 = tpu.vector_load %arg9[%get3A_634, %get3A_635] {strides = array<i32>} : memref<4x128xi32, #tpu.memory_space<vmem>>, vector<16xi32>,
    %swap3A_637 = arith.constant 448 : index
    %swap3A_638 = tpu.vector_load %arg12[%swap3A_637] {strides = array<i32>} : memref<512xi32, #tpu.memory_space<vmem>>, vector<16xi32>,
    tpu.vector_store %arg12[%swap3A_637], %get3A_636 {strides = array<i32>} : memref<512xi32, #tpu.memory_space<vmem>>, vector<16xi32>,
    %add3A_639 = arith.constant 464 : i32
    %add3A_640 = vector.broadcast %add3A_639 : i32 to vector<16xi32>
    %add3A_641 = arith.addi %add3A_640, %iota3A : vector<16xi32>
    %mul3A_642 = arith.constant 8 : i32
    %mul3A_643 = vector.broadcast %mul3A_642 : i32 to vector<16xi32>
    %mul3A_644 = arith.muli %add3A_641, %mul3A_643 : vector<16xi32>
    %get3A_645 = arith.constant 3 : i32
    %get3A_646 = arith.index_cast %get3A_645 : i32 to index
    %get3A_647 = arith.constant 80 : index
    %get3A_648 = tpu.vector_load %arg7[%get3A_646, %get3A_647] {strides = array<i32>} : memref<4x128xi32, #tpu.memory_space<vmem>>, vector<16xi32>,
    tpu.vector_store_idx %arg10[%mul3A_644], %get3A_648 : memref<4096xi32, #tpu.memory_space<vmem>>[vector<16xi32>], vector<16xi32>,
    %get3A_649 = arith.constant 3 : i32
    %get3A_650 = arith.index_cast %get3A_649 : i32 to index
    %get3A_651 = arith.constant 80 : index
    %get3A_652 = tpu.vector_load %arg8[%get3A_650, %get3A_651] {strides = array<i32>} : memref<4x128xi32, #tpu.memory_space<vmem>>, vector<16xi32>,
    %swap3A_653 = arith.constant 464 : index
    %swap3A_654 = tpu.vector_load %arg11[%swap3A_653] {strides = array<i32>} : memref<512xi32, #tpu.memory_space<vmem>>, vector<16xi32>,
    tpu.vector_store %arg11[%swap3A_653], %get3A_652 {strides = array<i32>} : memref<512xi32, #tpu.memory_space<vmem>>, vector<16xi32>,
    %get3A_655 = arith.constant 3 : i32
    %get3A_656 = arith.index_cast %get3A_655 : i32 to index
    %get3A_657 = arith.constant 80 : index
    %get3A_658 = tpu.vector_load %arg9[%get3A_656, %get3A_657] {strides = array<i32>} : memref<4x128xi32, #tpu.memory_space<vmem>>, vector<16xi32>,
    %swap3A_659 = arith.constant 464 : index
    %swap3A_660 = tpu.vector_load %arg12[%swap3A_659] {strides = array<i32>} : memref<512xi32, #tpu.memory_space<vmem>>, vector<16xi32>,
    tpu.vector_store %arg12[%swap3A_659], %get3A_658 {strides = array<i32>} : memref<512xi32, #tpu.memory_space<vmem>>, vector<16xi32>,
    %add3A_661 = arith.constant 480 : i32
    %add3A_662 = vector.broadcast %add3A_661 : i32 to vector<16xi32>
    %add3A_663 = arith.addi %add3A_662, %iota3A : vector<16xi32>
    %mul3A_664 = arith.constant 8 : i32
    %mul3A_665 = vector.broadcast %mul3A_664 : i32 to vector<16xi32>
    %mul3A_666 = arith.muli %add3A_663, %mul3A_665 : vector<16xi32>
    %get3A_667 = arith.constant 3 : i32
    %get3A_668 = arith.index_cast %get3A_667 : i32 to index
    %get3A_669 = arith.constant 96 : index
    %get3A_670 = tpu.vector_load %arg7[%get3A_668, %get3A_669] {strides = array<i32>} : memref<4x128xi32, #tpu.memory_space<vmem>>, vector<16xi32>,
    tpu.vector_store_idx %arg10[%mul3A_666], %get3A_670 : memref<4096xi32, #tpu.memory_space<vmem>>[vector<16xi32>], vector<16xi32>,
    %get3A_671 = arith.constant 3 : i32
    %get3A_672 = arith.index_cast %get3A_671 : i32 to index
    %get3A_673 = arith.constant 96 : index
    %get3A_674 = tpu.vector_load %arg8[%get3A_672, %get3A_673] {strides = array<i32>} : memref<4x128xi32, #tpu.memory_space<vmem>>, vector<16xi32>,
    %swap3A_675 = arith.constant 480 : index
    %swap3A_676 = tpu.vector_load %arg11[%swap3A_675] {strides = array<i32>} : memref<512xi32, #tpu.memory_space<vmem>>, vector<16xi32>,
    tpu.vector_store %arg11[%swap3A_675], %get3A_674 {strides = array<i32>} : memref<512xi32, #tpu.memory_space<vmem>>, vector<16xi32>,
    %get3A_677 = arith.constant 3 : i32
    %get3A_678 = arith.index_cast %get3A_677 : i32 to index
    %get3A_679 = arith.constant 96 : index
    %get3A_680 = tpu.vector_load %arg9[%get3A_678, %get3A_679] {strides = array<i32>} : memref<4x128xi32, #tpu.memory_space<vmem>>, vector<16xi32>,
    %swap3A_681 = arith.constant 480 : index
    %swap3A_682 = tpu.vector_load %arg12[%swap3A_681] {strides = array<i32>} : memref<512xi32, #tpu.memory_space<vmem>>, vector<16xi32>,
    tpu.vector_store %arg12[%swap3A_681], %get3A_680 {strides = array<i32>} : memref<512xi32, #tpu.memory_space<vmem>>, vector<16xi32>,
    %add3A_683 = arith.constant 496 : i32
    %add3A_684 = vector.broadcast %add3A_683 : i32 to vector<16xi32>
    %add3A_685 = arith.addi %add3A_684, %iota3A : vector<16xi32>
    %mul3A_686 = arith.constant 8 : i32
    %mul3A_687 = vector.broadcast %mul3A_686 : i32 to vector<16xi32>
    %mul3A_688 = arith.muli %add3A_685, %mul3A_687 : vector<16xi32>
    %get3A_689 = arith.constant 3 : i32
    %get3A_690 = arith.index_cast %get3A_689 : i32 to index
    %get3A_691 = arith.constant 112 : index
    %get3A_692 = tpu.vector_load %arg7[%get3A_690, %get3A_691] {strides = array<i32>} : memref<4x128xi32, #tpu.memory_space<vmem>>, vector<16xi32>,
    tpu.vector_store_idx %arg10[%mul3A_688], %get3A_692 : memref<4096xi32, #tpu.memory_space<vmem>>[vector<16xi32>], vector<16xi32>,
    %get3A_693 = arith.constant 3 : i32
    %get3A_694 = arith.index_cast %get3A_693 : i32 to index
    %get3A_695 = arith.constant 112 : index
    %get3A_696 = tpu.vector_load %arg8[%get3A_694, %get3A_695] {strides = array<i32>} : memref<4x128xi32, #tpu.memory_space<vmem>>, vector<16xi32>,
    %swap3A_697 = arith.constant 496 : index
    %swap3A_698 = tpu.vector_load %arg11[%swap3A_697] {strides = array<i32>} : memref<512xi32, #tpu.memory_space<vmem>>, vector<16xi32>,
    tpu.vector_store %arg11[%swap3A_697], %get3A_696 {strides = array<i32>} : memref<512xi32, #tpu.memory_space<vmem>>, vector<16xi32>,
    %get3A_699 = arith.constant 3 : i32
    %get3A_700 = arith.index_cast %get3A_699 : i32 to index
    %get3A_701 = arith.constant 112 : index
    %get3A_702 = tpu.vector_load %arg9[%get3A_700, %get3A_701] {strides = array<i32>} : memref<4x128xi32, #tpu.memory_space<vmem>>, vector<16xi32>,
    %swap3A_703 = arith.constant 496 : index
    %swap3A_704 = tpu.vector_load %arg12[%swap3A_703] {strides = array<i32>} : memref<512xi32, #tpu.memory_space<vmem>>, vector<16xi32>,
    tpu.vector_store %arg12[%swap3A_703], %get3A_702 {strides = array<i32>} : memref<512xi32, #tpu.memory_space<vmem>>, vector<16xi32>,
    %scan3A = arith.constant 0 : i32
    %scan3A_705 = arith.constant 0 : i32
    %scan3A_706 = arith.constant 32 : i32
    %scan3A_707 = arith.addi %scan3A_705, %scan3A_706 : i32
    %scan3A_708 = arith.constant 1 : i32
    %scan3A_709 = scf.for %scan3A_1439 = %scan3A_705 to %scan3A_707 step %scan3A_708 iter_args(%scan3A_1440 = %scan3A) -> (i32)  : i32 {
      %mul3A_1441 = arith.constant 16 : i32
      %mul3A_1442 = arith.muli %scan3A_1439, %mul3A_1441 : i32
      %multiple_of3A = tpu.assume_multiple %mul3A_1442, 16 : i32
      %get3A_1443 = arith.index_cast %multiple_of3A : i32 to index
      %get3A_1444 = tpu.vector_load %arg11[%get3A_1443] {strides = array<i32>} : memref<512xi32, #tpu.memory_space<vmem>>, vector<16xi32>,
      %shift_right_logical3A = arith.constant 7 : i32
      %shift_right_logical3A_1445 = vector.broadcast %shift_right_logical3A : i32 to vector<16xi32>
      %shift_right_logical3A_1446 = arith.shrui %get3A_1444, %shift_right_logical3A_1445 : vector<16xi32>
      %mul3A_1447 = arith.constant 128 : i32
      %mul3A_1448 = vector.broadcast %mul3A_1447 : i32 to vector<16xi32>
      %mul3A_1449 = arith.muli %shift_right_logical3A_1446, %mul3A_1448 : vector<16xi32>
      %slice3A = vector.extract_strided_slice %mul3A_1449 {offsets = [0], sizes = [1], strides = [1]} : vector<16xi32> to vector<1xi32>
      %squeeze3A = vector.extract %slice3A[0] : i32 from vector<1xi32>
      %multiple_of3A_1450 = tpu.assume_multiple %squeeze3A, 128 : i32
      %add3A_1451 = arith.constant 0 : i32
      %add3A_1452 = arith.addi %multiple_of3A, %add3A_1451 : i32
      %mul3A_1453 = arith.constant 8 : i32
      %mul3A_1454 = arith.muli %add3A_1452, %mul3A_1453 : i32
      %dma_start3A = arith.constant 0 : i32
      %dma_start3A_1455 = tpu.memref_slice %arg13[%add3A_1452, %dma_start3A] : memref<512x128xf32, #tpu.memory_space<vmem>> -> memref<1x128xf32, #tpu.memory_space<vmem>>
      %dma_start3A_1456 = tpu.memref_slice %arg10[%mul3A_1454] : memref<4096xi32, #tpu.memory_space<vmem>> -> memref<1xi32, #tpu.memory_space<vmem>>
      %dma_start3A_1457 = arith.constant 0 : i32
      %dma_start3A_1458 = tpu.memref_slice %arg5[%dma_start3A_1457, %multiple_of3A_1450] : memref<10000x10000xf32, #tpu.memory_space<hbm>> -> memref<10000x128xf32, #tpu.memory_space<hbm>>
      %dma_start3A_1459 = arith.constant 0 : i32
      %dma_start3A_1460 = arith.constant 0 : i32
      %dma_start3A_1461 = tpu.memref_slice %dma_start3A_1458[%dma_start3A_1459, %dma_start3A_1460] : memref<10000x128xf32, #tpu.memory_space<hbm>> -> memref<10000x128xf32, #tpu.memory_space<hbm>>
      tpu.enqueue_indirect_dma source(%dma_start3A_1461 : memref<10000x128xf32, #tpu.memory_space<hbm>>) target(%dma_start3A_1455 : memref<1x128xf32, #tpu.memory_space<vmem>>) offsets(%dma_start3A_1456 : memref<1xi32, #tpu.memory_space<vmem>>) semaphore(%arg15 : memref<!tpu.dma_semaphore, #tpu.memory_space<semaphore_mem>>)
      %slice3A_1462 = vector.extract_strided_slice %mul3A_1449 {offsets = [1], sizes = [1], strides = [1]} : vector<16xi32> to vector<1xi32>
      %squeeze3A_1463 = vector.extract %slice3A_1462[0] : i32 from vector<1xi32>
      %multiple_of3A_1464 = tpu.assume_multiple %squeeze3A_1463, 128 : i32
      %add3A_1465 = arith.constant 1 : i32
      %add3A_1466 = arith.addi %multiple_of3A, %add3A_1465 : i32
      %mul3A_1467 = arith.constant 8 : i32
      %mul3A_1468 = arith.muli %add3A_1466, %mul3A_1467 : i32
      %dma_start3A_1469 = arith.constant 0 : i32
      %dma_start3A_1470 = tpu.memref_slice %arg13[%add3A_1466, %dma_start3A_1469] : memref<512x128xf32, #tpu.memory_space<vmem>> -> memref<1x128xf32, #tpu.memory_space<vmem>>
      %dma_start3A_1471 = tpu.memref_slice %arg10[%mul3A_1468] : memref<4096xi32, #tpu.memory_space<vmem>> -> memref<1xi32, #tpu.memory_space<vmem>>
      %dma_start3A_1472 = arith.constant 0 : i32
      %dma_start3A_1473 = tpu.memref_slice %arg5[%dma_start3A_1472, %multiple_of3A_1464] : memref<10000x10000xf32, #tpu.memory_space<hbm>> -> memref<10000x128xf32, #tpu.memory_space<hbm>>
      %dma_start3A_1474 = arith.constant 0 : i32
      %dma_start3A_1475 = arith.constant 0 : i32
      %dma_start3A_1476 = tpu.memref_slice %dma_start3A_1473[%dma_start3A_1474, %dma_start3A_1475] : memref<10000x128xf32, #tpu.memory_space<hbm>> -> memref<10000x128xf32, #tpu.memory_space<hbm>>
      tpu.enqueue_indirect_dma source(%dma_start3A_1476 : memref<10000x128xf32, #tpu.memory_space<hbm>>) target(%dma_start3A_1470 : memref<1x128xf32, #tpu.memory_space<vmem>>) offsets(%dma_start3A_1471 : memref<1xi32, #tpu.memory_space<vmem>>) semaphore(%arg15 : memref<!tpu.dma_semaphore, #tpu.memory_space<semaphore_mem>>)
      %slice3A_1477 = vector.extract_strided_slice %mul3A_1449 {offsets = [2], sizes = [1], strides = [1]} : vector<16xi32> to vector<1xi32>
      %squeeze3A_1478 = vector.extract %slice3A_1477[0] : i32 from vector<1xi32>
      %multiple_of3A_1479 = tpu.assume_multiple %squeeze3A_1478, 128 : i32
      %add3A_1480 = arith.constant 2 : i32
      %add3A_1481 = arith.addi %multiple_of3A, %add3A_1480 : i32
      %mul3A_1482 = arith.constant 8 : i32
      %mul3A_1483 = arith.muli %add3A_1481, %mul3A_1482 : i32
      %dma_start3A_1484 = arith.constant 0 : i32
      %dma_start3A_1485 = tpu.memref_slice %arg13[%add3A_1481, %dma_start3A_1484] : memref<512x128xf32, #tpu.memory_space<vmem>> -> memref<1x128xf32, #tpu.memory_space<vmem>>
      %dma_start3A_1486 = tpu.memref_slice %arg10[%mul3A_1483] : memref<4096xi32, #tpu.memory_space<vmem>> -> memref<1xi32, #tpu.memory_space<vmem>>
      %dma_start3A_1487 = arith.constant 0 : i32
      %dma_start3A_1488 = tpu.memref_slice %arg5[%dma_start3A_1487, %multiple_of3A_1479] : memref<10000x10000xf32, #tpu.memory_space<hbm>> -> memref<10000x128xf32, #tpu.memory_space<hbm>>
      %dma_start3A_1489 = arith.constant 0 : i32
      %dma_start3A_1490 = arith.constant 0 : i32
      %dma_start3A_1491 = tpu.memref_slice %dma_start3A_1488[%dma_start3A_1489, %dma_start3A_1490] : memref<10000x128xf32, #tpu.memory_space<hbm>> -> memref<10000x128xf32, #tpu.memory_space<hbm>>
      tpu.enqueue_indirect_dma source(%dma_start3A_1491 : memref<10000x128xf32, #tpu.memory_space<hbm>>) target(%dma_start3A_1485 : memref<1x128xf32, #tpu.memory_space<vmem>>) offsets(%dma_start3A_1486 : memref<1xi32, #tpu.memory_space<vmem>>) semaphore(%arg15 : memref<!tpu.dma_semaphore, #tpu.memory_space<semaphore_mem>>)
      %slice3A_1492 = vector.extract_strided_slice %mul3A_1449 {offsets = [3], sizes = [1], strides = [1]} : vector<16xi32> to vector<1xi32>
      %squeeze3A_1493 = vector.extract %slice3A_1492[0] : i32 from vector<1xi32>
      %multiple_of3A_1494 = tpu.assume_multiple %squeeze3A_1493, 128 : i32
      %add3A_1495 = arith.constant 3 : i32
      %add3A_1496 = arith.addi %multiple_of3A, %add3A_1495 : i32
      %mul3A_1497 = arith.constant 8 : i32
      %mul3A_1498 = arith.muli %add3A_1496, %mul3A_1497 : i32
      %dma_start3A_1499 = arith.constant 0 : i32
      %dma_start3A_1500 = tpu.memref_slice %arg13[%add3A_1496, %dma_start3A_1499] : memref<512x128xf32, #tpu.memory_space<vmem>> -> memref<1x128xf32, #tpu.memory_space<vmem>>
      %dma_start3A_1501 = tpu.memref_slice %arg10[%mul3A_1498] : memref<4096xi32, #tpu.memory_space<vmem>> -> memref<1xi32, #tpu.memory_space<vmem>>
      %dma_start3A_1502 = arith.constant 0 : i32
      %dma_start3A_1503 = tpu.memref_slice %arg5[%dma_start3A_1502, %multiple_of3A_1494] : memref<10000x10000xf32, #tpu.memory_space<hbm>> -> memref<10000x128xf32, #tpu.memory_space<hbm>>
      %dma_start3A_1504 = arith.constant 0 : i32
      %dma_start3A_1505 = arith.constant 0 : i32
      %dma_start3A_1506 = tpu.memref_slice %dma_start3A_1503[%dma_start3A_1504, %dma_start3A_1505] : memref<10000x128xf32, #tpu.memory_space<hbm>> -> memref<10000x128xf32, #tpu.memory_space<hbm>>
      tpu.enqueue_indirect_dma source(%dma_start3A_1506 : memref<10000x128xf32, #tpu.memory_space<hbm>>) target(%dma_start3A_1500 : memref<1x128xf32, #tpu.memory_space<vmem>>) offsets(%dma_start3A_1501 : memref<1xi32, #tpu.memory_space<vmem>>) semaphore(%arg15 : memref<!tpu.dma_semaphore, #tpu.memory_space<semaphore_mem>>)
      %slice3A_1507 = vector.extract_strided_slice %mul3A_1449 {offsets = [4], sizes = [1], strides = [1]} : vector<16xi32> to vector<1xi32>
      %squeeze3A_1508 = vector.extract %slice3A_1507[0] : i32 from vector<1xi32>
      %multiple_of3A_1509 = tpu.assume_multiple %squeeze3A_1508, 128 : i32
      %add3A_1510 = arith.constant 4 : i32
      %add3A_1511 = arith.addi %multiple_of3A, %add3A_1510 : i32
      %mul3A_1512 = arith.constant 8 : i32
      %mul3A_1513 = arith.muli %add3A_1511, %mul3A_1512 : i32
      %dma_start3A_1514 = arith.constant 0 : i32
      %dma_start3A_1515 = tpu.memref_slice %arg13[%add3A_1511, %dma_start3A_1514] : memref<512x128xf32, #tpu.memory_space<vmem>> -> memref<1x128xf32, #tpu.memory_space<vmem>>
      %dma_start3A_1516 = tpu.memref_slice %arg10[%mul3A_1513] : memref<4096xi32, #tpu.memory_space<vmem>> -> memref<1xi32, #tpu.memory_space<vmem>>
      %dma_start3A_1517 = arith.constant 0 : i32
      %dma_start3A_1518 = tpu.memref_slice %arg5[%dma_start3A_1517, %multiple_of3A_1509] : memref<10000x10000xf32, #tpu.memory_space<hbm>> -> memref<10000x128xf32, #tpu.memory_space<hbm>>
      %dma_start3A_1519 = arith.constant 0 : i32
      %dma_start3A_1520 = arith.constant 0 : i32
      %dma_start3A_1521 = tpu.memref_slice %dma_start3A_1518[%dma_start3A_1519, %dma_start3A_1520] : memref<10000x128xf32, #tpu.memory_space<hbm>> -> memref<10000x128xf32, #tpu.memory_space<hbm>>
      tpu.enqueue_indirect_dma source(%dma_start3A_1521 : memref<10000x128xf32, #tpu.memory_space<hbm>>) target(%dma_start3A_1515 : memref<1x128xf32, #tpu.memory_space<vmem>>) offsets(%dma_start3A_1516 : memref<1xi32, #tpu.memory_space<vmem>>) semaphore(%arg15 : memref<!tpu.dma_semaphore, #tpu.memory_space<semaphore_mem>>)
      %slice3A_1522 = vector.extract_strided_slice %mul3A_1449 {offsets = [5], sizes = [1], strides = [1]} : vector<16xi32> to vector<1xi32>
      %squeeze3A_1523 = vector.extract %slice3A_1522[0] : i32 from vector<1xi32>
      %multiple_of3A_1524 = tpu.assume_multiple %squeeze3A_1523, 128 : i32
      %add3A_1525 = arith.constant 5 : i32
      %add3A_1526 = arith.addi %multiple_of3A, %add3A_1525 : i32
      %mul3A_1527 = arith.constant 8 : i32
      %mul3A_1528 = arith.muli %add3A_1526, %mul3A_1527 : i32
      %dma_start3A_1529 = arith.constant 0 : i32
      %dma_start3A_1530 = tpu.memref_slice %arg13[%add3A_1526, %dma_start3A_1529] : memref<512x128xf32, #tpu.memory_space<vmem>> -> memref<1x128xf32, #tpu.memory_space<vmem>>
      %dma_start3A_1531 = tpu.memref_slice %arg10[%mul3A_1528] : memref<4096xi32, #tpu.memory_space<vmem>> -> memref<1xi32, #tpu.memory_space<vmem>>
      %dma_start3A_1532 = arith.constant 0 : i32
      %dma_start3A_1533 = tpu.memref_slice %arg5[%dma_start3A_1532, %multiple_of3A_1524] : memref<10000x10000xf32, #tpu.memory_space<hbm>> -> memref<10000x128xf32, #tpu.memory_space<hbm>>
      %dma_start3A_1534 = arith.constant 0 : i32
      %dma_start3A_1535 = arith.constant 0 : i32
      %dma_start3A_1536 = tpu.memref_slice %dma_start3A_1533[%dma_start3A_1534, %dma_start3A_1535] : memref<10000x128xf32, #tpu.memory_space<hbm>> -> memref<10000x128xf32, #tpu.memory_space<hbm>>
      tpu.enqueue_indirect_dma source(%dma_start3A_1536 : memref<10000x128xf32, #tpu.memory_space<hbm>>) target(%dma_start3A_1530 : memref<1x128xf32, #tpu.memory_space<vmem>>) offsets(%dma_start3A_1531 : memref<1xi32, #tpu.memory_space<vmem>>) semaphore(%arg15 : memref<!tpu.dma_semaphore, #tpu.memory_space<semaphore_mem>>)
      %slice3A_1537 = vector.extract_strided_slice %mul3A_1449 {offsets = [6], sizes = [1], strides = [1]} : vector<16xi32> to vector<1xi32>
      %squeeze3A_1538 = vector.extract %slice3A_1537[0] : i32 from vector<1xi32>
      %multiple_of3A_1539 = tpu.assume_multiple %squeeze3A_1538, 128 : i32
      %add3A_1540 = arith.constant 6 : i32
      %add3A_1541 = arith.addi %multiple_of3A, %add3A_1540 : i32
      %mul3A_1542 = arith.constant 8 : i32
      %mul3A_1543 = arith.muli %add3A_1541, %mul3A_1542 : i32
      %dma_start3A_1544 = arith.constant 0 : i32
      %dma_start3A_1545 = tpu.memref_slice %arg13[%add3A_1541, %dma_start3A_1544] : memref<512x128xf32, #tpu.memory_space<vmem>> -> memref<1x128xf32, #tpu.memory_space<vmem>>
      %dma_start3A_1546 = tpu.memref_slice %arg10[%mul3A_1543] : memref<4096xi32, #tpu.memory_space<vmem>> -> memref<1xi32, #tpu.memory_space<vmem>>
      %dma_start3A_1547 = arith.constant 0 : i32
      %dma_start3A_1548 = tpu.memref_slice %arg5[%dma_start3A_1547, %multiple_of3A_1539] : memref<10000x10000xf32, #tpu.memory_space<hbm>> -> memref<10000x128xf32, #tpu.memory_space<hbm>>
      %dma_start3A_1549 = arith.constant 0 : i32
      %dma_start3A_1550 = arith.constant 0 : i32
      %dma_start3A_1551 = tpu.memref_slice %dma_start3A_1548[%dma_start3A_1549, %dma_start3A_1550] : memref<10000x128xf32, #tpu.memory_space<hbm>> -> memref<10000x128xf32, #tpu.memory_space<hbm>>
      tpu.enqueue_indirect_dma source(%dma_start3A_1551 : memref<10000x128xf32, #tpu.memory_space<hbm>>) target(%dma_start3A_1545 : memref<1x128xf32, #tpu.memory_space<vmem>>) offsets(%dma_start3A_1546 : memref<1xi32, #tpu.memory_space<vmem>>) semaphore(%arg15 : memref<!tpu.dma_semaphore, #tpu.memory_space<semaphore_mem>>)
      %slice3A_1552 = vector.extract_strided_slice %mul3A_1449 {offsets = [7], sizes = [1], strides = [1]} : vector<16xi32> to vector<1xi32>
      %squeeze3A_1553 = vector.extract %slice3A_1552[0] : i32 from vector<1xi32>
      %multiple_of3A_1554 = tpu.assume_multiple %squeeze3A_1553, 128 : i32
      %add3A_1555 = arith.constant 7 : i32
      %add3A_1556 = arith.addi %multiple_of3A, %add3A_1555 : i32
      %mul3A_1557 = arith.constant 8 : i32
      %mul3A_1558 = arith.muli %add3A_1556, %mul3A_1557 : i32
      %dma_start3A_1559 = arith.constant 0 : i32
      %dma_start3A_1560 = tpu.memref_slice %arg13[%add3A_1556, %dma_start3A_1559] : memref<512x128xf32, #tpu.memory_space<vmem>> -> memref<1x128xf32, #tpu.memory_space<vmem>>
      %dma_start3A_1561 = tpu.memref_slice %arg10[%mul3A_1558] : memref<4096xi32, #tpu.memory_space<vmem>> -> memref<1xi32, #tpu.memory_space<vmem>>
      %dma_start3A_1562 = arith.constant 0 : i32
      %dma_start3A_1563 = tpu.memref_slice %arg5[%dma_start3A_1562, %multiple_of3A_1554] : memref<10000x10000xf32, #tpu.memory_space<hbm>> -> memref<10000x128xf32, #tpu.memory_space<hbm>>
      %dma_start3A_1564 = arith.constant 0 : i32
      %dma_start3A_1565 = arith.constant 0 : i32
      %dma_start3A_1566 = tpu.memref_slice %dma_start3A_1563[%dma_start3A_1564, %dma_start3A_1565] : memref<10000x128xf32, #tpu.memory_space<hbm>> -> memref<10000x128xf32, #tpu.memory_space<hbm>>
      tpu.enqueue_indirect_dma source(%dma_start3A_1566 : memref<10000x128xf32, #tpu.memory_space<hbm>>) target(%dma_start3A_1560 : memref<1x128xf32, #tpu.memory_space<vmem>>) offsets(%dma_start3A_1561 : memref<1xi32, #tpu.memory_space<vmem>>) semaphore(%arg15 : memref<!tpu.dma_semaphore, #tpu.memory_space<semaphore_mem>>)
      %slice3A_1567 = vector.extract_strided_slice %mul3A_1449 {offsets = [8], sizes = [1], strides = [1]} : vector<16xi32> to vector<1xi32>
      %squeeze3A_1568 = vector.extract %slice3A_1567[0] : i32 from vector<1xi32>
      %multiple_of3A_1569 = tpu.assume_multiple %squeeze3A_1568, 128 : i32
      %add3A_1570 = arith.constant 8 : i32
      %add3A_1571 = arith.addi %multiple_of3A, %add3A_1570 : i32
      %mul3A_1572 = arith.constant 8 : i32
      %mul3A_1573 = arith.muli %add3A_1571, %mul3A_1572 : i32
      %dma_start3A_1574 = arith.constant 0 : i32
      %dma_start3A_1575 = tpu.memref_slice %arg13[%add3A_1571, %dma_start3A_1574] : memref<512x128xf32, #tpu.memory_space<vmem>> -> memref<1x128xf32, #tpu.memory_space<vmem>>
      %dma_start3A_1576 = tpu.memref_slice %arg10[%mul3A_1573] : memref<4096xi32, #tpu.memory_space<vmem>> -> memref<1xi32, #tpu.memory_space<vmem>>
      %dma_start3A_1577 = arith.constant 0 : i32
      %dma_start3A_1578 = tpu.memref_slice %arg5[%dma_start3A_1577, %multiple_of3A_1569] : memref<10000x10000xf32, #tpu.memory_space<hbm>> -> memref<10000x128xf32, #tpu.memory_space<hbm>>
      %dma_start3A_1579 = arith.constant 0 : i32
      %dma_start3A_1580 = arith.constant 0 : i32
      %dma_start3A_1581 = tpu.memref_slice %dma_start3A_1578[%dma_start3A_1579, %dma_start3A_1580] : memref<10000x128xf32, #tpu.memory_space<hbm>> -> memref<10000x128xf32, #tpu.memory_space<hbm>>
      tpu.enqueue_indirect_dma source(%dma_start3A_1581 : memref<10000x128xf32, #tpu.memory_space<hbm>>) target(%dma_start3A_1575 : memref<1x128xf32, #tpu.memory_space<vmem>>) offsets(%dma_start3A_1576 : memref<1xi32, #tpu.memory_space<vmem>>) semaphore(%arg15 : memref<!tpu.dma_semaphore, #tpu.memory_space<semaphore_mem>>)
      %slice3A_1582 = vector.extract_strided_slice %mul3A_1449 {offsets = [9], sizes = [1], strides = [1]} : vector<16xi32> to vector<1xi32>
      %squeeze3A_1583 = vector.extract %slice3A_1582[0] : i32 from vector<1xi32>
      %multiple_of3A_1584 = tpu.assume_multiple %squeeze3A_1583, 128 : i32
      %add3A_1585 = arith.constant 9 : i32
      %add3A_1586 = arith.addi %multiple_of3A, %add3A_1585 : i32
      %mul3A_1587 = arith.constant 8 : i32
      %mul3A_1588 = arith.muli %add3A_1586, %mul3A_1587 : i32
      %dma_start3A_1589 = arith.constant 0 : i32
      %dma_start3A_1590 = tpu.memref_slice %arg13[%add3A_1586, %dma_start3A_1589] : memref<512x128xf32, #tpu.memory_space<vmem>> -> memref<1x128xf32, #tpu.memory_space<vmem>>
      %dma_start3A_1591 = tpu.memref_slice %arg10[%mul3A_1588] : memref<4096xi32, #tpu.memory_space<vmem>> -> memref<1xi32, #tpu.memory_space<vmem>>
      %dma_start3A_1592 = arith.constant 0 : i32
      %dma_start3A_1593 = tpu.memref_slice %arg5[%dma_start3A_1592, %multiple_of3A_1584] : memref<10000x10000xf32, #tpu.memory_space<hbm>> -> memref<10000x128xf32, #tpu.memory_space<hbm>>
      %dma_start3A_1594 = arith.constant 0 : i32
      %dma_start3A_1595 = arith.constant 0 : i32
      %dma_start3A_1596 = tpu.memref_slice %dma_start3A_1593[%dma_start3A_1594, %dma_start3A_1595] : memref<10000x128xf32, #tpu.memory_space<hbm>> -> memref<10000x128xf32, #tpu.memory_space<hbm>>
      tpu.enqueue_indirect_dma source(%dma_start3A_1596 : memref<10000x128xf32, #tpu.memory_space<hbm>>) target(%dma_start3A_1590 : memref<1x128xf32, #tpu.memory_space<vmem>>) offsets(%dma_start3A_1591 : memref<1xi32, #tpu.memory_space<vmem>>) semaphore(%arg15 : memref<!tpu.dma_semaphore, #tpu.memory_space<semaphore_mem>>)
      %slice3A_1597 = vector.extract_strided_slice %mul3A_1449 {offsets = [10], sizes = [1], strides = [1]} : vector<16xi32> to vector<1xi32>
      %squeeze3A_1598 = vector.extract %slice3A_1597[0] : i32 from vector<1xi32>
      %multiple_of3A_1599 = tpu.assume_multiple %squeeze3A_1598, 128 : i32
      %add3A_1600 = arith.constant 10 : i32
      %add3A_1601 = arith.addi %multiple_of3A, %add3A_1600 : i32
      %mul3A_1602 = arith.constant 8 : i32
      %mul3A_1603 = arith.muli %add3A_1601, %mul3A_1602 : i32
      %dma_start3A_1604 = arith.constant 0 : i32
      %dma_start3A_1605 = tpu.memref_slice %arg13[%add3A_1601, %dma_start3A_1604] : memref<512x128xf32, #tpu.memory_space<vmem>> -> memref<1x128xf32, #tpu.memory_space<vmem>>
      %dma_start3A_1606 = tpu.memref_slice %arg10[%mul3A_1603] : memref<4096xi32, #tpu.memory_space<vmem>> -> memref<1xi32, #tpu.memory_space<vmem>>
      %dma_start3A_1607 = arith.constant 0 : i32
      %dma_start3A_1608 = tpu.memref_slice %arg5[%dma_start3A_1607, %multiple_of3A_1599] : memref<10000x10000xf32, #tpu.memory_space<hbm>> -> memref<10000x128xf32, #tpu.memory_space<hbm>>
      %dma_start3A_1609 = arith.constant 0 : i32
      %dma_start3A_1610 = arith.constant 0 : i32
      %dma_start3A_1611 = tpu.memref_slice %dma_start3A_1608[%dma_start3A_1609, %dma_start3A_1610] : memref<10000x128xf32, #tpu.memory_space<hbm>> -> memref<10000x128xf32, #tpu.memory_space<hbm>>
      tpu.enqueue_indirect_dma source(%dma_start3A_1611 : memref<10000x128xf32, #tpu.memory_space<hbm>>) target(%dma_start3A_1605 : memref<1x128xf32, #tpu.memory_space<vmem>>) offsets(%dma_start3A_1606 : memref<1xi32, #tpu.memory_space<vmem>>) semaphore(%arg15 : memref<!tpu.dma_semaphore, #tpu.memory_space<semaphore_mem>>)
      %slice3A_1612 = vector.extract_strided_slice %mul3A_1449 {offsets = [11], sizes = [1], strides = [1]} : vector<16xi32> to vector<1xi32>
      %squeeze3A_1613 = vector.extract %slice3A_1612[0] : i32 from vector<1xi32>
      %multiple_of3A_1614 = tpu.assume_multiple %squeeze3A_1613, 128 : i32
      %add3A_1615 = arith.constant 11 : i32
      %add3A_1616 = arith.addi %multiple_of3A, %add3A_1615 : i32
      %mul3A_1617 = arith.constant 8 : i32
      %mul3A_1618 = arith.muli %add3A_1616, %mul3A_1617 : i32
      %dma_start3A_1619 = arith.constant 0 : i32
      %dma_start3A_1620 = tpu.memref_slice %arg13[%add3A_1616, %dma_start3A_1619] : memref<512x128xf32, #tpu.memory_space<vmem>> -> memref<1x128xf32, #tpu.memory_space<vmem>>
      %dma_start3A_1621 = tpu.memref_slice %arg10[%mul3A_1618] : memref<4096xi32, #tpu.memory_space<vmem>> -> memref<1xi32, #tpu.memory_space<vmem>>
      %dma_start3A_1622 = arith.constant 0 : i32
      %dma_start3A_1623 = tpu.memref_slice %arg5[%dma_start3A_1622, %multiple_of3A_1614] : memref<10000x10000xf32, #tpu.memory_space<hbm>> -> memref<10000x128xf32, #tpu.memory_space<hbm>>
      %dma_start3A_1624 = arith.constant 0 : i32
      %dma_start3A_1625 = arith.constant 0 : i32
      %dma_start3A_1626 = tpu.memref_slice %dma_start3A_1623[%dma_start3A_1624, %dma_start3A_1625] : memref<10000x128xf32, #tpu.memory_space<hbm>> -> memref<10000x128xf32, #tpu.memory_space<hbm>>
      tpu.enqueue_indirect_dma source(%dma_start3A_1626 : memref<10000x128xf32, #tpu.memory_space<hbm>>) target(%dma_start3A_1620 : memref<1x128xf32, #tpu.memory_space<vmem>>) offsets(%dma_start3A_1621 : memref<1xi32, #tpu.memory_space<vmem>>) semaphore(%arg15 : memref<!tpu.dma_semaphore, #tpu.memory_space<semaphore_mem>>)
      %slice3A_1627 = vector.extract_strided_slice %mul3A_1449 {offsets = [12], sizes = [1], strides = [1]} : vector<16xi32> to vector<1xi32>
      %squeeze3A_1628 = vector.extract %slice3A_1627[0] : i32 from vector<1xi32>
      %multiple_of3A_1629 = tpu.assume_multiple %squeeze3A_1628, 128 : i32
      %add3A_1630 = arith.constant 12 : i32
      %add3A_1631 = arith.addi %multiple_of3A, %add3A_1630 : i32
      %mul3A_1632 = arith.constant 8 : i32
      %mul3A_1633 = arith.muli %add3A_1631, %mul3A_1632 : i32
      %dma_start3A_1634 = arith.constant 0 : i32
      %dma_start3A_1635 = tpu.memref_slice %arg13[%add3A_1631, %dma_start3A_1634] : memref<512x128xf32, #tpu.memory_space<vmem>> -> memref<1x128xf32, #tpu.memory_space<vmem>>
      %dma_start3A_1636 = tpu.memref_slice %arg10[%mul3A_1633] : memref<4096xi32, #tpu.memory_space<vmem>> -> memref<1xi32, #tpu.memory_space<vmem>>
      %dma_start3A_1637 = arith.constant 0 : i32
      %dma_start3A_1638 = tpu.memref_slice %arg5[%dma_start3A_1637, %multiple_of3A_1629] : memref<10000x10000xf32, #tpu.memory_space<hbm>> -> memref<10000x128xf32, #tpu.memory_space<hbm>>
      %dma_start3A_1639 = arith.constant 0 : i32
      %dma_start3A_1640 = arith.constant 0 : i32
      %dma_start3A_1641 = tpu.memref_slice %dma_start3A_1638[%dma_start3A_1639, %dma_start3A_1640] : memref<10000x128xf32, #tpu.memory_space<hbm>> -> memref<10000x128xf32, #tpu.memory_space<hbm>>
      tpu.enqueue_indirect_dma source(%dma_start3A_1641 : memref<10000x128xf32, #tpu.memory_space<hbm>>) target(%dma_start3A_1635 : memref<1x128xf32, #tpu.memory_space<vmem>>) offsets(%dma_start3A_1636 : memref<1xi32, #tpu.memory_space<vmem>>) semaphore(%arg15 : memref<!tpu.dma_semaphore, #tpu.memory_space<semaphore_mem>>)
      %slice3A_1642 = vector.extract_strided_slice %mul3A_1449 {offsets = [13], sizes = [1], strides = [1]} : vector<16xi32> to vector<1xi32>
      %squeeze3A_1643 = vector.extract %slice3A_1642[0] : i32 from vector<1xi32>
      %multiple_of3A_1644 = tpu.assume_multiple %squeeze3A_1643, 128 : i32
      %add3A_1645 = arith.constant 13 : i32
      %add3A_1646 = arith.addi %multiple_of3A, %add3A_1645 : i32
      %mul3A_1647 = arith.constant 8 : i32
      %mul3A_1648 = arith.muli %add3A_1646, %mul3A_1647 : i32
      %dma_start3A_1649 = arith.constant 0 : i32
      %dma_start3A_1650 = tpu.memref_slice %arg13[%add3A_1646, %dma_start3A_1649] : memref<512x128xf32, #tpu.memory_space<vmem>> -> memref<1x128xf32, #tpu.memory_space<vmem>>
      %dma_start3A_1651 = tpu.memref_slice %arg10[%mul3A_1648] : memref<4096xi32, #tpu.memory_space<vmem>> -> memref<1xi32, #tpu.memory_space<vmem>>
      %dma_start3A_1652 = arith.constant 0 : i32
      %dma_start3A_1653 = tpu.memref_slice %arg5[%dma_start3A_1652, %multiple_of3A_1644] : memref<10000x10000xf32, #tpu.memory_space<hbm>> -> memref<10000x128xf32, #tpu.memory_space<hbm>>
      %dma_start3A_1654 = arith.constant 0 : i32
      %dma_start3A_1655 = arith.constant 0 : i32
      %dma_start3A_1656 = tpu.memref_slice %dma_start3A_1653[%dma_start3A_1654, %dma_start3A_1655] : memref<10000x128xf32, #tpu.memory_space<hbm>> -> memref<10000x128xf32, #tpu.memory_space<hbm>>
      tpu.enqueue_indirect_dma source(%dma_start3A_1656 : memref<10000x128xf32, #tpu.memory_space<hbm>>) target(%dma_start3A_1650 : memref<1x128xf32, #tpu.memory_space<vmem>>) offsets(%dma_start3A_1651 : memref<1xi32, #tpu.memory_space<vmem>>) semaphore(%arg15 : memref<!tpu.dma_semaphore, #tpu.memory_space<semaphore_mem>>)
      %slice3A_1657 = vector.extract_strided_slice %mul3A_1449 {offsets = [14], sizes = [1], strides = [1]} : vector<16xi32> to vector<1xi32>
      %squeeze3A_1658 = vector.extract %slice3A_1657[0] : i32 from vector<1xi32>
      %multiple_of3A_1659 = tpu.assume_multiple %squeeze3A_1658, 128 : i32
      %add3A_1660 = arith.constant 14 : i32
      %add3A_1661 = arith.addi %multiple_of3A, %add3A_1660 : i32
      %mul3A_1662 = arith.constant 8 : i32
      %mul3A_1663 = arith.muli %add3A_1661, %mul3A_1662 : i32
      %dma_start3A_1664 = arith.constant 0 : i32
      %dma_start3A_1665 = tpu.memref_slice %arg13[%add3A_1661, %dma_start3A_1664] : memref<512x128xf32, #tpu.memory_space<vmem>> -> memref<1x128xf32, #tpu.memory_space<vmem>>
      %dma_start3A_1666 = tpu.memref_slice %arg10[%mul3A_1663] : memref<4096xi32, #tpu.memory_space<vmem>> -> memref<1xi32, #tpu.memory_space<vmem>>
      %dma_start3A_1667 = arith.constant 0 : i32
      %dma_start3A_1668 = tpu.memref_slice %arg5[%dma_start3A_1667, %multiple_of3A_1659] : memref<10000x10000xf32, #tpu.memory_space<hbm>> -> memref<10000x128xf32, #tpu.memory_space<hbm>>
      %dma_start3A_1669 = arith.constant 0 : i32
      %dma_start3A_1670 = arith.constant 0 : i32
      %dma_start3A_1671 = tpu.memref_slice %dma_start3A_1668[%dma_start3A_1669, %dma_start3A_1670] : memref<10000x128xf32, #tpu.memory_space<hbm>> -> memref<10000x128xf32, #tpu.memory_space<hbm>>
      tpu.enqueue_indirect_dma source(%dma_start3A_1671 : memref<10000x128xf32, #tpu.memory_space<hbm>>) target(%dma_start3A_1665 : memref<1x128xf32, #tpu.memory_space<vmem>>) offsets(%dma_start3A_1666 : memref<1xi32, #tpu.memory_space<vmem>>) semaphore(%arg15 : memref<!tpu.dma_semaphore, #tpu.memory_space<semaphore_mem>>)
      %slice3A_1672 = vector.extract_strided_slice %mul3A_1449 {offsets = [15], sizes = [1], strides = [1]} : vector<16xi32> to vector<1xi32>
      %squeeze3A_1673 = vector.extract %slice3A_1672[0] : i32 from vector<1xi32>
      %multiple_of3A_1674 = tpu.assume_multiple %squeeze3A_1673, 128 : i32
      %add3A_1675 = arith.constant 15 : i32
      %add3A_1676 = arith.addi %multiple_of3A, %add3A_1675 : i32
      %mul3A_1677 = arith.constant 8 : i32
      %mul3A_1678 = arith.muli %add3A_1676, %mul3A_1677 : i32
      %dma_start3A_1679 = arith.constant 0 : i32
      %dma_start3A_1680 = tpu.memref_slice %arg13[%add3A_1676, %dma_start3A_1679] : memref<512x128xf32, #tpu.memory_space<vmem>> -> memref<1x128xf32, #tpu.memory_space<vmem>>
      %dma_start3A_1681 = tpu.memref_slice %arg10[%mul3A_1678] : memref<4096xi32, #tpu.memory_space<vmem>> -> memref<1xi32, #tpu.memory_space<vmem>>
      %dma_start3A_1682 = arith.constant 0 : i32
      %dma_start3A_1683 = tpu.memref_slice %arg5[%dma_start3A_1682, %multiple_of3A_1674] : memref<10000x10000xf32, #tpu.memory_space<hbm>> -> memref<10000x128xf32, #tpu.memory_space<hbm>>
      %dma_start3A_1684 = arith.constant 0 : i32
      %dma_start3A_1685 = arith.constant 0 : i32
      %dma_start3A_1686 = tpu.memref_slice %dma_start3A_1683[%dma_start3A_1684, %dma_start3A_1685] : memref<10000x128xf32, #tpu.memory_space<hbm>> -> memref<10000x128xf32, #tpu.memory_space<hbm>>
      tpu.enqueue_indirect_dma source(%dma_start3A_1686 : memref<10000x128xf32, #tpu.memory_space<hbm>>) target(%dma_start3A_1680 : memref<1x128xf32, #tpu.memory_space<vmem>>) offsets(%dma_start3A_1681 : memref<1xi32, #tpu.memory_space<vmem>>) semaphore(%arg15 : memref<!tpu.dma_semaphore, #tpu.memory_space<semaphore_mem>>)
      %scan3A_1687 = arith.constant 0 : i32
      scf.yield %scan3A_1687 : i32
    }
    %scan3A_710 = arith.constant 32 : i32
    %dma_wait3A = arith.constant 0 : i32
    %dma_wait3A_711 = tpu.memref_slice %arg10[%dma_wait3A] : memref<4096xi32, #tpu.memory_space<vmem>> -> memref<512xi32, #tpu.memory_space<vmem>>
    %dma_wait3A_712 = arith.constant 0 : i32
    %dma_wait3A_713 = arith.constant 0 : i32
    %dma_wait3A_714 = tpu.memref_slice %arg5[%dma_wait3A_712, %dma_wait3A_713] : memref<10000x10000xf32, #tpu.memory_space<hbm>> -> memref<10000x128xf32, #tpu.memory_space<hbm>>
    %dma_wait3A_715 = arith.constant 0 : i32
    %dma_wait3A_716 = arith.constant 0 : i32
    %dma_wait3A_717 = tpu.memref_slice %dma_wait3A_714[%dma_wait3A_715, %dma_wait3A_716] : memref<10000x128xf32, #tpu.memory_space<hbm>> -> memref<10000x128xf32, #tpu.memory_space<hbm>>
    tpu.wait_indirect_dma semaphore(%arg15 : memref<!tpu.dma_semaphore, #tpu.memory_space<semaphore_mem>>) src(%dma_wait3A_717 : memref<10000x128xf32, #tpu.memory_space<hbm>>) dst(%arg13 : memref<512x128xf32, #tpu.memory_space<vmem>>)
    %add3A_718 = arith.constant 0 : i32
    %add3A_719 = vector.broadcast %add3A_718 : i32 to vector<16xi32>
    %add3A_720 = arith.addi %add3A_719, %iota3A : vector<16xi32>
    %get3A_721 = arith.constant 0 : index
    %get3A_722 = tpu.vector_load %arg11[%get3A_721] {strides = array<i32>} : memref<512xi32, #tpu.memory_space<vmem>>, vector<16xi32>,
    %and3A = arith.constant 127 : i32
    %and3A_723 = vector.broadcast %and3A : i32 to vector<16xi32>
    %and3A_724 = arith.andi %get3A_722, %and3A_723 : vector<16xi32>
    %gather3A = tpu.vector_load_idx %arg13[%add3A_720, %and3A_724] : memref<512x128xf32, #tpu.memory_space<vmem>>[vector<16xi32>, vector<16xi32>], vector<16xf32>,
    %swap3A_725 = arith.constant 0 : index
    %swap3A_726 = tpu.vector_load %arg14[%swap3A_725] {strides = array<i32>} : memref<1024xf32, #tpu.memory_space<vmem>>, vector<16xf32>,
    tpu.vector_store %arg14[%swap3A_725], %gather3A {strides = array<i32>} : memref<1024xf32, #tpu.memory_space<vmem>>, vector<16xf32>,
    %add3A_727 = arith.constant 16 : i32
    %add3A_728 = vector.broadcast %add3A_727 : i32 to vector<16xi32>
    %add3A_729 = arith.addi %add3A_728, %iota3A : vector<16xi32>
    %get3A_730 = arith.constant 16 : index
    %get3A_731 = tpu.vector_load %arg11[%get3A_730] {strides = array<i32>} : memref<512xi32, #tpu.memory_space<vmem>>, vector<16xi32>,
    %and3A_732 = arith.constant 127 : i32
    %and3A_733 = vector.broadcast %and3A_732 : i32 to vector<16xi32>
    %and3A_734 = arith.andi %get3A_731, %and3A_733 : vector<16xi32>
    %gather3A_735 = tpu.vector_load_idx %arg13[%add3A_729, %and3A_734] : memref<512x128xf32, #tpu.memory_space<vmem>>[vector<16xi32>, vector<16xi32>], vector<16xf32>,
    %swap3A_736 = arith.constant 16 : index
    %swap3A_737 = tpu.vector_load %arg14[%swap3A_736] {strides = array<i32>} : memref<1024xf32, #tpu.memory_space<vmem>>, vector<16xf32>,
    tpu.vector_store %arg14[%swap3A_736], %gather3A_735 {strides = array<i32>} : memref<1024xf32, #tpu.memory_space<vmem>>, vector<16xf32>,
    %add3A_738 = arith.constant 32 : i32
    %add3A_739 = vector.broadcast %add3A_738 : i32 to vector<16xi32>
    %add3A_740 = arith.addi %add3A_739, %iota3A : vector<16xi32>
    %get3A_741 = arith.constant 32 : index
    %get3A_742 = tpu.vector_load %arg11[%get3A_741] {strides = array<i32>} : memref<512xi32, #tpu.memory_space<vmem>>, vector<16xi32>,
    %and3A_743 = arith.constant 127 : i32
    %and3A_744 = vector.broadcast %and3A_743 : i32 to vector<16xi32>
    %and3A_745 = arith.andi %get3A_742, %and3A_744 : vector<16xi32>
    %gather3A_746 = tpu.vector_load_idx %arg13[%add3A_740, %and3A_745] : memref<512x128xf32, #tpu.memory_space<vmem>>[vector<16xi32>, vector<16xi32>], vector<16xf32>,
    %swap3A_747 = arith.constant 32 : index
    %swap3A_748 = tpu.vector_load %arg14[%swap3A_747] {strides = array<i32>} : memref<1024xf32, #tpu.memory_space<vmem>>, vector<16xf32>,
    tpu.vector_store %arg14[%swap3A_747], %gather3A_746 {strides = array<i32>} : memref<1024xf32, #tpu.memory_space<vmem>>, vector<16xf32>,
    %add3A_749 = arith.constant 48 : i32
    %add3A_750 = vector.broadcast %add3A_749 : i32 to vector<16xi32>
    %add3A_751 = arith.addi %add3A_750, %iota3A : vector<16xi32>
    %get3A_752 = arith.constant 48 : index
    %get3A_753 = tpu.vector_load %arg11[%get3A_752] {strides = array<i32>} : memref<512xi32, #tpu.memory_space<vmem>>, vector<16xi32>,
    %and3A_754 = arith.constant 127 : i32
    %and3A_755 = vector.broadcast %and3A_754 : i32 to vector<16xi32>
    %and3A_756 = arith.andi %get3A_753, %and3A_755 : vector<16xi32>
    %gather3A_757 = tpu.vector_load_idx %arg13[%add3A_751, %and3A_756] : memref<512x128xf32, #tpu.memory_space<vmem>>[vector<16xi32>, vector<16xi32>], vector<16xf32>,
    %swap3A_758 = arith.constant 48 : index
    %swap3A_759 = tpu.vector_load %arg14[%swap3A_758] {strides = array<i32>} : memref<1024xf32, #tpu.memory_space<vmem>>, vector<16xf32>,
    tpu.vector_store %arg14[%swap3A_758], %gather3A_757 {strides = array<i32>} : memref<1024xf32, #tpu.memory_space<vmem>>, vector<16xf32>,
    %add3A_760 = arith.constant 64 : i32
    %add3A_761 = vector.broadcast %add3A_760 : i32 to vector<16xi32>
    %add3A_762 = arith.addi %add3A_761, %iota3A : vector<16xi32>
    %get3A_763 = arith.constant 64 : index
    %get3A_764 = tpu.vector_load %arg11[%get3A_763] {strides = array<i32>} : memref<512xi32, #tpu.memory_space<vmem>>, vector<16xi32>,
    %and3A_765 = arith.constant 127 : i32
    %and3A_766 = vector.broadcast %and3A_765 : i32 to vector<16xi32>
    %and3A_767 = arith.andi %get3A_764, %and3A_766 : vector<16xi32>
    %gather3A_768 = tpu.vector_load_idx %arg13[%add3A_762, %and3A_767] : memref<512x128xf32, #tpu.memory_space<vmem>>[vector<16xi32>, vector<16xi32>], vector<16xf32>,
    %swap3A_769 = arith.constant 64 : index
    %swap3A_770 = tpu.vector_load %arg14[%swap3A_769] {strides = array<i32>} : memref<1024xf32, #tpu.memory_space<vmem>>, vector<16xf32>,
    tpu.vector_store %arg14[%swap3A_769], %gather3A_768 {strides = array<i32>} : memref<1024xf32, #tpu.memory_space<vmem>>, vector<16xf32>,
    %add3A_771 = arith.constant 80 : i32
    %add3A_772 = vector.broadcast %add3A_771 : i32 to vector<16xi32>
    %add3A_773 = arith.addi %add3A_772, %iota3A : vector<16xi32>
    %get3A_774 = arith.constant 80 : index
    %get3A_775 = tpu.vector_load %arg11[%get3A_774] {strides = array<i32>} : memref<512xi32, #tpu.memory_space<vmem>>, vector<16xi32>,
    %and3A_776 = arith.constant 127 : i32
    %and3A_777 = vector.broadcast %and3A_776 : i32 to vector<16xi32>
    %and3A_778 = arith.andi %get3A_775, %and3A_777 : vector<16xi32>
    %gather3A_779 = tpu.vector_load_idx %arg13[%add3A_773, %and3A_778] : memref<512x128xf32, #tpu.memory_space<vmem>>[vector<16xi32>, vector<16xi32>], vector<16xf32>,
    %swap3A_780 = arith.constant 80 : index
    %swap3A_781 = tpu.vector_load %arg14[%swap3A_780] {strides = array<i32>} : memref<1024xf32, #tpu.memory_space<vmem>>, vector<16xf32>,
    tpu.vector_store %arg14[%swap3A_780], %gather3A_779 {strides = array<i32>} : memref<1024xf32, #tpu.memory_space<vmem>>, vector<16xf32>,
    %add3A_782 = arith.constant 96 : i32
    %add3A_783 = vector.broadcast %add3A_782 : i32 to vector<16xi32>
    %add3A_784 = arith.addi %add3A_783, %iota3A : vector<16xi32>
    %get3A_785 = arith.constant 96 : index
    %get3A_786 = tpu.vector_load %arg11[%get3A_785] {strides = array<i32>} : memref<512xi32, #tpu.memory_space<vmem>>, vector<16xi32>,
    %and3A_787 = arith.constant 127 : i32
    %and3A_788 = vector.broadcast %and3A_787 : i32 to vector<16xi32>
    %and3A_789 = arith.andi %get3A_786, %and3A_788 : vector<16xi32>
    %gather3A_790 = tpu.vector_load_idx %arg13[%add3A_784, %and3A_789] : memref<512x128xf32, #tpu.memory_space<vmem>>[vector<16xi32>, vector<16xi32>], vector<16xf32>,
    %swap3A_791 = arith.constant 96 : index
    %swap3A_792 = tpu.vector_load %arg14[%swap3A_791] {strides = array<i32>} : memref<1024xf32, #tpu.memory_space<vmem>>, vector<16xf32>,
    tpu.vector_store %arg14[%swap3A_791], %gather3A_790 {strides = array<i32>} : memref<1024xf32, #tpu.memory_space<vmem>>, vector<16xf32>,
    %add3A_793 = arith.constant 112 : i32
    %add3A_794 = vector.broadcast %add3A_793 : i32 to vector<16xi32>
    %add3A_795 = arith.addi %add3A_794, %iota3A : vector<16xi32>
    %get3A_796 = arith.constant 112 : index
    %get3A_797 = tpu.vector_load %arg11[%get3A_796] {strides = array<i32>} : memref<512xi32, #tpu.memory_space<vmem>>, vector<16xi32>,
    %and3A_798 = arith.constant 127 : i32
    %and3A_799 = vector.broadcast %and3A_798 : i32 to vector<16xi32>
    %and3A_800 = arith.andi %get3A_797, %and3A_799 : vector<16xi32>
    %gather3A_801 = tpu.vector_load_idx %arg13[%add3A_795, %and3A_800] : memref<512x128xf32, #tpu.memory_space<vmem>>[vector<16xi32>, vector<16xi32>], vector<16xf32>,
    %swap3A_802 = arith.constant 112 : index
    %swap3A_803 = tpu.vector_load %arg14[%swap3A_802] {strides = array<i32>} : memref<1024xf32, #tpu.memory_space<vmem>>, vector<16xf32>,
    tpu.vector_store %arg14[%swap3A_802], %gather3A_801 {strides = array<i32>} : memref<1024xf32, #tpu.memory_space<vmem>>, vector<16xf32>,
    %add3A_804 = arith.constant 128 : i32
    %add3A_805 = vector.broadcast %add3A_804 : i32 to vector<16xi32>
    %add3A_806 = arith.addi %add3A_805, %iota3A : vector<16xi32>
    %get3A_807 = arith.constant 128 : index
    %get3A_808 = tpu.vector_load %arg11[%get3A_807] {strides = array<i32>} : memref<512xi32, #tpu.memory_space<vmem>>, vector<16xi32>,
    %and3A_809 = arith.constant 127 : i32
    %and3A_810 = vector.broadcast %and3A_809 : i32 to vector<16xi32>
    %and3A_811 = arith.andi %get3A_808, %and3A_810 : vector<16xi32>
    %gather3A_812 = tpu.vector_load_idx %arg13[%add3A_806, %and3A_811] : memref<512x128xf32, #tpu.memory_space<vmem>>[vector<16xi32>, vector<16xi32>], vector<16xf32>,
    %swap3A_813 = arith.constant 128 : index
    %swap3A_814 = tpu.vector_load %arg14[%swap3A_813] {strides = array<i32>} : memref<1024xf32, #tpu.memory_space<vmem>>, vector<16xf32>,
    tpu.vector_store %arg14[%swap3A_813], %gather3A_812 {strides = array<i32>} : memref<1024xf32, #tpu.memory_space<vmem>>, vector<16xf32>,
    %add3A_815 = arith.constant 144 : i32
    %add3A_816 = vector.broadcast %add3A_815 : i32 to vector<16xi32>
    %add3A_817 = arith.addi %add3A_816, %iota3A : vector<16xi32>
    %get3A_818 = arith.constant 144 : index
    %get3A_819 = tpu.vector_load %arg11[%get3A_818] {strides = array<i32>} : memref<512xi32, #tpu.memory_space<vmem>>, vector<16xi32>,
    %and3A_820 = arith.constant 127 : i32
    %and3A_821 = vector.broadcast %and3A_820 : i32 to vector<16xi32>
    %and3A_822 = arith.andi %get3A_819, %and3A_821 : vector<16xi32>
    %gather3A_823 = tpu.vector_load_idx %arg13[%add3A_817, %and3A_822] : memref<512x128xf32, #tpu.memory_space<vmem>>[vector<16xi32>, vector<16xi32>], vector<16xf32>,
    %swap3A_824 = arith.constant 144 : index
    %swap3A_825 = tpu.vector_load %arg14[%swap3A_824] {strides = array<i32>} : memref<1024xf32, #tpu.memory_space<vmem>>, vector<16xf32>,
    tpu.vector_store %arg14[%swap3A_824], %gather3A_823 {strides = array<i32>} : memref<1024xf32, #tpu.memory_space<vmem>>, vector<16xf32>,
    %add3A_826 = arith.constant 160 : i32
    %add3A_827 = vector.broadcast %add3A_826 : i32 to vector<16xi32>
    %add3A_828 = arith.addi %add3A_827, %iota3A : vector<16xi32>
    %get3A_829 = arith.constant 160 : index
    %get3A_830 = tpu.vector_load %arg11[%get3A_829] {strides = array<i32>} : memref<512xi32, #tpu.memory_space<vmem>>, vector<16xi32>,
    %and3A_831 = arith.constant 127 : i32
    %and3A_832 = vector.broadcast %and3A_831 : i32 to vector<16xi32>
    %and3A_833 = arith.andi %get3A_830, %and3A_832 : vector<16xi32>
    %gather3A_834 = tpu.vector_load_idx %arg13[%add3A_828, %and3A_833] : memref<512x128xf32, #tpu.memory_space<vmem>>[vector<16xi32>, vector<16xi32>], vector<16xf32>,
    %swap3A_835 = arith.constant 160 : index
    %swap3A_836 = tpu.vector_load %arg14[%swap3A_835] {strides = array<i32>} : memref<1024xf32, #tpu.memory_space<vmem>>, vector<16xf32>,
    tpu.vector_store %arg14[%swap3A_835], %gather3A_834 {strides = array<i32>} : memref<1024xf32, #tpu.memory_space<vmem>>, vector<16xf32>,
    %add3A_837 = arith.constant 176 : i32
    %add3A_838 = vector.broadcast %add3A_837 : i32 to vector<16xi32>
    %add3A_839 = arith.addi %add3A_838, %iota3A : vector<16xi32>
    %get3A_840 = arith.constant 176 : index
    %get3A_841 = tpu.vector_load %arg11[%get3A_840] {strides = array<i32>} : memref<512xi32, #tpu.memory_space<vmem>>, vector<16xi32>,
    %and3A_842 = arith.constant 127 : i32
    %and3A_843 = vector.broadcast %and3A_842 : i32 to vector<16xi32>
    %and3A_844 = arith.andi %get3A_841, %and3A_843 : vector<16xi32>
    %gather3A_845 = tpu.vector_load_idx %arg13[%add3A_839, %and3A_844] : memref<512x128xf32, #tpu.memory_space<vmem>>[vector<16xi32>, vector<16xi32>], vector<16xf32>,
    %swap3A_846 = arith.constant 176 : index
    %swap3A_847 = tpu.vector_load %arg14[%swap3A_846] {strides = array<i32>} : memref<1024xf32, #tpu.memory_space<vmem>>, vector<16xf32>,
    tpu.vector_store %arg14[%swap3A_846], %gather3A_845 {strides = array<i32>} : memref<1024xf32, #tpu.memory_space<vmem>>, vector<16xf32>,
    %add3A_848 = arith.constant 192 : i32
    %add3A_849 = vector.broadcast %add3A_848 : i32 to vector<16xi32>
    %add3A_850 = arith.addi %add3A_849, %iota3A : vector<16xi32>
    %get3A_851 = arith.constant 192 : index
    %get3A_852 = tpu.vector_load %arg11[%get3A_851] {strides = array<i32>} : memref<512xi32, #tpu.memory_space<vmem>>, vector<16xi32>,
    %and3A_853 = arith.constant 127 : i32
    %and3A_854 = vector.broadcast %and3A_853 : i32 to vector<16xi32>
    %and3A_855 = arith.andi %get3A_852, %and3A_854 : vector<16xi32>
    %gather3A_856 = tpu.vector_load_idx %arg13[%add3A_850, %and3A_855] : memref<512x128xf32, #tpu.memory_space<vmem>>[vector<16xi32>, vector<16xi32>], vector<16xf32>,
    %swap3A_857 = arith.constant 192 : index
    %swap3A_858 = tpu.vector_load %arg14[%swap3A_857] {strides = array<i32>} : memref<1024xf32, #tpu.memory_space<vmem>>, vector<16xf32>,
    tpu.vector_store %arg14[%swap3A_857], %gather3A_856 {strides = array<i32>} : memref<1024xf32, #tpu.memory_space<vmem>>, vector<16xf32>,
    %add3A_859 = arith.constant 208 : i32
    %add3A_860 = vector.broadcast %add3A_859 : i32 to vector<16xi32>
    %add3A_861 = arith.addi %add3A_860, %iota3A : vector<16xi32>
    %get3A_862 = arith.constant 208 : index
    %get3A_863 = tpu.vector_load %arg11[%get3A_862] {strides = array<i32>} : memref<512xi32, #tpu.memory_space<vmem>>, vector<16xi32>,
    %and3A_864 = arith.constant 127 : i32
    %and3A_865 = vector.broadcast %and3A_864 : i32 to vector<16xi32>
    %and3A_866 = arith.andi %get3A_863, %and3A_865 : vector<16xi32>
    %gather3A_867 = tpu.vector_load_idx %arg13[%add3A_861, %and3A_866] : memref<512x128xf32, #tpu.memory_space<vmem>>[vector<16xi32>, vector<16xi32>], vector<16xf32>,
    %swap3A_868 = arith.constant 208 : index
    %swap3A_869 = tpu.vector_load %arg14[%swap3A_868] {strides = array<i32>} : memref<1024xf32, #tpu.memory_space<vmem>>, vector<16xf32>,
    tpu.vector_store %arg14[%swap3A_868], %gather3A_867 {strides = array<i32>} : memref<1024xf32, #tpu.memory_space<vmem>>, vector<16xf32>,
    %add3A_870 = arith.constant 224 : i32
    %add3A_871 = vector.broadcast %add3A_870 : i32 to vector<16xi32>
    %add3A_872 = arith.addi %add3A_871, %iota3A : vector<16xi32>
    %get3A_873 = arith.constant 224 : index
    %get3A_874 = tpu.vector_load %arg11[%get3A_873] {strides = array<i32>} : memref<512xi32, #tpu.memory_space<vmem>>, vector<16xi32>,
    %and3A_875 = arith.constant 127 : i32
    %and3A_876 = vector.broadcast %and3A_875 : i32 to vector<16xi32>
    %and3A_877 = arith.andi %get3A_874, %and3A_876 : vector<16xi32>
    %gather3A_878 = tpu.vector_load_idx %arg13[%add3A_872, %and3A_877] : memref<512x128xf32, #tpu.memory_space<vmem>>[vector<16xi32>, vector<16xi32>], vector<16xf32>,
    %swap3A_879 = arith.constant 224 : index
    %swap3A_880 = tpu.vector_load %arg14[%swap3A_879] {strides = array<i32>} : memref<1024xf32, #tpu.memory_space<vmem>>, vector<16xf32>,
    tpu.vector_store %arg14[%swap3A_879], %gather3A_878 {strides = array<i32>} : memref<1024xf32, #tpu.memory_space<vmem>>, vector<16xf32>,
    %add3A_881 = arith.constant 240 : i32
    %add3A_882 = vector.broadcast %add3A_881 : i32 to vector<16xi32>
    %add3A_883 = arith.addi %add3A_882, %iota3A : vector<16xi32>
    %get3A_884 = arith.constant 240 : index
    %get3A_885 = tpu.vector_load %arg11[%get3A_884] {strides = array<i32>} : memref<512xi32, #tpu.memory_space<vmem>>, vector<16xi32>,
    %and3A_886 = arith.constant 127 : i32
    %and3A_887 = vector.broadcast %and3A_886 : i32 to vector<16xi32>
    %and3A_888 = arith.andi %get3A_885, %and3A_887 : vector<16xi32>
    %gather3A_889 = tpu.vector_load_idx %arg13[%add3A_883, %and3A_888] : memref<512x128xf32, #tpu.memory_space<vmem>>[vector<16xi32>, vector<16xi32>], vector<16xf32>,
    %swap3A_890 = arith.constant 240 : index
    %swap3A_891 = tpu.vector_load %arg14[%swap3A_890] {strides = array<i32>} : memref<1024xf32, #tpu.memory_space<vmem>>, vector<16xf32>,
    tpu.vector_store %arg14[%swap3A_890], %gather3A_889 {strides = array<i32>} : memref<1024xf32, #tpu.memory_space<vmem>>, vector<16xf32>,
    %add3A_892 = arith.constant 256 : i32
    %add3A_893 = vector.broadcast %add3A_892 : i32 to vector<16xi32>
    %add3A_894 = arith.addi %add3A_893, %iota3A : vector<16xi32>
    %get3A_895 = arith.constant 256 : index
    %get3A_896 = tpu.vector_load %arg11[%get3A_895] {strides = array<i32>} : memref<512xi32, #tpu.memory_space<vmem>>, vector<16xi32>,
    %and3A_897 = arith.constant 127 : i32
    %and3A_898 = vector.broadcast %and3A_897 : i32 to vector<16xi32>
    %and3A_899 = arith.andi %get3A_896, %and3A_898 : vector<16xi32>
    %gather3A_900 = tpu.vector_load_idx %arg13[%add3A_894, %and3A_899] : memref<512x128xf32, #tpu.memory_space<vmem>>[vector<16xi32>, vector<16xi32>], vector<16xf32>,
    %swap3A_901 = arith.constant 256 : index
    %swap3A_902 = tpu.vector_load %arg14[%swap3A_901] {strides = array<i32>} : memref<1024xf32, #tpu.memory_space<vmem>>, vector<16xf32>,
    tpu.vector_store %arg14[%swap3A_901], %gather3A_900 {strides = array<i32>} : memref<1024xf32, #tpu.memory_space<vmem>>, vector<16xf32>,
    %add3A_903 = arith.constant 272 : i32
    %add3A_904 = vector.broadcast %add3A_903 : i32 to vector<16xi32>
    %add3A_905 = arith.addi %add3A_904, %iota3A : vector<16xi32>
    %get3A_906 = arith.constant 272 : index
    %get3A_907 = tpu.vector_load %arg11[%get3A_906] {strides = array<i32>} : memref<512xi32, #tpu.memory_space<vmem>>, vector<16xi32>,
    %and3A_908 = arith.constant 127 : i32
    %and3A_909 = vector.broadcast %and3A_908 : i32 to vector<16xi32>
    %and3A_910 = arith.andi %get3A_907, %and3A_909 : vector<16xi32>
    %gather3A_911 = tpu.vector_load_idx %arg13[%add3A_905, %and3A_910] : memref<512x128xf32, #tpu.memory_space<vmem>>[vector<16xi32>, vector<16xi32>], vector<16xf32>,
    %swap3A_912 = arith.constant 272 : index
    %swap3A_913 = tpu.vector_load %arg14[%swap3A_912] {strides = array<i32>} : memref<1024xf32, #tpu.memory_space<vmem>>, vector<16xf32>,
    tpu.vector_store %arg14[%swap3A_912], %gather3A_911 {strides = array<i32>} : memref<1024xf32, #tpu.memory_space<vmem>>, vector<16xf32>,
    %add3A_914 = arith.constant 288 : i32
    %add3A_915 = vector.broadcast %add3A_914 : i32 to vector<16xi32>
    %add3A_916 = arith.addi %add3A_915, %iota3A : vector<16xi32>
    %get3A_917 = arith.constant 288 : index
    %get3A_918 = tpu.vector_load %arg11[%get3A_917] {strides = array<i32>} : memref<512xi32, #tpu.memory_space<vmem>>, vector<16xi32>,
    %and3A_919 = arith.constant 127 : i32
    %and3A_920 = vector.broadcast %and3A_919 : i32 to vector<16xi32>
    %and3A_921 = arith.andi %get3A_918, %and3A_920 : vector<16xi32>
    %gather3A_922 = tpu.vector_load_idx %arg13[%add3A_916, %and3A_921] : memref<512x128xf32, #tpu.memory_space<vmem>>[vector<16xi32>, vector<16xi32>], vector<16xf32>,
    %swap3A_923 = arith.constant 288 : index
    %swap3A_924 = tpu.vector_load %arg14[%swap3A_923] {strides = array<i32>} : memref<1024xf32, #tpu.memory_space<vmem>>, vector<16xf32>,
    tpu.vector_store %arg14[%swap3A_923], %gather3A_922 {strides = array<i32>} : memref<1024xf32, #tpu.memory_space<vmem>>, vector<16xf32>,
    %add3A_925 = arith.constant 304 : i32
    %add3A_926 = vector.broadcast %add3A_925 : i32 to vector<16xi32>
    %add3A_927 = arith.addi %add3A_926, %iota3A : vector<16xi32>
    %get3A_928 = arith.constant 304 : index
    %get3A_929 = tpu.vector_load %arg11[%get3A_928] {strides = array<i32>} : memref<512xi32, #tpu.memory_space<vmem>>, vector<16xi32>,
    %and3A_930 = arith.constant 127 : i32
    %and3A_931 = vector.broadcast %and3A_930 : i32 to vector<16xi32>
    %and3A_932 = arith.andi %get3A_929, %and3A_931 : vector<16xi32>
    %gather3A_933 = tpu.vector_load_idx %arg13[%add3A_927, %and3A_932] : memref<512x128xf32, #tpu.memory_space<vmem>>[vector<16xi32>, vector<16xi32>], vector<16xf32>,
    %swap3A_934 = arith.constant 304 : index
    %swap3A_935 = tpu.vector_load %arg14[%swap3A_934] {strides = array<i32>} : memref<1024xf32, #tpu.memory_space<vmem>>, vector<16xf32>,
    tpu.vector_store %arg14[%swap3A_934], %gather3A_933 {strides = array<i32>} : memref<1024xf32, #tpu.memory_space<vmem>>, vector<16xf32>,
    %add3A_936 = arith.constant 320 : i32
    %add3A_937 = vector.broadcast %add3A_936 : i32 to vector<16xi32>
    %add3A_938 = arith.addi %add3A_937, %iota3A : vector<16xi32>
    %get3A_939 = arith.constant 320 : index
    %get3A_940 = tpu.vector_load %arg11[%get3A_939] {strides = array<i32>} : memref<512xi32, #tpu.memory_space<vmem>>, vector<16xi32>,
    %and3A_941 = arith.constant 127 : i32
    %and3A_942 = vector.broadcast %and3A_941 : i32 to vector<16xi32>
    %and3A_943 = arith.andi %get3A_940, %and3A_942 : vector<16xi32>
    %gather3A_944 = tpu.vector_load_idx %arg13[%add3A_938, %and3A_943] : memref<512x128xf32, #tpu.memory_space<vmem>>[vector<16xi32>, vector<16xi32>], vector<16xf32>,
    %swap3A_945 = arith.constant 320 : index
    %swap3A_946 = tpu.vector_load %arg14[%swap3A_945] {strides = array<i32>} : memref<1024xf32, #tpu.memory_space<vmem>>, vector<16xf32>,
    tpu.vector_store %arg14[%swap3A_945], %gather3A_944 {strides = array<i32>} : memref<1024xf32, #tpu.memory_space<vmem>>, vector<16xf32>,
    %add3A_947 = arith.constant 336 : i32
    %add3A_948 = vector.broadcast %add3A_947 : i32 to vector<16xi32>
    %add3A_949 = arith.addi %add3A_948, %iota3A : vector<16xi32>
    %get3A_950 = arith.constant 336 : index
    %get3A_951 = tpu.vector_load %arg11[%get3A_950] {strides = array<i32>} : memref<512xi32, #tpu.memory_space<vmem>>, vector<16xi32>,
    %and3A_952 = arith.constant 127 : i32
    %and3A_953 = vector.broadcast %and3A_952 : i32 to vector<16xi32>
    %and3A_954 = arith.andi %get3A_951, %and3A_953 : vector<16xi32>
    %gather3A_955 = tpu.vector_load_idx %arg13[%add3A_949, %and3A_954] : memref<512x128xf32, #tpu.memory_space<vmem>>[vector<16xi32>, vector<16xi32>], vector<16xf32>,
    %swap3A_956 = arith.constant 336 : index
    %swap3A_957 = tpu.vector_load %arg14[%swap3A_956] {strides = array<i32>} : memref<1024xf32, #tpu.memory_space<vmem>>, vector<16xf32>,
    tpu.vector_store %arg14[%swap3A_956], %gather3A_955 {strides = array<i32>} : memref<1024xf32, #tpu.memory_space<vmem>>, vector<16xf32>,
    %add3A_958 = arith.constant 352 : i32
    %add3A_959 = vector.broadcast %add3A_958 : i32 to vector<16xi32>
    %add3A_960 = arith.addi %add3A_959, %iota3A : vector<16xi32>
    %get3A_961 = arith.constant 352 : index
    %get3A_962 = tpu.vector_load %arg11[%get3A_961] {strides = array<i32>} : memref<512xi32, #tpu.memory_space<vmem>>, vector<16xi32>,
    %and3A_963 = arith.constant 127 : i32
    %and3A_964 = vector.broadcast %and3A_963 : i32 to vector<16xi32>
    %and3A_965 = arith.andi %get3A_962, %and3A_964 : vector<16xi32>
    %gather3A_966 = tpu.vector_load_idx %arg13[%add3A_960, %and3A_965] : memref<512x128xf32, #tpu.memory_space<vmem>>[vector<16xi32>, vector<16xi32>], vector<16xf32>,
    %swap3A_967 = arith.constant 352 : index
    %swap3A_968 = tpu.vector_load %arg14[%swap3A_967] {strides = array<i32>} : memref<1024xf32, #tpu.memory_space<vmem>>, vector<16xf32>,
    tpu.vector_store %arg14[%swap3A_967], %gather3A_966 {strides = array<i32>} : memref<1024xf32, #tpu.memory_space<vmem>>, vector<16xf32>,
    %add3A_969 = arith.constant 368 : i32
    %add3A_970 = vector.broadcast %add3A_969 : i32 to vector<16xi32>
    %add3A_971 = arith.addi %add3A_970, %iota3A : vector<16xi32>
    %get3A_972 = arith.constant 368 : index
    %get3A_973 = tpu.vector_load %arg11[%get3A_972] {strides = array<i32>} : memref<512xi32, #tpu.memory_space<vmem>>, vector<16xi32>,
    %and3A_974 = arith.constant 127 : i32
    %and3A_975 = vector.broadcast %and3A_974 : i32 to vector<16xi32>
    %and3A_976 = arith.andi %get3A_973, %and3A_975 : vector<16xi32>
    %gather3A_977 = tpu.vector_load_idx %arg13[%add3A_971, %and3A_976] : memref<512x128xf32, #tpu.memory_space<vmem>>[vector<16xi32>, vector<16xi32>], vector<16xf32>,
    %swap3A_978 = arith.constant 368 : index
    %swap3A_979 = tpu.vector_load %arg14[%swap3A_978] {strides = array<i32>} : memref<1024xf32, #tpu.memory_space<vmem>>, vector<16xf32>,
    tpu.vector_store %arg14[%swap3A_978], %gather3A_977 {strides = array<i32>} : memref<1024xf32, #tpu.memory_space<vmem>>, vector<16xf32>,
    %add3A_980 = arith.constant 384 : i32
    %add3A_981 = vector.broadcast %add3A_980 : i32 to vector<16xi32>
    %add3A_982 = arith.addi %add3A_981, %iota3A : vector<16xi32>
    %get3A_983 = arith.constant 384 : index
    %get3A_984 = tpu.vector_load %arg11[%get3A_983] {strides = array<i32>} : memref<512xi32, #tpu.memory_space<vmem>>, vector<16xi32>,
    %and3A_985 = arith.constant 127 : i32
    %and3A_986 = vector.broadcast %and3A_985 : i32 to vector<16xi32>
    %and3A_987 = arith.andi %get3A_984, %and3A_986 : vector<16xi32>
    %gather3A_988 = tpu.vector_load_idx %arg13[%add3A_982, %and3A_987] : memref<512x128xf32, #tpu.memory_space<vmem>>[vector<16xi32>, vector<16xi32>], vector<16xf32>,
    %swap3A_989 = arith.constant 384 : index
    %swap3A_990 = tpu.vector_load %arg14[%swap3A_989] {strides = array<i32>} : memref<1024xf32, #tpu.memory_space<vmem>>, vector<16xf32>,
    tpu.vector_store %arg14[%swap3A_989], %gather3A_988 {strides = array<i32>} : memref<1024xf32, #tpu.memory_space<vmem>>, vector<16xf32>,
    %add3A_991 = arith.constant 400 : i32
    %add3A_992 = vector.broadcast %add3A_991 : i32 to vector<16xi32>
    %add3A_993 = arith.addi %add3A_992, %iota3A : vector<16xi32>
    %get3A_994 = arith.constant 400 : index
    %get3A_995 = tpu.vector_load %arg11[%get3A_994] {strides = array<i32>} : memref<512xi32, #tpu.memory_space<vmem>>, vector<16xi32>,
    %and3A_996 = arith.constant 127 : i32
    %and3A_997 = vector.broadcast %and3A_996 : i32 to vector<16xi32>
    %and3A_998 = arith.andi %get3A_995, %and3A_997 : vector<16xi32>
    %gather3A_999 = tpu.vector_load_idx %arg13[%add3A_993, %and3A_998] : memref<512x128xf32, #tpu.memory_space<vmem>>[vector<16xi32>, vector<16xi32>], vector<16xf32>,
    %swap3A_1000 = arith.constant 400 : index
    %swap3A_1001 = tpu.vector_load %arg14[%swap3A_1000] {strides = array<i32>} : memref<1024xf32, #tpu.memory_space<vmem>>, vector<16xf32>,
    tpu.vector_store %arg14[%swap3A_1000], %gather3A_999 {strides = array<i32>} : memref<1024xf32, #tpu.memory_space<vmem>>, vector<16xf32>,
    %add3A_1002 = arith.constant 416 : i32
    %add3A_1003 = vector.broadcast %add3A_1002 : i32 to vector<16xi32>
    %add3A_1004 = arith.addi %add3A_1003, %iota3A : vector<16xi32>
    %get3A_1005 = arith.constant 416 : index
    %get3A_1006 = tpu.vector_load %arg11[%get3A_1005] {strides = array<i32>} : memref<512xi32, #tpu.memory_space<vmem>>, vector<16xi32>,
    %and3A_1007 = arith.constant 127 : i32
    %and3A_1008 = vector.broadcast %and3A_1007 : i32 to vector<16xi32>
    %and3A_1009 = arith.andi %get3A_1006, %and3A_1008 : vector<16xi32>
    %gather3A_1010 = tpu.vector_load_idx %arg13[%add3A_1004, %and3A_1009] : memref<512x128xf32, #tpu.memory_space<vmem>>[vector<16xi32>, vector<16xi32>], vector<16xf32>,
    %swap3A_1011 = arith.constant 416 : index
    %swap3A_1012 = tpu.vector_load %arg14[%swap3A_1011] {strides = array<i32>} : memref<1024xf32, #tpu.memory_space<vmem>>, vector<16xf32>,
    tpu.vector_store %arg14[%swap3A_1011], %gather3A_1010 {strides = array<i32>} : memref<1024xf32, #tpu.memory_space<vmem>>, vector<16xf32>,
    %add3A_1013 = arith.constant 432 : i32
    %add3A_1014 = vector.broadcast %add3A_1013 : i32 to vector<16xi32>
    %add3A_1015 = arith.addi %add3A_1014, %iota3A : vector<16xi32>
    %get3A_1016 = arith.constant 432 : index
    %get3A_1017 = tpu.vector_load %arg11[%get3A_1016] {strides = array<i32>} : memref<512xi32, #tpu.memory_space<vmem>>, vector<16xi32>,
    %and3A_1018 = arith.constant 127 : i32
    %and3A_1019 = vector.broadcast %and3A_1018 : i32 to vector<16xi32>
    %and3A_1020 = arith.andi %get3A_1017, %and3A_1019 : vector<16xi32>
    %gather3A_1021 = tpu.vector_load_idx %arg13[%add3A_1015, %and3A_1020] : memref<512x128xf32, #tpu.memory_space<vmem>>[vector<16xi32>, vector<16xi32>], vector<16xf32>,
    %swap3A_1022 = arith.constant 432 : index
    %swap3A_1023 = tpu.vector_load %arg14[%swap3A_1022] {strides = array<i32>} : memref<1024xf32, #tpu.memory_space<vmem>>, vector<16xf32>,
    tpu.vector_store %arg14[%swap3A_1022], %gather3A_1021 {strides = array<i32>} : memref<1024xf32, #tpu.memory_space<vmem>>, vector<16xf32>,
    %add3A_1024 = arith.constant 448 : i32
    %add3A_1025 = vector.broadcast %add3A_1024 : i32 to vector<16xi32>
    %add3A_1026 = arith.addi %add3A_1025, %iota3A : vector<16xi32>
    %get3A_1027 = arith.constant 448 : index
    %get3A_1028 = tpu.vector_load %arg11[%get3A_1027] {strides = array<i32>} : memref<512xi32, #tpu.memory_space<vmem>>, vector<16xi32>,
    %and3A_1029 = arith.constant 127 : i32
    %and3A_1030 = vector.broadcast %and3A_1029 : i32 to vector<16xi32>
    %and3A_1031 = arith.andi %get3A_1028, %and3A_1030 : vector<16xi32>
    %gather3A_1032 = tpu.vector_load_idx %arg13[%add3A_1026, %and3A_1031] : memref<512x128xf32, #tpu.memory_space<vmem>>[vector<16xi32>, vector<16xi32>], vector<16xf32>,
    %swap3A_1033 = arith.constant 448 : index
    %swap3A_1034 = tpu.vector_load %arg14[%swap3A_1033] {strides = array<i32>} : memref<1024xf32, #tpu.memory_space<vmem>>, vector<16xf32>,
    tpu.vector_store %arg14[%swap3A_1033], %gather3A_1032 {strides = array<i32>} : memref<1024xf32, #tpu.memory_space<vmem>>, vector<16xf32>,
    %add3A_1035 = arith.constant 464 : i32
    %add3A_1036 = vector.broadcast %add3A_1035 : i32 to vector<16xi32>
    %add3A_1037 = arith.addi %add3A_1036, %iota3A : vector<16xi32>
    %get3A_1038 = arith.constant 464 : index
    %get3A_1039 = tpu.vector_load %arg11[%get3A_1038] {strides = array<i32>} : memref<512xi32, #tpu.memory_space<vmem>>, vector<16xi32>,
    %and3A_1040 = arith.constant 127 : i32
    %and3A_1041 = vector.broadcast %and3A_1040 : i32 to vector<16xi32>
    %and3A_1042 = arith.andi %get3A_1039, %and3A_1041 : vector<16xi32>
    %gather3A_1043 = tpu.vector_load_idx %arg13[%add3A_1037, %and3A_1042] : memref<512x128xf32, #tpu.memory_space<vmem>>[vector<16xi32>, vector<16xi32>], vector<16xf32>,
    %swap3A_1044 = arith.constant 464 : index
    %swap3A_1045 = tpu.vector_load %arg14[%swap3A_1044] {strides = array<i32>} : memref<1024xf32, #tpu.memory_space<vmem>>, vector<16xf32>,
    tpu.vector_store %arg14[%swap3A_1044], %gather3A_1043 {strides = array<i32>} : memref<1024xf32, #tpu.memory_space<vmem>>, vector<16xf32>,
    %add3A_1046 = arith.constant 480 : i32
    %add3A_1047 = vector.broadcast %add3A_1046 : i32 to vector<16xi32>
    %add3A_1048 = arith.addi %add3A_1047, %iota3A : vector<16xi32>
    %get3A_1049 = arith.constant 480 : index
    %get3A_1050 = tpu.vector_load %arg11[%get3A_1049] {strides = array<i32>} : memref<512xi32, #tpu.memory_space<vmem>>, vector<16xi32>,
    %and3A_1051 = arith.constant 127 : i32
    %and3A_1052 = vector.broadcast %and3A_1051 : i32 to vector<16xi32>
    %and3A_1053 = arith.andi %get3A_1050, %and3A_1052 : vector<16xi32>
    %gather3A_1054 = tpu.vector_load_idx %arg13[%add3A_1048, %and3A_1053] : memref<512x128xf32, #tpu.memory_space<vmem>>[vector<16xi32>, vector<16xi32>], vector<16xf32>,
    %swap3A_1055 = arith.constant 480 : index
    %swap3A_1056 = tpu.vector_load %arg14[%swap3A_1055] {strides = array<i32>} : memref<1024xf32, #tpu.memory_space<vmem>>, vector<16xf32>,
    tpu.vector_store %arg14[%swap3A_1055], %gather3A_1054 {strides = array<i32>} : memref<1024xf32, #tpu.memory_space<vmem>>, vector<16xf32>,
    %add3A_1057 = arith.constant 496 : i32
    %add3A_1058 = vector.broadcast %add3A_1057 : i32 to vector<16xi32>
    %add3A_1059 = arith.addi %add3A_1058, %iota3A : vector<16xi32>
    %get3A_1060 = arith.constant 496 : index
    %get3A_1061 = tpu.vector_load %arg11[%get3A_1060] {strides = array<i32>} : memref<512xi32, #tpu.memory_space<vmem>>, vector<16xi32>,
    %and3A_1062 = arith.constant 127 : i32
    %and3A_1063 = vector.broadcast %and3A_1062 : i32 to vector<16xi32>
    %and3A_1064 = arith.andi %get3A_1061, %and3A_1063 : vector<16xi32>
    %gather3A_1065 = tpu.vector_load_idx %arg13[%add3A_1059, %and3A_1064] : memref<512x128xf32, #tpu.memory_space<vmem>>[vector<16xi32>, vector<16xi32>], vector<16xf32>,
    %swap3A_1066 = arith.constant 496 : index
    %swap3A_1067 = tpu.vector_load %arg14[%swap3A_1066] {strides = array<i32>} : memref<1024xf32, #tpu.memory_space<vmem>>, vector<16xf32>,
    tpu.vector_store %arg14[%swap3A_1066], %gather3A_1065 {strides = array<i32>} : memref<1024xf32, #tpu.memory_space<vmem>>, vector<16xf32>,
    %scan3A_1068 = arith.constant 0 : i32
    %scan3A_1069 = arith.constant 0 : i32
    %scan3A_1070 = arith.constant 32 : i32
    %scan3A_1071 = arith.addi %scan3A_1069, %scan3A_1070 : i32
    %scan3A_1072 = arith.constant 1 : i32
    %scan3A_1073 = scf.for %scan3A_1439 = %scan3A_1069 to %scan3A_1071 step %scan3A_1072 iter_args(%scan3A_1440 = %scan3A_1068) -> (i32)  : i32 {
      %mul3A_1441 = arith.constant 16 : i32
      %mul3A_1442 = arith.muli %scan3A_1439, %mul3A_1441 : i32
      %multiple_of3A = tpu.assume_multiple %mul3A_1442, 16 : i32
      %get3A_1443 = arith.index_cast %multiple_of3A : i32 to index
      %get3A_1444 = tpu.vector_load %arg12[%get3A_1443] {strides = array<i32>} : memref<512xi32, #tpu.memory_space<vmem>>, vector<16xi32>,
      %shift_right_logical3A = arith.constant 7 : i32
      %shift_right_logical3A_1445 = vector.broadcast %shift_right_logical3A : i32 to vector<16xi32>
      %shift_right_logical3A_1446 = arith.shrui %get3A_1444, %shift_right_logical3A_1445 : vector<16xi32>
      %mul3A_1447 = arith.constant 128 : i32
      %mul3A_1448 = vector.broadcast %mul3A_1447 : i32 to vector<16xi32>
      %mul3A_1449 = arith.muli %shift_right_logical3A_1446, %mul3A_1448 : vector<16xi32>
      %slice3A = vector.extract_strided_slice %mul3A_1449 {offsets = [0], sizes = [1], strides = [1]} : vector<16xi32> to vector<1xi32>
      %squeeze3A = vector.extract %slice3A[0] : i32 from vector<1xi32>
      %multiple_of3A_1450 = tpu.assume_multiple %squeeze3A, 128 : i32
      %add3A_1451 = arith.constant 0 : i32
      %add3A_1452 = arith.addi %multiple_of3A, %add3A_1451 : i32
      %mul3A_1453 = arith.constant 8 : i32
      %mul3A_1454 = arith.muli %add3A_1452, %mul3A_1453 : i32
      %dma_start3A = arith.constant 0 : i32
      %dma_start3A_1455 = tpu.memref_slice %arg13[%add3A_1452, %dma_start3A] : memref<512x128xf32, #tpu.memory_space<vmem>> -> memref<1x128xf32, #tpu.memory_space<vmem>>
      %dma_start3A_1456 = tpu.memref_slice %arg10[%mul3A_1454] : memref<4096xi32, #tpu.memory_space<vmem>> -> memref<1xi32, #tpu.memory_space<vmem>>
      %dma_start3A_1457 = arith.constant 0 : i32
      %dma_start3A_1458 = tpu.memref_slice %arg5[%dma_start3A_1457, %multiple_of3A_1450] : memref<10000x10000xf32, #tpu.memory_space<hbm>> -> memref<10000x128xf32, #tpu.memory_space<hbm>>
      %dma_start3A_1459 = arith.constant 0 : i32
      %dma_start3A_1460 = arith.constant 0 : i32
      %dma_start3A_1461 = tpu.memref_slice %dma_start3A_1458[%dma_start3A_1459, %dma_start3A_1460] : memref<10000x128xf32, #tpu.memory_space<hbm>> -> memref<10000x128xf32, #tpu.memory_space<hbm>>
      tpu.enqueue_indirect_dma source(%dma_start3A_1461 : memref<10000x128xf32, #tpu.memory_space<hbm>>) target(%dma_start3A_1455 : memref<1x128xf32, #tpu.memory_space<vmem>>) offsets(%dma_start3A_1456 : memref<1xi32, #tpu.memory_space<vmem>>) semaphore(%arg15 : memref<!tpu.dma_semaphore, #tpu.memory_space<semaphore_mem>>)
      %slice3A_1462 = vector.extract_strided_slice %mul3A_1449 {offsets = [1], sizes = [1], strides = [1]} : vector<16xi32> to vector<1xi32>
      %squeeze3A_1463 = vector.extract %slice3A_1462[0] : i32 from vector<1xi32>
      %multiple_of3A_1464 = tpu.assume_multiple %squeeze3A_1463, 128 : i32
      %add3A_1465 = arith.constant 1 : i32
      %add3A_1466 = arith.addi %multiple_of3A, %add3A_1465 : i32
      %mul3A_1467 = arith.constant 8 : i32
      %mul3A_1468 = arith.muli %add3A_1466, %mul3A_1467 : i32
      %dma_start3A_1469 = arith.constant 0 : i32
      %dma_start3A_1470 = tpu.memref_slice %arg13[%add3A_1466, %dma_start3A_1469] : memref<512x128xf32, #tpu.memory_space<vmem>> -> memref<1x128xf32, #tpu.memory_space<vmem>>
      %dma_start3A_1471 = tpu.memref_slice %arg10[%mul3A_1468] : memref<4096xi32, #tpu.memory_space<vmem>> -> memref<1xi32, #tpu.memory_space<vmem>>
      %dma_start3A_1472 = arith.constant 0 : i32
      %dma_start3A_1473 = tpu.memref_slice %arg5[%dma_start3A_1472, %multiple_of3A_1464] : memref<10000x10000xf32, #tpu.memory_space<hbm>> -> memref<10000x128xf32, #tpu.memory_space<hbm>>
      %dma_start3A_1474 = arith.constant 0 : i32
      %dma_start3A_1475 = arith.constant 0 : i32
      %dma_start3A_1476 = tpu.memref_slice %dma_start3A_1473[%dma_start3A_1474, %dma_start3A_1475] : memref<10000x128xf32, #tpu.memory_space<hbm>> -> memref<10000x128xf32, #tpu.memory_space<hbm>>
      tpu.enqueue_indirect_dma source(%dma_start3A_1476 : memref<10000x128xf32, #tpu.memory_space<hbm>>) target(%dma_start3A_1470 : memref<1x128xf32, #tpu.memory_space<vmem>>) offsets(%dma_start3A_1471 : memref<1xi32, #tpu.memory_space<vmem>>) semaphore(%arg15 : memref<!tpu.dma_semaphore, #tpu.memory_space<semaphore_mem>>)
      %slice3A_1477 = vector.extract_strided_slice %mul3A_1449 {offsets = [2], sizes = [1], strides = [1]} : vector<16xi32> to vector<1xi32>
      %squeeze3A_1478 = vector.extract %slice3A_1477[0] : i32 from vector<1xi32>
      %multiple_of3A_1479 = tpu.assume_multiple %squeeze3A_1478, 128 : i32
      %add3A_1480 = arith.constant 2 : i32
      %add3A_1481 = arith.addi %multiple_of3A, %add3A_1480 : i32
      %mul3A_1482 = arith.constant 8 : i32
      %mul3A_1483 = arith.muli %add3A_1481, %mul3A_1482 : i32
      %dma_start3A_1484 = arith.constant 0 : i32
      %dma_start3A_1485 = tpu.memref_slice %arg13[%add3A_1481, %dma_start3A_1484] : memref<512x128xf32, #tpu.memory_space<vmem>> -> memref<1x128xf32, #tpu.memory_space<vmem>>
      %dma_start3A_1486 = tpu.memref_slice %arg10[%mul3A_1483] : memref<4096xi32, #tpu.memory_space<vmem>> -> memref<1xi32, #tpu.memory_space<vmem>>
      %dma_start3A_1487 = arith.constant 0 : i32
      %dma_start3A_1488 = tpu.memref_slice %arg5[%dma_start3A_1487, %multiple_of3A_1479] : memref<10000x10000xf32, #tpu.memory_space<hbm>> -> memref<10000x128xf32, #tpu.memory_space<hbm>>
      %dma_start3A_1489 = arith.constant 0 : i32
      %dma_start3A_1490 = arith.constant 0 : i32
      %dma_start3A_1491 = tpu.memref_slice %dma_start3A_1488[%dma_start3A_1489, %dma_start3A_1490] : memref<10000x128xf32, #tpu.memory_space<hbm>> -> memref<10000x128xf32, #tpu.memory_space<hbm>>
      tpu.enqueue_indirect_dma source(%dma_start3A_1491 : memref<10000x128xf32, #tpu.memory_space<hbm>>) target(%dma_start3A_1485 : memref<1x128xf32, #tpu.memory_space<vmem>>) offsets(%dma_start3A_1486 : memref<1xi32, #tpu.memory_space<vmem>>) semaphore(%arg15 : memref<!tpu.dma_semaphore, #tpu.memory_space<semaphore_mem>>)
      %slice3A_1492 = vector.extract_strided_slice %mul3A_1449 {offsets = [3], sizes = [1], strides = [1]} : vector<16xi32> to vector<1xi32>
      %squeeze3A_1493 = vector.extract %slice3A_1492[0] : i32 from vector<1xi32>
      %multiple_of3A_1494 = tpu.assume_multiple %squeeze3A_1493, 128 : i32
      %add3A_1495 = arith.constant 3 : i32
      %add3A_1496 = arith.addi %multiple_of3A, %add3A_1495 : i32
      %mul3A_1497 = arith.constant 8 : i32
      %mul3A_1498 = arith.muli %add3A_1496, %mul3A_1497 : i32
      %dma_start3A_1499 = arith.constant 0 : i32
      %dma_start3A_1500 = tpu.memref_slice %arg13[%add3A_1496, %dma_start3A_1499] : memref<512x128xf32, #tpu.memory_space<vmem>> -> memref<1x128xf32, #tpu.memory_space<vmem>>
      %dma_start3A_1501 = tpu.memref_slice %arg10[%mul3A_1498] : memref<4096xi32, #tpu.memory_space<vmem>> -> memref<1xi32, #tpu.memory_space<vmem>>
      %dma_start3A_1502 = arith.constant 0 : i32
      %dma_start3A_1503 = tpu.memref_slice %arg5[%dma_start3A_1502, %multiple_of3A_1494] : memref<10000x10000xf32, #tpu.memory_space<hbm>> -> memref<10000x128xf32, #tpu.memory_space<hbm>>
      %dma_start3A_1504 = arith.constant 0 : i32
      %dma_start3A_1505 = arith.constant 0 : i32
      %dma_start3A_1506 = tpu.memref_slice %dma_start3A_1503[%dma_start3A_1504, %dma_start3A_1505] : memref<10000x128xf32, #tpu.memory_space<hbm>> -> memref<10000x128xf32, #tpu.memory_space<hbm>>
      tpu.enqueue_indirect_dma source(%dma_start3A_1506 : memref<10000x128xf32, #tpu.memory_space<hbm>>) target(%dma_start3A_1500 : memref<1x128xf32, #tpu.memory_space<vmem>>) offsets(%dma_start3A_1501 : memref<1xi32, #tpu.memory_space<vmem>>) semaphore(%arg15 : memref<!tpu.dma_semaphore, #tpu.memory_space<semaphore_mem>>)
      %slice3A_1507 = vector.extract_strided_slice %mul3A_1449 {offsets = [4], sizes = [1], strides = [1]} : vector<16xi32> to vector<1xi32>
      %squeeze3A_1508 = vector.extract %slice3A_1507[0] : i32 from vector<1xi32>
      %multiple_of3A_1509 = tpu.assume_multiple %squeeze3A_1508, 128 : i32
      %add3A_1510 = arith.constant 4 : i32
      %add3A_1511 = arith.addi %multiple_of3A, %add3A_1510 : i32
      %mul3A_1512 = arith.constant 8 : i32
      %mul3A_1513 = arith.muli %add3A_1511, %mul3A_1512 : i32
      %dma_start3A_1514 = arith.constant 0 : i32
      %dma_start3A_1515 = tpu.memref_slice %arg13[%add3A_1511, %dma_start3A_1514] : memref<512x128xf32, #tpu.memory_space<vmem>> -> memref<1x128xf32, #tpu.memory_space<vmem>>
      %dma_start3A_1516 = tpu.memref_slice %arg10[%mul3A_1513] : memref<4096xi32, #tpu.memory_space<vmem>> -> memref<1xi32, #tpu.memory_space<vmem>>
      %dma_start3A_1517 = arith.constant 0 : i32
      %dma_start3A_1518 = tpu.memref_slice %arg5[%dma_start3A_1517, %multiple_of3A_1509] : memref<10000x10000xf32, #tpu.memory_space<hbm>> -> memref<10000x128xf32, #tpu.memory_space<hbm>>
      %dma_start3A_1519 = arith.constant 0 : i32
      %dma_start3A_1520 = arith.constant 0 : i32
      %dma_start3A_1521 = tpu.memref_slice %dma_start3A_1518[%dma_start3A_1519, %dma_start3A_1520] : memref<10000x128xf32, #tpu.memory_space<hbm>> -> memref<10000x128xf32, #tpu.memory_space<hbm>>
      tpu.enqueue_indirect_dma source(%dma_start3A_1521 : memref<10000x128xf32, #tpu.memory_space<hbm>>) target(%dma_start3A_1515 : memref<1x128xf32, #tpu.memory_space<vmem>>) offsets(%dma_start3A_1516 : memref<1xi32, #tpu.memory_space<vmem>>) semaphore(%arg15 : memref<!tpu.dma_semaphore, #tpu.memory_space<semaphore_mem>>)
      %slice3A_1522 = vector.extract_strided_slice %mul3A_1449 {offsets = [5], sizes = [1], strides = [1]} : vector<16xi32> to vector<1xi32>
      %squeeze3A_1523 = vector.extract %slice3A_1522[0] : i32 from vector<1xi32>
      %multiple_of3A_1524 = tpu.assume_multiple %squeeze3A_1523, 128 : i32
      %add3A_1525 = arith.constant 5 : i32
      %add3A_1526 = arith.addi %multiple_of3A, %add3A_1525 : i32
      %mul3A_1527 = arith.constant 8 : i32
      %mul3A_1528 = arith.muli %add3A_1526, %mul3A_1527 : i32
      %dma_start3A_1529 = arith.constant 0 : i32
      %dma_start3A_1530 = tpu.memref_slice %arg13[%add3A_1526, %dma_start3A_1529] : memref<512x128xf32, #tpu.memory_space<vmem>> -> memref<1x128xf32, #tpu.memory_space<vmem>>
      %dma_start3A_1531 = tpu.memref_slice %arg10[%mul3A_1528] : memref<4096xi32, #tpu.memory_space<vmem>> -> memref<1xi32, #tpu.memory_space<vmem>>
      %dma_start3A_1532 = arith.constant 0 : i32
      %dma_start3A_1533 = tpu.memref_slice %arg5[%dma_start3A_1532, %multiple_of3A_1524] : memref<10000x10000xf32, #tpu.memory_space<hbm>> -> memref<10000x128xf32, #tpu.memory_space<hbm>>
      %dma_start3A_1534 = arith.constant 0 : i32
      %dma_start3A_1535 = arith.constant 0 : i32
      %dma_start3A_1536 = tpu.memref_slice %dma_start3A_1533[%dma_start3A_1534, %dma_start3A_1535] : memref<10000x128xf32, #tpu.memory_space<hbm>> -> memref<10000x128xf32, #tpu.memory_space<hbm>>
      tpu.enqueue_indirect_dma source(%dma_start3A_1536 : memref<10000x128xf32, #tpu.memory_space<hbm>>) target(%dma_start3A_1530 : memref<1x128xf32, #tpu.memory_space<vmem>>) offsets(%dma_start3A_1531 : memref<1xi32, #tpu.memory_space<vmem>>) semaphore(%arg15 : memref<!tpu.dma_semaphore, #tpu.memory_space<semaphore_mem>>)
      %slice3A_1537 = vector.extract_strided_slice %mul3A_1449 {offsets = [6], sizes = [1], strides = [1]} : vector<16xi32> to vector<1xi32>
      %squeeze3A_1538 = vector.extract %slice3A_1537[0] : i32 from vector<1xi32>
      %multiple_of3A_1539 = tpu.assume_multiple %squeeze3A_1538, 128 : i32
      %add3A_1540 = arith.constant 6 : i32
      %add3A_1541 = arith.addi %multiple_of3A, %add3A_1540 : i32
      %mul3A_1542 = arith.constant 8 : i32
      %mul3A_1543 = arith.muli %add3A_1541, %mul3A_1542 : i32
      %dma_start3A_1544 = arith.constant 0 : i32
      %dma_start3A_1545 = tpu.memref_slice %arg13[%add3A_1541, %dma_start3A_1544] : memref<512x128xf32, #tpu.memory_space<vmem>> -> memref<1x128xf32, #tpu.memory_space<vmem>>
      %dma_start3A_1546 = tpu.memref_slice %arg10[%mul3A_1543] : memref<4096xi32, #tpu.memory_space<vmem>> -> memref<1xi32, #tpu.memory_space<vmem>>
      %dma_start3A_1547 = arith.constant 0 : i32
      %dma_start3A_1548 = tpu.memref_slice %arg5[%dma_start3A_1547, %multiple_of3A_1539] : memref<10000x10000xf32, #tpu.memory_space<hbm>> -> memref<10000x128xf32, #tpu.memory_space<hbm>>
      %dma_start3A_1549 = arith.constant 0 : i32
      %dma_start3A_1550 = arith.constant 0 : i32
      %dma_start3A_1551 = tpu.memref_slice %dma_start3A_1548[%dma_start3A_1549, %dma_start3A_1550] : memref<10000x128xf32, #tpu.memory_space<hbm>> -> memref<10000x128xf32, #tpu.memory_space<hbm>>
      tpu.enqueue_indirect_dma source(%dma_start3A_1551 : memref<10000x128xf32, #tpu.memory_space<hbm>>) target(%dma_start3A_1545 : memref<1x128xf32, #tpu.memory_space<vmem>>) offsets(%dma_start3A_1546 : memref<1xi32, #tpu.memory_space<vmem>>) semaphore(%arg15 : memref<!tpu.dma_semaphore, #tpu.memory_space<semaphore_mem>>)
      %slice3A_1552 = vector.extract_strided_slice %mul3A_1449 {offsets = [7], sizes = [1], strides = [1]} : vector<16xi32> to vector<1xi32>
      %squeeze3A_1553 = vector.extract %slice3A_1552[0] : i32 from vector<1xi32>
      %multiple_of3A_1554 = tpu.assume_multiple %squeeze3A_1553, 128 : i32
      %add3A_1555 = arith.constant 7 : i32
      %add3A_1556 = arith.addi %multiple_of3A, %add3A_1555 : i32
      %mul3A_1557 = arith.constant 8 : i32
      %mul3A_1558 = arith.muli %add3A_1556, %mul3A_1557 : i32
      %dma_start3A_1559 = arith.constant 0 : i32
      %dma_start3A_1560 = tpu.memref_slice %arg13[%add3A_1556, %dma_start3A_1559] : memref<512x128xf32, #tpu.memory_space<vmem>> -> memref<1x128xf32, #tpu.memory_space<vmem>>
      %dma_start3A_1561 = tpu.memref_slice %arg10[%mul3A_1558] : memref<4096xi32, #tpu.memory_space<vmem>> -> memref<1xi32, #tpu.memory_space<vmem>>
      %dma_start3A_1562 = arith.constant 0 : i32
      %dma_start3A_1563 = tpu.memref_slice %arg5[%dma_start3A_1562, %multiple_of3A_1554] : memref<10000x10000xf32, #tpu.memory_space<hbm>> -> memref<10000x128xf32, #tpu.memory_space<hbm>>
      %dma_start3A_1564 = arith.constant 0 : i32
      %dma_start3A_1565 = arith.constant 0 : i32
      %dma_start3A_1566 = tpu.memref_slice %dma_start3A_1563[%dma_start3A_1564, %dma_start3A_1565] : memref<10000x128xf32, #tpu.memory_space<hbm>> -> memref<10000x128xf32, #tpu.memory_space<hbm>>
      tpu.enqueue_indirect_dma source(%dma_start3A_1566 : memref<10000x128xf32, #tpu.memory_space<hbm>>) target(%dma_start3A_1560 : memref<1x128xf32, #tpu.memory_space<vmem>>) offsets(%dma_start3A_1561 : memref<1xi32, #tpu.memory_space<vmem>>) semaphore(%arg15 : memref<!tpu.dma_semaphore, #tpu.memory_space<semaphore_mem>>)
      %slice3A_1567 = vector.extract_strided_slice %mul3A_1449 {offsets = [8], sizes = [1], strides = [1]} : vector<16xi32> to vector<1xi32>
      %squeeze3A_1568 = vector.extract %slice3A_1567[0] : i32 from vector<1xi32>
      %multiple_of3A_1569 = tpu.assume_multiple %squeeze3A_1568, 128 : i32
      %add3A_1570 = arith.constant 8 : i32
      %add3A_1571 = arith.addi %multiple_of3A, %add3A_1570 : i32
      %mul3A_1572 = arith.constant 8 : i32
      %mul3A_1573 = arith.muli %add3A_1571, %mul3A_1572 : i32
      %dma_start3A_1574 = arith.constant 0 : i32
      %dma_start3A_1575 = tpu.memref_slice %arg13[%add3A_1571, %dma_start3A_1574] : memref<512x128xf32, #tpu.memory_space<vmem>> -> memref<1x128xf32, #tpu.memory_space<vmem>>
      %dma_start3A_1576 = tpu.memref_slice %arg10[%mul3A_1573] : memref<4096xi32, #tpu.memory_space<vmem>> -> memref<1xi32, #tpu.memory_space<vmem>>
      %dma_start3A_1577 = arith.constant 0 : i32
      %dma_start3A_1578 = tpu.memref_slice %arg5[%dma_start3A_1577, %multiple_of3A_1569] : memref<10000x10000xf32, #tpu.memory_space<hbm>> -> memref<10000x128xf32, #tpu.memory_space<hbm>>
      %dma_start3A_1579 = arith.constant 0 : i32
      %dma_start3A_1580 = arith.constant 0 : i32
      %dma_start3A_1581 = tpu.memref_slice %dma_start3A_1578[%dma_start3A_1579, %dma_start3A_1580] : memref<10000x128xf32, #tpu.memory_space<hbm>> -> memref<10000x128xf32, #tpu.memory_space<hbm>>
      tpu.enqueue_indirect_dma source(%dma_start3A_1581 : memref<10000x128xf32, #tpu.memory_space<hbm>>) target(%dma_start3A_1575 : memref<1x128xf32, #tpu.memory_space<vmem>>) offsets(%dma_start3A_1576 : memref<1xi32, #tpu.memory_space<vmem>>) semaphore(%arg15 : memref<!tpu.dma_semaphore, #tpu.memory_space<semaphore_mem>>)
      %slice3A_1582 = vector.extract_strided_slice %mul3A_1449 {offsets = [9], sizes = [1], strides = [1]} : vector<16xi32> to vector<1xi32>
      %squeeze3A_1583 = vector.extract %slice3A_1582[0] : i32 from vector<1xi32>
      %multiple_of3A_1584 = tpu.assume_multiple %squeeze3A_1583, 128 : i32
      %add3A_1585 = arith.constant 9 : i32
      %add3A_1586 = arith.addi %multiple_of3A, %add3A_1585 : i32
      %mul3A_1587 = arith.constant 8 : i32
      %mul3A_1588 = arith.muli %add3A_1586, %mul3A_1587 : i32
      %dma_start3A_1589 = arith.constant 0 : i32
      %dma_start3A_1590 = tpu.memref_slice %arg13[%add3A_1586, %dma_start3A_1589] : memref<512x128xf32, #tpu.memory_space<vmem>> -> memref<1x128xf32, #tpu.memory_space<vmem>>
      %dma_start3A_1591 = tpu.memref_slice %arg10[%mul3A_1588] : memref<4096xi32, #tpu.memory_space<vmem>> -> memref<1xi32, #tpu.memory_space<vmem>>
      %dma_start3A_1592 = arith.constant 0 : i32
      %dma_start3A_1593 = tpu.memref_slice %arg5[%dma_start3A_1592, %multiple_of3A_1584] : memref<10000x10000xf32, #tpu.memory_space<hbm>> -> memref<10000x128xf32, #tpu.memory_space<hbm>>
      %dma_start3A_1594 = arith.constant 0 : i32
      %dma_start3A_1595 = arith.constant 0 : i32
      %dma_start3A_1596 = tpu.memref_slice %dma_start3A_1593[%dma_start3A_1594, %dma_start3A_1595] : memref<10000x128xf32, #tpu.memory_space<hbm>> -> memref<10000x128xf32, #tpu.memory_space<hbm>>
      tpu.enqueue_indirect_dma source(%dma_start3A_1596 : memref<10000x128xf32, #tpu.memory_space<hbm>>) target(%dma_start3A_1590 : memref<1x128xf32, #tpu.memory_space<vmem>>) offsets(%dma_start3A_1591 : memref<1xi32, #tpu.memory_space<vmem>>) semaphore(%arg15 : memref<!tpu.dma_semaphore, #tpu.memory_space<semaphore_mem>>)
      %slice3A_1597 = vector.extract_strided_slice %mul3A_1449 {offsets = [10], sizes = [1], strides = [1]} : vector<16xi32> to vector<1xi32>
      %squeeze3A_1598 = vector.extract %slice3A_1597[0] : i32 from vector<1xi32>
      %multiple_of3A_1599 = tpu.assume_multiple %squeeze3A_1598, 128 : i32
      %add3A_1600 = arith.constant 10 : i32
      %add3A_1601 = arith.addi %multiple_of3A, %add3A_1600 : i32
      %mul3A_1602 = arith.constant 8 : i32
      %mul3A_1603 = arith.muli %add3A_1601, %mul3A_1602 : i32
      %dma_start3A_1604 = arith.constant 0 : i32
      %dma_start3A_1605 = tpu.memref_slice %arg13[%add3A_1601, %dma_start3A_1604] : memref<512x128xf32, #tpu.memory_space<vmem>> -> memref<1x128xf32, #tpu.memory_space<vmem>>
      %dma_start3A_1606 = tpu.memref_slice %arg10[%mul3A_1603] : memref<4096xi32, #tpu.memory_space<vmem>> -> memref<1xi32, #tpu.memory_space<vmem>>
      %dma_start3A_1607 = arith.constant 0 : i32
      %dma_start3A_1608 = tpu.memref_slice %arg5[%dma_start3A_1607, %multiple_of3A_1599] : memref<10000x10000xf32, #tpu.memory_space<hbm>> -> memref<10000x128xf32, #tpu.memory_space<hbm>>
      %dma_start3A_1609 = arith.constant 0 : i32
      %dma_start3A_1610 = arith.constant 0 : i32
      %dma_start3A_1611 = tpu.memref_slice %dma_start3A_1608[%dma_start3A_1609, %dma_start3A_1610] : memref<10000x128xf32, #tpu.memory_space<hbm>> -> memref<10000x128xf32, #tpu.memory_space<hbm>>
      tpu.enqueue_indirect_dma source(%dma_start3A_1611 : memref<10000x128xf32, #tpu.memory_space<hbm>>) target(%dma_start3A_1605 : memref<1x128xf32, #tpu.memory_space<vmem>>) offsets(%dma_start3A_1606 : memref<1xi32, #tpu.memory_space<vmem>>) semaphore(%arg15 : memref<!tpu.dma_semaphore, #tpu.memory_space<semaphore_mem>>)
      %slice3A_1612 = vector.extract_strided_slice %mul3A_1449 {offsets = [11], sizes = [1], strides = [1]} : vector<16xi32> to vector<1xi32>
      %squeeze3A_1613 = vector.extract %slice3A_1612[0] : i32 from vector<1xi32>
      %multiple_of3A_1614 = tpu.assume_multiple %squeeze3A_1613, 128 : i32
      %add3A_1615 = arith.constant 11 : i32
      %add3A_1616 = arith.addi %multiple_of3A, %add3A_1615 : i32
      %mul3A_1617 = arith.constant 8 : i32
      %mul3A_1618 = arith.muli %add3A_1616, %mul3A_1617 : i32
      %dma_start3A_1619 = arith.constant 0 : i32
      %dma_start3A_1620 = tpu.memref_slice %arg13[%add3A_1616, %dma_start3A_1619] : memref<512x128xf32, #tpu.memory_space<vmem>> -> memref<1x128xf32, #tpu.memory_space<vmem>>
      %dma_start3A_1621 = tpu.memref_slice %arg10[%mul3A_1618] : memref<4096xi32, #tpu.memory_space<vmem>> -> memref<1xi32, #tpu.memory_space<vmem>>
      %dma_start3A_1622 = arith.constant 0 : i32
      %dma_start3A_1623 = tpu.memref_slice %arg5[%dma_start3A_1622, %multiple_of3A_1614] : memref<10000x10000xf32, #tpu.memory_space<hbm>> -> memref<10000x128xf32, #tpu.memory_space<hbm>>
      %dma_start3A_1624 = arith.constant 0 : i32
      %dma_start3A_1625 = arith.constant 0 : i32
      %dma_start3A_1626 = tpu.memref_slice %dma_start3A_1623[%dma_start3A_1624, %dma_start3A_1625] : memref<10000x128xf32, #tpu.memory_space<hbm>> -> memref<10000x128xf32, #tpu.memory_space<hbm>>
      tpu.enqueue_indirect_dma source(%dma_start3A_1626 : memref<10000x128xf32, #tpu.memory_space<hbm>>) target(%dma_start3A_1620 : memref<1x128xf32, #tpu.memory_space<vmem>>) offsets(%dma_start3A_1621 : memref<1xi32, #tpu.memory_space<vmem>>) semaphore(%arg15 : memref<!tpu.dma_semaphore, #tpu.memory_space<semaphore_mem>>)
      %slice3A_1627 = vector.extract_strided_slice %mul3A_1449 {offsets = [12], sizes = [1], strides = [1]} : vector<16xi32> to vector<1xi32>
      %squeeze3A_1628 = vector.extract %slice3A_1627[0] : i32 from vector<1xi32>
      %multiple_of3A_1629 = tpu.assume_multiple %squeeze3A_1628, 128 : i32
      %add3A_1630 = arith.constant 12 : i32
      %add3A_1631 = arith.addi %multiple_of3A, %add3A_1630 : i32
      %mul3A_1632 = arith.constant 8 : i32
      %mul3A_1633 = arith.muli %add3A_1631, %mul3A_1632 : i32
      %dma_start3A_1634 = arith.constant 0 : i32
      %dma_start3A_1635 = tpu.memref_slice %arg13[%add3A_1631, %dma_start3A_1634] : memref<512x128xf32, #tpu.memory_space<vmem>> -> memref<1x128xf32, #tpu.memory_space<vmem>>
      %dma_start3A_1636 = tpu.memref_slice %arg10[%mul3A_1633] : memref<4096xi32, #tpu.memory_space<vmem>> -> memref<1xi32, #tpu.memory_space<vmem>>
      %dma_start3A_1637 = arith.constant 0 : i32
      %dma_start3A_1638 = tpu.memref_slice %arg5[%dma_start3A_1637, %multiple_of3A_1629] : memref<10000x10000xf32, #tpu.memory_space<hbm>> -> memref<10000x128xf32, #tpu.memory_space<hbm>>
      %dma_start3A_1639 = arith.constant 0 : i32
      %dma_start3A_1640 = arith.constant 0 : i32
      %dma_start3A_1641 = tpu.memref_slice %dma_start3A_1638[%dma_start3A_1639, %dma_start3A_1640] : memref<10000x128xf32, #tpu.memory_space<hbm>> -> memref<10000x128xf32, #tpu.memory_space<hbm>>
      tpu.enqueue_indirect_dma source(%dma_start3A_1641 : memref<10000x128xf32, #tpu.memory_space<hbm>>) target(%dma_start3A_1635 : memref<1x128xf32, #tpu.memory_space<vmem>>) offsets(%dma_start3A_1636 : memref<1xi32, #tpu.memory_space<vmem>>) semaphore(%arg15 : memref<!tpu.dma_semaphore, #tpu.memory_space<semaphore_mem>>)
      %slice3A_1642 = vector.extract_strided_slice %mul3A_1449 {offsets = [13], sizes = [1], strides = [1]} : vector<16xi32> to vector<1xi32>
      %squeeze3A_1643 = vector.extract %slice3A_1642[0] : i32 from vector<1xi32>
      %multiple_of3A_1644 = tpu.assume_multiple %squeeze3A_1643, 128 : i32
      %add3A_1645 = arith.constant 13 : i32
      %add3A_1646 = arith.addi %multiple_of3A, %add3A_1645 : i32
      %mul3A_1647 = arith.constant 8 : i32
      %mul3A_1648 = arith.muli %add3A_1646, %mul3A_1647 : i32
      %dma_start3A_1649 = arith.constant 0 : i32
      %dma_start3A_1650 = tpu.memref_slice %arg13[%add3A_1646, %dma_start3A_1649] : memref<512x128xf32, #tpu.memory_space<vmem>> -> memref<1x128xf32, #tpu.memory_space<vmem>>
      %dma_start3A_1651 = tpu.memref_slice %arg10[%mul3A_1648] : memref<4096xi32, #tpu.memory_space<vmem>> -> memref<1xi32, #tpu.memory_space<vmem>>
      %dma_start3A_1652 = arith.constant 0 : i32
      %dma_start3A_1653 = tpu.memref_slice %arg5[%dma_start3A_1652, %multiple_of3A_1644] : memref<10000x10000xf32, #tpu.memory_space<hbm>> -> memref<10000x128xf32, #tpu.memory_space<hbm>>
      %dma_start3A_1654 = arith.constant 0 : i32
      %dma_start3A_1655 = arith.constant 0 : i32
      %dma_start3A_1656 = tpu.memref_slice %dma_start3A_1653[%dma_start3A_1654, %dma_start3A_1655] : memref<10000x128xf32, #tpu.memory_space<hbm>> -> memref<10000x128xf32, #tpu.memory_space<hbm>>
      tpu.enqueue_indirect_dma source(%dma_start3A_1656 : memref<10000x128xf32, #tpu.memory_space<hbm>>) target(%dma_start3A_1650 : memref<1x128xf32, #tpu.memory_space<vmem>>) offsets(%dma_start3A_1651 : memref<1xi32, #tpu.memory_space<vmem>>) semaphore(%arg15 : memref<!tpu.dma_semaphore, #tpu.memory_space<semaphore_mem>>)
      %slice3A_1657 = vector.extract_strided_slice %mul3A_1449 {offsets = [14], sizes = [1], strides = [1]} : vector<16xi32> to vector<1xi32>
      %squeeze3A_1658 = vector.extract %slice3A_1657[0] : i32 from vector<1xi32>
      %multiple_of3A_1659 = tpu.assume_multiple %squeeze3A_1658, 128 : i32
      %add3A_1660 = arith.constant 14 : i32
      %add3A_1661 = arith.addi %multiple_of3A, %add3A_1660 : i32
      %mul3A_1662 = arith.constant 8 : i32
      %mul3A_1663 = arith.muli %add3A_1661, %mul3A_1662 : i32
      %dma_start3A_1664 = arith.constant 0 : i32
      %dma_start3A_1665 = tpu.memref_slice %arg13[%add3A_1661, %dma_start3A_1664] : memref<512x128xf32, #tpu.memory_space<vmem>> -> memref<1x128xf32, #tpu.memory_space<vmem>>
      %dma_start3A_1666 = tpu.memref_slice %arg10[%mul3A_1663] : memref<4096xi32, #tpu.memory_space<vmem>> -> memref<1xi32, #tpu.memory_space<vmem>>
      %dma_start3A_1667 = arith.constant 0 : i32
      %dma_start3A_1668 = tpu.memref_slice %arg5[%dma_start3A_1667, %multiple_of3A_1659] : memref<10000x10000xf32, #tpu.memory_space<hbm>> -> memref<10000x128xf32, #tpu.memory_space<hbm>>
      %dma_start3A_1669 = arith.constant 0 : i32
      %dma_start3A_1670 = arith.constant 0 : i32
      %dma_start3A_1671 = tpu.memref_slice %dma_start3A_1668[%dma_start3A_1669, %dma_start3A_1670] : memref<10000x128xf32, #tpu.memory_space<hbm>> -> memref<10000x128xf32, #tpu.memory_space<hbm>>
      tpu.enqueue_indirect_dma source(%dma_start3A_1671 : memref<10000x128xf32, #tpu.memory_space<hbm>>) target(%dma_start3A_1665 : memref<1x128xf32, #tpu.memory_space<vmem>>) offsets(%dma_start3A_1666 : memref<1xi32, #tpu.memory_space<vmem>>) semaphore(%arg15 : memref<!tpu.dma_semaphore, #tpu.memory_space<semaphore_mem>>)
      %slice3A_1672 = vector.extract_strided_slice %mul3A_1449 {offsets = [15], sizes = [1], strides = [1]} : vector<16xi32> to vector<1xi32>
      %squeeze3A_1673 = vector.extract %slice3A_1672[0] : i32 from vector<1xi32>
      %multiple_of3A_1674 = tpu.assume_multiple %squeeze3A_1673, 128 : i32
      %add3A_1675 = arith.constant 15 : i32
      %add3A_1676 = arith.addi %multiple_of3A, %add3A_1675 : i32
      %mul3A_1677 = arith.constant 8 : i32
      %mul3A_1678 = arith.muli %add3A_1676, %mul3A_1677 : i32
      %dma_start3A_1679 = arith.constant 0 : i32
      %dma_start3A_1680 = tpu.memref_slice %arg13[%add3A_1676, %dma_start3A_1679] : memref<512x128xf32, #tpu.memory_space<vmem>> -> memref<1x128xf32, #tpu.memory_space<vmem>>
      %dma_start3A_1681 = tpu.memref_slice %arg10[%mul3A_1678] : memref<4096xi32, #tpu.memory_space<vmem>> -> memref<1xi32, #tpu.memory_space<vmem>>
      %dma_start3A_1682 = arith.constant 0 : i32
      %dma_start3A_1683 = tpu.memref_slice %arg5[%dma_start3A_1682, %multiple_of3A_1674] : memref<10000x10000xf32, #tpu.memory_space<hbm>> -> memref<10000x128xf32, #tpu.memory_space<hbm>>
      %dma_start3A_1684 = arith.constant 0 : i32
      %dma_start3A_1685 = arith.constant 0 : i32
      %dma_start3A_1686 = tpu.memref_slice %dma_start3A_1683[%dma_start3A_1684, %dma_start3A_1685] : memref<10000x128xf32, #tpu.memory_space<hbm>> -> memref<10000x128xf32, #tpu.memory_space<hbm>>
      tpu.enqueue_indirect_dma source(%dma_start3A_1686 : memref<10000x128xf32, #tpu.memory_space<hbm>>) target(%dma_start3A_1680 : memref<1x128xf32, #tpu.memory_space<vmem>>) offsets(%dma_start3A_1681 : memref<1xi32, #tpu.memory_space<vmem>>) semaphore(%arg15 : memref<!tpu.dma_semaphore, #tpu.memory_space<semaphore_mem>>)
      %scan3A_1687 = arith.constant 0 : i32
      scf.yield %scan3A_1687 : i32
    }
    %scan3A_1074 = arith.constant 32 : i32
    %dma_wait3A_1075 = arith.constant 0 : i32
    %dma_wait3A_1076 = tpu.memref_slice %arg10[%dma_wait3A_1075] : memref<4096xi32, #tpu.memory_space<vmem>> -> memref<512xi32, #tpu.memory_space<vmem>>
    %dma_wait3A_1077 = arith.constant 0 : i32
    %dma_wait3A_1078 = arith.constant 0 : i32
    %dma_wait3A_1079 = tpu.memref_slice %arg5[%dma_wait3A_1077, %dma_wait3A_1078] : memref<10000x10000xf32, #tpu.memory_space<hbm>> -> memref<10000x128xf32, #tpu.memory_space<hbm>>
    %dma_wait3A_1080 = arith.constant 0 : i32
    %dma_wait3A_1081 = arith.constant 0 : i32
    %dma_wait3A_1082 = tpu.memref_slice %dma_wait3A_1079[%dma_wait3A_1080, %dma_wait3A_1081] : memref<10000x128xf32, #tpu.memory_space<hbm>> -> memref<10000x128xf32, #tpu.memory_space<hbm>>
    tpu.wait_indirect_dma semaphore(%arg15 : memref<!tpu.dma_semaphore, #tpu.memory_space<semaphore_mem>>) src(%dma_wait3A_1082 : memref<10000x128xf32, #tpu.memory_space<hbm>>) dst(%arg13 : memref<512x128xf32, #tpu.memory_space<vmem>>)
    %add3A_1083 = arith.constant 0 : i32
    %add3A_1084 = vector.broadcast %add3A_1083 : i32 to vector<16xi32>
    %add3A_1085 = arith.addi %add3A_1084, %iota3A : vector<16xi32>
    %get3A_1086 = arith.constant 0 : index
    %get3A_1087 = tpu.vector_load %arg12[%get3A_1086] {strides = array<i32>} : memref<512xi32, #tpu.memory_space<vmem>>, vector<16xi32>,
    %and3A_1088 = arith.constant 127 : i32
    %and3A_1089 = vector.broadcast %and3A_1088 : i32 to vector<16xi32>
    %and3A_1090 = arith.andi %get3A_1087, %and3A_1089 : vector<16xi32>
    %gather3A_1091 = tpu.vector_load_idx %arg13[%add3A_1085, %and3A_1090] : memref<512x128xf32, #tpu.memory_space<vmem>>[vector<16xi32>, vector<16xi32>], vector<16xf32>,
    %swap3A_1092 = arith.constant 512 : index
    %swap3A_1093 = tpu.vector_load %arg14[%swap3A_1092] {strides = array<i32>} : memref<1024xf32, #tpu.memory_space<vmem>>, vector<16xf32>,
    tpu.vector_store %arg14[%swap3A_1092], %gather3A_1091 {strides = array<i32>} : memref<1024xf32, #tpu.memory_space<vmem>>, vector<16xf32>,
    %add3A_1094 = arith.constant 16 : i32
    %add3A_1095 = vector.broadcast %add3A_1094 : i32 to vector<16xi32>
    %add3A_1096 = arith.addi %add3A_1095, %iota3A : vector<16xi32>
    %get3A_1097 = arith.constant 16 : index
    %get3A_1098 = tpu.vector_load %arg12[%get3A_1097] {strides = array<i32>} : memref<512xi32, #tpu.memory_space<vmem>>, vector<16xi32>,
    %and3A_1099 = arith.constant 127 : i32
    %and3A_1100 = vector.broadcast %and3A_1099 : i32 to vector<16xi32>
    %and3A_1101 = arith.andi %get3A_1098, %and3A_1100 : vector<16xi32>
    %gather3A_1102 = tpu.vector_load_idx %arg13[%add3A_1096, %and3A_1101] : memref<512x128xf32, #tpu.memory_space<vmem>>[vector<16xi32>, vector<16xi32>], vector<16xf32>,
    %swap3A_1103 = arith.constant 528 : index
    %swap3A_1104 = tpu.vector_load %arg14[%swap3A_1103] {strides = array<i32>} : memref<1024xf32, #tpu.memory_space<vmem>>, vector<16xf32>,
    tpu.vector_store %arg14[%swap3A_1103], %gather3A_1102 {strides = array<i32>} : memref<1024xf32, #tpu.memory_space<vmem>>, vector<16xf32>,
    %add3A_1105 = arith.constant 32 : i32
    %add3A_1106 = vector.broadcast %add3A_1105 : i32 to vector<16xi32>
    %add3A_1107 = arith.addi %add3A_1106, %iota3A : vector<16xi32>
    %get3A_1108 = arith.constant 32 : index
    %get3A_1109 = tpu.vector_load %arg12[%get3A_1108] {strides = array<i32>} : memref<512xi32, #tpu.memory_space<vmem>>, vector<16xi32>,
    %and3A_1110 = arith.constant 127 : i32
    %and3A_1111 = vector.broadcast %and3A_1110 : i32 to vector<16xi32>
    %and3A_1112 = arith.andi %get3A_1109, %and3A_1111 : vector<16xi32>
    %gather3A_1113 = tpu.vector_load_idx %arg13[%add3A_1107, %and3A_1112] : memref<512x128xf32, #tpu.memory_space<vmem>>[vector<16xi32>, vector<16xi32>], vector<16xf32>,
    %swap3A_1114 = arith.constant 544 : index
    %swap3A_1115 = tpu.vector_load %arg14[%swap3A_1114] {strides = array<i32>} : memref<1024xf32, #tpu.memory_space<vmem>>, vector<16xf32>,
    tpu.vector_store %arg14[%swap3A_1114], %gather3A_1113 {strides = array<i32>} : memref<1024xf32, #tpu.memory_space<vmem>>, vector<16xf32>,
    %add3A_1116 = arith.constant 48 : i32
    %add3A_1117 = vector.broadcast %add3A_1116 : i32 to vector<16xi32>
    %add3A_1118 = arith.addi %add3A_1117, %iota3A : vector<16xi32>
    %get3A_1119 = arith.constant 48 : index
    %get3A_1120 = tpu.vector_load %arg12[%get3A_1119] {strides = array<i32>} : memref<512xi32, #tpu.memory_space<vmem>>, vector<16xi32>,
    %and3A_1121 = arith.constant 127 : i32
    %and3A_1122 = vector.broadcast %and3A_1121 : i32 to vector<16xi32>
    %and3A_1123 = arith.andi %get3A_1120, %and3A_1122 : vector<16xi32>
    %gather3A_1124 = tpu.vector_load_idx %arg13[%add3A_1118, %and3A_1123] : memref<512x128xf32, #tpu.memory_space<vmem>>[vector<16xi32>, vector<16xi32>], vector<16xf32>,
    %swap3A_1125 = arith.constant 560 : index
    %swap3A_1126 = tpu.vector_load %arg14[%swap3A_1125] {strides = array<i32>} : memref<1024xf32, #tpu.memory_space<vmem>>, vector<16xf32>,
    tpu.vector_store %arg14[%swap3A_1125], %gather3A_1124 {strides = array<i32>} : memref<1024xf32, #tpu.memory_space<vmem>>, vector<16xf32>,
    %add3A_1127 = arith.constant 64 : i32
    %add3A_1128 = vector.broadcast %add3A_1127 : i32 to vector<16xi32>
    %add3A_1129 = arith.addi %add3A_1128, %iota3A : vector<16xi32>
    %get3A_1130 = arith.constant 64 : index
    %get3A_1131 = tpu.vector_load %arg12[%get3A_1130] {strides = array<i32>} : memref<512xi32, #tpu.memory_space<vmem>>, vector<16xi32>,
    %and3A_1132 = arith.constant 127 : i32
    %and3A_1133 = vector.broadcast %and3A_1132 : i32 to vector<16xi32>
    %and3A_1134 = arith.andi %get3A_1131, %and3A_1133 : vector<16xi32>
    %gather3A_1135 = tpu.vector_load_idx %arg13[%add3A_1129, %and3A_1134] : memref<512x128xf32, #tpu.memory_space<vmem>>[vector<16xi32>, vector<16xi32>], vector<16xf32>,
    %swap3A_1136 = arith.constant 576 : index
    %swap3A_1137 = tpu.vector_load %arg14[%swap3A_1136] {strides = array<i32>} : memref<1024xf32, #tpu.memory_space<vmem>>, vector<16xf32>,
    tpu.vector_store %arg14[%swap3A_1136], %gather3A_1135 {strides = array<i32>} : memref<1024xf32, #tpu.memory_space<vmem>>, vector<16xf32>,
    %add3A_1138 = arith.constant 80 : i32
    %add3A_1139 = vector.broadcast %add3A_1138 : i32 to vector<16xi32>
    %add3A_1140 = arith.addi %add3A_1139, %iota3A : vector<16xi32>
    %get3A_1141 = arith.constant 80 : index
    %get3A_1142 = tpu.vector_load %arg12[%get3A_1141] {strides = array<i32>} : memref<512xi32, #tpu.memory_space<vmem>>, vector<16xi32>,
    %and3A_1143 = arith.constant 127 : i32
    %and3A_1144 = vector.broadcast %and3A_1143 : i32 to vector<16xi32>
    %and3A_1145 = arith.andi %get3A_1142, %and3A_1144 : vector<16xi32>
    %gather3A_1146 = tpu.vector_load_idx %arg13[%add3A_1140, %and3A_1145] : memref<512x128xf32, #tpu.memory_space<vmem>>[vector<16xi32>, vector<16xi32>], vector<16xf32>,
    %swap3A_1147 = arith.constant 592 : index
    %swap3A_1148 = tpu.vector_load %arg14[%swap3A_1147] {strides = array<i32>} : memref<1024xf32, #tpu.memory_space<vmem>>, vector<16xf32>,
    tpu.vector_store %arg14[%swap3A_1147], %gather3A_1146 {strides = array<i32>} : memref<1024xf32, #tpu.memory_space<vmem>>, vector<16xf32>,
    %add3A_1149 = arith.constant 96 : i32
    %add3A_1150 = vector.broadcast %add3A_1149 : i32 to vector<16xi32>
    %add3A_1151 = arith.addi %add3A_1150, %iota3A : vector<16xi32>
    %get3A_1152 = arith.constant 96 : index
    %get3A_1153 = tpu.vector_load %arg12[%get3A_1152] {strides = array<i32>} : memref<512xi32, #tpu.memory_space<vmem>>, vector<16xi32>,
    %and3A_1154 = arith.constant 127 : i32
    %and3A_1155 = vector.broadcast %and3A_1154 : i32 to vector<16xi32>
    %and3A_1156 = arith.andi %get3A_1153, %and3A_1155 : vector<16xi32>
    %gather3A_1157 = tpu.vector_load_idx %arg13[%add3A_1151, %and3A_1156] : memref<512x128xf32, #tpu.memory_space<vmem>>[vector<16xi32>, vector<16xi32>], vector<16xf32>,
    %swap3A_1158 = arith.constant 608 : index
    %swap3A_1159 = tpu.vector_load %arg14[%swap3A_1158] {strides = array<i32>} : memref<1024xf32, #tpu.memory_space<vmem>>, vector<16xf32>,
    tpu.vector_store %arg14[%swap3A_1158], %gather3A_1157 {strides = array<i32>} : memref<1024xf32, #tpu.memory_space<vmem>>, vector<16xf32>,
    %add3A_1160 = arith.constant 112 : i32
    %add3A_1161 = vector.broadcast %add3A_1160 : i32 to vector<16xi32>
    %add3A_1162 = arith.addi %add3A_1161, %iota3A : vector<16xi32>
    %get3A_1163 = arith.constant 112 : index
    %get3A_1164 = tpu.vector_load %arg12[%get3A_1163] {strides = array<i32>} : memref<512xi32, #tpu.memory_space<vmem>>, vector<16xi32>,
    %and3A_1165 = arith.constant 127 : i32
    %and3A_1166 = vector.broadcast %and3A_1165 : i32 to vector<16xi32>
    %and3A_1167 = arith.andi %get3A_1164, %and3A_1166 : vector<16xi32>
    %gather3A_1168 = tpu.vector_load_idx %arg13[%add3A_1162, %and3A_1167] : memref<512x128xf32, #tpu.memory_space<vmem>>[vector<16xi32>, vector<16xi32>], vector<16xf32>,
    %swap3A_1169 = arith.constant 624 : index
    %swap3A_1170 = tpu.vector_load %arg14[%swap3A_1169] {strides = array<i32>} : memref<1024xf32, #tpu.memory_space<vmem>>, vector<16xf32>,
    tpu.vector_store %arg14[%swap3A_1169], %gather3A_1168 {strides = array<i32>} : memref<1024xf32, #tpu.memory_space<vmem>>, vector<16xf32>,
    %add3A_1171 = arith.constant 128 : i32
    %add3A_1172 = vector.broadcast %add3A_1171 : i32 to vector<16xi32>
    %add3A_1173 = arith.addi %add3A_1172, %iota3A : vector<16xi32>
    %get3A_1174 = arith.constant 128 : index
    %get3A_1175 = tpu.vector_load %arg12[%get3A_1174] {strides = array<i32>} : memref<512xi32, #tpu.memory_space<vmem>>, vector<16xi32>,
    %and3A_1176 = arith.constant 127 : i32
    %and3A_1177 = vector.broadcast %and3A_1176 : i32 to vector<16xi32>
    %and3A_1178 = arith.andi %get3A_1175, %and3A_1177 : vector<16xi32>
    %gather3A_1179 = tpu.vector_load_idx %arg13[%add3A_1173, %and3A_1178] : memref<512x128xf32, #tpu.memory_space<vmem>>[vector<16xi32>, vector<16xi32>], vector<16xf32>,
    %swap3A_1180 = arith.constant 640 : index
    %swap3A_1181 = tpu.vector_load %arg14[%swap3A_1180] {strides = array<i32>} : memref<1024xf32, #tpu.memory_space<vmem>>, vector<16xf32>,
    tpu.vector_store %arg14[%swap3A_1180], %gather3A_1179 {strides = array<i32>} : memref<1024xf32, #tpu.memory_space<vmem>>, vector<16xf32>,
    %add3A_1182 = arith.constant 144 : i32
    %add3A_1183 = vector.broadcast %add3A_1182 : i32 to vector<16xi32>
    %add3A_1184 = arith.addi %add3A_1183, %iota3A : vector<16xi32>
    %get3A_1185 = arith.constant 144 : index
    %get3A_1186 = tpu.vector_load %arg12[%get3A_1185] {strides = array<i32>} : memref<512xi32, #tpu.memory_space<vmem>>, vector<16xi32>,
    %and3A_1187 = arith.constant 127 : i32
    %and3A_1188 = vector.broadcast %and3A_1187 : i32 to vector<16xi32>
    %and3A_1189 = arith.andi %get3A_1186, %and3A_1188 : vector<16xi32>
    %gather3A_1190 = tpu.vector_load_idx %arg13[%add3A_1184, %and3A_1189] : memref<512x128xf32, #tpu.memory_space<vmem>>[vector<16xi32>, vector<16xi32>], vector<16xf32>,
    %swap3A_1191 = arith.constant 656 : index
    %swap3A_1192 = tpu.vector_load %arg14[%swap3A_1191] {strides = array<i32>} : memref<1024xf32, #tpu.memory_space<vmem>>, vector<16xf32>,
    tpu.vector_store %arg14[%swap3A_1191], %gather3A_1190 {strides = array<i32>} : memref<1024xf32, #tpu.memory_space<vmem>>, vector<16xf32>,
    %add3A_1193 = arith.constant 160 : i32
    %add3A_1194 = vector.broadcast %add3A_1193 : i32 to vector<16xi32>
    %add3A_1195 = arith.addi %add3A_1194, %iota3A : vector<16xi32>
    %get3A_1196 = arith.constant 160 : index
    %get3A_1197 = tpu.vector_load %arg12[%get3A_1196] {strides = array<i32>} : memref<512xi32, #tpu.memory_space<vmem>>, vector<16xi32>,
    %and3A_1198 = arith.constant 127 : i32
    %and3A_1199 = vector.broadcast %and3A_1198 : i32 to vector<16xi32>
    %and3A_1200 = arith.andi %get3A_1197, %and3A_1199 : vector<16xi32>
    %gather3A_1201 = tpu.vector_load_idx %arg13[%add3A_1195, %and3A_1200] : memref<512x128xf32, #tpu.memory_space<vmem>>[vector<16xi32>, vector<16xi32>], vector<16xf32>,
    %swap3A_1202 = arith.constant 672 : index
    %swap3A_1203 = tpu.vector_load %arg14[%swap3A_1202] {strides = array<i32>} : memref<1024xf32, #tpu.memory_space<vmem>>, vector<16xf32>,
    tpu.vector_store %arg14[%swap3A_1202], %gather3A_1201 {strides = array<i32>} : memref<1024xf32, #tpu.memory_space<vmem>>, vector<16xf32>,
    %add3A_1204 = arith.constant 176 : i32
    %add3A_1205 = vector.broadcast %add3A_1204 : i32 to vector<16xi32>
    %add3A_1206 = arith.addi %add3A_1205, %iota3A : vector<16xi32>
    %get3A_1207 = arith.constant 176 : index
    %get3A_1208 = tpu.vector_load %arg12[%get3A_1207] {strides = array<i32>} : memref<512xi32, #tpu.memory_space<vmem>>, vector<16xi32>,
    %and3A_1209 = arith.constant 127 : i32
    %and3A_1210 = vector.broadcast %and3A_1209 : i32 to vector<16xi32>
    %and3A_1211 = arith.andi %get3A_1208, %and3A_1210 : vector<16xi32>
    %gather3A_1212 = tpu.vector_load_idx %arg13[%add3A_1206, %and3A_1211] : memref<512x128xf32, #tpu.memory_space<vmem>>[vector<16xi32>, vector<16xi32>], vector<16xf32>,
    %swap3A_1213 = arith.constant 688 : index
    %swap3A_1214 = tpu.vector_load %arg14[%swap3A_1213] {strides = array<i32>} : memref<1024xf32, #tpu.memory_space<vmem>>, vector<16xf32>,
    tpu.vector_store %arg14[%swap3A_1213], %gather3A_1212 {strides = array<i32>} : memref<1024xf32, #tpu.memory_space<vmem>>, vector<16xf32>,
    %add3A_1215 = arith.constant 192 : i32
    %add3A_1216 = vector.broadcast %add3A_1215 : i32 to vector<16xi32>
    %add3A_1217 = arith.addi %add3A_1216, %iota3A : vector<16xi32>
    %get3A_1218 = arith.constant 192 : index
    %get3A_1219 = tpu.vector_load %arg12[%get3A_1218] {strides = array<i32>} : memref<512xi32, #tpu.memory_space<vmem>>, vector<16xi32>,
    %and3A_1220 = arith.constant 127 : i32
    %and3A_1221 = vector.broadcast %and3A_1220 : i32 to vector<16xi32>
    %and3A_1222 = arith.andi %get3A_1219, %and3A_1221 : vector<16xi32>
    %gather3A_1223 = tpu.vector_load_idx %arg13[%add3A_1217, %and3A_1222] : memref<512x128xf32, #tpu.memory_space<vmem>>[vector<16xi32>, vector<16xi32>], vector<16xf32>,
    %swap3A_1224 = arith.constant 704 : index
    %swap3A_1225 = tpu.vector_load %arg14[%swap3A_1224] {strides = array<i32>} : memref<1024xf32, #tpu.memory_space<vmem>>, vector<16xf32>,
    tpu.vector_store %arg14[%swap3A_1224], %gather3A_1223 {strides = array<i32>} : memref<1024xf32, #tpu.memory_space<vmem>>, vector<16xf32>,
    %add3A_1226 = arith.constant 208 : i32
    %add3A_1227 = vector.broadcast %add3A_1226 : i32 to vector<16xi32>
    %add3A_1228 = arith.addi %add3A_1227, %iota3A : vector<16xi32>
    %get3A_1229 = arith.constant 208 : index
    %get3A_1230 = tpu.vector_load %arg12[%get3A_1229] {strides = array<i32>} : memref<512xi32, #tpu.memory_space<vmem>>, vector<16xi32>,
    %and3A_1231 = arith.constant 127 : i32
    %and3A_1232 = vector.broadcast %and3A_1231 : i32 to vector<16xi32>
    %and3A_1233 = arith.andi %get3A_1230, %and3A_1232 : vector<16xi32>
    %gather3A_1234 = tpu.vector_load_idx %arg13[%add3A_1228, %and3A_1233] : memref<512x128xf32, #tpu.memory_space<vmem>>[vector<16xi32>, vector<16xi32>], vector<16xf32>,
    %swap3A_1235 = arith.constant 720 : index
    %swap3A_1236 = tpu.vector_load %arg14[%swap3A_1235] {strides = array<i32>} : memref<1024xf32, #tpu.memory_space<vmem>>, vector<16xf32>,
    tpu.vector_store %arg14[%swap3A_1235], %gather3A_1234 {strides = array<i32>} : memref<1024xf32, #tpu.memory_space<vmem>>, vector<16xf32>,
    %add3A_1237 = arith.constant 224 : i32
    %add3A_1238 = vector.broadcast %add3A_1237 : i32 to vector<16xi32>
    %add3A_1239 = arith.addi %add3A_1238, %iota3A : vector<16xi32>
    %get3A_1240 = arith.constant 224 : index
    %get3A_1241 = tpu.vector_load %arg12[%get3A_1240] {strides = array<i32>} : memref<512xi32, #tpu.memory_space<vmem>>, vector<16xi32>,
    %and3A_1242 = arith.constant 127 : i32
    %and3A_1243 = vector.broadcast %and3A_1242 : i32 to vector<16xi32>
    %and3A_1244 = arith.andi %get3A_1241, %and3A_1243 : vector<16xi32>
    %gather3A_1245 = tpu.vector_load_idx %arg13[%add3A_1239, %and3A_1244] : memref<512x128xf32, #tpu.memory_space<vmem>>[vector<16xi32>, vector<16xi32>], vector<16xf32>,
    %swap3A_1246 = arith.constant 736 : index
    %swap3A_1247 = tpu.vector_load %arg14[%swap3A_1246] {strides = array<i32>} : memref<1024xf32, #tpu.memory_space<vmem>>, vector<16xf32>,
    tpu.vector_store %arg14[%swap3A_1246], %gather3A_1245 {strides = array<i32>} : memref<1024xf32, #tpu.memory_space<vmem>>, vector<16xf32>,
    %add3A_1248 = arith.constant 240 : i32
    %add3A_1249 = vector.broadcast %add3A_1248 : i32 to vector<16xi32>
    %add3A_1250 = arith.addi %add3A_1249, %iota3A : vector<16xi32>
    %get3A_1251 = arith.constant 240 : index
    %get3A_1252 = tpu.vector_load %arg12[%get3A_1251] {strides = array<i32>} : memref<512xi32, #tpu.memory_space<vmem>>, vector<16xi32>,
    %and3A_1253 = arith.constant 127 : i32
    %and3A_1254 = vector.broadcast %and3A_1253 : i32 to vector<16xi32>
    %and3A_1255 = arith.andi %get3A_1252, %and3A_1254 : vector<16xi32>
    %gather3A_1256 = tpu.vector_load_idx %arg13[%add3A_1250, %and3A_1255] : memref<512x128xf32, #tpu.memory_space<vmem>>[vector<16xi32>, vector<16xi32>], vector<16xf32>,
    %swap3A_1257 = arith.constant 752 : index
    %swap3A_1258 = tpu.vector_load %arg14[%swap3A_1257] {strides = array<i32>} : memref<1024xf32, #tpu.memory_space<vmem>>, vector<16xf32>,
    tpu.vector_store %arg14[%swap3A_1257], %gather3A_1256 {strides = array<i32>} : memref<1024xf32, #tpu.memory_space<vmem>>, vector<16xf32>,
    %add3A_1259 = arith.constant 256 : i32
    %add3A_1260 = vector.broadcast %add3A_1259 : i32 to vector<16xi32>
    %add3A_1261 = arith.addi %add3A_1260, %iota3A : vector<16xi32>
    %get3A_1262 = arith.constant 256 : index
    %get3A_1263 = tpu.vector_load %arg12[%get3A_1262] {strides = array<i32>} : memref<512xi32, #tpu.memory_space<vmem>>, vector<16xi32>,
    %and3A_1264 = arith.constant 127 : i32
    %and3A_1265 = vector.broadcast %and3A_1264 : i32 to vector<16xi32>
    %and3A_1266 = arith.andi %get3A_1263, %and3A_1265 : vector<16xi32>
    %gather3A_1267 = tpu.vector_load_idx %arg13[%add3A_1261, %and3A_1266] : memref<512x128xf32, #tpu.memory_space<vmem>>[vector<16xi32>, vector<16xi32>], vector<16xf32>,
    %swap3A_1268 = arith.constant 768 : index
    %swap3A_1269 = tpu.vector_load %arg14[%swap3A_1268] {strides = array<i32>} : memref<1024xf32, #tpu.memory_space<vmem>>, vector<16xf32>,
    tpu.vector_store %arg14[%swap3A_1268], %gather3A_1267 {strides = array<i32>} : memref<1024xf32, #tpu.memory_space<vmem>>, vector<16xf32>,
    %add3A_1270 = arith.constant 272 : i32
    %add3A_1271 = vector.broadcast %add3A_1270 : i32 to vector<16xi32>
    %add3A_1272 = arith.addi %add3A_1271, %iota3A : vector<16xi32>
    %get3A_1273 = arith.constant 272 : index
    %get3A_1274 = tpu.vector_load %arg12[%get3A_1273] {strides = array<i32>} : memref<512xi32, #tpu.memory_space<vmem>>, vector<16xi32>,
    %and3A_1275 = arith.constant 127 : i32
    %and3A_1276 = vector.broadcast %and3A_1275 : i32 to vector<16xi32>
    %and3A_1277 = arith.andi %get3A_1274, %and3A_1276 : vector<16xi32>
    %gather3A_1278 = tpu.vector_load_idx %arg13[%add3A_1272, %and3A_1277] : memref<512x128xf32, #tpu.memory_space<vmem>>[vector<16xi32>, vector<16xi32>], vector<16xf32>,
    %swap3A_1279 = arith.constant 784 : index
    %swap3A_1280 = tpu.vector_load %arg14[%swap3A_1279] {strides = array<i32>} : memref<1024xf32, #tpu.memory_space<vmem>>, vector<16xf32>,
    tpu.vector_store %arg14[%swap3A_1279], %gather3A_1278 {strides = array<i32>} : memref<1024xf32, #tpu.memory_space<vmem>>, vector<16xf32>,
    %add3A_1281 = arith.constant 288 : i32
    %add3A_1282 = vector.broadcast %add3A_1281 : i32 to vector<16xi32>
    %add3A_1283 = arith.addi %add3A_1282, %iota3A : vector<16xi32>
    %get3A_1284 = arith.constant 288 : index
    %get3A_1285 = tpu.vector_load %arg12[%get3A_1284] {strides = array<i32>} : memref<512xi32, #tpu.memory_space<vmem>>, vector<16xi32>,
    %and3A_1286 = arith.constant 127 : i32
    %and3A_1287 = vector.broadcast %and3A_1286 : i32 to vector<16xi32>
    %and3A_1288 = arith.andi %get3A_1285, %and3A_1287 : vector<16xi32>
    %gather3A_1289 = tpu.vector_load_idx %arg13[%add3A_1283, %and3A_1288] : memref<512x128xf32, #tpu.memory_space<vmem>>[vector<16xi32>, vector<16xi32>], vector<16xf32>,
    %swap3A_1290 = arith.constant 800 : index
    %swap3A_1291 = tpu.vector_load %arg14[%swap3A_1290] {strides = array<i32>} : memref<1024xf32, #tpu.memory_space<vmem>>, vector<16xf32>,
    tpu.vector_store %arg14[%swap3A_1290], %gather3A_1289 {strides = array<i32>} : memref<1024xf32, #tpu.memory_space<vmem>>, vector<16xf32>,
    %add3A_1292 = arith.constant 304 : i32
    %add3A_1293 = vector.broadcast %add3A_1292 : i32 to vector<16xi32>
    %add3A_1294 = arith.addi %add3A_1293, %iota3A : vector<16xi32>
    %get3A_1295 = arith.constant 304 : index
    %get3A_1296 = tpu.vector_load %arg12[%get3A_1295] {strides = array<i32>} : memref<512xi32, #tpu.memory_space<vmem>>, vector<16xi32>,
    %and3A_1297 = arith.constant 127 : i32
    %and3A_1298 = vector.broadcast %and3A_1297 : i32 to vector<16xi32>
    %and3A_1299 = arith.andi %get3A_1296, %and3A_1298 : vector<16xi32>
    %gather3A_1300 = tpu.vector_load_idx %arg13[%add3A_1294, %and3A_1299] : memref<512x128xf32, #tpu.memory_space<vmem>>[vector<16xi32>, vector<16xi32>], vector<16xf32>,
    %swap3A_1301 = arith.constant 816 : index
    %swap3A_1302 = tpu.vector_load %arg14[%swap3A_1301] {strides = array<i32>} : memref<1024xf32, #tpu.memory_space<vmem>>, vector<16xf32>,
    tpu.vector_store %arg14[%swap3A_1301], %gather3A_1300 {strides = array<i32>} : memref<1024xf32, #tpu.memory_space<vmem>>, vector<16xf32>,
    %add3A_1303 = arith.constant 320 : i32
    %add3A_1304 = vector.broadcast %add3A_1303 : i32 to vector<16xi32>
    %add3A_1305 = arith.addi %add3A_1304, %iota3A : vector<16xi32>
    %get3A_1306 = arith.constant 320 : index
    %get3A_1307 = tpu.vector_load %arg12[%get3A_1306] {strides = array<i32>} : memref<512xi32, #tpu.memory_space<vmem>>, vector<16xi32>,
    %and3A_1308 = arith.constant 127 : i32
    %and3A_1309 = vector.broadcast %and3A_1308 : i32 to vector<16xi32>
    %and3A_1310 = arith.andi %get3A_1307, %and3A_1309 : vector<16xi32>
    %gather3A_1311 = tpu.vector_load_idx %arg13[%add3A_1305, %and3A_1310] : memref<512x128xf32, #tpu.memory_space<vmem>>[vector<16xi32>, vector<16xi32>], vector<16xf32>,
    %swap3A_1312 = arith.constant 832 : index
    %swap3A_1313 = tpu.vector_load %arg14[%swap3A_1312] {strides = array<i32>} : memref<1024xf32, #tpu.memory_space<vmem>>, vector<16xf32>,
    tpu.vector_store %arg14[%swap3A_1312], %gather3A_1311 {strides = array<i32>} : memref<1024xf32, #tpu.memory_space<vmem>>, vector<16xf32>,
    %add3A_1314 = arith.constant 336 : i32
    %add3A_1315 = vector.broadcast %add3A_1314 : i32 to vector<16xi32>
    %add3A_1316 = arith.addi %add3A_1315, %iota3A : vector<16xi32>
    %get3A_1317 = arith.constant 336 : index
    %get3A_1318 = tpu.vector_load %arg12[%get3A_1317] {strides = array<i32>} : memref<512xi32, #tpu.memory_space<vmem>>, vector<16xi32>,
    %and3A_1319 = arith.constant 127 : i32
    %and3A_1320 = vector.broadcast %and3A_1319 : i32 to vector<16xi32>
    %and3A_1321 = arith.andi %get3A_1318, %and3A_1320 : vector<16xi32>
    %gather3A_1322 = tpu.vector_load_idx %arg13[%add3A_1316, %and3A_1321] : memref<512x128xf32, #tpu.memory_space<vmem>>[vector<16xi32>, vector<16xi32>], vector<16xf32>,
    %swap3A_1323 = arith.constant 848 : index
    %swap3A_1324 = tpu.vector_load %arg14[%swap3A_1323] {strides = array<i32>} : memref<1024xf32, #tpu.memory_space<vmem>>, vector<16xf32>,
    tpu.vector_store %arg14[%swap3A_1323], %gather3A_1322 {strides = array<i32>} : memref<1024xf32, #tpu.memory_space<vmem>>, vector<16xf32>,
    %add3A_1325 = arith.constant 352 : i32
    %add3A_1326 = vector.broadcast %add3A_1325 : i32 to vector<16xi32>
    %add3A_1327 = arith.addi %add3A_1326, %iota3A : vector<16xi32>
    %get3A_1328 = arith.constant 352 : index
    %get3A_1329 = tpu.vector_load %arg12[%get3A_1328] {strides = array<i32>} : memref<512xi32, #tpu.memory_space<vmem>>, vector<16xi32>,
    %and3A_1330 = arith.constant 127 : i32
    %and3A_1331 = vector.broadcast %and3A_1330 : i32 to vector<16xi32>
    %and3A_1332 = arith.andi %get3A_1329, %and3A_1331 : vector<16xi32>
    %gather3A_1333 = tpu.vector_load_idx %arg13[%add3A_1327, %and3A_1332] : memref<512x128xf32, #tpu.memory_space<vmem>>[vector<16xi32>, vector<16xi32>], vector<16xf32>,
    %swap3A_1334 = arith.constant 864 : index
    %swap3A_1335 = tpu.vector_load %arg14[%swap3A_1334] {strides = array<i32>} : memref<1024xf32, #tpu.memory_space<vmem>>, vector<16xf32>,
    tpu.vector_store %arg14[%swap3A_1334], %gather3A_1333 {strides = array<i32>} : memref<1024xf32, #tpu.memory_space<vmem>>, vector<16xf32>,
    %add3A_1336 = arith.constant 368 : i32
    %add3A_1337 = vector.broadcast %add3A_1336 : i32 to vector<16xi32>
    %add3A_1338 = arith.addi %add3A_1337, %iota3A : vector<16xi32>
    %get3A_1339 = arith.constant 368 : index
    %get3A_1340 = tpu.vector_load %arg12[%get3A_1339] {strides = array<i32>} : memref<512xi32, #tpu.memory_space<vmem>>, vector<16xi32>,
    %and3A_1341 = arith.constant 127 : i32
    %and3A_1342 = vector.broadcast %and3A_1341 : i32 to vector<16xi32>
    %and3A_1343 = arith.andi %get3A_1340, %and3A_1342 : vector<16xi32>
    %gather3A_1344 = tpu.vector_load_idx %arg13[%add3A_1338, %and3A_1343] : memref<512x128xf32, #tpu.memory_space<vmem>>[vector<16xi32>, vector<16xi32>], vector<16xf32>,
    %swap3A_1345 = arith.constant 880 : index
    %swap3A_1346 = tpu.vector_load %arg14[%swap3A_1345] {strides = array<i32>} : memref<1024xf32, #tpu.memory_space<vmem>>, vector<16xf32>,
    tpu.vector_store %arg14[%swap3A_1345], %gather3A_1344 {strides = array<i32>} : memref<1024xf32, #tpu.memory_space<vmem>>, vector<16xf32>,
    %add3A_1347 = arith.constant 384 : i32
    %add3A_1348 = vector.broadcast %add3A_1347 : i32 to vector<16xi32>
    %add3A_1349 = arith.addi %add3A_1348, %iota3A : vector<16xi32>
    %get3A_1350 = arith.constant 384 : index
    %get3A_1351 = tpu.vector_load %arg12[%get3A_1350] {strides = array<i32>} : memref<512xi32, #tpu.memory_space<vmem>>, vector<16xi32>,
    %and3A_1352 = arith.constant 127 : i32
    %and3A_1353 = vector.broadcast %and3A_1352 : i32 to vector<16xi32>
    %and3A_1354 = arith.andi %get3A_1351, %and3A_1353 : vector<16xi32>
    %gather3A_1355 = tpu.vector_load_idx %arg13[%add3A_1349, %and3A_1354] : memref<512x128xf32, #tpu.memory_space<vmem>>[vector<16xi32>, vector<16xi32>], vector<16xf32>,
    %swap3A_1356 = arith.constant 896 : index
    %swap3A_1357 = tpu.vector_load %arg14[%swap3A_1356] {strides = array<i32>} : memref<1024xf32, #tpu.memory_space<vmem>>, vector<16xf32>,
    tpu.vector_store %arg14[%swap3A_1356], %gather3A_1355 {strides = array<i32>} : memref<1024xf32, #tpu.memory_space<vmem>>, vector<16xf32>,
    %add3A_1358 = arith.constant 400 : i32
    %add3A_1359 = vector.broadcast %add3A_1358 : i32 to vector<16xi32>
    %add3A_1360 = arith.addi %add3A_1359, %iota3A : vector<16xi32>
    %get3A_1361 = arith.constant 400 : index
    %get3A_1362 = tpu.vector_load %arg12[%get3A_1361] {strides = array<i32>} : memref<512xi32, #tpu.memory_space<vmem>>, vector<16xi32>,
    %and3A_1363 = arith.constant 127 : i32
    %and3A_1364 = vector.broadcast %and3A_1363 : i32 to vector<16xi32>
    %and3A_1365 = arith.andi %get3A_1362, %and3A_1364 : vector<16xi32>
    %gather3A_1366 = tpu.vector_load_idx %arg13[%add3A_1360, %and3A_1365] : memref<512x128xf32, #tpu.memory_space<vmem>>[vector<16xi32>, vector<16xi32>], vector<16xf32>,
    %swap3A_1367 = arith.constant 912 : index
    %swap3A_1368 = tpu.vector_load %arg14[%swap3A_1367] {strides = array<i32>} : memref<1024xf32, #tpu.memory_space<vmem>>, vector<16xf32>,
    tpu.vector_store %arg14[%swap3A_1367], %gather3A_1366 {strides = array<i32>} : memref<1024xf32, #tpu.memory_space<vmem>>, vector<16xf32>,
    %add3A_1369 = arith.constant 416 : i32
    %add3A_1370 = vector.broadcast %add3A_1369 : i32 to vector<16xi32>
    %add3A_1371 = arith.addi %add3A_1370, %iota3A : vector<16xi32>
    %get3A_1372 = arith.constant 416 : index
    %get3A_1373 = tpu.vector_load %arg12[%get3A_1372] {strides = array<i32>} : memref<512xi32, #tpu.memory_space<vmem>>, vector<16xi32>,
    %and3A_1374 = arith.constant 127 : i32
    %and3A_1375 = vector.broadcast %and3A_1374 : i32 to vector<16xi32>
    %and3A_1376 = arith.andi %get3A_1373, %and3A_1375 : vector<16xi32>
    %gather3A_1377 = tpu.vector_load_idx %arg13[%add3A_1371, %and3A_1376] : memref<512x128xf32, #tpu.memory_space<vmem>>[vector<16xi32>, vector<16xi32>], vector<16xf32>,
    %swap3A_1378 = arith.constant 928 : index
    %swap3A_1379 = tpu.vector_load %arg14[%swap3A_1378] {strides = array<i32>} : memref<1024xf32, #tpu.memory_space<vmem>>, vector<16xf32>,
    tpu.vector_store %arg14[%swap3A_1378], %gather3A_1377 {strides = array<i32>} : memref<1024xf32, #tpu.memory_space<vmem>>, vector<16xf32>,
    %add3A_1380 = arith.constant 432 : i32
    %add3A_1381 = vector.broadcast %add3A_1380 : i32 to vector<16xi32>
    %add3A_1382 = arith.addi %add3A_1381, %iota3A : vector<16xi32>
    %get3A_1383 = arith.constant 432 : index
    %get3A_1384 = tpu.vector_load %arg12[%get3A_1383] {strides = array<i32>} : memref<512xi32, #tpu.memory_space<vmem>>, vector<16xi32>,
    %and3A_1385 = arith.constant 127 : i32
    %and3A_1386 = vector.broadcast %and3A_1385 : i32 to vector<16xi32>
    %and3A_1387 = arith.andi %get3A_1384, %and3A_1386 : vector<16xi32>
    %gather3A_1388 = tpu.vector_load_idx %arg13[%add3A_1382, %and3A_1387] : memref<512x128xf32, #tpu.memory_space<vmem>>[vector<16xi32>, vector<16xi32>], vector<16xf32>,
    %swap3A_1389 = arith.constant 944 : index
    %swap3A_1390 = tpu.vector_load %arg14[%swap3A_1389] {strides = array<i32>} : memref<1024xf32, #tpu.memory_space<vmem>>, vector<16xf32>,
    tpu.vector_store %arg14[%swap3A_1389], %gather3A_1388 {strides = array<i32>} : memref<1024xf32, #tpu.memory_space<vmem>>, vector<16xf32>,
    %add3A_1391 = arith.constant 448 : i32
    %add3A_1392 = vector.broadcast %add3A_1391 : i32 to vector<16xi32>
    %add3A_1393 = arith.addi %add3A_1392, %iota3A : vector<16xi32>
    %get3A_1394 = arith.constant 448 : index
    %get3A_1395 = tpu.vector_load %arg12[%get3A_1394] {strides = array<i32>} : memref<512xi32, #tpu.memory_space<vmem>>, vector<16xi32>,
    %and3A_1396 = arith.constant 127 : i32
    %and3A_1397 = vector.broadcast %and3A_1396 : i32 to vector<16xi32>
    %and3A_1398 = arith.andi %get3A_1395, %and3A_1397 : vector<16xi32>
    %gather3A_1399 = tpu.vector_load_idx %arg13[%add3A_1393, %and3A_1398] : memref<512x128xf32, #tpu.memory_space<vmem>>[vector<16xi32>, vector<16xi32>], vector<16xf32>,
    %swap3A_1400 = arith.constant 960 : index
    %swap3A_1401 = tpu.vector_load %arg14[%swap3A_1400] {strides = array<i32>} : memref<1024xf32, #tpu.memory_space<vmem>>, vector<16xf32>,
    tpu.vector_store %arg14[%swap3A_1400], %gather3A_1399 {strides = array<i32>} : memref<1024xf32, #tpu.memory_space<vmem>>, vector<16xf32>,
    %add3A_1402 = arith.constant 464 : i32
    %add3A_1403 = vector.broadcast %add3A_1402 : i32 to vector<16xi32>
    %add3A_1404 = arith.addi %add3A_1403, %iota3A : vector<16xi32>
    %get3A_1405 = arith.constant 464 : index
    %get3A_1406 = tpu.vector_load %arg12[%get3A_1405] {strides = array<i32>} : memref<512xi32, #tpu.memory_space<vmem>>, vector<16xi32>,
    %and3A_1407 = arith.constant 127 : i32
    %and3A_1408 = vector.broadcast %and3A_1407 : i32 to vector<16xi32>
    %and3A_1409 = arith.andi %get3A_1406, %and3A_1408 : vector<16xi32>
    %gather3A_1410 = tpu.vector_load_idx %arg13[%add3A_1404, %and3A_1409] : memref<512x128xf32, #tpu.memory_space<vmem>>[vector<16xi32>, vector<16xi32>], vector<16xf32>,
    %swap3A_1411 = arith.constant 976 : index
    %swap3A_1412 = tpu.vector_load %arg14[%swap3A_1411] {strides = array<i32>} : memref<1024xf32, #tpu.memory_space<vmem>>, vector<16xf32>,
    tpu.vector_store %arg14[%swap3A_1411], %gather3A_1410 {strides = array<i32>} : memref<1024xf32, #tpu.memory_space<vmem>>, vector<16xf32>,
    %add3A_1413 = arith.constant 480 : i32
    %add3A_1414 = vector.broadcast %add3A_1413 : i32 to vector<16xi32>
    %add3A_1415 = arith.addi %add3A_1414, %iota3A : vector<16xi32>
    %get3A_1416 = arith.constant 480 : index
    %get3A_1417 = tpu.vector_load %arg12[%get3A_1416] {strides = array<i32>} : memref<512xi32, #tpu.memory_space<vmem>>, vector<16xi32>,
    %and3A_1418 = arith.constant 127 : i32
    %and3A_1419 = vector.broadcast %and3A_1418 : i32 to vector<16xi32>
    %and3A_1420 = arith.andi %get3A_1417, %and3A_1419 : vector<16xi32>
    %gather3A_1421 = tpu.vector_load_idx %arg13[%add3A_1415, %and3A_1420] : memref<512x128xf32, #tpu.memory_space<vmem>>[vector<16xi32>, vector<16xi32>], vector<16xf32>,
    %swap3A_1422 = arith.constant 992 : index
    %swap3A_1423 = tpu.vector_load %arg14[%swap3A_1422] {strides = array<i32>} : memref<1024xf32, #tpu.memory_space<vmem>>, vector<16xf32>,
    tpu.vector_store %arg14[%swap3A_1422], %gather3A_1421 {strides = array<i32>} : memref<1024xf32, #tpu.memory_space<vmem>>, vector<16xf32>,
    %add3A_1424 = arith.constant 496 : i32
    %add3A_1425 = vector.broadcast %add3A_1424 : i32 to vector<16xi32>
    %add3A_1426 = arith.addi %add3A_1425, %iota3A : vector<16xi32>
    %get3A_1427 = arith.constant 496 : index
    %get3A_1428 = tpu.vector_load %arg12[%get3A_1427] {strides = array<i32>} : memref<512xi32, #tpu.memory_space<vmem>>, vector<16xi32>,
    %and3A_1429 = arith.constant 127 : i32
    %and3A_1430 = vector.broadcast %and3A_1429 : i32 to vector<16xi32>
    %and3A_1431 = arith.andi %get3A_1428, %and3A_1430 : vector<16xi32>
    %gather3A_1432 = tpu.vector_load_idx %arg13[%add3A_1426, %and3A_1431] : memref<512x128xf32, #tpu.memory_space<vmem>>[vector<16xi32>, vector<16xi32>], vector<16xf32>,
    %swap3A_1433 = arith.constant 1008 : index
    %swap3A_1434 = tpu.vector_load %arg14[%swap3A_1433] {strides = array<i32>} : memref<1024xf32, #tpu.memory_space<vmem>>, vector<16xf32>,
    tpu.vector_store %arg14[%swap3A_1433], %gather3A_1432 {strides = array<i32>} : memref<1024xf32, #tpu.memory_space<vmem>>, vector<16xf32>,
    %mul3A_1435 = arith.constant 2 : i32
    %mul3A_1436 = arith.muli %add3A, %mul3A_1435 : i32
    %mul3A_1437 = arith.constant 512 : i32
    %mul3A_1438 = arith.muli %mul3A_1436, %mul3A_1437 : i32
    "tpu.region"() ({
      %run_scoped3A = tpu.sem_alloc : memref<!tpu.dma_semaphore, #tpu.memory_space<semaphore_mem>>
      %dma_start3A = tpu.memref_slice %arg6[%mul3A_1438] : memref<32768xf32, #tpu.memory_space<hbm>> -> memref<1024xf32, #tpu.memory_space<hbm>>
      %dma_start3A_1439 = tpu.memref_slice %arg6[%mul3A_1438] : memref<32768xf32, #tpu.memory_space<hbm>> -> memref<1024xf32, #tpu.memory_space<hbm>>
      tpu.enqueue_dma source(%arg14 : memref<1024xf32, #tpu.memory_space<vmem>>) target(%dma_start3A_1439 : memref<1024xf32, #tpu.memory_space<hbm>>) target_semaphore(%run_scoped3A : memref<!tpu.dma_semaphore, #tpu.memory_space<semaphore_mem>>)
      %dma_wait3A_1440 = tpu.memref_slice %arg6[%mul3A_1438] : memref<32768xf32, #tpu.memory_space<hbm>> -> memref<1024xf32, #tpu.memory_space<hbm>>
      %dma_wait3A_1441 = tpu.memref_slice %arg6[%mul3A_1438] : memref<32768xf32, #tpu.memory_space<hbm>> -> memref<1024xf32, #tpu.memory_space<hbm>>
      tpu.wait_dma2 semaphore(%run_scoped3A : memref<!tpu.dma_semaphore, #tpu.memory_space<semaphore_mem>>) src(%arg14 : memref<1024xf32, #tpu.memory_space<vmem>>) dst(%dma_wait3A_1441 : memref<1024xf32, #tpu.memory_space<hbm>>)
      tpu.yield
    }) : () -> ()
    return
  }
}

</mosaic_0001>

<sc_bundles>
// kernel: kernel.4.cloned.1.call-start
scs
__scs_entry_jumppad:
0x0: {  	(pc) =	sbr.rel $0x88, $3  }
0x1: {  	(tag) =	ssettag $0x0;
	lr =	simm.s32 $0x1  }
0x2: {  	[smem:$0x3F9B] =	sst lr;
	_ =	strace $0xD0000000  }
0x3: {  	_ = 	snop  }
0x4: {  	_ = 	snop  }
0x5: {  	_ = 	snop  }
0x6: {  	_ = 	snop  }
0x7: {  	_ = 	snop  }
__scs_overlays_trampoline_lowered:
0x8: {  	[smem:$0x3FAA] =	sst s0  }
0x9: {  	[smem:$0x3FAB] =	sst s1  }
0xa: {  	[smem:$0x3FAC] =	sst s2  }
0xb: {  	[smem:$0x3FAD] =	sst s3  }
0xc: {  	[smem:$0x3FAE] =	sst s4  }
0xd: {  	[smem:$0x3FAF] =	sst s5  }
0xe: {  	[smem:$0x3FB0] =	sst s6  }
0xf: {  	[smem:$0x3FB1] =	sst s7  }
0x10: {  	[smem:$0x3FB2] =	sst s8  }
0x11: {  	[smem:$0x3FB3] =	sst s9;
	s0 =	simm.s32 @!p0 $0x0  }
0x12: {  	s1 =	sld [smem:$0x3F99];
	s0 =	simm.s32 @p0 $0x1  }
0x13: {  	[smem:$0x3FB4] =	sst s0;
	s0 =	simm.s32 @!p1 $0x0  }
0x14: {  	s2 =	sld [smem:$0x3F98];
	s0 =	simm.s32 @p1 $0x1  }
0x15: {  	[smem:$0x3FB5] =	sst s0;
	s0 =	simm.s32 @!p2 $0x0  }
0x16: {  	s3 =	sld [smem:$0x3FDB];
	s0 =	simm.s32 @p2 $0x1  }
0x17: {  	s4 =	simm.s32 $0x1BF5;
	[smem:$0x3FB7] =	sst s0  }
0x18: {  	s0 =	sld [smem:$0x3F9A];
	_ =	swait.ge [sflag:s4], $0x0  }
0x19: {  	s7 =	sld [smem:$0x3F9B]  }
0x1a: {  	s8 =	sadd.s32 $0xFFFFE003, lr  }
0x1b: {  	s9 =	sadd.s32 $0xFFFFFEF7, lr;
	s5 =	simm.s32 $0xFFFFFFFF;
	p2 =	slt.u32 s8, $0xFFFFF086  }
0x1c: {  	p1 =	slt.u32 s9, $0xF7A;
	s5 =	simm.s32 @!p2 $0x0  }
0x1d: {  	s5 =	simm.s32 @p1 $0x1;
	p0 =	seq.s32 s7, s2  }
0x1e: {  	s7 =	smul.u32 @!p0 $0xF7A, s2;
	p2 =	seq.s32 @!p0 s5, $0x0  }
0x1f: {  	s9 =	smul.u32 $0xF7A, s1;
	s8 =	simm.s32 @!p0 $0x1BF5;
	p2 =	por !p2, p0  }
0x20: {  	[sflag:s8] =	ssyncset.s32 @!p0 $0xFFFFF086;
	s6 =	sadd.s32 @!p0 s3, s7;
	s7 =	simm.s32 @!p0 $0x108  }
0x21: {  	s3 =	sadd.s32 s3, s9;
	s6 =	sadd.s32 @!p0 $0x88, s6;
	s7 =	simm.s32 @p2 $0x1082  }
0x22: {  	[simem:s7], [sflag:s8] =	dma.local @!p0 [hbm:s6], $0xF7A  }
0x23: {  	s9 =	sor.u32 $0xD0000000, s2;
	s6 =	simm.s32 $0x108;
	_ =	swait.ge @!p0 [sflag:s8], $0x0  }
0x24: {  	s3 =	sadd.s32 $0x88, s3;
	s6 =	simm.s32 @!p1 $0x1082;
	[sflag:s4] =	ssyncset.s32 $0xFFFFF086  }
0x25: {  	[simem:s6], [sflag:s4] =	dma.local [hbm:s3], $0xF7A  }
0x26: {  	[smem:$0x3F9B] =	sst s1;
	(tag) =	ssettag s2;
	_ =	strace s9  }
0x27: {  	s1 =	sld [smem:$0x3FAB]  }
0x28: {  	s2 =	sld [smem:$0x3FAC]  }
0x29: {  	s4 =	sld [smem:$0x3FAE]  }
0x2a: {  	p0 =	seq.s32 s5, $0x0;
	s5 =	sld [smem:$0x3FAF]  }
0x2b: {  	s6 =	sld [smem:$0x3FB0]  }
0x2c: {  	s7 =	sld [smem:$0x3FB1]  }
0x2d: {  	s3 =	simm.s32 $0x108;
	s8 =	sld [smem:$0x3FB2]  }
0x2e: {  	s3 =	simm.s32 @!p0 $0x1082;
	s9 =	sld [smem:$0x3FB3]  }
0x2f: {  	lr =	sadd.s32 s0, s3;
	s0 =	sld [smem:$0x3FAA]  }
0x30: {  	s3 =	sld [smem:$0x3FAD]  }
0x31: {  	[smem:$0x3FB6] =	sst s10  }
0x32: {  	s10 =	sld [smem:$0x3FB4];
	_ =	sdelay $0x3  }
0x33: {  	p0 =	seq.s32 s10, $0x1;
	s10 =	sld [smem:$0x3FB6];
	_ =	sdelay $0x3  }
0x34: {  	[smem:$0x3FB6] =	sst s10  }
0x35: {  	s10 =	sld [smem:$0x3FB5];
	_ =	sdelay $0x3  }
0x36: {  	p1 =	seq.s32 s10, $0x1;
	s10 =	sld [smem:$0x3FB6];
	_ =	sdelay $0x3  }
0x37: {  	[smem:$0x3FB6] =	sst s10  }
0x38: {  	s10 =	sld [smem:$0x3FB7]  }
0x39: {  	_ = 	snop;
	(pc) =	sbr.ind lr, $3  }
0x3a: {  	_ = 	snop  }
0x3b: {  	_ = 	snop  }
0x3c: {  	p2 =	seq.s32 s10, $0x1;
	s10 =	sld [smem:$0x3FB6]  }
0x3d: {  	_ =	shalt  }
0x3e: {  	_ =	shalt  }
0x3f: {  	_ =	shalt  }
0x40: {  	_ =	shalt  }
0x41: {  	_ =	shalt  }
0x42: {  	_ =	shalt  }
0x43: {  	_ =	shalt  }
0x44: {  	_ =	shalt  }
0x45: {  	_ =	shalt  }
0x46: {  	_ =	shalt  }
0x47: {  	_ =	shalt  }
0x48: {  	_ =	shalt  }
0x49: {  	_ =	shalt  }
0x4a: {  	_ =	shalt  }
0x4b: {  	_ =	shalt  }
0x4c: {  	_ =	shalt  }
0x4d: {  	_ =	shalt  }
0x4e: {  	_ =	shalt  }
0x4f: {  	_ =	shalt  }
0x50: {  	_ =	shalt  }
0x51: {  	_ =	shalt  }
0x52: {  	_ =	shalt  }
0x53: {  	_ =	shalt  }
0x54: {  	_ =	shalt  }
0x55: {  	_ =	shalt  }
0x56: {  	_ =	shalt  }
0x57: {  	_ =	shalt  }
0x58: {  	_ =	shalt  }
0x59: {  	_ =	shalt  }
0x5a: {  	_ =	shalt  }
0x5b: {  	_ =	shalt  }
0x5c: {  	_ =	shalt  }
0x5d: {  	_ =	shalt  }
0x5e: {  	_ =	shalt  }
0x5f: {  	_ =	shalt  }
0x60: {  	_ =	shalt  }
0x61: {  	_ =	shalt  }
0x62: {  	_ =	shalt  }
0x63: {  	_ =	shalt  }
0x64: {  	_ =	shalt  }
0x65: {  	_ =	shalt  }
0x66: {  	_ =	shalt  }
0x67: {  	_ =	shalt  }
0x68: {  	_ =	shalt  }
0x69: {  	_ =	shalt  }
0x6a: {  	_ =	shalt  }
0x6b: {  	_ =	shalt  }
0x6c: {  	_ =	shalt  }
0x6d: {  	_ =	shalt  }
0x6e: {  	_ =	shalt  }
0x6f: {  	_ =	shalt  }
0x70: {  	_ =	shalt  }
0x71: {  	_ =	shalt  }
0x72: {  	_ =	shalt  }
0x73: {  	_ =	shalt  }
0x74: {  	_ =	shalt  }
0x75: {  	_ =	shalt  }
0x76: {  	_ =	shalt  }
0x77: {  	_ =	shalt  }
0x78: {  	_ =	shalt  }
0x79: {  	_ =	shalt  }
0x7a: {  	_ =	shalt  }
0x7b: {  	_ =	shalt  }
0x7c: {  	_ =	shalt  }
0x7d: {  	_ =	shalt  }
0x7e: {  	_ =	shalt  }
0x7f: {  	_ =	shalt  }
0x80: {  	_ =	shalt  }
0x81: {  	_ =	shalt  }
0x82: {  	_ =	shalt  }
0x83: {  	_ =	shalt  }
0x84: {  	_ =	shalt  }
0x85: {  	_ =	shalt  }
0x86: {  	_ =	shalt  }
0x87: {  	_ =	shalt  }
.Lfunc_end0:
.L_simem_size_0:
called_computation_lowered:
.L_overlay_start_0:
0x88: {  	s2 =	sld [smem:$0x3FD9]  }
0x89: {  	s3 =	sld [smem:$0x3FFE];
	_ =	sdelay $0x1  }
0x8a: {  	s1 =	srdreg.scid  }
0x8b: {  	s0 =	sand.u32 $0x1, s1  }
0x8c: {  	s17 =	sshll.u32 s0, $0xA;
	s2 =	sadd.s32 s3, s2  }
0x8d: {  	s2 =	sadd.s32 s2, s17  }
0x8e: {  	[smem:$0x3FC2] =	sst s2  }
0x8f: {  	_ = 	snop  }
0x90: {  	s2 =	sld [smem:$0x3FC9]  }
0x91: {  	s18 =	sld [smem:$0x3FC8]  }
0x92: {  	s4 =	sld [smem:$0x3FC7]  }
0x93: {  	s5 =	sld [smem:$0x3FC4];
	(tm) =	ssettm $0x1  }
0x94: {  	s6 =	sld [smem:$0x3FFB];
	_ =	sdelay $0x3  }
0x95: {  	_ =	strace s6  }
0x96: {  	s6 =	sld [smem:$0x3FFC];
	_ =	sdelay $0x3  }
0x97: {  	_ =	strace s6  }
0x98: {  	s6 =	sld [smem:$0x3FFD];
	_ =	sdelay $0x3  }
0x99: {  	_ =	strace s6  }
0x9a: {  	_ =	strace $0x8FFFFFFF  }
0x9b: {  	s19 =	sld [smem:$0x3FDB];
	_ =	sdelay $0x1  }
0x9c: {  	s7 =	simm.s32 $_scs_section_size  }
0x9d: {  	s8 =	simm.s32 $_size__tile_overlayer_lowered;
	s9 =	simm.s32 $_tile_overlayer_lowered  }
0x9e: {  	s22 =	simm.s32 $0x1BFF;
	s21 =	sshll.u32 s9, $0x1;
	s6 =	sadd.s32 s7, s19  }
0x9f: {  	s10 =	simm.s32 $0x0;
	s20 =	sshll.u32 s8, $0x1;
	s8 =	sadd.s32 s21, s6  }
0xa0: {  	[timem:s10], [sflag:s22] =	dma.local [hbm:s8], s20  }
0xa1: {  	_ =	swait.ge [sflag:s22], s20  }
0xa2: {  	s7 =	ssub.s32 $0x0, s20;
	[sflag:s22] =	ssyncset.done $0x0  }
0xa3: {  	[sflag:s22] =	ssyncadd.s32 s7;
	_ =	sdelay $0x1  }
0xa4: {  	s23 =	simm.s32 $0x1B8B  }
0xa5: {  	_ =	swait.ge [sflag:s23], $0x1  }
0xa6: {  	[sflag:s23] =	ssyncset.done $0x0  }
0xa7: {  	s25 =	simm.s32 $0x1B8E;
	s24 =	sld [smem:$0x3FFE];
	[sflag:s23] =	ssyncadd.s32 $0xFFFFFFFF  }
0xa8: {  	s26 =	simm.s32 $execute0_lowered;
	[smem:$0x3FD2] =	sst s25  }
0xa9: {  	s8 =	sshll.u32 s26, $0x1;
	_ =	strace $0x80000046;
	[dreg:$0x1] =	wrdreg $0xFFFFFFFF  }
0xaa: {  	s28 =	simm.s32 $_size_execute0_lowered;
	s6 =	sadd.s32 s6, s8;
	[dreg:$0x0] =	wrdreg $0x0  }
0xab: {  	s8 =	sshll.u32 s28, $0x1;
	[dreg:$0x2] =	wrdreg s6  }
0xac: {  	[dreg:$0x3] =	wrdreg s8  }
0xad: {  	[dreg:$0x4] =	wrdreg $0xC0  }
0xae: {  	_ =	task [dreg:s10], $0x5FFFF  }
0xaf: {  	[dreg:$0x1] =	wrdreg $0xFFFFFFFF  }
0xb0: {  	[dreg:$0x0] =	wrdreg $0x60  }
0xb1: {  	[dreg:$0x2] =	wrdreg s2  }
0xb2: {  	[dreg:$0x3] =	wrdreg s18  }
0xb3: {  	[dreg:$0x4] =	wrdreg s4  }
0xb4: {  	[dreg:$0x5] =	wrdreg s5  }
0xb5: {  	[dreg:$0x6] =	wrdreg s24  }
0xb6: {  	[dreg:$0x7] =	wrdreg $0x9  }
0xb7: {  	_ =	task.clear_ibuf [dreg:s10], $0x8FFFF;
	_ =	strace $0x90000046  }
0xb8: {  	s29 =	simm.s32 $0x9;
	_ =	strace $0x80000048  }
0xb9: {  	_ =	swait.ge [sflag:s29], $0x1  }
0xba: {  	[sflag:s29] =	ssyncadd.s32 $0xFFFFFFFF  }
0xbb: {  	_ =	strace $0x90000048  }
0xbc: {  	_ =	sfence  }
0xbd: {  	s30 =	sld [smem:$0x0];
	_ =	sdelay $0x2  }
0xbe: {  	s31 =	sshll.u32 s1, $0xD;
	s1 =	sshrl.u32 s1, $0x2  }
0xbf: {  	s3 =	sand.u32 $0x4000, s31;
	s1 =	sadd.s32 s1, s30  }
0xc0: {  	s0 =	sor.u32 s3, s0;
	s1 =	sshll.u32 s1, $0x11  }
0xc1: {  	s0 =	sor.u32 s1, s0  }
0xc2: {  	s0 =	sadd.s32 $0x8F2B, s0  }
0xc3: {  	[sflag:s0] =	ssyncadd.remote.s32 $0x1  }
0xc4: {  	_ =	sfence.sel $0xFFFF  }
0xc5: {  	[dreg:$0x0] =	wrdreg $0xFFFFFFFF;
	(pc) =	sbr.abs _section_cstart, $3  }
0xc6: {  	[dreg:$0x1] =	wrdreg $0xFFFFFFFF  }
0xc7: {  	_ =	task.clear_ibuf [dreg:s10], $0x2FFFF;
	_ =	strace $0x9FFFFFFF  }
0xc8: {  	(tm) =	ssettm $0x7FFFFFFF  }
0xc9: {  	_ =	shalt  }
tec
execute0_lowered:
.L_overlay_start_1:
0x0: {  	(tag) =	ssettag $0x1  }
0x1: {  	v1 =	vlaneseq.u32  }
0x2: {  	v0 =	vmul.u32 $0x8, v1  }
0x3: {  	vm0 =	vmmov $0x1  }
0x4: {  	v33 =	vimm.s32 $0x0;
	v31 =	vmul.u32 $0x80, v1;
	v2 =	vor.u32 $0x80, v0  }
0x5: {  	v5 =	vor.u32 $0x280, v0;
	v6 =	vor.u32 $0x300, v0;
	v7 =	vor.u32 $0x380, v0  }
0x6: {  	v8 =	vor.u32 $0x400, v0;
	v9 =	vor.u32 $0x480, v0;
	v10 =	vor.u32 $0x500, v0  }
0x7: {  	v11 =	vor.u32 $0x580, v0;
	v12 =	vor.u32 $0x600, v0;
	v13 =	vor.u32 $0x680, v0  }
0x8: {  	v14 =	vor.u32 $0x700, v0;
	v15 =	vor.u32 $0x780, v0;
	v16 =	vor.u32 $0x800, v0  }
0x9: {  	v17 =	vor.u32 $0x880, v0;
	v18 =	vor.u32 $0x900, v0;
	v19 =	vor.u32 $0x980, v0  }
0xa: {  	s4 =	rddreg [dreg:$0x0];
	v20 =	vor.u32 $0xA00, v0;
	v21 =	vor.u32 $0xA80, v0;
	v22 =	vor.u32 $0xB00, v0  }
0xb: {  	s5 =	rddreg [dreg:$0x1];
	v23 =	vor.u32 $0xB80, v0;
	v24 =	vor.u32 $0xC00, v0;
	v25 =	vor.u32 $0xC80, v0  }
0xc: {  	s6 =	rddreg [dreg:$0x2];
	v26 =	vor.u32 $0xD00, v0;
	v27 =	vor.u32 $0xD80, v0;
	v28 =	vor.u32 $0xE00, v0  }
0xd: {  	s0 =	rddreg [dreg:$0x3];
	v29 =	vor.u32 $0xE80, v0;
	v30 =	vor.u32 $0xF00, v0;
	v32 =	vor.u32 $0xF80, v0  }
0xe: {  	s3 =	rddreg [dreg:$0x4];
	v34 =	vor.u32 $0x800, v31;
	v35 =	vor.u32 $0x1000, v31;
	v36 =	vor.u32 $0x1800, v31  }
0xf: {  	s7 =	srdreg.scid;
	s1 =	rddreg [dreg:$0x5];
	s2 =	simm.s32 $0x0;
	v37 =	vor.u32 $0x2000, v31;
	v38 =	vor.u32 $0x2800, v31;
	v39 =	vor.u32 $0x3000, v31  }
0x10: {  	s12 =	simm.s32 $0x600;
	s13 =	simm.s32 $0x1;
	s14 =	simm.s32 $0x1A00;
	v40 =	vor.u32 $0x3800, v31;
	v41 =	vor.u32 $0x4000, v31;
	v42 =	vor.u32 $0x4800, v31  }
0x11: {  	s15 =	simm.s32 $0x11A00;
	s16 =	simm.s32 $0x0;
	s7 =	sand.u32 $0x1, s7;
	v43 =	vor.u32 $0x5000, v31;
	v44 =	vor.u32 $0x5800, v31;
	v45 =	vor.u32 $0x6000, v31  }
0x12: {  	[smem:$0x7FF] =	sst s2;
	s8 =	sshll.u32 s7, $0x7;
	s9 =	ssub.s32 $0x2, s7;
	v46 =	vor.u32 $0x6800, v31;
	v47 =	vor.u32 $0x7000, v31;
	v48 =	vor.u32 $0x7800, v31  }
0x13: {  	s7 =	sshll.u32 s7, $0x6;
	s8 =	sadd.s32 s8, s3;
	s3 =	stileid.u32;
	v49 =	vor.u32 $0x8000, v31;
	v50 =	vor.u32 $0x8800, v31;
	v51 =	vor.u32 $0x9000, v31  }
0x14: {  	s11 =	sshrl.u32 s9, $0x1;
	v52 =	vor.u32 $0x9800, v31;
	v53 =	vor.u32 $0xA000, v31;
	[tilespmem:$0x1FFC0] =	vst v2;
	v2 =	vor.u32 $0x100, v0;
	s10 =	sshll.u32 s3, $0x7;
	s31 =	sshll.u32 s3, $0x8  }
0x15: {  	v54 =	vor.u32 $0xA800, v31;
	v55 =	vor.u32 $0xB000, v31;
	s9 =	ssub.s32 s9, s11;
	s11 =	simm.s32 $0x400;
	[tilespmem:$0x1FFD0] =	vst v2;
	v2 =	vor.u32 $0x180, v0;
	s7 =	sor.u32 s7, s10  }
0x16: {  	v56 =	vor.u32 $0xB800, v31;
	v57 =	vor.u32 $0xC000, v31;
	s8 =	sadd.s32 s31, s8;
	s10 =	simm.s32 $0x200;
	[tilespmem:$0x1FFE0] =	vst v2;
	v2 =	vor.u32 $0x200, v0;
	s4 =	sadd.s32 s4, s7  }
0x17: {  	v58 =	vor.u32 $0xC800, v31;
	v59 =	vor.u32 $0xD000, v31;
	v60 =	vor.u32 $0xD800, v31;
	s5 =	sadd.s32 s5, s7;
	s6 =	sadd.s32 s6, s7;
	s7 =	sadd.s32 $0x800, s8;
	[tilespmem:$0x1FFF0] =	vst v2  }
0x18: {  	v61 =	vor.u32 $0xE000, v31;
	v62 =	vor.u32 $0xE800, v31;
	v63 =	vor.u32 $0xF000, v31;
	s8 =	smax.u32 s9, $0x1;
	s9 =	simm.s32 $0x2;
	_ =	strace $0x80000047  }
.LBB2_1:
0x19: {  	[tilespmem:s2], [sflag:$0x2] =	stream.linear.gather [hbm4b:s4+s2], $0x200, $0x38;
	[tilespmem:$0x11E00] =	vst v63  }
0x1a: {  	_ =	swait.ge [sflag:s9], $0x200  }
0x1b: {  	[sflag:s9] =	ssyncset.done $0x0  }
0x1c: {  	[sflag:s9] =	ssyncadd.s32 $0xFFFFFE00  }
0x1d: {  	[tilespmem:s10], [sflag:$0x2] =	stream.linear.gather [hbm4b:s5+s2], $0x200, $0x38;
	[tilespmem:$0x11E00] =	vst v63  }
0x1e: {  	_ =	swait.ge [sflag:s9], $0x200  }
0x1f: {  	[sflag:s9] =	ssyncset.done $0x0  }
0x20: {  	[sflag:s9] =	ssyncadd.s32 $0xFFFFFE00  }
0x21: {  	[tilespmem:s11], [sflag:$0x2] =	stream.linear.gather [hbm4b:s6+s2], $0x200, $0x38;
	[tilespmem:$0x11E00] =	vst v63  }
0x22: {  	_ =	swait.ge [sflag:s9], $0x200  }
0x23: {  	[sflag:s9] =	ssyncset.done $0x0  }
0x24: {  	[sflag:s9] =	ssyncadd.s32 $0xFFFFFE00  }
0x25: {  	v1 =	vld [tilespmem:$0x0];
	_ =	sdelay $0x4  }
0x26: {  	[tilespmem:v0+s12+$0x0] =	vst.idx.msk $0xffff, v1  }
0x27: {  	v1 =	vld [tilespmem:$0x200];
	_ =	sdelay $0x4  }
0x28: {  	[tilespmem:$0x1600] =	vst v1;
	v1 =	vld [tilespmem:$0x1FFC0];
	_ =	sdelay $0x1  }
0x29: {  	v2 =	vld [tilespmem:$0x400]  }
0x2a: {  	v3 =	vld [tilespmem:$0x10];
	_ =	sdelay $0x3  }
0x2b: {  	[tilespmem:$0x1800] =	vst v2  }
0x2c: {  	[tilespmem:v1+s12+$0x0] =	vst.idx.msk $0xffff, v3  }
0x2d: {  	v1 =	vld [tilespmem:$0x210];
	_ =	sdelay $0x4  }
0x2e: {  	[tilespmem:$0x1610] =	vst v1;
	v1 =	vld [tilespmem:$0x1FFD0];
	_ =	sdelay $0x1  }
0x2f: {  	v2 =	vld [tilespmem:$0x410]  }
0x30: {  	v3 =	vld [tilespmem:$0x20];
	_ =	sdelay $0x3  }
0x31: {  	[tilespmem:$0x1810] =	vst v2  }
0x32: {  	[tilespmem:v1+s12+$0x0] =	vst.idx.msk $0xffff, v3  }
0x33: {  	v1 =	vld [tilespmem:$0x220];
	_ =	sdelay $0x4  }
0x34: {  	[tilespmem:$0x1620] =	vst v1;
	v1 =	vld [tilespmem:$0x1FFE0];
	_ =	sdelay $0x1  }
0x35: {  	v2 =	vld [tilespmem:$0x420]  }
0x36: {  	v3 =	vld [tilespmem:$0x30];
	_ =	sdelay $0x3  }
0x37: {  	[tilespmem:$0x1820] =	vst v2  }
0x38: {  	[tilespmem:v1+s12+$0x0] =	vst.idx.msk $0xffff, v3  }
0x39: {  	v1 =	vld [tilespmem:$0x230];
	_ =	sdelay $0x4  }
0x3a: {  	[tilespmem:$0x1630] =	vst v1;
	v1 =	vld [tilespmem:$0x1FFF0];
	_ =	sdelay $0x1  }
0x3b: {  	v2 =	vld [tilespmem:$0x430]  }
0x3c: {  	v3 =	vld [tilespmem:$0x40];
	_ =	sdelay $0x3  }
0x3d: {  	[tilespmem:$0x1830] =	vst v2  }
0x3e: {  	[tilespmem:v1+s12+$0x0] =	vst.idx.msk $0xffff, v3  }
0x3f: {  	v1 =	vld [tilespmem:$0x240]  }
0x40: {  	v2 =	vld [tilespmem:$0x440]  }
0x41: {  	v3 =	vld [tilespmem:$0x50];
	_ =	sdelay $0x2  }
0x42: {  	[tilespmem:$0x1640] =	vst v1  }
0x43: {  	[tilespmem:$0x1840] =	vst v2  }
0x44: {  	[tilespmem:v5+s12+$0x0] =	vst.idx.msk $0xffff, v3  }
0x45: {  	v1 =	vld [tilespmem:$0x250]  }
0x46: {  	v2 =	vld [tilespmem:$0x450]  }
0x47: {  	v3 =	vld [tilespmem:$0x60];
	_ =	sdelay $0x2  }
0x48: {  	[tilespmem:$0x1650] =	vst v1  }
0x49: {  	[tilespmem:$0x1850] =	vst v2  }
0x4a: {  	[tilespmem:v6+s12+$0x0] =	vst.idx.msk $0xffff, v3  }
0x4b: {  	v1 =	vld [tilespmem:$0x260]  }
0x4c: {  	v2 =	vld [tilespmem:$0x460]  }
0x4d: {  	v3 =	vld [tilespmem:$0x70];
	_ =	sdelay $0x2  }
0x4e: {  	[tilespmem:$0x1660] =	vst v1  }
0x4f: {  	[tilespmem:$0x1860] =	vst v2  }
0x50: {  	[tilespmem:v7+s12+$0x0] =	vst.idx.msk $0xffff, v3  }
0x51: {  	v1 =	vld [tilespmem:$0x270]  }
0x52: {  	v2 =	vld [tilespmem:$0x470]  }
0x53: {  	v3 =	vld [tilespmem:$0x80];
	_ =	sdelay $0x2  }
0x54: {  	[tilespmem:$0x1670] =	vst v1  }
0x55: {  	[tilespmem:$0x1870] =	vst v2  }
0x56: {  	[tilespmem:v8+s12+$0x0] =	vst.idx.msk $0xffff, v3  }
0x57: {  	v1 =	vld [tilespmem:$0x280]  }
0x58: {  	v2 =	vld [tilespmem:$0x480]  }
0x59: {  	v3 =	vld [tilespmem:$0x90];
	_ =	sdelay $0x2  }
0x5a: {  	[tilespmem:$0x1680] =	vst v1  }
0x5b: {  	[tilespmem:$0x1880] =	vst v2  }
0x5c: {  	[tilespmem:v9+s12+$0x0] =	vst.idx.msk $0xffff, v3  }
0x5d: {  	v1 =	vld [tilespmem:$0x290]  }
0x5e: {  	v2 =	vld [tilespmem:$0x490]  }
0x5f: {  	v3 =	vld [tilespmem:$0xA0];
	_ =	sdelay $0x2  }
0x60: {  	[tilespmem:$0x1690] =	vst v1  }
0x61: {  	[tilespmem:$0x1890] =	vst v2  }
0x62: {  	[tilespmem:v10+s12+$0x0] =	vst.idx.msk $0xffff, v3  }
0x63: {  	v1 =	vld [tilespmem:$0x2A0]  }
0x64: {  	v2 =	vld [tilespmem:$0x4A0]  }
0x65: {  	v3 =	vld [tilespmem:$0xB0];
	_ =	sdelay $0x2  }
0x66: {  	[tilespmem:$0x16A0] =	vst v1  }
0x67: {  	[tilespmem:$0x18A0] =	vst v2  }
0x68: {  	[tilespmem:v11+s12+$0x0] =	vst.idx.msk $0xffff, v3  }
0x69: {  	v1 =	vld [tilespmem:$0x2B0]  }
0x6a: {  	v2 =	vld [tilespmem:$0x4B0]  }
0x6b: {  	v3 =	vld [tilespmem:$0xC0];
	_ =	sdelay $0x2  }
0x6c: {  	[tilespmem:$0x16B0] =	vst v1  }
0x6d: {  	[tilespmem:$0x18B0] =	vst v2  }
0x6e: {  	[tilespmem:v12+s12+$0x0] =	vst.idx.msk $0xffff, v3  }
0x6f: {  	v1 =	vld [tilespmem:$0x2C0]  }
0x70: {  	v2 =	vld [tilespmem:$0x4C0]  }
0x71: {  	v3 =	vld [tilespmem:$0xD0];
	_ =	sdelay $0x2  }
0x72: {  	[tilespmem:$0x16C0] =	vst v1  }
0x73: {  	[tilespmem:$0x18C0] =	vst v2  }
0x74: {  	[tilespmem:v13+s12+$0x0] =	vst.idx.msk $0xffff, v3  }
0x75: {  	v1 =	vld [tilespmem:$0x2D0]  }
0x76: {  	v2 =	vld [tilespmem:$0x4D0]  }
0x77: {  	v3 =	vld [tilespmem:$0xE0];
	_ =	sdelay $0x2  }
0x78: {  	[tilespmem:$0x16D0] =	vst v1  }
0x79: {  	[tilespmem:$0x18D0] =	vst v2  }
0x7a: {  	[tilespmem:v14+s12+$0x0] =	vst.idx.msk $0xffff, v3  }
0x7b: {  	v1 =	vld [tilespmem:$0x2E0]  }
0x7c: {  	v2 =	vld [tilespmem:$0x4E0]  }
0x7d: {  	v3 =	vld [tilespmem:$0xF0];
	_ =	sdelay $0x2  }
0x7e: {  	[tilespmem:$0x16E0] =	vst v1  }
0x7f: {  	[tilespmem:$0x18E0] =	vst v2  }
0x80: {  	[tilespmem:v15+s12+$0x0] =	vst.idx.msk $0xffff, v3  }
0x81: {  	v1 =	vld [tilespmem:$0x2F0]  }
0x82: {  	v2 =	vld [tilespmem:$0x4F0]  }
0x83: {  	v3 =	vld [tilespmem:$0x100];
	_ =	sdelay $0x2  }
0x84: {  	[tilespmem:$0x16F0] =	vst v1  }
0x85: {  	[tilespmem:$0x18F0] =	vst v2  }
0x86: {  	[tilespmem:v16+s12+$0x0] =	vst.idx.msk $0xffff, v3  }
0x87: {  	v1 =	vld [tilespmem:$0x300]  }
0x88: {  	v2 =	vld [tilespmem:$0x500]  }
0x89: {  	v3 =	vld [tilespmem:$0x110];
	_ =	sdelay $0x2  }
0x8a: {  	[tilespmem:$0x1700] =	vst v1  }
0x8b: {  	[tilespmem:$0x1900] =	vst v2  }
0x8c: {  	[tilespmem:v17+s12+$0x0] =	vst.idx.msk $0xffff, v3  }
0x8d: {  	v1 =	vld [tilespmem:$0x310]  }
0x8e: {  	v2 =	vld [tilespmem:$0x510]  }
0x8f: {  	v3 =	vld [tilespmem:$0x120];
	_ =	sdelay $0x2  }
0x90: {  	[tilespmem:$0x1710] =	vst v1  }
0x91: {  	[tilespmem:$0x1910] =	vst v2  }
0x92: {  	[tilespmem:v18+s12+$0x0] =	vst.idx.msk $0xffff, v3  }
0x93: {  	v1 =	vld [tilespmem:$0x320]  }
0x94: {  	v2 =	vld [tilespmem:$0x520]  }
0x95: {  	v3 =	vld [tilespmem:$0x130];
	_ =	sdelay $0x2  }
0x96: {  	[tilespmem:$0x1720] =	vst v1  }
0x97: {  	[tilespmem:$0x1920] =	vst v2  }
0x98: {  	[tilespmem:v19+s12+$0x0] =	vst.idx.msk $0xffff, v3  }
0x99: {  	v1 =	vld [tilespmem:$0x330]  }
0x9a: {  	v2 =	vld [tilespmem:$0x530]  }
0x9b: {  	v3 =	vld [tilespmem:$0x140];
	_ =	sdelay $0x2  }
0x9c: {  	[tilespmem:$0x1730] =	vst v1  }
0x9d: {  	[tilespmem:$0x1930] =	vst v2  }
0x9e: {  	[tilespmem:v20+s12+$0x0] =	vst.idx.msk $0xffff, v3  }
0x9f: {  	v1 =	vld [tilespmem:$0x340]  }
0xa0: {  	v2 =	vld [tilespmem:$0x540]  }
0xa1: {  	v3 =	vld [tilespmem:$0x150];
	_ =	sdelay $0x2  }
0xa2: {  	[tilespmem:$0x1740] =	vst v1  }
0xa3: {  	[tilespmem:$0x1940] =	vst v2  }
0xa4: {  	[tilespmem:v21+s12+$0x0] =	vst.idx.msk $0xffff, v3  }
0xa5: {  	v1 =	vld [tilespmem:$0x350]  }
0xa6: {  	v2 =	vld [tilespmem:$0x550]  }
0xa7: {  	v3 =	vld [tilespmem:$0x160];
	_ =	sdelay $0x2  }
0xa8: {  	[tilespmem:$0x1750] =	vst v1  }
0xa9: {  	[tilespmem:$0x1950] =	vst v2  }
0xaa: {  	[tilespmem:v22+s12+$0x0] =	vst.idx.msk $0xffff, v3  }
0xab: {  	v1 =	vld [tilespmem:$0x360]  }
0xac: {  	v2 =	vld [tilespmem:$0x560]  }
0xad: {  	v3 =	vld [tilespmem:$0x170];
	_ =	sdelay $0x2  }
0xae: {  	[tilespmem:$0x1760] =	vst v1  }
0xaf: {  	[tilespmem:$0x1960] =	vst v2  }
0xb0: {  	[tilespmem:v23+s12+$0x0] =	vst.idx.msk $0xffff, v3  }
0xb1: {  	v1 =	vld [tilespmem:$0x370]  }
0xb2: {  	v2 =	vld [tilespmem:$0x570]  }
0xb3: {  	v3 =	vld [tilespmem:$0x180];
	_ =	sdelay $0x2  }
0xb4: {  	[tilespmem:$0x1770] =	vst v1  }
0xb5: {  	[tilespmem:$0x1970] =	vst v2  }
0xb6: {  	[tilespmem:v24+s12+$0x0] =	vst.idx.msk $0xffff, v3  }
0xb7: {  	v1 =	vld [tilespmem:$0x380]  }
0xb8: {  	v2 =	vld [tilespmem:$0x580]  }
0xb9: {  	v3 =	vld [tilespmem:$0x190];
	_ =	sdelay $0x2  }
0xba: {  	[tilespmem:$0x1780] =	vst v1  }
0xbb: {  	[tilespmem:$0x1980] =	vst v2  }
0xbc: {  	[tilespmem:v25+s12+$0x0] =	vst.idx.msk $0xffff, v3  }
0xbd: {  	v1 =	vld [tilespmem:$0x390]  }
0xbe: {  	v2 =	vld [tilespmem:$0x590]  }
0xbf: {  	v3 =	vld [tilespmem:$0x1A0];
	_ =	sdelay $0x2  }
0xc0: {  	[tilespmem:$0x1790] =	vst v1  }
0xc1: {  	[tilespmem:$0x1990] =	vst v2  }
0xc2: {  	[tilespmem:v26+s12+$0x0] =	vst.idx.msk $0xffff, v3  }
0xc3: {  	v1 =	vld [tilespmem:$0x3A0]  }
0xc4: {  	v2 =	vld [tilespmem:$0x5A0]  }
0xc5: {  	v3 =	vld [tilespmem:$0x1B0];
	_ =	sdelay $0x2  }
0xc6: {  	[tilespmem:$0x17A0] =	vst v1  }
0xc7: {  	[tilespmem:$0x19A0] =	vst v2  }
0xc8: {  	[tilespmem:v27+s12+$0x0] =	vst.idx.msk $0xffff, v3  }
0xc9: {  	v1 =	vld [tilespmem:$0x3B0]  }
0xca: {  	v2 =	vld [tilespmem:$0x5B0]  }
0xcb: {  	v3 =	vld [tilespmem:$0x1C0];
	_ =	sdelay $0x2  }
0xcc: {  	[tilespmem:$0x17B0] =	vst v1  }
0xcd: {  	[tilespmem:$0x19B0] =	vst v2  }
0xce: {  	[tilespmem:v28+s12+$0x0] =	vst.idx.msk $0xffff, v3  }
0xcf: {  	v1 =	vld [tilespmem:$0x3C0]  }
0xd0: {  	v2 =	vld [tilespmem:$0x5C0]  }
0xd1: {  	v3 =	vld [tilespmem:$0x1D0];
	_ =	sdelay $0x2  }
0xd2: {  	[tilespmem:$0x17C0] =	vst v1  }
0xd3: {  	[tilespmem:$0x19C0] =	vst v2  }
0xd4: {  	[tilespmem:v29+s12+$0x0] =	vst.idx.msk $0xffff, v3  }
0xd5: {  	v1 =	vld [tilespmem:$0x3D0]  }
0xd6: {  	v2 =	vld [tilespmem:$0x5D0]  }
0xd7: {  	v3 =	vld [tilespmem:$0x1E0];
	_ =	sdelay $0x2  }
0xd8: {  	[tilespmem:$0x17D0] =	vst v1  }
0xd9: {  	[tilespmem:$0x19D0] =	vst v2  }
0xda: {  	[tilespmem:v30+s12+$0x0] =	vst.idx.msk $0xffff, v3  }
0xdb: {  	v1 =	vld [tilespmem:$0x3E0]  }
0xdc: {  	v2 =	vld [tilespmem:$0x5E0]  }
0xdd: {  	v3 =	vld [tilespmem:$0x1F0];
	_ =	sdelay $0x2  }
0xde: {  	[tilespmem:$0x17E0] =	vst v1  }
0xdf: {  	[tilespmem:$0x19E0] =	vst v2  }
0xe0: {  	[tilespmem:v32+s12+$0x0] =	vst.idx.msk $0xffff, v3  }
0xe1: {  	v1 =	vld [tilespmem:$0x3F0]  }
0xe2: {  	v2 =	vld [tilespmem:$0x5F0];
	_ =	sdelay $0x3  }
0xe3: {  	[tilespmem:$0x17F0] =	vst v1  }
0xe4: {  	s17 =	simm.s32 $0x1600;
	s18 =	simm.s32 $0x640;
	s19 =	simm.s32 $0x0;
	[tilespmem:$0x19F0] =	vst v2  }
.LBB2_2:
0xe5: {  	v1 =	vld [tilespmem:s17+$0x0];
	_ =	sdelay $0x4  }
0xe6: {  	v1 =	vand.u32 $0xFFFFFF80, v1  }
0xe7: {  	v1 =	vadd.s32 s0, v1  }
0xe8: {  	v2 =	vld.msk [tilespmem:s18+$0xFFFFFFC0], $0x1;
	(v2sf) =	vpush v1, $0x0;
	_ =	sdelay $0x4  }
0xe9: {  	v3 =	vshrl.u32 v2, $0x3  }
0xea: {  	v3 =	vmul.u32 $0x278, v3  }
0xeb: {  	v2 =	vand.u32 $0x7, v2  }
0xec: {  	v2 =	vor.u32 v2, v3  }
0xed: {  	v2 =	vperm.xlane v2, v33;
	_ =	sdelay $0x1  }
0xee: {  	v2 =	vadd.s32 v0, v2;
	_ =	sdelay $0x2  }
0xef: {  	s20 =	sshra.s32 s19, $0x2  }
0xf0: {  	s21 =	sadd.s32 $0x1A00, s20;
	s22 =	spop (v2sf)  }
0xf1: {  	[tilespmem:s21], [sflag:$0x1] =	stream.indirect_vreg.gather [hbm4b:s22+s2], $0x80, v2, vm0, $0xb8;
	[tilespmem:$0x11E00] =	vst v63  }
0xf2: {  	(v2sf) =	vpush v1, $0x1;
	v2 =	vld.msk [tilespmem:s18+$0xFFFFFFC8], $0x1;
	_ =	sdelay $0x4  }
0xf3: {  	v3 =	vshrl.u32 v2, $0x3  }
0xf4: {  	v3 =	vmul.u32 $0x278, v3  }
0xf5: {  	v2 =	vand.u32 $0x7, v2  }
0xf6: {  	v2 =	vor.u32 v2, v3  }
0xf7: {  	v2 =	vperm.xlane v2, v33;
	_ =	sdelay $0x1  }
0xf8: {  	v2 =	vadd.s32 v0, v2;
	_ =	sdelay $0x3  }
0xf9: {  	s28 =	sadd.s32 $0x1A80, s20;
	s29 =	spop (v2sf)  }
0xfa: {  	[tilespmem:s28], [sflag:$0x1] =	stream.indirect_vreg.gather [hbm4b:s29+s2], $0x80, v2, vm0, $0xb8;
	[tilespmem:$0x11E00] =	vst v63  }
0xfb: {  	(v2sf) =	vpush v1, $0x2;
	v2 =	vld.msk [tilespmem:s18+$0xFFFFFFD0], $0x1;
	_ =	sdelay $0x4  }
0xfc: {  	v3 =	vshrl.u32 v2, $0x3  }
0xfd: {  	v3 =	vmul.u32 $0x278, v3  }
0xfe: {  	v2 =	vand.u32 $0x7, v2  }
0xff: {  	v2 =	vor.u32 v2, v3  }
0x100: {  	v2 =	vperm.xlane v2, v33;
	_ =	sdelay $0x1  }
0x101: {  	v2 =	vadd.s32 v0, v2;
	_ =	sdelay $0x3  }
0x102: {  	s30 =	sadd.s32 $0x1B00, s20;
	s31 =	spop (v2sf)  }
0x103: {  	[tilespmem:s30], [sflag:$0x1] =	stream.indirect_vreg.gather [hbm4b:s31+s2], $0x80, v2, vm0, $0xb8;
	[tilespmem:$0x11E00] =	vst v63  }
0x104: {  	(v2sf) =	vpush v1, $0x3;
	v2 =	vld.msk [tilespmem:s18+$0xFFFFFFD8], $0x1;
	_ =	sdelay $0x4  }
0x105: {  	v3 =	vshrl.u32 v2, $0x3  }
0x106: {  	v3 =	vmul.u32 $0x278, v3  }
0x107: {  	v2 =	vand.u32 $0x7, v2  }
0x108: {  	v2 =	vor.u32 v2, v3  }
0x109: {  	v2 =	vperm.xlane v2, v33;
	_ =	sdelay $0x1  }
0x10a: {  	v2 =	vadd.s32 v0, v2;
	_ =	sdelay $0x3  }
0x10b: {  	s23 =	sadd.s32 $0x1B80, s20;
	s24 =	spop (v2sf)  }
0x10c: {  	[tilespmem:s23], [sflag:$0x1] =	stream.indirect_vreg.gather [hbm4b:s24+s2], $0x80, v2, vm0, $0xb8;
	[tilespmem:$0x11E00] =	vst v63  }
0x10d: {  	(v2sf) =	vpush v1, $0x4;
	v2 =	vld.msk [tilespmem:s18+$0xFFFFFFE0], $0x1;
	_ =	sdelay $0x4  }
0x10e: {  	v3 =	vshrl.u32 v2, $0x3  }
0x10f: {  	v3 =	vmul.u32 $0x278, v3  }
0x110: {  	v2 =	vand.u32 $0x7, v2  }
0x111: {  	v2 =	vor.u32 v2, v3  }
0x112: {  	v2 =	vperm.xlane v2, v33;
	_ =	sdelay $0x1  }
0x113: {  	v2 =	vadd.s32 v0, v2;
	_ =	sdelay $0x3  }
0x114: {  	s25 =	sadd.s32 $0x1C00, s20;
	s26 =	spop (v2sf)  }
0x115: {  	[tilespmem:s25], [sflag:$0x1] =	stream.indirect_vreg.gather [hbm4b:s26+s2], $0x80, v2, vm0, $0xb8;
	[tilespmem:$0x11E00] =	vst v63  }
0x116: {  	(v2sf) =	vpush v1, $0x5;
	v2 =	vld.msk [tilespmem:s18+$0xFFFFFFE8], $0x1;
	_ =	sdelay $0x4  }
0x117: {  	v3 =	vshrl.u32 v2, $0x3  }
0x118: {  	v3 =	vmul.u32 $0x278, v3  }
0x119: {  	v2 =	vand.u32 $0x7, v2  }
0x11a: {  	v2 =	vor.u32 v2, v3  }
0x11b: {  	v2 =	vperm.xlane v2, v33;
	_ =	sdelay $0x1  }
0x11c: {  	v2 =	vadd.s32 v0, v2;
	_ =	sdelay $0x3  }
0x11d: {  	s28 =	sadd.s32 $0x1C80, s20;
	s29 =	spop (v2sf)  }
0x11e: {  	[tilespmem:s28], [sflag:$0x1] =	stream.indirect_vreg.gather [hbm4b:s29+s2], $0x80, v2, vm0, $0xb8;
	[tilespmem:$0x11E00] =	vst v63  }
0x11f: {  	(v2sf) =	vpush v1, $0x6;
	v2 =	vld.msk [tilespmem:s18+$0xFFFFFFF0], $0x1;
	_ =	sdelay $0x4  }
0x120: {  	v3 =	vshrl.u32 v2, $0x3  }
0x121: {  	v3 =	vmul.u32 $0x278, v3  }
0x122: {  	v2 =	vand.u32 $0x7, v2  }
0x123: {  	v2 =	vor.u32 v2, v3  }
0x124: {  	v2 =	vperm.xlane v2, v33;
	_ =	sdelay $0x1  }
0x125: {  	v2 =	vadd.s32 v0, v2;
	_ =	sdelay $0x3  }
0x126: {  	s30 =	sadd.s32 $0x1D00, s20;
	s31 =	spop (v2sf)  }
0x127: {  	[tilespmem:s30], [sflag:$0x1] =	stream.indirect_vreg.gather [hbm4b:s31+s2], $0x80, v2, vm0, $0xb8;
	[tilespmem:$0x11E00] =	vst v63  }
0x128: {  	(v2sf) =	vpush v1, $0x7;
	v2 =	vld.msk [tilespmem:s18+$0xFFFFFFF8], $0x1;
	_ =	sdelay $0x4  }
0x129: {  	v3 =	vshrl.u32 v2, $0x3  }
0x12a: {  	v3 =	vmul.u32 $0x278, v3  }
0x12b: {  	v2 =	vand.u32 $0x7, v2  }
0x12c: {  	v2 =	vor.u32 v2, v3  }
0x12d: {  	v2 =	vperm.xlane v2, v33;
	_ =	sdelay $0x1  }
0x12e: {  	v2 =	vadd.s32 v0, v2;
	_ =	sdelay $0x3  }
0x12f: {  	s23 =	sadd.s32 $0x1D80, s20;
	s24 =	spop (v2sf)  }
0x130: {  	[tilespmem:s23], [sflag:$0x1] =	stream.indirect_vreg.gather [hbm4b:s24+s2], $0x80, v2, vm0, $0xb8;
	[tilespmem:$0x11E00] =	vst v63  }
0x131: {  	(v2sf) =	vpush v1, $0x8;
	v2 =	vld.msk [tilespmem:s18+$0x0], $0x1;
	_ =	sdelay $0x4  }
0x132: {  	v3 =	vshrl.u32 v2, $0x3  }
0x133: {  	v3 =	vmul.u32 $0x278, v3  }
0x134: {  	v2 =	vand.u32 $0x7, v2  }
0x135: {  	v2 =	vor.u32 v2, v3  }
0x136: {  	v2 =	vperm.xlane v2, v33;
	_ =	sdelay $0x1  }
0x137: {  	v2 =	vadd.s32 v0, v2;
	_ =	sdelay $0x3  }
0x138: {  	s25 =	sadd.s32 $0x1E00, s20;
	s26 =	spop (v2sf)  }
0x139: {  	[tilespmem:s25], [sflag:$0x1] =	stream.indirect_vreg.gather [hbm4b:s26+s2], $0x80, v2, vm0, $0xb8;
	[tilespmem:$0x11E00] =	vst v63  }
0x13a: {  	(v2sf) =	vpush v1, $0x9;
	v2 =	vld.msk [tilespmem:s18+$0x8], $0x1;
	_ =	sdelay $0x4  }
0x13b: {  	v3 =	vshrl.u32 v2, $0x3  }
0x13c: {  	v3 =	vmul.u32 $0x278, v3  }
0x13d: {  	v2 =	vand.u32 $0x7, v2  }
0x13e: {  	v2 =	vor.u32 v2, v3  }
0x13f: {  	v2 =	vperm.xlane v2, v33;
	_ =	sdelay $0x1  }
0x140: {  	v2 =	vadd.s32 v0, v2;
	_ =	sdelay $0x3  }
0x141: {  	s28 =	sadd.s32 $0x1E80, s20;
	s29 =	spop (v2sf)  }
0x142: {  	[tilespmem:s28], [sflag:$0x1] =	stream.indirect_vreg.gather [hbm4b:s29+s2], $0x80, v2, vm0, $0xb8;
	[tilespmem:$0x11E00] =	vst v63  }
0x143: {  	(v2sf) =	vpush v1, $0xA;
	v2 =	vld.msk [tilespmem:s18+$0x10], $0x1;
	_ =	sdelay $0x4  }
0x144: {  	v3 =	vshrl.u32 v2, $0x3  }
0x145: {  	v3 =	vmul.u32 $0x278, v3  }
0x146: {  	v2 =	vand.u32 $0x7, v2  }
0x147: {  	v2 =	vor.u32 v2, v3  }
0x148: {  	v2 =	vperm.xlane v2, v33;
	_ =	sdelay $0x1  }
0x149: {  	v2 =	vadd.s32 v0, v2;
	_ =	sdelay $0x3  }
0x14a: {  	s30 =	sadd.s32 $0x1F00, s20;
	s31 =	spop (v2sf)  }
0x14b: {  	[tilespmem:s30], [sflag:$0x1] =	stream.indirect_vreg.gather [hbm4b:s31+s2], $0x80, v2, vm0, $0xb8;
	[tilespmem:$0x11E00] =	vst v63  }
0x14c: {  	(v2sf) =	vpush v1, $0xB;
	v2 =	vld.msk [tilespmem:s18+$0x18], $0x1;
	_ =	sdelay $0x4  }
0x14d: {  	v3 =	vshrl.u32 v2, $0x3  }
0x14e: {  	v3 =	vmul.u32 $0x278, v3  }
0x14f: {  	v2 =	vand.u32 $0x7, v2  }
0x150: {  	v2 =	vor.u32 v2, v3  }
0x151: {  	v2 =	vperm.xlane v2, v33;
	_ =	sdelay $0x1  }
0x152: {  	v2 =	vadd.s32 v0, v2;
	_ =	sdelay $0x3  }
0x153: {  	s22 =	sadd.s32 $0x1F80, s20;
	s23 =	spop (v2sf)  }
0x154: {  	[tilespmem:s22], [sflag:$0x1] =	stream.indirect_vreg.gather [hbm4b:s23+s2], $0x80, v2, vm0, $0xb8;
	[tilespmem:$0x11E00] =	vst v63  }
0x155: {  	(v2sf) =	vpush v1, $0xC;
	v2 =	vld.msk [tilespmem:s18+$0x20], $0x1;
	_ =	sdelay $0x4  }
0x156: {  	v3 =	vshrl.u32 v2, $0x3  }
0x157: {  	v3 =	vmul.u32 $0x278, v3  }
0x158: {  	v2 =	vand.u32 $0x7, v2  }
0x159: {  	v2 =	vor.u32 v2, v3  }
0x15a: {  	v2 =	vperm.xlane v2, v33;
	_ =	sdelay $0x1  }
0x15b: {  	v2 =	vadd.s32 v0, v2;
	_ =	sdelay $0x3  }
0x15c: {  	s24 =	sadd.s32 $0x2000, s20;
	s25 =	spop (v2sf)  }
0x15d: {  	[tilespmem:s24], [sflag:$0x1] =	stream.indirect_vreg.gather [hbm4b:s25+s2], $0x80, v2, vm0, $0xb8;
	[tilespmem:$0x11E00] =	vst v63  }
0x15e: {  	(v2sf) =	vpush v1, $0xD;
	v2 =	vld.msk [tilespmem:s18+$0x28], $0x1;
	_ =	sdelay $0x4  }
0x15f: {  	v3 =	vshrl.u32 v2, $0x3  }
0x160: {  	v3 =	vmul.u32 $0x278, v3  }
0x161: {  	v2 =	vand.u32 $0x7, v2  }
0x162: {  	v2 =	vor.u32 v2, v3  }
0x163: {  	v2 =	vperm.xlane v2, v33;
	_ =	sdelay $0x1  }
0x164: {  	v2 =	vadd.s32 v0, v2;
	_ =	sdelay $0x3  }
0x165: {  	s26 =	sadd.s32 $0x2080, s20;
	s28 =	spop (v2sf)  }
0x166: {  	[tilespmem:s26], [sflag:$0x1] =	stream.indirect_vreg.gather [hbm4b:s28+s2], $0x80, v2, vm0, $0xb8;
	[tilespmem:$0x11E00] =	vst v63  }
0x167: {  	(v2sf) =	vpush v1, $0xE;
	v2 =	vld.msk [tilespmem:s18+$0x30], $0x1;
	_ =	sdelay $0x4  }
0x168: {  	v3 =	vshrl.u32 v2, $0x3  }
0x169: {  	v3 =	vmul.u32 $0x278, v3  }
0x16a: {  	v2 =	vand.u32 $0x7, v2  }
0x16b: {  	v2 =	vor.u32 v2, v3  }
0x16c: {  	v2 =	vperm.xlane v2, v33;
	_ =	sdelay $0x1  }
0x16d: {  	v2 =	vadd.s32 v0, v2;
	_ =	sdelay $0x3  }
0x16e: {  	s29 =	sadd.s32 $0x2100, s20;
	s30 =	spop (v2sf)  }
0x16f: {  	[tilespmem:s29], [sflag:$0x1] =	stream.indirect_vreg.gather [hbm4b:s30+s2], $0x80, v2, vm0, $0xb8;
	[tilespmem:$0x11E00] =	vst v63  }
0x170: {  	(v2sf) =	vpush v1, $0xF;
	v1 =	vld.msk [tilespmem:s18+$0x38], $0x1;
	_ =	sdelay $0x4  }
0x171: {  	v2 =	vshrl.u32 v1, $0x3  }
0x172: {  	v2 =	vmul.u32 $0x278, v2  }
0x173: {  	v1 =	vand.u32 $0x7, v1  }
0x174: {  	v1 =	vor.u32 v1, v2  }
0x175: {  	v1 =	vperm.xlane v1, v33;
	_ =	sdelay $0x1  }
0x176: {  	p0 =	sne.s32 s19, $0x3E000;
	v1 =	vadd.s32 v0, v1  }
.Ltmp0:
0x177: {  	_ = 	snop;
	(pc) =	sbr.rel @p0 .LBB2_2-.Ltmp0, $4  }
0x178: {  	_ = 	snop  }
0x179: {  	s17 =	sadd.s32 $0x10, s17;
	s19 =	sadd.s32 $0x2000, s19  }
0x17a: {  	s20 =	sadd.s32 $0x2180, s20;
	s31 =	spop (v2sf);
	s18 =	sadd.s32 $0x80, s18  }
0x17b: {  	[tilespmem:s20], [sflag:$0x1] =	stream.indirect_vreg.gather [hbm4b:s31+s2], $0x80, v1, vm0, $0xb8;
	[tilespmem:$0x11E00] =	vst v63  }
0x17c: {  	_ =	swait.ge [sflag:s13], $0x10000  }
0x17d: {  	[sflag:s13] =	ssyncset.done $0x0  }
0x17e: {  	[sflag:s13] =	ssyncadd.s32 $0xFFFF0000  }
0x17f: {  	v1 =	vld [tilespmem:$0x1600];
	_ =	sdelay $0x4  }
0x180: {  	v1 =	vand.u32 $0x7F, v1  }
0x181: {  	v2 =	vld [tilespmem:$0x1610];
	v1 =	vor.u32 v31, v1;
	_ =	sdelay $0x4  }
0x182: {  	v2 =	vand.u32 $0x7F, v2;
	v1 =	vld.idx.msk [tilespmem:v1+s14+$0x0], $0xffff  }
0x183: {  	v3 =	vld [tilespmem:$0x1620];
	v2 =	vor.u32 v34, v2;
	_ =	sdelay $0x3  }
0x184: {  	[tilespmem:$0x11A00] =	vst v1  }
0x185: {  	v1 =	vld.idx.msk [tilespmem:v2+s14+$0x0], $0xffff;
	v2 =	vand.u32 $0x7F, v3  }
0x186: {  	v3 =	vld [tilespmem:$0x1630];
	v2 =	vor.u32 v35, v2;
	_ =	sdelay $0x3  }
0x187: {  	[tilespmem:$0x11A10] =	vst v1  }
0x188: {  	v1 =	vld.idx.msk [tilespmem:v2+s14+$0x0], $0xffff;
	v2 =	vand.u32 $0x7F, v3  }
0x189: {  	v3 =	vld [tilespmem:$0x1640];
	v2 =	vor.u32 v36, v2;
	_ =	sdelay $0x3  }
0x18a: {  	[tilespmem:$0x11A20] =	vst v1  }
0x18b: {  	v1 =	vld.idx.msk [tilespmem:v2+s14+$0x0], $0xffff;
	v2 =	vand.u32 $0x7F, v3  }
0x18c: {  	v3 =	vld [tilespmem:$0x1650];
	v2 =	vor.u32 v37, v2;
	_ =	sdelay $0x3  }
0x18d: {  	[tilespmem:$0x11A30] =	vst v1  }
0x18e: {  	v1 =	vld.idx.msk [tilespmem:v2+s14+$0x0], $0xffff;
	v2 =	vand.u32 $0x7F, v3  }
0x18f: {  	v3 =	vld [tilespmem:$0x1660];
	v2 =	vor.u32 v38, v2;
	_ =	sdelay $0x3  }
0x190: {  	[tilespmem:$0x11A40] =	vst v1  }
0x191: {  	v1 =	vld.idx.msk [tilespmem:v2+s14+$0x0], $0xffff;
	v2 =	vand.u32 $0x7F, v3  }
0x192: {  	v3 =	vld [tilespmem:$0x1670];
	v2 =	vor.u32 v39, v2;
	_ =	sdelay $0x3  }
0x193: {  	[tilespmem:$0x11A50] =	vst v1  }
0x194: {  	v1 =	vld.idx.msk [tilespmem:v2+s14+$0x0], $0xffff;
	v2 =	vand.u32 $0x7F, v3  }
0x195: {  	v3 =	vld [tilespmem:$0x1680];
	v2 =	vor.u32 v40, v2;
	_ =	sdelay $0x3  }
0x196: {  	[tilespmem:$0x11A60] =	vst v1  }
0x197: {  	v1 =	vld.idx.msk [tilespmem:v2+s14+$0x0], $0xffff;
	v2 =	vand.u32 $0x7F, v3  }
0x198: {  	v3 =	vld [tilespmem:$0x1690];
	v2 =	vor.u32 v41, v2;
	_ =	sdelay $0x3  }
0x199: {  	[tilespmem:$0x11A70] =	vst v1  }
0x19a: {  	v1 =	vld.idx.msk [tilespmem:v2+s14+$0x0], $0xffff;
	v2 =	vand.u32 $0x7F, v3  }
0x19b: {  	v3 =	vld [tilespmem:$0x16A0];
	v2 =	vor.u32 v42, v2;
	_ =	sdelay $0x3  }
0x19c: {  	[tilespmem:$0x11A80] =	vst v1  }
0x19d: {  	v1 =	vld.idx.msk [tilespmem:v2+s14+$0x0], $0xffff;
	v2 =	vand.u32 $0x7F, v3  }
0x19e: {  	v3 =	vld [tilespmem:$0x16B0];
	v2 =	vor.u32 v43, v2;
	_ =	sdelay $0x3  }
0x19f: {  	[tilespmem:$0x11A90] =	vst v1  }
0x1a0: {  	v1 =	vld.idx.msk [tilespmem:v2+s14+$0x0], $0xffff;
	v2 =	vand.u32 $0x7F, v3  }
0x1a1: {  	v3 =	vld [tilespmem:$0x16C0];
	v2 =	vor.u32 v44, v2;
	_ =	sdelay $0x3  }
0x1a2: {  	[tilespmem:$0x11AA0] =	vst v1  }
0x1a3: {  	v1 =	vld.idx.msk [tilespmem:v2+s14+$0x0], $0xffff;
	v2 =	vand.u32 $0x7F, v3  }
0x1a4: {  	v3 =	vld [tilespmem:$0x16D0];
	v2 =	vor.u32 v45, v2;
	_ =	sdelay $0x3  }
0x1a5: {  	[tilespmem:$0x11AB0] =	vst v1  }
0x1a6: {  	v1 =	vld.idx.msk [tilespmem:v2+s14+$0x0], $0xffff;
	v2 =	vand.u32 $0x7F, v3  }
0x1a7: {  	v3 =	vld [tilespmem:$0x16E0];
	v2 =	vor.u32 v46, v2;
	_ =	sdelay $0x3  }
0x1a8: {  	[tilespmem:$0x11AC0] =	vst v1  }
0x1a9: {  	v1 =	vld.idx.msk [tilespmem:v2+s14+$0x0], $0xffff;
	v2 =	vand.u32 $0x7F, v3  }
0x1aa: {  	v3 =	vld [tilespmem:$0x16F0];
	v2 =	vor.u32 v47, v2;
	_ =	sdelay $0x3  }
0x1ab: {  	[tilespmem:$0x11AD0] =	vst v1  }
0x1ac: {  	v1 =	vld.idx.msk [tilespmem:v2+s14+$0x0], $0xffff;
	v2 =	vand.u32 $0x7F, v3  }
0x1ad: {  	v3 =	vld [tilespmem:$0x1700];
	v2 =	vor.u32 v48, v2;
	_ =	sdelay $0x3  }
0x1ae: {  	[tilespmem:$0x11AE0] =	vst v1  }
0x1af: {  	v1 =	vld.idx.msk [tilespmem:v2+s14+$0x0], $0xffff;
	v2 =	vand.u32 $0x7F, v3  }
0x1b0: {  	v3 =	vld [tilespmem:$0x1710];
	v2 =	vor.u32 v49, v2;
	_ =	sdelay $0x3  }
0x1b1: {  	[tilespmem:$0x11AF0] =	vst v1  }
0x1b2: {  	v1 =	vld.idx.msk [tilespmem:v2+s14+$0x0], $0xffff;
	v2 =	vand.u32 $0x7F, v3  }
0x1b3: {  	v3 =	vld [tilespmem:$0x1720];
	v2 =	vor.u32 v50, v2;
	_ =	sdelay $0x3  }
0x1b4: {  	[tilespmem:$0x11B00] =	vst v1  }
0x1b5: {  	v1 =	vld.idx.msk [tilespmem:v2+s14+$0x0], $0xffff;
	v2 =	vand.u32 $0x7F, v3  }
0x1b6: {  	v3 =	vld [tilespmem:$0x1730];
	v2 =	vor.u32 v51, v2;
	_ =	sdelay $0x3  }
0x1b7: {  	[tilespmem:$0x11B10] =	vst v1  }
0x1b8: {  	v1 =	vld.idx.msk [tilespmem:v2+s14+$0x0], $0xffff;
	v2 =	vand.u32 $0x7F, v3  }
0x1b9: {  	v3 =	vld [tilespmem:$0x1740];
	v2 =	vor.u32 v52, v2;
	_ =	sdelay $0x3  }
0x1ba: {  	[tilespmem:$0x11B20] =	vst v1  }
0x1bb: {  	v1 =	vld.idx.msk [tilespmem:v2+s14+$0x0], $0xffff;
	v2 =	vand.u32 $0x7F, v3  }
0x1bc: {  	v3 =	vld [tilespmem:$0x1750];
	v2 =	vor.u32 v53, v2;
	_ =	sdelay $0x3  }
0x1bd: {  	[tilespmem:$0x11B30] =	vst v1  }
0x1be: {  	v1 =	vld.idx.msk [tilespmem:v2+s14+$0x0], $0xffff;
	v2 =	vand.u32 $0x7F, v3  }
0x1bf: {  	v3 =	vld [tilespmem:$0x1760];
	v2 =	vor.u32 v54, v2;
	_ =	sdelay $0x3  }
0x1c0: {  	[tilespmem:$0x11B40] =	vst v1  }
0x1c1: {  	v1 =	vld.idx.msk [tilespmem:v2+s14+$0x0], $0xffff;
	v2 =	vand.u32 $0x7F, v3  }
0x1c2: {  	v3 =	vld [tilespmem:$0x1770];
	v2 =	vor.u32 v55, v2;
	_ =	sdelay $0x3  }
0x1c3: {  	[tilespmem:$0x11B50] =	vst v1  }
0x1c4: {  	v1 =	vld.idx.msk [tilespmem:v2+s14+$0x0], $0xffff;
	v2 =	vand.u32 $0x7F, v3  }
0x1c5: {  	v3 =	vld [tilespmem:$0x1780];
	v2 =	vor.u32 v56, v2;
	_ =	sdelay $0x3  }
0x1c6: {  	[tilespmem:$0x11B60] =	vst v1  }
0x1c7: {  	v1 =	vld.idx.msk [tilespmem:v2+s14+$0x0], $0xffff;
	v2 =	vand.u32 $0x7F, v3  }
0x1c8: {  	v3 =	vld [tilespmem:$0x1790];
	v2 =	vor.u32 v57, v2;
	_ =	sdelay $0x3  }
0x1c9: {  	[tilespmem:$0x11B70] =	vst v1  }
0x1ca: {  	v1 =	vld.idx.msk [tilespmem:v2+s14+$0x0], $0xffff;
	v2 =	vand.u32 $0x7F, v3  }
0x1cb: {  	v3 =	vld [tilespmem:$0x17A0];
	v2 =	vor.u32 v58, v2;
	_ =	sdelay $0x3  }
0x1cc: {  	[tilespmem:$0x11B80] =	vst v1  }
0x1cd: {  	v1 =	vld.idx.msk [tilespmem:v2+s14+$0x0], $0xffff;
	v2 =	vand.u32 $0x7F, v3  }
0x1ce: {  	v3 =	vld [tilespmem:$0x17B0];
	v2 =	vor.u32 v59, v2;
	_ =	sdelay $0x3  }
0x1cf: {  	[tilespmem:$0x11B90] =	vst v1  }
0x1d0: {  	v1 =	vld.idx.msk [tilespmem:v2+s14+$0x0], $0xffff;
	v2 =	vand.u32 $0x7F, v3  }
0x1d1: {  	v3 =	vld [tilespmem:$0x17C0];
	v2 =	vor.u32 v60, v2;
	_ =	sdelay $0x3  }
0x1d2: {  	[tilespmem:$0x11BA0] =	vst v1  }
0x1d3: {  	v1 =	vld.idx.msk [tilespmem:v2+s14+$0x0], $0xffff;
	v2 =	vand.u32 $0x7F, v3  }
0x1d4: {  	v3 =	vld [tilespmem:$0x17D0];
	v2 =	vor.u32 v61, v2;
	_ =	sdelay $0x3  }
0x1d5: {  	[tilespmem:$0x11BB0] =	vst v1  }
0x1d6: {  	v1 =	vld.idx.msk [tilespmem:v2+s14+$0x0], $0xffff;
	v2 =	vand.u32 $0x7F, v3  }
0x1d7: {  	v3 =	vld [tilespmem:$0x17E0];
	v2 =	vor.u32 v62, v2;
	_ =	sdelay $0x3  }
0x1d8: {  	[tilespmem:$0x11BC0] =	vst v1  }
0x1d9: {  	v1 =	vld.idx.msk [tilespmem:v2+s14+$0x0], $0xffff;
	v2 =	vand.u32 $0x7F, v3  }
0x1da: {  	v3 =	vld [tilespmem:$0x17F0];
	v2 =	vor.u32 v63, v2;
	_ =	sdelay $0x3  }
0x1db: {  	[tilespmem:$0x11BD0] =	vst v1  }
0x1dc: {  	v3 =	vand.u32 $0x7F, v3;
	v1 =	vor.u32 $0xF800, v31;
	v2 =	vld.idx.msk [tilespmem:v2+s14+$0x0], $0xffff  }
0x1dd: {  	v3 =	vor.u32 v1, v3;
	_ =	sdelay $0x3  }
0x1de: {  	[tilespmem:$0x11BE0] =	vst v2  }
0x1df: {  	v2 =	vld.idx.msk [tilespmem:v3+s14+$0x0], $0xffff;
	_ =	sdelay $0x4  }
0x1e0: {  	s17 =	simm.s32 $0x0;
	s18 =	simm.s32 $0x1800;
	s19 =	simm.s32 $0x640;
	[tilespmem:$0x11BF0] =	vst v2  }
.LBB2_4:
0x1e1: {  	v2 =	vld [tilespmem:s18+$0x0];
	_ =	sdelay $0x4  }
0x1e2: {  	v2 =	vand.u32 $0xFFFFFF80, v2  }
0x1e3: {  	v2 =	vadd.s32 s0, v2  }
0x1e4: {  	v3 =	vld.msk [tilespmem:s19+$0xFFFFFFC0], $0x1;
	(v2sf) =	vpush v2, $0x0;
	_ =	sdelay $0x4  }
0x1e5: {  	v4 =	vshrl.u32 v3, $0x3  }
0x1e6: {  	v4 =	vmul.u32 $0x278, v4  }
0x1e7: {  	v3 =	vand.u32 $0x7, v3  }
0x1e8: {  	v3 =	vor.u32 v3, v4  }
0x1e9: {  	v3 =	vperm.xlane v3, v33;
	_ =	sdelay $0x1  }
0x1ea: {  	v3 =	vadd.s32 v0, v3;
	_ =	sdelay $0x2  }
0x1eb: {  	s20 =	sshra.s32 s17, $0x2  }
0x1ec: {  	s21 =	sadd.s32 $0x1A00, s20;
	s22 =	spop (v2sf)  }
0x1ed: {  	[tilespmem:s21], [sflag:$0x1] =	stream.indirect_vreg.gather [hbm4b:s22+s2], $0x80, v3, vm0, $0xb8;
	[tilespmem:$0x11E00] =	vst v63  }
0x1ee: {  	(v2sf) =	vpush v2, $0x1;
	v3 =	vld.msk [tilespmem:s19+$0xFFFFFFC8], $0x1;
	_ =	sdelay $0x4  }
0x1ef: {  	v4 =	vshrl.u32 v3, $0x3  }
0x1f0: {  	v4 =	vmul.u32 $0x278, v4  }
0x1f1: {  	v3 =	vand.u32 $0x7, v3  }
0x1f2: {  	v3 =	vor.u32 v3, v4  }
0x1f3: {  	v3 =	vperm.xlane v3, v33;
	_ =	sdelay $0x1  }
0x1f4: {  	v3 =	vadd.s32 v0, v3;
	_ =	sdelay $0x3  }
0x1f5: {  	s28 =	sadd.s32 $0x1A80, s20;
	s29 =	spop (v2sf)  }
0x1f6: {  	[tilespmem:s28], [sflag:$0x1] =	stream.indirect_vreg.gather [hbm4b:s29+s2], $0x80, v3, vm0, $0xb8;
	[tilespmem:$0x11E00] =	vst v63  }
0x1f7: {  	(v2sf) =	vpush v2, $0x2;
	v3 =	vld.msk [tilespmem:s19+$0xFFFFFFD0], $0x1;
	_ =	sdelay $0x4  }
0x1f8: {  	v4 =	vshrl.u32 v3, $0x3  }
0x1f9: {  	v4 =	vmul.u32 $0x278, v4  }
0x1fa: {  	v3 =	vand.u32 $0x7, v3  }
0x1fb: {  	v3 =	vor.u32 v3, v4  }
0x1fc: {  	v3 =	vperm.xlane v3, v33;
	_ =	sdelay $0x1  }
0x1fd: {  	v3 =	vadd.s32 v0, v3;
	_ =	sdelay $0x3  }
0x1fe: {  	s30 =	sadd.s32 $0x1B00, s20;
	s31 =	spop (v2sf)  }
0x1ff: {  	[tilespmem:s30], [sflag:$0x1] =	stream.indirect_vreg.gather [hbm4b:s31+s2], $0x80, v3, vm0, $0xb8;
	[tilespmem:$0x11E00] =	vst v63  }
0x200: {  	(v2sf) =	vpush v2, $0x3;
	v3 =	vld.msk [tilespmem:s19+$0xFFFFFFD8], $0x1;
	_ =	sdelay $0x4  }
0x201: {  	v4 =	vshrl.u32 v3, $0x3  }
0x202: {  	v4 =	vmul.u32 $0x278, v4  }
0x203: {  	v3 =	vand.u32 $0x7, v3  }
0x204: {  	v3 =	vor.u32 v3, v4  }
0x205: {  	v3 =	vperm.xlane v3, v33;
	_ =	sdelay $0x1  }
0x206: {  	v3 =	vadd.s32 v0, v3;
	_ =	sdelay $0x3  }
0x207: {  	s23 =	sadd.s32 $0x1B80, s20;
	s24 =	spop (v2sf)  }
0x208: {  	[tilespmem:s23], [sflag:$0x1] =	stream.indirect_vreg.gather [hbm4b:s24+s2], $0x80, v3, vm0, $0xb8;
	[tilespmem:$0x11E00] =	vst v63  }
0x209: {  	(v2sf) =	vpush v2, $0x4;
	v3 =	vld.msk [tilespmem:s19+$0xFFFFFFE0], $0x1;
	_ =	sdelay $0x4  }
0x20a: {  	v4 =	vshrl.u32 v3, $0x3  }
0x20b: {  	v4 =	vmul.u32 $0x278, v4  }
0x20c: {  	v3 =	vand.u32 $0x7, v3  }
0x20d: {  	v3 =	vor.u32 v3, v4  }
0x20e: {  	v3 =	vperm.xlane v3, v33;
	_ =	sdelay $0x1  }
0x20f: {  	v3 =	vadd.s32 v0, v3;
	_ =	sdelay $0x3  }
0x210: {  	s25 =	sadd.s32 $0x1C00, s20;
	s26 =	spop (v2sf)  }
0x211: {  	[tilespmem:s25], [sflag:$0x1] =	stream.indirect_vreg.gather [hbm4b:s26+s2], $0x80, v3, vm0, $0xb8;
	[tilespmem:$0x11E00] =	vst v63  }
0x212: {  	(v2sf) =	vpush v2, $0x5;
	v3 =	vld.msk [tilespmem:s19+$0xFFFFFFE8], $0x1;
	_ =	sdelay $0x4  }
0x213: {  	v4 =	vshrl.u32 v3, $0x3  }
0x214: {  	v4 =	vmul.u32 $0x278, v4  }
0x215: {  	v3 =	vand.u32 $0x7, v3  }
0x216: {  	v3 =	vor.u32 v3, v4  }
0x217: {  	v3 =	vperm.xlane v3, v33;
	_ =	sdelay $0x1  }
0x218: {  	v3 =	vadd.s32 v0, v3;
	_ =	sdelay $0x3  }
0x219: {  	s28 =	sadd.s32 $0x1C80, s20;
	s29 =	spop (v2sf)  }
0x21a: {  	[tilespmem:s28], [sflag:$0x1] =	stream.indirect_vreg.gather [hbm4b:s29+s2], $0x80, v3, vm0, $0xb8;
	[tilespmem:$0x11E00] =	vst v63  }
0x21b: {  	(v2sf) =	vpush v2, $0x6;
	v3 =	vld.msk [tilespmem:s19+$0xFFFFFFF0], $0x1;
	_ =	sdelay $0x4  }
0x21c: {  	v4 =	vshrl.u32 v3, $0x3  }
0x21d: {  	v4 =	vmul.u32 $0x278, v4  }
0x21e: {  	v3 =	vand.u32 $0x7, v3  }
0x21f: {  	v3 =	vor.u32 v3, v4  }
0x220: {  	v3 =	vperm.xlane v3, v33;
	_ =	sdelay $0x1  }
0x221: {  	v3 =	vadd.s32 v0, v3;
	_ =	sdelay $0x3  }
0x222: {  	s30 =	sadd.s32 $0x1D00, s20;
	s31 =	spop (v2sf)  }
0x223: {  	[tilespmem:s30], [sflag:$0x1] =	stream.indirect_vreg.gather [hbm4b:s31+s2], $0x80, v3, vm0, $0xb8;
	[tilespmem:$0x11E00] =	vst v63  }
0x224: {  	(v2sf) =	vpush v2, $0x7;
	v3 =	vld.msk [tilespmem:s19+$0xFFFFFFF8], $0x1;
	_ =	sdelay $0x4  }
0x225: {  	v4 =	vshrl.u32 v3, $0x3  }
0x226: {  	v4 =	vmul.u32 $0x278, v4  }
0x227: {  	v3 =	vand.u32 $0x7, v3  }
0x228: {  	v3 =	vor.u32 v3, v4  }
0x229: {  	v3 =	vperm.xlane v3, v33;
	_ =	sdelay $0x1  }
0x22a: {  	v3 =	vadd.s32 v0, v3;
	_ =	sdelay $0x3  }
0x22b: {  	s23 =	sadd.s32 $0x1D80, s20;
	s24 =	spop (v2sf)  }
0x22c: {  	[tilespmem:s23], [sflag:$0x1] =	stream.indirect_vreg.gather [hbm4b:s24+s2], $0x80, v3, vm0, $0xb8;
	[tilespmem:$0x11E00] =	vst v63  }
0x22d: {  	(v2sf) =	vpush v2, $0x8;
	v3 =	vld.msk [tilespmem:s19+$0x0], $0x1;
	_ =	sdelay $0x4  }
0x22e: {  	v4 =	vshrl.u32 v3, $0x3  }
0x22f: {  	v4 =	vmul.u32 $0x278, v4  }
0x230: {  	v3 =	vand.u32 $0x7, v3  }
0x231: {  	v3 =	vor.u32 v3, v4  }
0x232: {  	v3 =	vperm.xlane v3, v33;
	_ =	sdelay $0x1  }
0x233: {  	v3 =	vadd.s32 v0, v3;
	_ =	sdelay $0x3  }
0x234: {  	s25 =	sadd.s32 $0x1E00, s20;
	s26 =	spop (v2sf)  }
0x235: {  	[tilespmem:s25], [sflag:$0x1] =	stream.indirect_vreg.gather [hbm4b:s26+s2], $0x80, v3, vm0, $0xb8;
	[tilespmem:$0x11E00] =	vst v63  }
0x236: {  	(v2sf) =	vpush v2, $0x9;
	v3 =	vld.msk [tilespmem:s19+$0x8], $0x1;
	_ =	sdelay $0x4  }
0x237: {  	v4 =	vshrl.u32 v3, $0x3  }
0x238: {  	v4 =	vmul.u32 $0x278, v4  }
0x239: {  	v3 =	vand.u32 $0x7, v3  }
0x23a: {  	v3 =	vor.u32 v3, v4  }
0x23b: {  	v3 =	vperm.xlane v3, v33;
	_ =	sdelay $0x1  }
0x23c: {  	v3 =	vadd.s32 v0, v3;
	_ =	sdelay $0x3  }
0x23d: {  	s28 =	sadd.s32 $0x1E80, s20;
	s29 =	spop (v2sf)  }
0x23e: {  	[tilespmem:s28], [sflag:$0x1] =	stream.indirect_vreg.gather [hbm4b:s29+s2], $0x80, v3, vm0, $0xb8;
	[tilespmem:$0x11E00] =	vst v63  }
0x23f: {  	(v2sf) =	vpush v2, $0xA;
	v3 =	vld.msk [tilespmem:s19+$0x10], $0x1;
	_ =	sdelay $0x4  }
0x240: {  	v4 =	vshrl.u32 v3, $0x3  }
0x241: {  	v4 =	vmul.u32 $0x278, v4  }
0x242: {  	v3 =	vand.u32 $0x7, v3  }
0x243: {  	v3 =	vor.u32 v3, v4  }
0x244: {  	v3 =	vperm.xlane v3, v33;
	_ =	sdelay $0x1  }
0x245: {  	v3 =	vadd.s32 v0, v3;
	_ =	sdelay $0x3  }
0x246: {  	s30 =	sadd.s32 $0x1F00, s20;
	s31 =	spop (v2sf)  }
0x247: {  	[tilespmem:s30], [sflag:$0x1] =	stream.indirect_vreg.gather [hbm4b:s31+s2], $0x80, v3, vm0, $0xb8;
	[tilespmem:$0x11E00] =	vst v63  }
0x248: {  	(v2sf) =	vpush v2, $0xB;
	v3 =	vld.msk [tilespmem:s19+$0x18], $0x1;
	_ =	sdelay $0x4  }
0x249: {  	v4 =	vshrl.u32 v3, $0x3  }
0x24a: {  	v4 =	vmul.u32 $0x278, v4  }
0x24b: {  	v3 =	vand.u32 $0x7, v3  }
0x24c: {  	v3 =	vor.u32 v3, v4  }
0x24d: {  	v3 =	vperm.xlane v3, v33;
	_ =	sdelay $0x1  }
0x24e: {  	v3 =	vadd.s32 v0, v3;
	_ =	sdelay $0x3  }
0x24f: {  	s22 =	sadd.s32 $0x1F80, s20;
	s23 =	spop (v2sf)  }
0x250: {  	[tilespmem:s22], [sflag:$0x1] =	stream.indirect_vreg.gather [hbm4b:s23+s2], $0x80, v3, vm0, $0xb8;
	[tilespmem:$0x11E00] =	vst v63  }
0x251: {  	(v2sf) =	vpush v2, $0xC;
	v3 =	vld.msk [tilespmem:s19+$0x20], $0x1;
	_ =	sdelay $0x4  }
0x252: {  	v4 =	vshrl.u32 v3, $0x3  }
0x253: {  	v4 =	vmul.u32 $0x278, v4  }
0x254: {  	v3 =	vand.u32 $0x7, v3  }
0x255: {  	v3 =	vor.u32 v3, v4  }
0x256: {  	v3 =	vperm.xlane v3, v33;
	_ =	sdelay $0x1  }
0x257: {  	v3 =	vadd.s32 v0, v3;
	_ =	sdelay $0x3  }
0x258: {  	s24 =	sadd.s32 $0x2000, s20;
	s25 =	spop (v2sf)  }
0x259: {  	[tilespmem:s24], [sflag:$0x1] =	stream.indirect_vreg.gather [hbm4b:s25+s2], $0x80, v3, vm0, $0xb8;
	[tilespmem:$0x11E00] =	vst v63  }
0x25a: {  	(v2sf) =	vpush v2, $0xD;
	v3 =	vld.msk [tilespmem:s19+$0x28], $0x1;
	_ =	sdelay $0x4  }
0x25b: {  	v4 =	vshrl.u32 v3, $0x3  }
0x25c: {  	v4 =	vmul.u32 $0x278, v4  }
0x25d: {  	v3 =	vand.u32 $0x7, v3  }
0x25e: {  	v3 =	vor.u32 v3, v4  }
0x25f: {  	v3 =	vperm.xlane v3, v33;
	_ =	sdelay $0x1  }
0x260: {  	v3 =	vadd.s32 v0, v3;
	_ =	sdelay $0x3  }
0x261: {  	s26 =	sadd.s32 $0x2080, s20;
	s28 =	spop (v2sf)  }
0x262: {  	[tilespmem:s26], [sflag:$0x1] =	stream.indirect_vreg.gather [hbm4b:s28+s2], $0x80, v3, vm0, $0xb8;
	[tilespmem:$0x11E00] =	vst v63  }
0x263: {  	(v2sf) =	vpush v2, $0xE;
	v3 =	vld.msk [tilespmem:s19+$0x30], $0x1;
	_ =	sdelay $0x4  }
0x264: {  	v4 =	vshrl.u32 v3, $0x3  }
0x265: {  	v4 =	vmul.u32 $0x278, v4  }
0x266: {  	v3 =	vand.u32 $0x7, v3  }
0x267: {  	v3 =	vor.u32 v3, v4  }
0x268: {  	v3 =	vperm.xlane v3, v33;
	_ =	sdelay $0x1  }
0x269: {  	v3 =	vadd.s32 v0, v3;
	_ =	sdelay $0x3  }
0x26a: {  	s29 =	sadd.s32 $0x2100, s20;
	s30 =	spop (v2sf)  }
0x26b: {  	[tilespmem:s29], [sflag:$0x1] =	stream.indirect_vreg.gather [hbm4b:s30+s2], $0x80, v3, vm0, $0xb8;
	[tilespmem:$0x11E00] =	vst v63  }
0x26c: {  	(v2sf) =	vpush v2, $0xF;
	v2 =	vld.msk [tilespmem:s19+$0x38], $0x1;
	_ =	sdelay $0x4  }
0x26d: {  	v3 =	vshrl.u32 v2, $0x3  }
0x26e: {  	v3 =	vmul.u32 $0x278, v3  }
0x26f: {  	v2 =	vand.u32 $0x7, v2  }
0x270: {  	v2 =	vor.u32 v2, v3  }
0x271: {  	v2 =	vperm.xlane v2, v33;
	_ =	sdelay $0x1  }
0x272: {  	p0 =	sne.s32 s17, $0x3E000;
	v2 =	vadd.s32 v0, v2  }
.Ltmp1:
0x273: {  	_ = 	snop;
	(pc) =	sbr.rel @p0 .LBB2_4-.Ltmp1, $4  }
0x274: {  	_ = 	snop  }
0x275: {  	s18 =	sadd.s32 $0x10, s18;
	s17 =	sadd.s32 $0x2000, s17  }
0x276: {  	s20 =	sadd.s32 $0x2180, s20;
	s31 =	spop (v2sf);
	s19 =	sadd.s32 $0x80, s19  }
0x277: {  	[tilespmem:s20], [sflag:$0x1] =	stream.indirect_vreg.gather [hbm4b:s31+s2], $0x80, v2, vm0, $0xb8;
	[tilespmem:$0x11E00] =	vst v63  }
0x278: {  	_ =	swait.ge [sflag:s13], $0x10000  }
0x279: {  	[sflag:s13] =	ssyncset.done $0x0  }
0x27a: {  	[sflag:s13] =	ssyncadd.s32 $0xFFFF0000  }
0x27b: {  	v2 =	vld [tilespmem:$0x1800];
	_ =	sdelay $0x4  }
0x27c: {  	v2 =	vand.u32 $0x7F, v2  }
0x27d: {  	v3 =	vld [tilespmem:$0x1810];
	v2 =	vor.u32 v31, v2;
	_ =	sdelay $0x4  }
0x27e: {  	v3 =	vand.u32 $0x7F, v3;
	v2 =	vld.idx.msk [tilespmem:v2+s14+$0x0], $0xffff  }
0x27f: {  	v4 =	vld [tilespmem:$0x1820];
	v3 =	vor.u32 v34, v3;
	_ =	sdelay $0x3  }
0x280: {  	[tilespmem:$0x11C00] =	vst v2  }
0x281: {  	v2 =	vld.idx.msk [tilespmem:v3+s14+$0x0], $0xffff;
	v3 =	vand.u32 $0x7F, v4  }
0x282: {  	v4 =	vld [tilespmem:$0x1830];
	v3 =	vor.u32 v35, v3;
	_ =	sdelay $0x3  }
0x283: {  	[tilespmem:$0x11C10] =	vst v2  }
0x284: {  	v2 =	vld.idx.msk [tilespmem:v3+s14+$0x0], $0xffff;
	v3 =	vand.u32 $0x7F, v4  }
0x285: {  	v4 =	vld [tilespmem:$0x1840];
	v3 =	vor.u32 v36, v3;
	_ =	sdelay $0x3  }
0x286: {  	[tilespmem:$0x11C20] =	vst v2  }
0x287: {  	v2 =	vld.idx.msk [tilespmem:v3+s14+$0x0], $0xffff;
	v3 =	vand.u32 $0x7F, v4  }
0x288: {  	v4 =	vld [tilespmem:$0x1850];
	v3 =	vor.u32 v37, v3;
	_ =	sdelay $0x3  }
0x289: {  	[tilespmem:$0x11C30] =	vst v2  }
0x28a: {  	v2 =	vld.idx.msk [tilespmem:v3+s14+$0x0], $0xffff;
	v3 =	vand.u32 $0x7F, v4  }
0x28b: {  	v4 =	vld [tilespmem:$0x1860];
	v3 =	vor.u32 v38, v3;
	_ =	sdelay $0x3  }
0x28c: {  	[tilespmem:$0x11C40] =	vst v2  }
0x28d: {  	v2 =	vld.idx.msk [tilespmem:v3+s14+$0x0], $0xffff;
	v3 =	vand.u32 $0x7F, v4  }
0x28e: {  	v4 =	vld [tilespmem:$0x1870];
	v3 =	vor.u32 v39, v3;
	_ =	sdelay $0x3  }
0x28f: {  	[tilespmem:$0x11C50] =	vst v2  }
0x290: {  	v2 =	vld.idx.msk [tilespmem:v3+s14+$0x0], $0xffff;
	v3 =	vand.u32 $0x7F, v4  }
0x291: {  	v4 =	vld [tilespmem:$0x1880];
	v3 =	vor.u32 v40, v3;
	_ =	sdelay $0x3  }
0x292: {  	[tilespmem:$0x11C60] =	vst v2  }
0x293: {  	v2 =	vld.idx.msk [tilespmem:v3+s14+$0x0], $0xffff;
	v3 =	vand.u32 $0x7F, v4  }
0x294: {  	v4 =	vld [tilespmem:$0x1890];
	v3 =	vor.u32 v41, v3;
	_ =	sdelay $0x3  }
0x295: {  	[tilespmem:$0x11C70] =	vst v2  }
0x296: {  	v2 =	vld.idx.msk [tilespmem:v3+s14+$0x0], $0xffff;
	v3 =	vand.u32 $0x7F, v4  }
0x297: {  	v4 =	vld [tilespmem:$0x18A0];
	v3 =	vor.u32 v42, v3;
	_ =	sdelay $0x3  }
0x298: {  	[tilespmem:$0x11C80] =	vst v2  }
0x299: {  	v2 =	vld.idx.msk [tilespmem:v3+s14+$0x0], $0xffff;
	v3 =	vand.u32 $0x7F, v4  }
0x29a: {  	v4 =	vld [tilespmem:$0x18B0];
	v3 =	vor.u32 v43, v3;
	_ =	sdelay $0x3  }
0x29b: {  	[tilespmem:$0x11C90] =	vst v2  }
0x29c: {  	v2 =	vld.idx.msk [tilespmem:v3+s14+$0x0], $0xffff;
	v3 =	vand.u32 $0x7F, v4  }
0x29d: {  	v4 =	vld [tilespmem:$0x18C0];
	v3 =	vor.u32 v44, v3;
	_ =	sdelay $0x3  }
0x29e: {  	[tilespmem:$0x11CA0] =	vst v2  }
0x29f: {  	v2 =	vld.idx.msk [tilespmem:v3+s14+$0x0], $0xffff;
	v3 =	vand.u32 $0x7F, v4  }
0x2a0: {  	v4 =	vld [tilespmem:$0x18D0];
	v3 =	vor.u32 v45, v3;
	_ =	sdelay $0x3  }
0x2a1: {  	[tilespmem:$0x11CB0] =	vst v2  }
0x2a2: {  	v2 =	vld.idx.msk [tilespmem:v3+s14+$0x0], $0xffff;
	v3 =	vand.u32 $0x7F, v4  }
0x2a3: {  	v4 =	vld [tilespmem:$0x18E0];
	v3 =	vor.u32 v46, v3;
	_ =	sdelay $0x3  }
0x2a4: {  	[tilespmem:$0x11CC0] =	vst v2  }
0x2a5: {  	v2 =	vld.idx.msk [tilespmem:v3+s14+$0x0], $0xffff;
	v3 =	vand.u32 $0x7F, v4  }
0x2a6: {  	v4 =	vld [tilespmem:$0x18F0];
	v3 =	vor.u32 v47, v3;
	_ =	sdelay $0x3  }
0x2a7: {  	[tilespmem:$0x11CD0] =	vst v2  }
0x2a8: {  	v2 =	vld.idx.msk [tilespmem:v3+s14+$0x0], $0xffff;
	v3 =	vand.u32 $0x7F, v4  }
0x2a9: {  	v4 =	vld [tilespmem:$0x1900];
	v3 =	vor.u32 v48, v3;
	_ =	sdelay $0x3  }
0x2aa: {  	[tilespmem:$0x11CE0] =	vst v2  }
0x2ab: {  	v2 =	vld.idx.msk [tilespmem:v3+s14+$0x0], $0xffff;
	v3 =	vand.u32 $0x7F, v4  }
0x2ac: {  	v4 =	vld [tilespmem:$0x1910];
	v3 =	vor.u32 v49, v3;
	_ =	sdelay $0x3  }
0x2ad: {  	[tilespmem:$0x11CF0] =	vst v2  }
0x2ae: {  	v2 =	vld.idx.msk [tilespmem:v3+s14+$0x0], $0xffff;
	v3 =	vand.u32 $0x7F, v4  }
0x2af: {  	v4 =	vld [tilespmem:$0x1920];
	v3 =	vor.u32 v50, v3;
	_ =	sdelay $0x3  }
0x2b0: {  	[tilespmem:$0x11D00] =	vst v2  }
0x2b1: {  	v2 =	vld.idx.msk [tilespmem:v3+s14+$0x0], $0xffff;
	v3 =	vand.u32 $0x7F, v4  }
0x2b2: {  	v4 =	vld [tilespmem:$0x1930];
	v3 =	vor.u32 v51, v3;
	_ =	sdelay $0x3  }
0x2b3: {  	[tilespmem:$0x11D10] =	vst v2  }
0x2b4: {  	v2 =	vld.idx.msk [tilespmem:v3+s14+$0x0], $0xffff;
	v3 =	vand.u32 $0x7F, v4  }
0x2b5: {  	v4 =	vld [tilespmem:$0x1940];
	v3 =	vor.u32 v52, v3;
	_ =	sdelay $0x3  }
0x2b6: {  	[tilespmem:$0x11D20] =	vst v2  }
0x2b7: {  	v2 =	vld.idx.msk [tilespmem:v3+s14+$0x0], $0xffff;
	v3 =	vand.u32 $0x7F, v4  }
0x2b8: {  	v4 =	vld [tilespmem:$0x1950];
	v3 =	vor.u32 v53, v3;
	_ =	sdelay $0x3  }
0x2b9: {  	[tilespmem:$0x11D30] =	vst v2  }
0x2ba: {  	v2 =	vld.idx.msk [tilespmem:v3+s14+$0x0], $0xffff;
	v3 =	vand.u32 $0x7F, v4  }
0x2bb: {  	v4 =	vld [tilespmem:$0x1960];
	v3 =	vor.u32 v54, v3;
	_ =	sdelay $0x3  }
0x2bc: {  	[tilespmem:$0x11D40] =	vst v2  }
0x2bd: {  	v2 =	vld.idx.msk [tilespmem:v3+s14+$0x0], $0xffff;
	v3 =	vand.u32 $0x7F, v4  }
0x2be: {  	v4 =	vld [tilespmem:$0x1970];
	v3 =	vor.u32 v55, v3;
	_ =	sdelay $0x3  }
0x2bf: {  	[tilespmem:$0x11D50] =	vst v2  }
0x2c0: {  	v2 =	vld.idx.msk [tilespmem:v3+s14+$0x0], $0xffff;
	v3 =	vand.u32 $0x7F, v4  }
0x2c1: {  	v4 =	vld [tilespmem:$0x1980];
	v3 =	vor.u32 v56, v3;
	_ =	sdelay $0x3  }
0x2c2: {  	[tilespmem:$0x11D60] =	vst v2  }
0x2c3: {  	v2 =	vld.idx.msk [tilespmem:v3+s14+$0x0], $0xffff;
	v3 =	vand.u32 $0x7F, v4  }
0x2c4: {  	v4 =	vld [tilespmem:$0x1990];
	v3 =	vor.u32 v57, v3;
	_ =	sdelay $0x3  }
0x2c5: {  	[tilespmem:$0x11D70] =	vst v2  }
0x2c6: {  	v2 =	vld.idx.msk [tilespmem:v3+s14+$0x0], $0xffff;
	v3 =	vand.u32 $0x7F, v4  }
0x2c7: {  	v4 =	vld [tilespmem:$0x19A0];
	v3 =	vor.u32 v58, v3;
	_ =	sdelay $0x3  }
0x2c8: {  	[tilespmem:$0x11D80] =	vst v2  }
0x2c9: {  	v2 =	vld.idx.msk [tilespmem:v3+s14+$0x0], $0xffff;
	v3 =	vand.u32 $0x7F, v4  }
0x2ca: {  	v4 =	vld [tilespmem:$0x19B0];
	v3 =	vor.u32 v59, v3;
	_ =	sdelay $0x3  }
0x2cb: {  	[tilespmem:$0x11D90] =	vst v2  }
0x2cc: {  	v2 =	vld.idx.msk [tilespmem:v3+s14+$0x0], $0xffff;
	v3 =	vand.u32 $0x7F, v4  }
0x2cd: {  	v4 =	vld [tilespmem:$0x19C0];
	v3 =	vor.u32 v60, v3;
	_ =	sdelay $0x3  }
0x2ce: {  	[tilespmem:$0x11DA0] =	vst v2  }
0x2cf: {  	v2 =	vld.idx.msk [tilespmem:v3+s14+$0x0], $0xffff;
	v3 =	vand.u32 $0x7F, v4  }
0x2d0: {  	v4 =	vld [tilespmem:$0x19D0];
	v3 =	vor.u32 v61, v3;
	_ =	sdelay $0x3  }
0x2d1: {  	[tilespmem:$0x11DB0] =	vst v2  }
0x2d2: {  	v2 =	vld.idx.msk [tilespmem:v3+s14+$0x0], $0xffff;
	v3 =	vand.u32 $0x7F, v4  }
0x2d3: {  	v4 =	vld [tilespmem:$0x19E0];
	v3 =	vor.u32 v62, v3;
	_ =	sdelay $0x3  }
0x2d4: {  	[tilespmem:$0x11DC0] =	vst v2  }
0x2d5: {  	v2 =	vld.idx.msk [tilespmem:v3+s14+$0x0], $0xffff;
	v3 =	vand.u32 $0x7F, v4  }
0x2d6: {  	v4 =	vld [tilespmem:$0x19F0];
	v3 =	vor.u32 v63, v3;
	_ =	sdelay $0x3  }
0x2d7: {  	[tilespmem:$0x11DD0] =	vst v2  }
0x2d8: {  	v2 =	vld.idx.msk [tilespmem:v3+s14+$0x0], $0xffff;
	v3 =	vand.u32 $0x7F, v4  }
0x2d9: {  	v1 =	vor.u32 v1, v3;
	_ =	sdelay $0x3  }
0x2da: {  	[tilespmem:$0x11DE0] =	vst v2  }
0x2db: {  	v1 =	vld.idx.msk [tilespmem:v1+s14+$0x0], $0xffff;
	_ =	sdelay $0x2  }
0x2dc: {  	s16 =	sadd.s32 $0x1, s16  }
0x2dd: {  	p0 =	sne.s32 s16, s8  }
.Ltmp2:
0x2de: {  	[tilespmem:$0x11DF0] =	vst v1;
	(pc) =	sbr.rel @p0 .LBB2_1-.Ltmp2, $4  }
0x2df: {  	[hbm4b:s7+s2] =	stream.linear.scatter [tilespmem:s15], [sflag:$0x2], $0x400, $0x38;
	[tilespmem:$0x11E00] =	vst v63  }
0x2e0: {  	_ =	swait.ge [sflag:s9], $0x400  }
0x2e1: {  	[sflag:s9] =	ssyncset.done $0x0  }
0x2e2: {  	[sflag:s9] =	ssyncadd.s32 $0xFFFFFC00  }
0x2e3: {  	_ =	sfence.sel $0x180000  }
0x2e4: {  	[bflag:$0x0] =	sbarrier.arrive $0xFFFF  }
0x2e5: {  	p0 =	sne.s32 s3, $0x0;
	_ =	strace $0x90000047  }
0x2e6: {  	s0 =	sadd.s32 @!p0 $0x100000, s1;
	[bflag:$0x2] =	sbarrier.arrive $0xFFFF  }
0x2e7: {  	[sflag:s0] =	ssyncadd.tile.s32 @!p0 $0x1;
	_ =	shalt  }
.Lfunc_end2:
_tile_overlayer_lowered:
.L_overlay_start_2:
0x2e8: {  	(tag) =	ssettag $0x2  }
0x2e9: {  	s0 =	rddreg [dreg:$0x0];
	s2 =	stileid.u32  }
0x2ea: {  	s1 =	rddreg [dreg:$0x1];
	p0 =	sne.s32 s2, $0x0  }
0x2eb: {  	s3 =	rddreg [dreg:$0x2];
	[bflag:$0x3] =	sbarrier.arrive $0xFFFF;
	s2 =	simm.s32 @!p0 $0x1C02  }
0x2ec: {  	[timem:s3], [sflag:s2] =	dma.local @!p0 [hbm:s0], s1  }
0x2ed: {  	s0 =	simm.s32 @!p0 $0x2  }
0x2ee: {  	_ =	swait.ge @!p0 [sflag:s0], s1  }
0x2ef: {  	s1 =	ssub.s32 @!p0 $0x0, s1;
	[sflag:s0] =	ssyncset.done @!p0 $0x0  }
0x2f0: {  	[sflag:s0] =	ssyncadd.s32 @!p0 s1  }
0x2f1: {  	[bflag:$0x3] =	sbarrier.arrive $0xFFFF  }
0x2f2: {  	_ =	shalt  }

// kernel: kernel.7.cloned.1.call-start
scs
__scs_entry_jumppad:
0x0: {  	(pc) =	sbr.rel $0x88, $3  }
0x1: {  	(tag) =	ssettag $0x0;
	lr =	simm.s32 $0x1  }
0x2: {  	[smem:$0x3F9B] =	sst lr;
	_ =	strace $0xD0000000  }
0x3: {  	_ = 	snop  }
0x4: {  	_ = 	snop  }
0x5: {  	_ = 	snop  }
0x6: {  	_ = 	snop  }
0x7: {  	_ = 	snop  }
__scs_overlays_trampoline_lowered:
0x8: {  	[smem:$0x3FAA] =	sst s0  }
0x9: {  	[smem:$0x3FAB] =	sst s1  }
0xa: {  	[smem:$0x3FAC] =	sst s2  }
0xb: {  	[smem:$0x3FAD] =	sst s3  }
0xc: {  	[smem:$0x3FAE] =	sst s4  }
0xd: {  	[smem:$0x3FAF] =	sst s5  }
0xe: {  	[smem:$0x3FB0] =	sst s6  }
0xf: {  	[smem:$0x3FB1] =	sst s7  }
0x10: {  	[smem:$0x3FB2] =	sst s8  }
0x11: {  	[smem:$0x3FB3] =	sst s9;
	s0 =	simm.s32 @!p0 $0x0  }
0x12: {  	s1 =	sld [smem:$0x3F99];
	s0 =	simm.s32 @p0 $0x1  }
0x13: {  	[smem:$0x3FB4] =	sst s0;
	s0 =	simm.s32 @!p1 $0x0  }
0x14: {  	s2 =	sld [smem:$0x3F98];
	s0 =	simm.s32 @p1 $0x1  }
0x15: {  	[smem:$0x3FB5] =	sst s0;
	s0 =	simm.s32 @!p2 $0x0  }
0x16: {  	s3 =	sld [smem:$0x3FDB];
	s0 =	simm.s32 @p2 $0x1  }
0x17: {  	s4 =	simm.s32 $0x1BF5;
	[smem:$0x3FB7] =	sst s0  }
0x18: {  	s0 =	sld [smem:$0x3F9A];
	_ =	swait.ge [sflag:s4], $0x0  }
0x19: {  	s7 =	sld [smem:$0x3F9B]  }
0x1a: {  	s8 =	sadd.s32 $0xFFFFE003, lr  }
0x1b: {  	s9 =	sadd.s32 $0xFFFFFEF7, lr;
	s5 =	simm.s32 $0xFFFFFFFF;
	p2 =	slt.u32 s8, $0xFFFFF086  }
0x1c: {  	p1 =	slt.u32 s9, $0xF7A;
	s5 =	simm.s32 @!p2 $0x0  }
0x1d: {  	s5 =	simm.s32 @p1 $0x1;
	p0 =	seq.s32 s7, s2  }
0x1e: {  	s7 =	smul.u32 @!p0 $0xF7A, s2;
	p2 =	seq.s32 @!p0 s5, $0x0  }
0x1f: {  	s9 =	smul.u32 $0xF7A, s1;
	s8 =	simm.s32 @!p0 $0x1BF5;
	p2 =	por !p2, p0  }
0x20: {  	[sflag:s8] =	ssyncset.s32 @!p0 $0xFFFFF086;
	s6 =	sadd.s32 @!p0 s3, s7;
	s7 =	simm.s32 @!p0 $0x108  }
0x21: {  	s3 =	sadd.s32 s3, s9;
	s6 =	sadd.s32 @!p0 $0x88, s6;
	s7 =	simm.s32 @p2 $0x1082  }
0x22: {  	[simem:s7], [sflag:s8] =	dma.local @!p0 [hbm:s6], $0xF7A  }
0x23: {  	s9 =	sor.u32 $0xD0000000, s2;
	s6 =	simm.s32 $0x108;
	_ =	swait.ge @!p0 [sflag:s8], $0x0  }
0x24: {  	s3 =	sadd.s32 $0x88, s3;
	s6 =	simm.s32 @!p1 $0x1082;
	[sflag:s4] =	ssyncset.s32 $0xFFFFF086  }
0x25: {  	[simem:s6], [sflag:s4] =	dma.local [hbm:s3], $0xF7A  }
0x26: {  	[smem:$0x3F9B] =	sst s1;
	(tag) =	ssettag s2;
	_ =	strace s9  }
0x27: {  	s1 =	sld [smem:$0x3FAB]  }
0x28: {  	s2 =	sld [smem:$0x3FAC]  }
0x29: {  	s4 =	sld [smem:$0x3FAE]  }
0x2a: {  	p0 =	seq.s32 s5, $0x0;
	s5 =	sld [smem:$0x3FAF]  }
0x2b: {  	s6 =	sld [smem:$0x3FB0]  }
0x2c: {  	s7 =	sld [smem:$0x3FB1]  }
0x2d: {  	s3 =	simm.s32 $0x108;
	s8 =	sld [smem:$0x3FB2]  }
0x2e: {  	s3 =	simm.s32 @!p0 $0x1082;
	s9 =	sld [smem:$0x3FB3]  }
0x2f: {  	lr =	sadd.s32 s0, s3;
	s0 =	sld [smem:$0x3FAA]  }
0x30: {  	s3 =	sld [smem:$0x3FAD]  }
0x31: {  	[smem:$0x3FB6] =	sst s10  }
0x32: {  	s10 =	sld [smem:$0x3FB4];
	_ =	sdelay $0x3  }
0x33: {  	p0 =	seq.s32 s10, $0x1;
	s10 =	sld [smem:$0x3FB6];
	_ =	sdelay $0x3  }
0x34: {  	[smem:$0x3FB6] =	sst s10  }
0x35: {  	s10 =	sld [smem:$0x3FB5];
	_ =	sdelay $0x3  }
0x36: {  	p1 =	seq.s32 s10, $0x1;
	s10 =	sld [smem:$0x3FB6];
	_ =	sdelay $0x3  }
0x37: {  	[smem:$0x3FB6] =	sst s10  }
0x38: {  	s10 =	sld [smem:$0x3FB7]  }
0x39: {  	_ = 	snop;
	(pc) =	sbr.ind lr, $3  }
0x3a: {  	_ = 	snop  }
0x3b: {  	_ = 	snop  }
0x3c: {  	p2 =	seq.s32 s10, $0x1;
	s10 =	sld [smem:$0x3FB6]  }
0x3d: {  	_ =	shalt  }
0x3e: {  	_ =	shalt  }
0x3f: {  	_ =	shalt  }
0x40: {  	_ =	shalt  }
0x41: {  	_ =	shalt  }
0x42: {  	_ =	shalt  }
0x43: {  	_ =	shalt  }
0x44: {  	_ =	shalt  }
0x45: {  	_ =	shalt  }
0x46: {  	_ =	shalt  }
0x47: {  	_ =	shalt  }
0x48: {  	_ =	shalt  }
0x49: {  	_ =	shalt  }
0x4a: {  	_ =	shalt  }
0x4b: {  	_ =	shalt  }
0x4c: {  	_ =	shalt  }
0x4d: {  	_ =	shalt  }
0x4e: {  	_ =	shalt  }
0x4f: {  	_ =	shalt  }
0x50: {  	_ =	shalt  }
0x51: {  	_ =	shalt  }
0x52: {  	_ =	shalt  }
0x53: {  	_ =	shalt  }
0x54: {  	_ =	shalt  }
0x55: {  	_ =	shalt  }
0x56: {  	_ =	shalt  }
0x57: {  	_ =	shalt  }
0x58: {  	_ =	shalt  }
0x59: {  	_ =	shalt  }
0x5a: {  	_ =	shalt  }
0x5b: {  	_ =	shalt  }
0x5c: {  	_ =	shalt  }
0x5d: {  	_ =	shalt  }
0x5e: {  	_ =	shalt  }
0x5f: {  	_ =	shalt  }
0x60: {  	_ =	shalt  }
0x61: {  	_ =	shalt  }
0x62: {  	_ =	shalt  }
0x63: {  	_ =	shalt  }
0x64: {  	_ =	shalt  }
0x65: {  	_ =	shalt  }
0x66: {  	_ =	shalt  }
0x67: {  	_ =	shalt  }
0x68: {  	_ =	shalt  }
0x69: {  	_ =	shalt  }
0x6a: {  	_ =	shalt  }
0x6b: {  	_ =	shalt  }
0x6c: {  	_ =	shalt  }
0x6d: {  	_ =	shalt  }
0x6e: {  	_ =	shalt  }
0x6f: {  	_ =	shalt  }
0x70: {  	_ =	shalt  }
0x71: {  	_ =	shalt  }
0x72: {  	_ =	shalt  }
0x73: {  	_ =	shalt  }
0x74: {  	_ =	shalt  }
0x75: {  	_ =	shalt  }
0x76: {  	_ =	shalt  }
0x77: {  	_ =	shalt  }
0x78: {  	_ =	shalt  }
0x79: {  	_ =	shalt  }
0x7a: {  	_ =	shalt  }
0x7b: {  	_ =	shalt  }
0x7c: {  	_ =	shalt  }
0x7d: {  	_ =	shalt  }
0x7e: {  	_ =	shalt  }
0x7f: {  	_ =	shalt  }
0x80: {  	_ =	shalt  }
0x81: {  	_ =	shalt  }
0x82: {  	_ =	shalt  }
0x83: {  	_ =	shalt  }
0x84: {  	_ =	shalt  }
0x85: {  	_ =	shalt  }
0x86: {  	_ =	shalt  }
0x87: {  	_ =	shalt  }
.Lfunc_end0:
.L_simem_size_0:
called_computation.1_lowered:
.L_overlay_start_0:
0x88: {  	s2 =	sld [smem:$0x3FD9]  }
0x89: {  	s3 =	sld [smem:$0x3FFE];
	_ =	sdelay $0x1  }
0x8a: {  	s1 =	srdreg.scid  }
0x8b: {  	s0 =	sand.u32 $0x1, s1  }
0x8c: {  	s17 =	sshll.u32 s0, $0xA;
	s2 =	sadd.s32 s3, s2  }
0x8d: {  	s2 =	sadd.s32 s2, s17  }
0x8e: {  	[smem:$0x3FC2] =	sst s2  }
0x8f: {  	_ = 	snop  }
0x90: {  	s2 =	sld [smem:$0x3FC9]  }
0x91: {  	s18 =	sld [smem:$0x3FC8]  }
0x92: {  	s4 =	sld [smem:$0x3FC7];
	(tm) =	ssettm $0x1  }
0x93: {  	s5 =	sld [smem:$0x3FFB];
	_ =	sdelay $0x3  }
0x94: {  	_ =	strace s5  }
0x95: {  	s5 =	sld [smem:$0x3FFC];
	_ =	sdelay $0x3  }
0x96: {  	_ =	strace s5  }
0x97: {  	s5 =	sld [smem:$0x3FFD];
	_ =	sdelay $0x3  }
0x98: {  	_ =	strace s5  }
0x99: {  	_ =	strace $0x8FFFFFFF  }
0x9a: {  	s19 =	sld [smem:$0x3FDB];
	_ =	sdelay $0x1  }
0x9b: {  	s6 =	simm.s32 $_scs_section_size  }
0x9c: {  	s7 =	simm.s32 $_size__tile_overlayer_lowered;
	s8 =	simm.s32 $_tile_overlayer_lowered  }
0x9d: {  	s22 =	simm.s32 $0x1BFF;
	s21 =	sshll.u32 s8, $0x1;
	s5 =	sadd.s32 s6, s19  }
0x9e: {  	s9 =	simm.s32 $0x0;
	s20 =	sshll.u32 s7, $0x1;
	s7 =	sadd.s32 s21, s5  }
0x9f: {  	[timem:s9], [sflag:s22] =	dma.local [hbm:s7], s20  }
0xa0: {  	_ =	swait.ge [sflag:s22], s20  }
0xa1: {  	s6 =	ssub.s32 $0x0, s20;
	[sflag:s22] =	ssyncset.done $0x0  }
0xa2: {  	[sflag:s22] =	ssyncadd.s32 s6;
	_ =	sdelay $0x1  }
0xa3: {  	s23 =	simm.s32 $0x1B8B  }
0xa4: {  	_ =	swait.ge [sflag:s23], $0x1  }
0xa5: {  	[sflag:s23] =	ssyncset.done $0x0  }
0xa6: {  	s25 =	simm.s32 $0x1B8E;
	s24 =	sld [smem:$0x3FFE];
	[sflag:s23] =	ssyncadd.s32 $0xFFFFFFFF  }
0xa7: {  	s26 =	simm.s32 $execute0_lowered;
	[smem:$0x3FD2] =	sst s25  }
0xa8: {  	s7 =	sshll.u32 s26, $0x1;
	_ =	strace $0x80000049;
	[dreg:$0x1] =	wrdreg $0xFFFFFFFF  }
0xa9: {  	s28 =	simm.s32 $_size_execute0_lowered;
	s5 =	sadd.s32 s5, s7;
	[dreg:$0x0] =	wrdreg $0x0  }
0xaa: {  	s7 =	sshll.u32 s28, $0x1;
	[dreg:$0x2] =	wrdreg s5  }
0xab: {  	[dreg:$0x3] =	wrdreg s7  }
0xac: {  	[dreg:$0x4] =	wrdreg $0xC0  }
0xad: {  	_ =	task [dreg:s9], $0x5FFFF  }
0xae: {  	[dreg:$0x1] =	wrdreg $0xFFFFFFFF  }
0xaf: {  	[dreg:$0x0] =	wrdreg $0x60  }
0xb0: {  	[dreg:$0x2] =	wrdreg s2  }
0xb1: {  	[dreg:$0x3] =	wrdreg s18  }
0xb2: {  	[dreg:$0x4] =	wrdreg s4  }
0xb3: {  	[dreg:$0x5] =	wrdreg s24  }
0xb4: {  	[dreg:$0x6] =	wrdreg $0x9  }
0xb5: {  	_ =	task.clear_ibuf [dreg:s9], $0x7FFFF;
	_ =	strace $0x90000049  }
0xb6: {  	s29 =	simm.s32 $0x9;
	_ =	strace $0x8000004B  }
0xb7: {  	_ =	swait.ge [sflag:s29], $0x1  }
0xb8: {  	[sflag:s29] =	ssyncadd.s32 $0xFFFFFFFF  }
0xb9: {  	_ =	strace $0x9000004B  }
0xba: {  	_ =	sfence  }
0xbb: {  	s30 =	sld [smem:$0x0];
	_ =	sdelay $0x2  }
0xbc: {  	s31 =	sshll.u32 s1, $0xD;
	s1 =	sshrl.u32 s1, $0x2  }
0xbd: {  	s3 =	sand.u32 $0x4000, s31;
	s1 =	sadd.s32 s1, s30  }
0xbe: {  	s0 =	sor.u32 s3, s0;
	s1 =	sshll.u32 s1, $0x11  }
0xbf: {  	s0 =	sor.u32 s1, s0  }
0xc0: {  	s0 =	sadd.s32 $0x8F2B, s0  }
0xc1: {  	[sflag:s0] =	ssyncadd.remote.s32 $0x1  }
0xc2: {  	_ =	sfence.sel $0xFFFF  }
0xc3: {  	[dreg:$0x0] =	wrdreg $0xFFFFFFFF;
	(pc) =	sbr.abs _section_cstart, $3  }
0xc4: {  	[dreg:$0x1] =	wrdreg $0xFFFFFFFF  }
0xc5: {  	_ =	task.clear_ibuf [dreg:s9], $0x2FFFF;
	_ =	strace $0x9FFFFFFF  }
0xc6: {  	(tm) =	ssettm $0x7FFFFFFF  }
0xc7: {  	_ =	shalt  }
tec
execute0_lowered:
.L_overlay_start_1:
0x0: {  	(tag) =	ssettag $0x1  }
0x1: {  	s0 =	rddreg [dreg:$0x0]  }
0x2: {  	s1 =	rddreg [dreg:$0x1]  }
0x3: {  	s7 =	rddreg [dreg:$0x2]  }
0x4: {  	s5 =	rddreg [dreg:$0x3];
	s2 =	simm.s32 $0x0  }
0x5: {  	s3 =	srdreg.scid;
	s4 =	stileid.u32;
	s12 =	simm.s32 $0x200  }
0x6: {  	s13 =	simm.s32 $0x400;
	s14 =	simm.s32 $0x80;
	s26 =	simm.s32 $0xC600  }
0x7: {  	s28 =	simm.s32 $0x500;
	s29 =	simm.s32 $0x14600;
	s30 =	simm.s32 $0x180  }
0x8: {  	s31 =	simm.s32 $0x6600;
	s15 =	simm.s32 $0x580;
	s16 =	simm.s32 $0x16600  }
0x9: {  	s17 =	simm.s32 $0x18600;
	s18 =	simm.s32 $0x1;
	s19 =	simm.s32 $0x18A00  }
0xa: {  	s20 =	simm.s32 $0x18B80;
	s21 =	simm.s32 $0x18D00;
	s22 =	simm.s32 $0x0  }
0xb: {  	[smem:$0x7FF] =	sst s2;
	s6 =	sand.u32 $0x1, s3;
	s4 =	sshll.u32 s4, $0x1  }
0xc: {  	s3 =	sadd.s32 $0x15200, s5;
	_ =	strace $0x8000004A;
	s8 =	sor.u32 s6, s4  }
0xd: {  	s4 =	sadd.s32 $0x1800, s5;
	s6 =	ssub.s32 $0x2, s6;
	s9 =	sshll.u32 s8, $0x7  }
0xe: {  	s10 =	sshll.u32 s8, $0x1;
	s11 =	sshrl.u32 s6, $0x1;
	s8 =	sshll.u32 s8, $0x6  }
0xf: {  	v0 =	vlaneseq.u32;
	s9 =	sadd.s32 s9, s5;
	s10 =	sadd.s32 s10, s5;
	s11 =	ssub.s32 s6, s11  }
0x10: {  	v0 =	vmul.u32 $0x18, v0;
	s5 =	sadd.s32 s0, s8;
	s6 =	sadd.s32 s1, s8;
	s7 =	sadd.s32 s7, s8  }
0x11: {  	s0 =	simm.s32 $0x380;
	s1 =	simm.s32 $0xE600;
	s8 =	sadd.s32 $0x800, s9  }
0x12: {  	v0 =	vadd.s32 $0xF, v0;
	s9 =	sadd.s32 $0x28C00, s10;
	s10 =	smax.u32 s11, $0x1;
	s11 =	simm.s32 $0x2  }
.LBB2_1:
0x13: {  	[tilespmem:s2], [sflag:$0x2] =	stream.linear.gather [hbm4b:s5+s2], $0x200, $0x38;
	[tilespmem:$0x18D10] =	vst v63  }
0x14: {  	_ =	swait.ge [sflag:s11], $0x200  }
0x15: {  	[sflag:s11] =	ssyncset.done $0x0  }
0x16: {  	[sflag:s11] =	ssyncadd.s32 $0xFFFFFE00  }
0x17: {  	[tilespmem:s12], [sflag:$0x2] =	stream.linear.gather [hbm4b:s6+s2], $0x200, $0x38;
	[tilespmem:$0x18D10] =	vst v63  }
0x18: {  	_ =	swait.ge [sflag:s11], $0x200  }
0x19: {  	[sflag:s11] =	ssyncset.done $0x0  }
0x1a: {  	[sflag:s11] =	ssyncadd.s32 $0xFFFFFE00  }
0x1b: {  	[tilespmem:s13], [sflag:$0x2] =	stream.linear.gather [hbm4b:s7+s2], $0x200, $0x38;
	[tilespmem:$0x18D10] =	vst v63  }
0x1c: {  	_ =	swait.ge [sflag:s11], $0x200  }
0x1d: {  	[sflag:s11] =	ssyncset.done $0x0  }
0x1e: {  	s23 =	simm.s32 $0x600;
	[sflag:s11] =	ssyncadd.s32 $0xFFFFFE00  }
0x1f: {  	[tilespmem:s23], [sflag:$0x1] =	stream.indirect.gather [hbm4b:s3+s14], $0x40, s2, s14, $0xb8;
	[tilespmem:$0x18D10] =	vst v63  }
0x20: {  	s24 =	simm.s32 $0x8600  }
0x21: {  	[tilespmem:s24], [sflag:$0x1] =	stream.indirect.gather [hbm4b:s4+s14], $0x40, s12, s14, $0xb8;
	[tilespmem:$0x18D10] =	vst v63  }
0x22: {  	s25 =	simm.s32 $0x10600  }
0x23: {  	[tilespmem:s25], [sflag:$0x1] =	stream.indirect.gather [hbm4b:s4+s14], $0x40, s13, s14, $0xb8;
	[tilespmem:$0x18D10] =	vst v63  }
0x24: {  	s24 =	simm.s32 $0x2600  }
0x25: {  	[tilespmem:s24], [sflag:$0x1] =	stream.indirect.gather [hbm4b:s3+s14], $0x40, s14, s14, $0xb8;
	[tilespmem:$0x18D10] =	vst v63  }
0x26: {  	s25 =	simm.s32 $0x280;
	s24 =	simm.s32 $0xA600  }
0x27: {  	[tilespmem:s24], [sflag:$0x1] =	stream.indirect.gather [hbm4b:s4+s14], $0x40, s25, s14, $0xb8;
	[tilespmem:$0x18D10] =	vst v63  }
0x28: {  	s24 =	simm.s32 $0x480;
	s25 =	simm.s32 $0x12600  }
0x29: {  	[tilespmem:s25], [sflag:$0x1] =	stream.indirect.gather [hbm4b:s4+s14], $0x40, s24, s14, $0xb8;
	[tilespmem:$0x18D10] =	vst v63  }
0x2a: {  	s24 =	simm.s32 $0x100;
	s25 =	simm.s32 $0x4600  }
0x2b: {  	[tilespmem:s25], [sflag:$0x1] =	stream.indirect.gather [hbm4b:s3+s14], $0x40, s24, s14, $0xb8;
	[tilespmem:$0x18D10] =	vst v63  }
0x2c: {  	s25 =	simm.s32 $0x300  }
0x2d: {  	[tilespmem:s26], [sflag:$0x1] =	stream.indirect.gather [hbm4b:s4+s14], $0x40, s25, s14, $0xb8;
	[tilespmem:$0x18D10] =	vst v63  }
0x2e: {  	_ = 	snop  }
0x2f: {  	[tilespmem:s29], [sflag:$0x1] =	stream.indirect.gather [hbm4b:s4+s14], $0x40, s28, s14, $0xb8;
	[tilespmem:$0x18D10] =	vst v63  }
0x30: {  	_ = 	snop  }
0x31: {  	[tilespmem:s31], [sflag:$0x1] =	stream.indirect.gather [hbm4b:s3+s14], $0x40, s30, s14, $0xb8;
	[tilespmem:$0x18D10] =	vst v63  }
0x32: {  	_ = 	snop  }
0x33: {  	[tilespmem:s1], [sflag:$0x1] =	stream.indirect.gather [hbm4b:s4+s14], $0x40, s0, s14, $0xb8;
	[tilespmem:$0x18D10] =	vst v63  }
0x34: {  	_ = 	snop  }
0x35: {  	[tilespmem:s16], [sflag:$0x1] =	stream.indirect.gather [hbm4b:s4+s14], $0x40, s15, s14, $0xb8;
	[tilespmem:$0x18D10] =	vst v63  }
0x36: {  	_ = 	snop  }
0x37: {  	[tilespmem:s17], [sflag:$0x2] =	stream.linear.gather [hbm4b:s8+s2], $0x400, $0x38;
	[tilespmem:$0x18D10] =	vst v63  }
0x38: {  	_ =	swait.ge [sflag:s11], $0x400  }
0x39: {  	[sflag:s11] =	ssyncset.done $0x0  }
0x3a: {  	[sflag:s11] =	ssyncadd.s32 $0xFFFFFC00  }
0x3b: {  	_ =	swait.ge [sflag:s18], $0x2000  }
0x3c: {  	[sflag:s18] =	ssyncset.done $0x0  }
0x3d: {  	[sflag:s18] =	ssyncadd.s32 $0xFFFFE000  }
0x3e: {  	_ =	swait.ge [sflag:s18], $0x2000  }
0x3f: {  	[sflag:s18] =	ssyncset.done $0x0  }
0x40: {  	[sflag:s18] =	ssyncadd.s32 $0xFFFFE000  }
0x41: {  	_ =	swait.ge [sflag:s18], $0x2000  }
0x42: {  	[sflag:s18] =	ssyncset.done $0x0  }
0x43: {  	[sflag:s18] =	ssyncadd.s32 $0xFFFFE000  }
0x44: {  	_ =	swait.ge [sflag:s18], $0x2000  }
0x45: {  	[sflag:s18] =	ssyncset.done $0x0  }
0x46: {  	[sflag:s18] =	ssyncadd.s32 $0xFFFFE000  }
0x47: {  	_ =	swait.ge [sflag:s18], $0x2000  }
0x48: {  	[sflag:s18] =	ssyncset.done $0x0  }
0x49: {  	[sflag:s18] =	ssyncadd.s32 $0xFFFFE000  }
0x4a: {  	_ =	swait.ge [sflag:s18], $0x2000  }
0x4b: {  	[sflag:s18] =	ssyncset.done $0x0  }
0x4c: {  	[sflag:s18] =	ssyncadd.s32 $0xFFFFE000  }
0x4d: {  	_ =	swait.ge [sflag:s18], $0x2000  }
0x4e: {  	[sflag:s18] =	ssyncset.done $0x0  }
0x4f: {  	[sflag:s18] =	ssyncadd.s32 $0xFFFFE000  }
0x50: {  	_ =	swait.ge [sflag:s18], $0x2000  }
0x51: {  	[sflag:s18] =	ssyncset.done $0x0  }
0x52: {  	[sflag:s18] =	ssyncadd.s32 $0xFFFFE000  }
0x53: {  	_ =	swait.ge [sflag:s18], $0x2000  }
0x54: {  	[sflag:s18] =	ssyncset.done $0x0  }
0x55: {  	[sflag:s18] =	ssyncadd.s32 $0xFFFFE000  }
0x56: {  	_ =	swait.ge [sflag:s18], $0x2000  }
0x57: {  	[sflag:s18] =	ssyncset.done $0x0  }
0x58: {  	[sflag:s18] =	ssyncadd.s32 $0xFFFFE000  }
0x59: {  	_ =	swait.ge [sflag:s18], $0x2000  }
0x5a: {  	[sflag:s18] =	ssyncset.done $0x0  }
0x5b: {  	[sflag:s18] =	ssyncadd.s32 $0xFFFFE000  }
0x5c: {  	_ =	swait.ge [sflag:s18], $0x2000  }
0x5d: {  	[sflag:s18] =	ssyncset.done $0x0  }
0x5e: {  	v1 =	vimm.f32 $0.0e+00;
	s23 =	simm.s32 $0x18800;
	s24 =	simm.s32 $0x0;
	[sflag:s18] =	ssyncadd.s32 $0xFFFFE000  }
.LBB2_2:
0x5f: {  	s25 =	sshra.s32 s24, $0x2  }
0x60: {  	v2 =	vld [tilespmem:s25+$0x600]  }
0x61: {  	v3 =	vld [tilespmem:s25+$0x8600]  }
0x62: {  	v4 =	vld [tilespmem:s25+$0x10600]  }
0x63: {  	v5 =	vld [tilespmem:s25+$0x610]  }
0x64: {  	v6 =	vld [tilespmem:s25+$0x8610]  }
0x65: {  	v7 =	vld [tilespmem:s25+$0x10610]  }
0x66: {  	v8 =	vld [tilespmem:s25+$0x620]  }
0x67: {  	v9 =	vld [tilespmem:s25+$0x8620]  }
0x68: {  	v10 =	vld [tilespmem:s25+$0x10620]  }
0x69: {  	v11 =	vld [tilespmem:s25+$0x630];
	v3 =	vmul.f32 v3, v2  }
0x6a: {  	v63 =	vld [tilespmem:s25+$0x8630];
	v2 =	vmul.f32 v4, v2  }
0x6b: {  	v12 =	vld [tilespmem:s25+$0x10630];
	v6 =	vmul.f32 v6, v5;
	v3 =	vadd.f32 $0.0e+00, v3  }
0x6c: {  	v5 =	vmul.f32 v7, v5;
	v2 =	vadd.f32 $0.0e+00, v2  }
0x6d: {  	v9 =	vmul.f32 v9, v8;
	v3 =	vadd.f32 v6, v3  }
0x6e: {  	v13 =	vmul.f32 v10, v8;
	v2 =	vadd.f32 v5, v2  }
0x6f: {  	v4 =	vmul.f32 v63, v11;
	v3 =	vadd.f32 v9, v3  }
0x70: {  	v14 =	vmul.f32 v12, v11;
	v2 =	vadd.f32 v13, v2  }
0x71: {  	v3 =	vadd.f32 v4, v3  }
0x72: {  	v2 =	vadd.f32 v14, v2  }
0x73: {  	(xrf2) =	vadd.scan.msk.f32 $0xffff, v3  }
0x74: {  	(xrf2) =	vadd.scan.msk.f32 $0xffff, v2;
	_ =	sdelay $0x8  }
0x75: {  	v2, _, _ =	vpop (xrf2)  }
0x76: {  	[tilespmem:$0x18A00] =	vst v2;
	v2, _, _ =	vpop (xrf2)  }
0x77: {  	[tilespmem:$0x18B80] =	vst v2  }
0x78: {  	v2 =	vld [tilespmem:s25+$0x640]  }
0x79: {  	v3 =	vld [tilespmem:s25+$0x8640]  }
0x7a: {  	v15 =	vld [tilespmem:s25+$0x10640]  }
0x7b: {  	v16 =	vld [tilespmem:s25+$0x650]  }
0x7c: {  	v17 =	vld [tilespmem:s25+$0x8650]  }
0x7d: {  	v18 =	vld [tilespmem:s25+$0x10650]  }
0x7e: {  	v19 =	vld [tilespmem:s25+$0x660]  }
0x7f: {  	v20 =	vld [tilespmem:s25+$0x8660]  }
0x80: {  	v21 =	vld [tilespmem:s25+$0x10660]  }
0x81: {  	v22 =	vld [tilespmem:s25+$0x670];
	v3 =	vmul.f32 v3, v2  }
0x82: {  	v23 =	vld [tilespmem:s25+$0x8670];
	v2 =	vmul.f32 v15, v2  }
0x83: {  	v24 =	vld [tilespmem:s25+$0x10670];
	v6 =	vmul.f32 v17, v16;
	v3 =	vadd.f32 $0.0e+00, v3  }
0x84: {  	v5 =	vmul.f32 v18, v16;
	v2 =	vadd.f32 $0.0e+00, v2  }
0x85: {  	v25 =	vmul.f32 v20, v19;
	v3 =	vadd.f32 v6, v3  }
0x86: {  	v26 =	vmul.f32 v21, v19;
	v2 =	vadd.f32 v5, v2  }
0x87: {  	v4 =	vmul.f32 v23, v22;
	v3 =	vadd.f32 v25, v3  }
0x88: {  	v27 =	vmul.f32 v24, v22;
	v2 =	vadd.f32 v26, v2  }
0x89: {  	v3 =	vadd.f32 v4, v3  }
0x8a: {  	v2 =	vadd.f32 v27, v2  }
0x8b: {  	(xrf2) =	vadd.scan.msk.f32 $0xffff, v3  }
0x8c: {  	(xrf2) =	vadd.scan.msk.f32 $0xffff, v2;
	_ =	sdelay $0x8  }
0x8d: {  	v2, _, _ =	vpop (xrf2)  }
0x8e: {  	[tilespmem:$0x18A18] =	vst v2;
	v2, _, _ =	vpop (xrf2)  }
0x8f: {  	[tilespmem:$0x18B98] =	vst v2  }
0x90: {  	v2 =	vld [tilespmem:s25+$0x680]  }
0x91: {  	v3 =	vld [tilespmem:s25+$0x8680]  }
0x92: {  	v28 =	vld [tilespmem:s25+$0x10680]  }
0x93: {  	v29 =	vld [tilespmem:s25+$0x690]  }
0x94: {  	v30 =	vld [tilespmem:s25+$0x8690]  }
0x95: {  	v31 =	vld [tilespmem:s25+$0x10690]  }
0x96: {  	v32 =	vld [tilespmem:s25+$0x6A0]  }
0x97: {  	v33 =	vld [tilespmem:s25+$0x86A0]  }
0x98: {  	v34 =	vld [tilespmem:s25+$0x106A0]  }
0x99: {  	v35 =	vld [tilespmem:s25+$0x6B0];
	v3 =	vmul.f32 v3, v2  }
0x9a: {  	v36 =	vld [tilespmem:s25+$0x86B0];
	v2 =	vmul.f32 v28, v2  }
0x9b: {  	v37 =	vld [tilespmem:s25+$0x106B0];
	v6 =	vmul.f32 v30, v29;
	v3 =	vadd.f32 $0.0e+00, v3  }
0x9c: {  	v5 =	vmul.f32 v31, v29;
	v2 =	vadd.f32 $0.0e+00, v2  }
0x9d: {  	v38 =	vmul.f32 v33, v32;
	v3 =	vadd.f32 v6, v3  }
0x9e: {  	v39 =	vmul.f32 v34, v32;
	v2 =	vadd.f32 v5, v2  }
0x9f: {  	v4 =	vmul.f32 v36, v35;
	v3 =	vadd.f32 v38, v3  }
0xa0: {  	v40 =	vmul.f32 v37, v35;
	v2 =	vadd.f32 v39, v2  }
0xa1: {  	v3 =	vadd.f32 v4, v3  }
0xa2: {  	v2 =	vadd.f32 v40, v2  }
0xa3: {  	(xrf2) =	vadd.scan.msk.f32 $0xffff, v3  }
0xa4: {  	(xrf2) =	vadd.scan.msk.f32 $0xffff, v2;
	_ =	sdelay $0x8  }
0xa5: {  	v2, _, _ =	vpop (xrf2)  }
0xa6: {  	[tilespmem:$0x18A30] =	vst v2;
	v2, _, _ =	vpop (xrf2)  }
0xa7: {  	[tilespmem:$0x18BB0] =	vst v2  }
0xa8: {  	v2 =	vld [tilespmem:s25+$0x6C0]  }
0xa9: {  	v3 =	vld [tilespmem:s25+$0x86C0]  }
0xaa: {  	v41 =	vld [tilespmem:s25+$0x106C0]  }
0xab: {  	v42 =	vld [tilespmem:s25+$0x6D0]  }
0xac: {  	v43 =	vld [tilespmem:s25+$0x86D0]  }
0xad: {  	v44 =	vld [tilespmem:s25+$0x106D0]  }
0xae: {  	v45 =	vld [tilespmem:s25+$0x6E0]  }
0xaf: {  	v46 =	vld [tilespmem:s25+$0x86E0]  }
0xb0: {  	v47 =	vld [tilespmem:s25+$0x106E0]  }
0xb1: {  	v48 =	vld [tilespmem:s25+$0x6F0];
	v3 =	vmul.f32 v3, v2  }
0xb2: {  	v49 =	vld [tilespmem:s25+$0x86F0];
	v2 =	vmul.f32 v41, v2  }
0xb3: {  	v50 =	vld [tilespmem:s25+$0x106F0];
	v6 =	vmul.f32 v43, v42;
	v3 =	vadd.f32 $0.0e+00, v3  }
0xb4: {  	v5 =	vmul.f32 v44, v42;
	v2 =	vadd.f32 $0.0e+00, v2  }
0xb5: {  	v51 =	vmul.f32 v46, v45;
	v3 =	vadd.f32 v6, v3  }
0xb6: {  	v52 =	vmul.f32 v47, v45;
	v2 =	vadd.f32 v5, v2  }
0xb7: {  	v4 =	vmul.f32 v49, v48;
	v3 =	vadd.f32 v51, v3  }
0xb8: {  	v53 =	vmul.f32 v50, v48;
	v2 =	vadd.f32 v52, v2  }
0xb9: {  	v3 =	vadd.f32 v4, v3  }
0xba: {  	v2 =	vadd.f32 v53, v2  }
0xbb: {  	(xrf2) =	vadd.scan.msk.f32 $0xffff, v3  }
0xbc: {  	(xrf2) =	vadd.scan.msk.f32 $0xffff, v2;
	_ =	sdelay $0x8  }
0xbd: {  	v2, _, _ =	vpop (xrf2)  }
0xbe: {  	[tilespmem:$0x18A48] =	vst v2;
	v2, _, _ =	vpop (xrf2)  }
0xbf: {  	[tilespmem:$0x18BC8] =	vst v2  }
0xc0: {  	v2 =	vld [tilespmem:s25+$0x700]  }
0xc1: {  	v3 =	vld [tilespmem:s25+$0x8700]  }
0xc2: {  	v54 =	vld [tilespmem:s25+$0x10700]  }
0xc3: {  	v55 =	vld [tilespmem:s25+$0x710]  }
0xc4: {  	v56 =	vld [tilespmem:s25+$0x8710]  }
0xc5: {  	v57 =	vld [tilespmem:s25+$0x10710]  }
0xc6: {  	v58 =	vld [tilespmem:s25+$0x720]  }
0xc7: {  	v59 =	vld [tilespmem:s25+$0x8720]  }
0xc8: {  	v60 =	vld [tilespmem:s25+$0x10720]  }
0xc9: {  	v61 =	vld [tilespmem:s25+$0x730];
	v3 =	vmul.f32 v3, v2  }
0xca: {  	v62 =	vld [tilespmem:s25+$0x8730];
	v2 =	vmul.f32 v54, v2  }
0xcb: {  	v63 =	vld [tilespmem:s25+$0x10730];
	v6 =	vmul.f32 v56, v55;
	v3 =	vadd.f32 $0.0e+00, v3  }
0xcc: {  	v5 =	vmul.f32 v57, v55;
	v2 =	vadd.f32 $0.0e+00, v2  }
0xcd: {  	v9 =	vmul.f32 v59, v58;
	v3 =	vadd.f32 v6, v3  }
0xce: {  	v13 =	vmul.f32 v60, v58;
	v2 =	vadd.f32 v5, v2  }
0xcf: {  	v4 =	vmul.f32 v62, v61;
	v3 =	vadd.f32 v9, v3  }
0xd0: {  	v14 =	vmul.f32 v63, v61;
	v2 =	vadd.f32 v13, v2  }
0xd1: {  	v3 =	vadd.f32 v4, v3  }
0xd2: {  	v2 =	vadd.f32 v14, v2  }
0xd3: {  	(xrf2) =	vadd.scan.msk.f32 $0xffff, v3  }
0xd4: {  	(xrf2) =	vadd.scan.msk.f32 $0xffff, v2;
	_ =	sdelay $0x8  }
0xd5: {  	v2, _, _ =	vpop (xrf2)  }
0xd6: {  	[tilespmem:$0x18A60] =	vst v2;
	v2, _, _ =	vpop (xrf2)  }
0xd7: {  	[tilespmem:$0x18BE0] =	vst v2  }
0xd8: {  	v2 =	vld [tilespmem:s25+$0x740]  }
0xd9: {  	v3 =	vld [tilespmem:s25+$0x8740]  }
0xda: {  	v15 =	vld [tilespmem:s25+$0x10740]  }
0xdb: {  	v16 =	vld [tilespmem:s25+$0x750]  }
0xdc: {  	v17 =	vld [tilespmem:s25+$0x8750]  }
0xdd: {  	v18 =	vld [tilespmem:s25+$0x10750]  }
0xde: {  	v19 =	vld [tilespmem:s25+$0x760]  }
0xdf: {  	v20 =	vld [tilespmem:s25+$0x8760]  }
0xe0: {  	v21 =	vld [tilespmem:s25+$0x10760]  }
0xe1: {  	v22 =	vld [tilespmem:s25+$0x770];
	v3 =	vmul.f32 v3, v2  }
0xe2: {  	v23 =	vld [tilespmem:s25+$0x8770];
	v2 =	vmul.f32 v15, v2  }
0xe3: {  	v24 =	vld [tilespmem:s25+$0x10770];
	v6 =	vmul.f32 v17, v16;
	v3 =	vadd.f32 $0.0e+00, v3  }
0xe4: {  	v5 =	vmul.f32 v18, v16;
	v2 =	vadd.f32 $0.0e+00, v2  }
0xe5: {  	v25 =	vmul.f32 v20, v19;
	v3 =	vadd.f32 v6, v3  }
0xe6: {  	v26 =	vmul.f32 v21, v19;
	v2 =	vadd.f32 v5, v2  }
0xe7: {  	v4 =	vmul.f32 v23, v22;
	v3 =	vadd.f32 v25, v3  }
0xe8: {  	v27 =	vmul.f32 v24, v22;
	v2 =	vadd.f32 v26, v2  }
0xe9: {  	v3 =	vadd.f32 v4, v3  }
0xea: {  	v2 =	vadd.f32 v27, v2  }
0xeb: {  	(xrf2) =	vadd.scan.msk.f32 $0xffff, v3  }
0xec: {  	(xrf2) =	vadd.scan.msk.f32 $0xffff, v2;
	_ =	sdelay $0x8  }
0xed: {  	v2, _, _ =	vpop (xrf2)  }
0xee: {  	[tilespmem:$0x18A78] =	vst v2;
	v2, _, _ =	vpop (xrf2)  }
0xef: {  	[tilespmem:$0x18BF8] =	vst v2  }
0xf0: {  	v2 =	vld [tilespmem:s25+$0x780]  }
0xf1: {  	v3 =	vld [tilespmem:s25+$0x8780]  }
0xf2: {  	v28 =	vld [tilespmem:s25+$0x10780]  }
0xf3: {  	v29 =	vld [tilespmem:s25+$0x790]  }
0xf4: {  	v30 =	vld [tilespmem:s25+$0x8790]  }
0xf5: {  	v31 =	vld [tilespmem:s25+$0x10790]  }
0xf6: {  	v32 =	vld [tilespmem:s25+$0x7A0]  }
0xf7: {  	v33 =	vld [tilespmem:s25+$0x87A0]  }
0xf8: {  	v34 =	vld [tilespmem:s25+$0x107A0]  }
0xf9: {  	v35 =	vld [tilespmem:s25+$0x7B0];
	v3 =	vmul.f32 v3, v2  }
0xfa: {  	v36 =	vld [tilespmem:s25+$0x87B0];
	v2 =	vmul.f32 v28, v2  }
0xfb: {  	v37 =	vld [tilespmem:s25+$0x107B0];
	v6 =	vmul.f32 v30, v29;
	v3 =	vadd.f32 $0.0e+00, v3  }
0xfc: {  	v5 =	vmul.f32 v31, v29;
	v2 =	vadd.f32 $0.0e+00, v2  }
0xfd: {  	v38 =	vmul.f32 v33, v32;
	v3 =	vadd.f32 v6, v3  }
0xfe: {  	v39 =	vmul.f32 v34, v32;
	v2 =	vadd.f32 v5, v2  }
0xff: {  	v4 =	vmul.f32 v36, v35;
	v3 =	vadd.f32 v38, v3  }
0x100: {  	v40 =	vmul.f32 v37, v35;
	v2 =	vadd.f32 v39, v2  }
0x101: {  	v3 =	vadd.f32 v4, v3  }
0x102: {  	v2 =	vadd.f32 v40, v2  }
0x103: {  	(xrf2) =	vadd.scan.msk.f32 $0xffff, v3  }
0x104: {  	(xrf2) =	vadd.scan.msk.f32 $0xffff, v2;
	_ =	sdelay $0x8  }
0x105: {  	v2, _, _ =	vpop (xrf2)  }
0x106: {  	[tilespmem:$0x18A90] =	vst v2;
	v2, _, _ =	vpop (xrf2)  }
0x107: {  	[tilespmem:$0x18C10] =	vst v2  }
0x108: {  	v2 =	vld [tilespmem:s25+$0x7C0]  }
0x109: {  	v3 =	vld [tilespmem:s25+$0x87C0]  }
0x10a: {  	v41 =	vld [tilespmem:s25+$0x107C0]  }
0x10b: {  	v42 =	vld [tilespmem:s25+$0x7D0]  }
0x10c: {  	v43 =	vld [tilespmem:s25+$0x87D0]  }
0x10d: {  	v44 =	vld [tilespmem:s25+$0x107D0]  }
0x10e: {  	v45 =	vld [tilespmem:s25+$0x7E0]  }
0x10f: {  	v46 =	vld [tilespmem:s25+$0x87E0]  }
0x110: {  	v47 =	vld [tilespmem:s25+$0x107E0]  }
0x111: {  	v48 =	vld [tilespmem:s25+$0x7F0];
	v3 =	vmul.f32 v3, v2  }
0x112: {  	v49 =	vld [tilespmem:s25+$0x87F0];
	v2 =	vmul.f32 v41, v2  }
0x113: {  	v50 =	vld [tilespmem:s25+$0x107F0];
	v6 =	vmul.f32 v43, v42;
	v3 =	vadd.f32 $0.0e+00, v3  }
0x114: {  	v5 =	vmul.f32 v44, v42;
	v2 =	vadd.f32 $0.0e+00, v2  }
0x115: {  	v51 =	vmul.f32 v46, v45;
	v3 =	vadd.f32 v6, v3  }
0x116: {  	v52 =	vmul.f32 v47, v45;
	v2 =	vadd.f32 v5, v2  }
0x117: {  	v4 =	vmul.f32 v49, v48;
	v3 =	vadd.f32 v51, v3  }
0x118: {  	v53 =	vmul.f32 v50, v48;
	v2 =	vadd.f32 v52, v2  }
0x119: {  	v3 =	vadd.f32 v4, v3  }
0x11a: {  	v2 =	vadd.f32 v53, v2  }
0x11b: {  	(xrf2) =	vadd.scan.msk.f32 $0xffff, v3  }
0x11c: {  	(xrf2) =	vadd.scan.msk.f32 $0xffff, v2;
	_ =	sdelay $0x8  }
0x11d: {  	v2, _, _ =	vpop (xrf2)  }
0x11e: {  	[tilespmem:$0x18AA8] =	vst v2;
	v2, _, _ =	vpop (xrf2)  }
0x11f: {  	[tilespmem:$0x18C28] =	vst v2  }
0x120: {  	v2 =	vld [tilespmem:s25+$0x800]  }
0x121: {  	v3 =	vld [tilespmem:s25+$0x8800]  }
0x122: {  	v54 =	vld [tilespmem:s25+$0x10800]  }
0x123: {  	v55 =	vld [tilespmem:s25+$0x810]  }
0x124: {  	v56 =	vld [tilespmem:s25+$0x8810]  }
0x125: {  	v57 =	vld [tilespmem:s25+$0x10810]  }
0x126: {  	v58 =	vld [tilespmem:s25+$0x820]  }
0x127: {  	v59 =	vld [tilespmem:s25+$0x8820]  }
0x128: {  	v60 =	vld [tilespmem:s25+$0x10820]  }
0x129: {  	v61 =	vld [tilespmem:s25+$0x830];
	v3 =	vmul.f32 v3, v2  }
0x12a: {  	v62 =	vld [tilespmem:s25+$0x8830];
	v2 =	vmul.f32 v54, v2  }
0x12b: {  	v63 =	vld [tilespmem:s25+$0x10830];
	v6 =	vmul.f32 v56, v55;
	v3 =	vadd.f32 $0.0e+00, v3  }
0x12c: {  	v5 =	vmul.f32 v57, v55;
	v2 =	vadd.f32 $0.0e+00, v2  }
0x12d: {  	v14 =	vmul.f32 v59, v58;
	v3 =	vadd.f32 v6, v3  }
0x12e: {  	v15 =	vmul.f32 v60, v58;
	v2 =	vadd.f32 v5, v2  }
0x12f: {  	v4 =	vmul.f32 v62, v61;
	v3 =	vadd.f32 v14, v3  }
0x130: {  	v16 =	vmul.f32 v63, v61;
	v2 =	vadd.f32 v15, v2  }
0x131: {  	v3 =	vadd.f32 v4, v3  }
0x132: {  	v2 =	vadd.f32 v16, v2  }
0x133: {  	(xrf2) =	vadd.scan.msk.f32 $0xffff, v3  }
0x134: {  	(xrf2) =	vadd.scan.msk.f32 $0xffff, v2;
	_ =	sdelay $0x8  }
0x135: {  	v2, _, _ =	vpop (xrf2)  }
0x136: {  	[tilespmem:$0x18AC0] =	vst v2;
	v2, _, _ =	vpop (xrf2)  }
0x137: {  	[tilespmem:$0x18C40] =	vst v2  }
0x138: {  	v2 =	vld [tilespmem:s25+$0x840]  }
0x139: {  	v3 =	vld [tilespmem:s25+$0x8840]  }
0x13a: {  	v17 =	vld [tilespmem:s25+$0x10840]  }
0x13b: {  	v18 =	vld [tilespmem:s25+$0x850]  }
0x13c: {  	v19 =	vld [tilespmem:s25+$0x8850]  }
0x13d: {  	v20 =	vld [tilespmem:s25+$0x10850]  }
0x13e: {  	v21 =	vld [tilespmem:s25+$0x860]  }
0x13f: {  	v22 =	vld [tilespmem:s25+$0x8860]  }
0x140: {  	v23 =	vld [tilespmem:s25+$0x10860]  }
0x141: {  	v24 =	vld [tilespmem:s25+$0x870];
	v3 =	vmul.f32 v3, v2  }
0x142: {  	v25 =	vld [tilespmem:s25+$0x8870];
	v2 =	vmul.f32 v17, v2  }
0x143: {  	v26 =	vld [tilespmem:s25+$0x10870];
	v6 =	vmul.f32 v19, v18;
	v3 =	vadd.f32 $0.0e+00, v3  }
0x144: {  	v5 =	vmul.f32 v20, v18;
	v2 =	vadd.f32 $0.0e+00, v2  }
0x145: {  	v27 =	vmul.f32 v22, v21;
	v3 =	vadd.f32 v6, v3  }
0x146: {  	v28 =	vmul.f32 v23, v21;
	v2 =	vadd.f32 v5, v2  }
0x147: {  	v4 =	vmul.f32 v25, v24;
	v3 =	vadd.f32 v27, v3  }
0x148: {  	v29 =	vmul.f32 v26, v24;
	v2 =	vadd.f32 v28, v2  }
0x149: {  	v3 =	vadd.f32 v4, v3  }
0x14a: {  	v2 =	vadd.f32 v29, v2  }
0x14b: {  	(xrf2) =	vadd.scan.msk.f32 $0xffff, v3  }
0x14c: {  	(xrf2) =	vadd.scan.msk.f32 $0xffff, v2;
	_ =	sdelay $0x8  }
0x14d: {  	v2, _, _ =	vpop (xrf2)  }
0x14e: {  	[tilespmem:$0x18AD8] =	vst v2;
	v2, _, _ =	vpop (xrf2)  }
0x14f: {  	[tilespmem:$0x18C58] =	vst v2  }
0x150: {  	v2 =	vld [tilespmem:s25+$0x880]  }
0x151: {  	v3 =	vld [tilespmem:s25+$0x8880]  }
0x152: {  	v30 =	vld [tilespmem:s25+$0x10880]  }
0x153: {  	v31 =	vld [tilespmem:s25+$0x890]  }
0x154: {  	v32 =	vld [tilespmem:s25+$0x8890]  }
0x155: {  	v33 =	vld [tilespmem:s25+$0x10890]  }
0x156: {  	v34 =	vld [tilespmem:s25+$0x8A0]  }
0x157: {  	v35 =	vld [tilespmem:s25+$0x88A0]  }
0x158: {  	v36 =	vld [tilespmem:s25+$0x108A0]  }
0x159: {  	v37 =	vld [tilespmem:s25+$0x8B0];
	v3 =	vmul.f32 v3, v2  }
0x15a: {  	v38 =	vld [tilespmem:s25+$0x88B0];
	v2 =	vmul.f32 v30, v2  }
0x15b: {  	v39 =	vld [tilespmem:s25+$0x108B0];
	v6 =	vmul.f32 v32, v31;
	v3 =	vadd.f32 $0.0e+00, v3  }
0x15c: {  	v5 =	vmul.f32 v33, v31;
	v2 =	vadd.f32 $0.0e+00, v2  }
0x15d: {  	v40 =	vmul.f32 v35, v34;
	v3 =	vadd.f32 v6, v3  }
0x15e: {  	v41 =	vmul.f32 v36, v34;
	v2 =	vadd.f32 v5, v2  }
0x15f: {  	v4 =	vmul.f32 v38, v37;
	v3 =	vadd.f32 v40, v3  }
0x160: {  	v42 =	vmul.f32 v39, v37;
	v2 =	vadd.f32 v41, v2  }
0x161: {  	v3 =	vadd.f32 v4, v3  }
0x162: {  	v2 =	vadd.f32 v42, v2  }
0x163: {  	(xrf2) =	vadd.scan.msk.f32 $0xffff, v3  }
0x164: {  	(xrf2) =	vadd.scan.msk.f32 $0xffff, v2;
	_ =	sdelay $0x8  }
0x165: {  	v2, _, _ =	vpop (xrf2)  }
0x166: {  	[tilespmem:$0x18AF0] =	vst v2;
	v2, _, _ =	vpop (xrf2)  }
0x167: {  	[tilespmem:$0x18C70] =	vst v2  }
0x168: {  	v2 =	vld [tilespmem:s25+$0x8C0]  }
0x169: {  	v3 =	vld [tilespmem:s25+$0x88C0]  }
0x16a: {  	v43 =	vld [tilespmem:s25+$0x108C0]  }
0x16b: {  	v44 =	vld [tilespmem:s25+$0x8D0]  }
0x16c: {  	v45 =	vld [tilespmem:s25+$0x88D0]  }
0x16d: {  	v46 =	vld [tilespmem:s25+$0x108D0]  }
0x16e: {  	v47 =	vld [tilespmem:s25+$0x8E0]  }
0x16f: {  	v48 =	vld [tilespmem:s25+$0x88E0]  }
0x170: {  	v49 =	vld [tilespmem:s25+$0x108E0]  }
0x171: {  	v50 =	vld [tilespmem:s25+$0x8F0];
	v3 =	vmul.f32 v3, v2  }
0x172: {  	v51 =	vld [tilespmem:s25+$0x88F0];
	v2 =	vmul.f32 v43, v2  }
0x173: {  	v52 =	vld [tilespmem:s25+$0x108F0];
	v6 =	vmul.f32 v45, v44;
	v3 =	vadd.f32 $0.0e+00, v3  }
0x174: {  	v5 =	vmul.f32 v46, v44;
	v2 =	vadd.f32 $0.0e+00, v2  }
0x175: {  	v53 =	vmul.f32 v48, v47;
	v3 =	vadd.f32 v6, v3  }
0x176: {  	v54 =	vmul.f32 v49, v47;
	v2 =	vadd.f32 v5, v2  }
0x177: {  	v4 =	vmul.f32 v51, v50;
	v3 =	vadd.f32 v53, v3  }
0x178: {  	v55 =	vmul.f32 v52, v50;
	v2 =	vadd.f32 v54, v2  }
0x179: {  	v3 =	vadd.f32 v4, v3  }
0x17a: {  	v2 =	vadd.f32 v55, v2  }
0x17b: {  	(xrf2) =	vadd.scan.msk.f32 $0xffff, v3  }
0x17c: {  	(xrf2) =	vadd.scan.msk.f32 $0xffff, v2;
	_ =	sdelay $0x8  }
0x17d: {  	v2, _, _ =	vpop (xrf2)  }
0x17e: {  	[tilespmem:$0x18B08] =	vst v2;
	v2, _, _ =	vpop (xrf2)  }
0x17f: {  	[tilespmem:$0x18C88] =	vst v2  }
0x180: {  	v2 =	vld [tilespmem:s25+$0x900]  }
0x181: {  	v3 =	vld [tilespmem:s25+$0x8900]  }
0x182: {  	v56 =	vld [tilespmem:s25+$0x10900]  }
0x183: {  	v57 =	vld [tilespmem:s25+$0x910]  }
0x184: {  	v58 =	vld [tilespmem:s25+$0x8910]  }
0x185: {  	v59 =	vld [tilespmem:s25+$0x10910]  }
0x186: {  	v60 =	vld [tilespmem:s25+$0x920]  }
0x187: {  	v61 =	vld [tilespmem:s25+$0x8920]  }
0x188: {  	v62 =	vld [tilespmem:s25+$0x10920]  }
0x189: {  	v63 =	vld [tilespmem:s25+$0x930];
	v3 =	vmul.f32 v3, v2  }
0x18a: {  	v16 =	vld [tilespmem:s25+$0x8930];
	v2 =	vmul.f32 v56, v2  }
0x18b: {  	v17 =	vld [tilespmem:s25+$0x10930];
	v6 =	vmul.f32 v58, v57;
	v3 =	vadd.f32 $0.0e+00, v3  }
0x18c: {  	v5 =	vmul.f32 v59, v57;
	v2 =	vadd.f32 $0.0e+00, v2  }
0x18d: {  	v18 =	vmul.f32 v61, v60;
	v3 =	vadd.f32 v6, v3  }
0x18e: {  	v19 =	vmul.f32 v62, v60;
	v2 =	vadd.f32 v5, v2  }
0x18f: {  	v4 =	vmul.f32 v16, v63;
	v3 =	vadd.f32 v18, v3  }
0x190: {  	v20 =	vmul.f32 v17, v63;
	v2 =	vadd.f32 v19, v2  }
0x191: {  	v3 =	vadd.f32 v4, v3  }
0x192: {  	v2 =	vadd.f32 v20, v2  }
0x193: {  	(xrf2) =	vadd.scan.msk.f32 $0xffff, v3  }
0x194: {  	(xrf2) =	vadd.scan.msk.f32 $0xffff, v2;
	_ =	sdelay $0x8  }
0x195: {  	v2, _, _ =	vpop (xrf2)  }
0x196: {  	[tilespmem:$0x18B20] =	vst v2;
	v2, _, _ =	vpop (xrf2)  }
0x197: {  	[tilespmem:$0x18CA0] =	vst v2  }
0x198: {  	v2 =	vld [tilespmem:s25+$0x940]  }
0x199: {  	v3 =	vld [tilespmem:s25+$0x8940]  }
0x19a: {  	v21 =	vld [tilespmem:s25+$0x10940]  }
0x19b: {  	v22 =	vld [tilespmem:s25+$0x950]  }
0x19c: {  	v23 =	vld [tilespmem:s25+$0x8950]  }
0x19d: {  	v24 =	vld [tilespmem:s25+$0x10950]  }
0x19e: {  	v25 =	vld [tilespmem:s25+$0x960]  }
0x19f: {  	v26 =	vld [tilespmem:s25+$0x8960]  }
0x1a0: {  	v27 =	vld [tilespmem:s25+$0x10960]  }
0x1a1: {  	v28 =	vld [tilespmem:s25+$0x970];
	v3 =	vmul.f32 v3, v2  }
0x1a2: {  	v29 =	vld [tilespmem:s25+$0x8970];
	v2 =	vmul.f32 v21, v2  }
0x1a3: {  	v30 =	vld [tilespmem:s25+$0x10970];
	v6 =	vmul.f32 v23, v22;
	v3 =	vadd.f32 $0.0e+00, v3  }
0x1a4: {  	v5 =	vmul.f32 v24, v22;
	v2 =	vadd.f32 $0.0e+00, v2  }
0x1a5: {  	v31 =	vmul.f32 v26, v25;
	v3 =	vadd.f32 v6, v3  }
0x1a6: {  	v32 =	vmul.f32 v27, v25;
	v2 =	vadd.f32 v5, v2  }
0x1a7: {  	v4 =	vmul.f32 v29, v28;
	v3 =	vadd.f32 v31, v3  }
0x1a8: {  	v33 =	vmul.f32 v30, v28;
	v2 =	vadd.f32 v32, v2  }
0x1a9: {  	v3 =	vadd.f32 v4, v3  }
0x1aa: {  	v2 =	vadd.f32 v33, v2  }
0x1ab: {  	(xrf2) =	vadd.scan.msk.f32 $0xffff, v3  }
0x1ac: {  	(xrf2) =	vadd.scan.msk.f32 $0xffff, v2;
	_ =	sdelay $0x8  }
0x1ad: {  	v2, _, _ =	vpop (xrf2)  }
0x1ae: {  	[tilespmem:$0x18B38] =	vst v2;
	v2, _, _ =	vpop (xrf2)  }
0x1af: {  	[tilespmem:$0x18CB8] =	vst v2  }
0x1b0: {  	v2 =	vld [tilespmem:s25+$0x980]  }
0x1b1: {  	v3 =	vld [tilespmem:s25+$0x8980]  }
0x1b2: {  	v34 =	vld [tilespmem:s25+$0x10980]  }
0x1b3: {  	v35 =	vld [tilespmem:s25+$0x990]  }
0x1b4: {  	v36 =	vld [tilespmem:s25+$0x8990]  }
0x1b5: {  	v37 =	vld [tilespmem:s25+$0x10990]  }
0x1b6: {  	v38 =	vld [tilespmem:s25+$0x9A0]  }
0x1b7: {  	v39 =	vld [tilespmem:s25+$0x89A0]  }
0x1b8: {  	v40 =	vld [tilespmem:s25+$0x109A0]  }
0x1b9: {  	v41 =	vld [tilespmem:s25+$0x9B0];
	v3 =	vmul.f32 v3, v2  }
0x1ba: {  	v42 =	vld [tilespmem:s25+$0x89B0];
	v2 =	vmul.f32 v34, v2  }
0x1bb: {  	v43 =	vld [tilespmem:s25+$0x109B0];
	v6 =	vmul.f32 v36, v35;
	v3 =	vadd.f32 $0.0e+00, v3  }
0x1bc: {  	v5 =	vmul.f32 v37, v35;
	v2 =	vadd.f32 $0.0e+00, v2  }
0x1bd: {  	v44 =	vmul.f32 v39, v38;
	v3 =	vadd.f32 v6, v3  }
0x1be: {  	v45 =	vmul.f32 v40, v38;
	v2 =	vadd.f32 v5, v2  }
0x1bf: {  	v4 =	vmul.f32 v42, v41;
	v3 =	vadd.f32 v44, v3  }
0x1c0: {  	v46 =	vmul.f32 v43, v41;
	v2 =	vadd.f32 v45, v2  }
0x1c1: {  	v3 =	vadd.f32 v4, v3  }
0x1c2: {  	v2 =	vadd.f32 v46, v2  }
0x1c3: {  	(xrf2) =	vadd.scan.msk.f32 $0xffff, v3  }
0x1c4: {  	(xrf2) =	vadd.scan.msk.f32 $0xffff, v2;
	_ =	sdelay $0x8  }
0x1c5: {  	v2, _, _ =	vpop (xrf2)  }
0x1c6: {  	[tilespmem:$0x18B50] =	vst v2;
	v2, _, _ =	vpop (xrf2)  }
0x1c7: {  	[tilespmem:$0x18CD0] =	vst v2  }
0x1c8: {  	v2 =	vld [tilespmem:s25+$0x9C0]  }
0x1c9: {  	v3 =	vld [tilespmem:s25+$0x89C0]  }
0x1ca: {  	v47 =	vld [tilespmem:s25+$0x109C0]  }
0x1cb: {  	v48 =	vld [tilespmem:s25+$0x9D0]  }
0x1cc: {  	v49 =	vld [tilespmem:s25+$0x89D0]  }
0x1cd: {  	v50 =	vld [tilespmem:s25+$0x109D0]  }
0x1ce: {  	v51 =	vld [tilespmem:s25+$0x9E0]  }
0x1cf: {  	v52 =	vld [tilespmem:s25+$0x89E0]  }
0x1d0: {  	v53 =	vld [tilespmem:s25+$0x109E0]  }
0x1d1: {  	v54 =	vld [tilespmem:s25+$0x9F0];
	v3 =	vmul.f32 v3, v2  }
0x1d2: {  	v55 =	vld [tilespmem:s25+$0x89F0];
	v2 =	vmul.f32 v47, v2  }
0x1d3: {  	v56 =	vld [tilespmem:s25+$0x109F0];
	v6 =	vmul.f32 v49, v48;
	v3 =	vadd.f32 $0.0e+00, v3  }
0x1d4: {  	v5 =	vmul.f32 v50, v48;
	v2 =	vadd.f32 $0.0e+00, v2  }
0x1d5: {  	v57 =	vmul.f32 v52, v51;
	v3 =	vadd.f32 v6, v3  }
0x1d6: {  	v58 =	vmul.f32 v53, v51;
	v2 =	vadd.f32 v5, v2  }
0x1d7: {  	v4 =	vmul.f32 v55, v54;
	v3 =	vadd.f32 v57, v3  }
0x1d8: {  	v59 =	vmul.f32 v56, v54;
	v2 =	vadd.f32 v58, v2  }
0x1d9: {  	v3 =	vadd.f32 v4, v3  }
0x1da: {  	v2 =	vadd.f32 v59, v2  }
0x1db: {  	(xrf2) =	vadd.scan.msk.f32 $0xffff, v3  }
0x1dc: {  	(xrf2) =	vadd.scan.msk.f32 $0xffff, v2;
	_ =	sdelay $0x8  }
0x1dd: {  	v2, _, _ =	vpop (xrf2)  }
0x1de: {  	[tilespmem:$0x18B68] =	vst v2;
	v2, _, _ =	vpop (xrf2)  }
0x1df: {  	[tilespmem:$0x18CE8] =	vst v2  }
0x1e0: {  	v2 =	vld.idx.msk [tilespmem:v0+s19+$0x0], $0xffff;
	_ =	sdelay $0x4  }
0x1e1: {  	v2 =	vsub.f32 $0.0e+00, v2;
	_ =	sdelay $0x1  }
0x1e2: {  	v2 =	vmul.f32 $1.442695020e+00, v2;
	_ =	sdelay $0x1  }
0x1e3: {  	(erf) = vpow2.f32 v2;
	_ =	sdelay $0x3  }
0x1e4: {  	v2 =	vld.idx.msk [tilespmem:v0+s20+$0x0], $0xffff;
	_ =	sdelay $0x4  }
0x1e5: {  	v2 =	vsub.f32 $0.0e+00, v2;
	v3 =	vpop (erf)  }
0x1e6: {  	v3 =	vadd.f32 $1.000000000e+00, v3  }
0x1e7: {  	v2 =	vmul.f32 $1.442695020e+00, v2  }
0x1e8: {  	(erf) = vrcp.f32 v3  }
0x1e9: {  	(erf) = vpow2.f32 v2;
	_ =	sdelay $0x3  }
0x1ea: {  	v2 =	vld [tilespmem:s23+$0xFFFFFE00];
	_ =	sdelay $0x3  }
0x1eb: {  	v3 =	vpop (erf)  }
0x1ec: {  	v2 =	vsub.f32 $0.0e+00, v2;
	v60 =	vpop (erf)  }
0x1ed: {  	v4 =	vadd.f32 $1.000000000e+00, v60  }
0x1ee: {  	v2 =	vmul.f32 $1.442695020e+00, v2  }
0x1ef: {  	(erf) = vrcp.f32 v4  }
0x1f0: {  	(erf) = vpow2.f32 v2;
	_ =	sdelay $0x3  }
0x1f1: {  	v2 =	vld [tilespmem:s23+$0x0];
	_ =	sdelay $0x3  }
0x1f2: {  	v4 =	vpop (erf)  }
0x1f3: {  	v2 =	vsub.f32 $0.0e+00, v2;
	v61 =	vpop (erf)  }
0x1f4: {  	v5 =	vadd.f32 $1.000000000e+00, v61  }
0x1f5: {  	v2 =	vmul.f32 $1.442695020e+00, v2  }
0x1f6: {  	(erf) = vrcp.f32 v5  }
0x1f7: {  	(erf) = vpow2.f32 v2;
	_ =	sdelay $0x7  }
0x1f8: {  	v2 =	vpop (erf)  }
0x1f9: {  	v62 =	vpop (erf)  }
0x1fa: {  	v5 =	vadd.f32 $1.000000000e+00, v62;
	_ =	sdelay $0x1  }
0x1fb: {  	(erf) = vrcp.f32 v5;
	_ =	sdelay $0x5  }
0x1fc: {  	v3 =	vadd.f32 $-1.000000000e+00, v3;
	_ =	sdelay $0x1  }
0x1fd: {  	v3 =	vmul.f32 v3, v3;
	v4 =	vmul.f32 v4, v4  }
0x1fe: {  	v5 =	vpop (erf)  }
0x1ff: {  	v3 =	vmul.f32 v3, v2;
	v2 =	vsub.f32 $1.000000000e+00, v2;
	v4 =	vmul.f32 v5, v4;
	_ =	sdelay $0x1  }
0x200: {  	v2 =	vmul.f32 $9.999799720e-02, v2;
	v63 =	vsub.f32 $1.000000000e+00, v5;
	v3 =	vadd.f32 v4, v3  }
0x201: {  	p0 =	sne.s32 s24, $0x1F000  }
.Ltmp0:
0x202: {  	v2 =	vadd.f32 v3, v2;
	v3 =	vmul.f32 $9.999999960e-12, v63;
	(pc) =	sbr.rel @p0 .LBB2_2-.Ltmp0, $3  }
0x203: {  	_ = 	snop  }
0x204: {  	v2 =	vadd.f32 v2, v3;
	_ =	sdelay $0x1  }
0x205: {  	s24 =	sadd.s32 $0x1000, s24;
	s23 =	sadd.s32 $0x10, s23;
	v1 =	vadd.f32 v2, v1  }
0x206: {  	s22 =	sadd.s32 $0x1, s22  }
0x207: {  	p0 =	sne.s32 s22, s10  }
.Ltmp1:
0x208: {  	[tilespmem:$0x18D00] =	vst v1;
	(pc) =	sbr.rel @p0 .LBB2_1-.Ltmp1, $4  }
0x209: {  	[hbm4b:s9+s2] =	stream.linear.scatter [tilespmem:s21], [sflag:$0x2], $0x10, $0x38;
	[tilespmem:$0x18D10] =	vst v63  }
0x20a: {  	_ =	swait.ge [sflag:s11], $0x10  }
0x20b: {  	[sflag:s11] =	ssyncset.done $0x0  }
0x20c: {  	[sflag:s11] =	ssyncadd.s32 $0xFFFFFFF0  }
0x20d: {  	_ =	sfence.sel $0x180000  }
0x20e: {  	[bflag:$0x0] =	sbarrier.arrive $0xFFFF  }
0x20f: {  	_ =	strace $0x9000004A  }
0x210: {  	s0 =	stileid.u32;
	[bflag:$0x2] =	sbarrier.arrive $0xFFFF  }
0x211: {  	p0 =	sne.s32 s0, $0x0;
	s0 =	rddreg [dreg:$0x4]  }
0x212: {  	s0 =	sadd.s32 @!p0 $0x100000, s0  }
0x213: {  	[sflag:s0] =	ssyncadd.tile.s32 @!p0 $0x1;
	_ =	shalt  }
.Lfunc_end2:
_tile_overlayer_lowered:
.L_overlay_start_2:
0x214: {  	(tag) =	ssettag $0x2  }
0x215: {  	s0 =	rddreg [dreg:$0x0];
	s2 =	stileid.u32  }
0x216: {  	s1 =	rddreg [dreg:$0x1];
	p0 =	sne.s32 s2, $0x0  }
0x217: {  	s3 =	rddreg [dreg:$0x2];
	[bflag:$0x3] =	sbarrier.arrive $0xFFFF;
	s2 =	simm.s32 @!p0 $0x1C02  }
0x218: {  	[timem:s3], [sflag:s2] =	dma.local @!p0 [hbm:s0], s1  }
0x219: {  	s0 =	simm.s32 @!p0 $0x2  }
0x21a: {  	_ =	swait.ge @!p0 [sflag:s0], s1  }
0x21b: {  	s1 =	ssub.s32 @!p0 $0x0, s1;
	[sflag:s0] =	ssyncset.done @!p0 $0x0  }
0x21c: {  	[sflag:s0] =	ssyncadd.s32 @!p0 s1  }
0x21d: {  	[bflag:$0x3] =	sbarrier.arrive $0xFFFF  }
0x21e: {  	_ =	shalt  }

</sc_bundles>
